<compile_context>
chip_gen: v7x
topology: tpu7x:2x2x1
jax: 0.10.2.dev20260603
libtpu: 0.0.44.dev20260713+nightly
codegen_flags: <defaults>
</compile_context>

<pallas_src>
import functools

import jax
import jax.numpy as jnp
import numpy as _np
from jax import lax
from jax.experimental import pallas as pl
from jax.experimental.pallas import tpu as pltpu
from jax.experimental.pallas import tpu_sc as plsc

_N = 10000
_F = 128
_E = 320000
_NPAIRS = 8192
_NCORES = 2
_NSUB = 16
_NTILES = _NCORES * _NSUB
_ECHUNK = 125
_NCH = _E // (_NTILES * _ECHUNK)
_ROWS_PT = 624
_ROWS_EXTRA = _N - _ROWS_PT * _NSUB
_EPT = _E // _NTILES
_PPT = _NPAIRS // _NTILES
_BR = 1000

_Z = _np.int32(0)


def _mm1_body(x_ref, w1_ref, m1_ref):
    m1_ref[...] = jnp.dot(x_ref[...], w1_ref[...],
                          preferred_element_type=jnp.float32,
                precision=lax.Precision.HIGHEST)


def _mm1(x, W1):
    return pl.pallas_call(
        _mm1_body,
        grid=(_N // _BR,),
        in_specs=[
            pl.BlockSpec((_BR, _F), lambda i: (i, _Z)),
            pl.BlockSpec((_F, _F), lambda i: (_Z, _Z)),
        ],
        out_specs=pl.BlockSpec((_BR, _F), lambda i: (i, _Z)),
        out_shape=jax.ShapeDtypeStruct((_N, _F), jnp.float32),
    )(x, W1)


def _mmr_body(m1_ref, rw_ref, r1_ref):
    r1_ref[...] = jnp.dot(m1_ref[...], rw_ref[...],
                          preferred_element_type=jnp.float32,
                precision=lax.Precision.HIGHEST)


def _mmr(m1, resW2):
    return pl.pallas_call(
        _mmr_body,
        grid=(_N // _BR,),
        in_specs=[
            pl.BlockSpec((_BR, _F), lambda i: (i, _Z)),
            pl.BlockSpec((_F, _F), lambda i: (_Z, _Z)),
        ],
        out_specs=pl.BlockSpec((_BR, _F), lambda i: (i, _Z)),
        out_shape=jax.ShapeDtypeStruct((_N, _F), jnp.float32),
    )(m1, resW2)


def _mm2_body(p_ref, w2_ref, m2_ref):
    x1 = jnp.maximum(p_ref[0] + p_ref[1], 0.0)
    m2_ref[...] = jnp.dot(x1, w2_ref[...], preferred_element_type=jnp.float32,
                precision=lax.Precision.HIGHEST)


def _mm2(p, W2):
    return pl.pallas_call(
        _mm2_body,
        grid=(_N // _BR,),
        in_specs=[
            pl.BlockSpec((_NCORES, _BR, _F), lambda i: (_Z, i, _Z)),
            pl.BlockSpec((_F, _F), lambda i: (_Z, _Z)),
        ],
        out_specs=pl.BlockSpec((_BR, _F), lambda i: (i, _Z)),
        out_shape=jax.ShapeDtypeStruct((_N, _F), jnp.float32),
    )(p, W2)


def _fold_body(wd1_ref, wd2_ref, bd1_ref, bd2_ref, wdp_ref, brow_ref):
    w = jnp.dot(wd1_ref[...], wd2_ref[...],
                preferred_element_type=jnp.float32,
                precision=lax.Precision.HIGHEST)
    lane = lax.broadcasted_iota(jnp.int32, (_F, _F), 1)
    wdp_ref[...] = jnp.where(lane == 0, w[:_F],
                             jnp.where(lane == 1, w[_F:], 0.0))
    c = (jnp.dot(bd1_ref[...], wd2_ref[...],
                 preferred_element_type=jnp.float32,
                precision=lax.Precision.HIGHEST)[0, 0] + bd2_ref[0, 0])
    lane_o = lax.broadcasted_iota(jnp.int32, (8, _F), 1)
    brow_ref[...] = jnp.where(lane_o == 0, c, 0.0)


def _fold(Wd1, Wd2, bd1_row, bd2_row):
    return pl.pallas_call(
        _fold_body,
        out_shape=[
            jax.ShapeDtypeStruct((_F, _F), jnp.float32),
            jax.ShapeDtypeStruct((8, _F), jnp.float32),
        ],
    )(Wd1, Wd2, bd1_row, bd2_row)


def _mm3_body(q_ref, r1_ref, wdp_ref, brow_ref, xf_ref, uv_ref):
    xf = jnp.maximum(q_ref[0] + q_ref[1] + r1_ref[...], 0.0)
    xf_ref[...] = xf
    uv = jnp.dot(xf, wdp_ref[...], preferred_element_type=jnp.float32,
                precision=lax.Precision.HIGHEST)
    uv_ref[...] = uv + brow_ref[0:1, :]


def _mm3(q, r1, wdp, brow):
    return pl.pallas_call(
        _mm3_body,
        grid=(_N // _BR,),
        in_specs=[
            pl.BlockSpec((_NCORES, _BR, _F), lambda i: (_Z, i, _Z)),
            pl.BlockSpec((_BR, _F), lambda i: (i, _Z)),
            pl.BlockSpec((_F, _F), lambda i: (_Z, _Z)),
            pl.BlockSpec((8, _F), lambda i: (_Z, _Z)),
        ],
        out_specs=[
            pl.BlockSpec((_BR, _F), lambda i: (i, _Z)),
            pl.BlockSpec((_BR, _F), lambda i: (i, _Z)),
        ],
        out_shape=[
            jax.ShapeDtypeStruct((_N, _F), jnp.float32),
            jax.ShapeDtypeStruct((_N, _F), jnp.float32),
        ],
    )(q, r1, wdp, brow)


def _agg(src3, dst3, m):
    mesh = plsc.VectorSubcoreMesh(core_axis_name="c", subcore_axis_name="s")

    @functools.partial(
        pl.kernel,
        out_type=jax.ShapeDtypeStruct((_NCORES, _N, _F), jnp.float32),
        mesh=mesh,
        scratch_types=[
            pltpu.VMEM((_NCH // 2, _ECHUNK), jnp.int32),
            pltpu.VMEM((_NCH // 2, _ECHUNK), jnp.int32),
            pltpu.VMEM((_ECHUNK, _F), jnp.float32),
            pltpu.VMEM((_ECHUNK, _F), jnp.float32),
            pltpu.VMEM_SHARED((_N, _F), jnp.float32),
            pltpu.SemaphoreType.DMA,
            pltpu.SemaphoreType.DMA,
            pltpu.SemaphoreType.DMA,
        ],
    )
    def body(src_hbm, dst_hbm, m_hbm, out_hbm,
             src_v, dst_v, rows0_v, rows1_v, acc_sh, sem0, sem1, semz):
        cid = lax.axis_index("c")
        sid = lax.axis_index("s")
        wid = cid * _NSUB + sid
        _H = _NCH // 2

        def zrow(i, carry):
            for j in range(_F // 16):
                rows0_v[i, pl.ds(j * 16, 16)] = jnp.zeros((16,), jnp.float32)
            return carry

        lax.fori_loop(jnp.int32(0), jnp.int32(_ECHUNK), zrow, jnp.int32(0))

        pltpu.sync_copy(src_hbm.at[wid].at[pl.ds(0, _H)], src_v)
        pltpu.sync_copy(dst_hbm.at[wid].at[pl.ds(0, _H)], dst_v)
        pltpu.async_copy(m_hbm.at[src_v.at[_np.int32(1)]], rows1_v, sem1)
        for k in range(5):
            pltpu.async_copy(
                rows0_v.at[pl.ds(0, 120)],
                acc_sh.at[pl.ds(sid * _ROWS_PT + k * 120, 120)], semz)
        pltpu.async_copy(
            rows0_v.at[pl.ds(0, 24)],
            acc_sh.at[pl.ds(sid * _ROWS_PT + 600, 24)], semz)

        @pl.when(sid == _NSUB - 1)
        def _():
            pltpu.async_copy(
                rows0_v.at[pl.ds(0, _ROWS_EXTRA)],
                acc_sh.at[pl.ds(_ROWS_PT * _NSUB, _ROWS_EXTRA)], semz)

        for k in range(5):
            pltpu.make_async_copy(
                rows0_v.at[pl.ds(0, 120)],
                acc_sh.at[pl.ds(sid * _ROWS_PT + k * 120, 120)], semz).wait()
        pltpu.make_async_copy(
            rows0_v.at[pl.ds(0, 24)],
            acc_sh.at[pl.ds(sid * _ROWS_PT + 600, 24)], semz).wait()

        @pl.when(sid == _NSUB - 1)
        def _():
            pltpu.make_async_copy(
                rows0_v.at[pl.ds(0, _ROWS_EXTRA)],
                acc_sh.at[pl.ds(_ROWS_PT * _NSUB, _ROWS_EXTRA)], semz).wait()

        pltpu.async_copy(m_hbm.at[src_v.at[_Z]], rows0_v, sem0)
        plsc.subcore_barrier()

        def pair(i, carry):
            j0 = i * jnp.int32(2)
            j1 = j0 + 1
            pltpu.make_async_copy(m_hbm.at[src_v.at[j0]], rows0_v,
                                  sem0).wait()
            pltpu.sync_copy(rows0_v, acc_sh.at[dst_v.at[j0]], add=True)

            @pl.when(j0 + 2 < _H)
            def _():
                pltpu.async_copy(m_hbm.at[src_v.at[j0 + 2]], rows0_v, sem0)

            pltpu.make_async_copy(m_hbm.at[src_v.at[j1]], rows1_v,
                                  sem1).wait()
            pltpu.sync_copy(rows1_v, acc_sh.at[dst_v.at[j1]], add=True)

            @pl.when(j1 + 2 < _H)
            def _():
                pltpu.async_copy(m_hbm.at[src_v.at[j1 + 2]], rows1_v, sem1)

            return carry

        lax.fori_loop(jnp.int32(0), jnp.int32(_H // 2), pair, jnp.int32(0))

        pltpu.sync_copy(src_hbm.at[wid].at[pl.ds(_H, _H)], src_v)
        pltpu.sync_copy(dst_hbm.at[wid].at[pl.ds(_H, _H)], dst_v)
        pltpu.async_copy(m_hbm.at[src_v.at[_Z]], rows0_v, sem0)
        pltpu.async_copy(m_hbm.at[src_v.at[_np.int32(1)]], rows1_v, sem1)
        lax.fori_loop(jnp.int32(0), jnp.int32(_H // 2), pair, jnp.int32(0))

        plsc.subcore_barrier()
        pltpu.sync_copy(
            acc_sh.at[pl.ds(sid * _ROWS_PT, _ROWS_PT)],
            out_hbm.at[cid].at[pl.ds(sid * _ROWS_PT, _ROWS_PT)])

        @pl.when(sid == _NSUB - 1)
        def _():
            pltpu.sync_copy(
                acc_sh.at[pl.ds(_ROWS_PT * _NSUB, _ROWS_EXTRA)],
                out_hbm.at[cid].at[pl.ds(_ROWS_PT * _NSUB, _ROWS_EXTRA)])

    return body(src3, dst3, m)


def _dec(uv8, i0, i1):
    mesh = plsc.VectorSubcoreMesh(core_axis_name="c", subcore_axis_name="s")

    @functools.partial(
        pl.kernel,
        out_type=jax.ShapeDtypeStruct((_NPAIRS,), jnp.float32),
        mesh=mesh,
        scratch_types=[
            pltpu.VMEM((_PPT,), jnp.int32),
            pltpu.VMEM((_PPT,), jnp.int32),
            pltpu.VMEM((_PPT, _F), jnp.float32),
            pltpu.VMEM((_PPT, _F), jnp.float32),
            pltpu.VMEM((_PPT,), jnp.float32),
        ],
        compiler_params=pltpu.CompilerParams(needs_layout_passes=False),
    )
    def body(uv_hbm, i0_hbm, i1_hbm, o_hbm, idx0_v, idx1_v, r0_v, r1_v, o_v):
        cid = lax.axis_index("c")
        sid = lax.axis_index("s")
        wid = cid * _NSUB + sid
        pltpu.sync_copy(i0_hbm.at[wid], idx0_v)
        pltpu.sync_copy(i1_hbm.at[wid], idx1_v)
        pltpu.sync_copy(uv_hbm.at[idx0_v], r0_v)
        pltpu.sync_copy(uv_hbm.at[idx1_v], r1_v)
        zeros16 = jnp.zeros((16,), jnp.int32)
        ones16 = jnp.ones((16,), jnp.int32)
        iota16 = lax.iota(jnp.int32, 16)
        for k in range(_PPT // 16):
            rows = iota16 + k * 16
            u = plsc.load_gather(r0_v, [rows, zeros16])
            v = plsc.load_gather(r1_v, [rows, ones16])
            o_v[pl.ds(k * 16, 16)] = u + v
        pltpu.sync_copy(o_v, o_hbm.at[pl.ds(wid * _PPT, _PPT)])

    return body(uv8, i0, i1)


def kernel(x, edge_index, idx, W1, W2, resW2, Wd1, bd1, Wd2, bd2):
    x = x.astype(jnp.float32)
    W1 = W1.astype(jnp.float32)
    W2 = W2.astype(jnp.float32)
    resW2 = resW2.astype(jnp.float32)
    Wd1 = Wd1.astype(jnp.float32)
    Wd2 = Wd2.astype(jnp.float32)
    ei = edge_index.astype(jnp.int32)
    src3 = ei[0].reshape(_NTILES, _NCH, _ECHUNK)
    dst3 = ei[1].reshape(_NTILES, _NCH, _ECHUNK)
    idx32 = idx.astype(jnp.int32)
    i0 = idx32[0].reshape(_NTILES, _PPT)
    i1 = idx32[1].reshape(_NTILES, _PPT)

    wdp, brow = _fold(Wd1, Wd2, bd1.reshape(1, 64), bd2.reshape(1, 1))
    m1 = _mm1(x, W1)
    r1 = _mmr(m1, resW2)
    p = _agg(src3, dst3, m1)
    m2 = _mm2(p, W2)
    q = _agg(src3, dst3, m2)
    xfin, uv8 = _mm3(q, r1, wdp, brow)
    o = _dec(uv8, i0, i1)
    return (o.reshape(_NPAIRS, 1).astype(jnp.float64),
            xfin.astype(jnp.float64))

# --- scband reference (transcript-rebuilt; emitter-appended) ---
"""Pipeline reference for scband-residual-gcn-78692390798039 (READ-ONLY COPY).

The authoritative reference and input builder live on the scoring server;
editing this copy changes nothing except your own understanding.
"""

import jax, jax.numpy as jnp
import numpy as np
jax.config.update("jax_enable_x64", True)

N = 10000
E = 320000
NFEAT = 128
NHID1 = 128
NHID2 = 128
NDEC = 64
NPAIRS = 8192

def setup_inputs(seed: int = 0) -> dict:
    key = jax.random.key(seed)
    ks = jax.random.split(key, 12)
    x = jax.random.normal(ks[0], (N, NFEAT), dtype=jnp.float32)
    edge_index = jax.random.randint(ks[1], (2, E), 0, N, dtype=jnp.int64)
    idx = jax.random.randint(ks[2], (2, NPAIRS), 0, N, dtype=jnp.int64)
    W1 = jax.random.normal(ks[3], (NFEAT, NHID1), dtype=jnp.float32) / np.sqrt(NFEAT)
    W2 = jax.random.normal(ks[4], (NHID1, NHID2), dtype=jnp.float32) / np.sqrt(NHID1)
    resW2 = jax.random.normal(ks[5], (NHID1, NHID2), dtype=jnp.float32) / np.sqrt(NHID1)
    Wd1 = jax.random.normal(ks[6], (2 * NHID2, NDEC), dtype=jnp.float32) / np.sqrt(2 * NHID2)
    bd1 = jnp.zeros((NDEC,), dtype=jnp.float32)
    Wd2 = jax.random.normal(ks[7], (NDEC, 1), dtype=jnp.float32) / np.sqrt(NDEC)
    bd2 = jnp.zeros((1,), dtype=jnp.float32)
    return {"x": x, "edge_index": edge_index, "idx": idx, "W1": W1, "W2": W2,
            "resW2": resW2, "Wd1": Wd1, "bd1": bd1, "Wd2": Wd2, "bd2": bd2}

def _gcn(x, edge_index, W):
    # support = XW ; out = A @ support (unweighted adjacency as edge list, scatter-add)
    support = x @ W
    src = edge_index[0]
    dst = edge_index[1]
    agg = jax.ops.segment_sum(support[src], dst, num_segments=N)
    return agg, support

def reference(x, edge_index, idx, W1, W2, resW2, Wd1, bd1, Wd2, bd2):
    # gcn1 (is_first=True -> no residual); m1 is the layer-1 message (XW1)
    x1, m1 = _gcn(x, edge_index, W1)
    x1 = jax.nn.relu(x1)
    # gcn2 with residual connection from previous message m1 (projected)
    agg2, m2 = _gcn(x1, edge_index, W2)
    x2 = agg2 + m1 @ resW2
    x2 = jax.nn.relu(x2)
    # dropout in eval mode -> identity
    xfin = x2
    feat_p1 = xfin[idx[0]]
    feat_p2 = xfin[idx[1]]
    feat = jnp.concatenate([feat_p1, feat_p2], axis=1)
    o = feat @ Wd1 + bd1
    o = o @ Wd2 + bd2
    return (o, xfin)

if __name__ == "__main__":
    import jax
    _d = setup_inputs()
    print(jax.jit(kernel)(*tuple(_d.values())))

</pallas_src>

<mosaic_0001>
#map = affine_map<(d0, d1) -> (0, 0, 0)>
#map1 = affine_map<(d0, d1) -> (0, 0)>
module attributes {stable_mosaic.version = 14 : i64} {
  func.func @body(%arg0: i32, %arg1: i32, %arg2: memref<32x80x125xi32, #tpu.memory_space<hbm>>, %arg3: memref<32x80x125xi32, #tpu.memory_space<hbm>>, %arg4: memref<10000x128xf32, #tpu.memory_space<hbm>>, %arg5: memref<2x10000x128xf32, #tpu.memory_space<hbm>>, %arg6: memref<40x125xi32, #tpu.memory_space<vmem>>, %arg7: memref<40x125xi32, #tpu.memory_space<vmem>>, %arg8: memref<125x128xf32, #tpu.memory_space<vmem>>, %arg9: memref<125x128xf32, #tpu.memory_space<vmem>>, %arg10: memref<10000x128xf32, #tpu.memory_space<vmem_shared>>, %arg11: memref<!tpu.dma_semaphore, #tpu.memory_space<semaphore_mem>>, %arg12: memref<!tpu.dma_semaphore, #tpu.memory_space<semaphore_mem>>, %arg13: memref<!tpu.dma_semaphore, #tpu.memory_space<semaphore_mem>>) attributes {dimension_semantics = [#tpu.dimension_semantics<core_parallel>, #tpu.dimension_semantics<subcore_parallel>], iteration_bounds = array<i64: 2, 16>, scalar_prefetch = 0 : i64, scratch_operands = 8 : i64, tpu.core_type = #tpu.core_type<sc_vector_subcore>, window_params = [{transform_indices = #map}, {transform_indices = #map}, {transform_indices = #map1}, {transform_indices = #map}]} {
    %mul3A = arith.constant 16 : i32
    %mul3A_0 = arith.muli %arg0, %mul3A : i32
    %add3A = arith.addi %mul3A_0, %arg1 : i32
    %while3A = arith.constant 0 : i32
    %while3A_1 = arith.constant 0 : i32
    %while3A_2 = arith.constant 125 : i32
    %while3A_3 = arith.subi %while3A_2, %while3A_1 : i32
    %while3A_4 = arith.addi %while3A_1, %while3A_3 : i32
    %while3A_5 = arith.constant 1 : i32
    %while3A_6 = arith.divsi %while3A_3, %while3A_5 : i32
    %while3A_7 = arith.muli %while3A_6, %while3A_5 : i32
    %while3A_8 = arith.addi %while3A_1, %while3A_7 : i32
    %while3A_9 = arith.constant 1 : i32
    scf.for %while3A_244 = %while3A_1 to %while3A_8 step %while3A_9  : i32 {
      %broadcast_in_dim3A = arith.constant 0.000000e+00 : f32
      %broadcast_in_dim3A_245 = vector.broadcast %broadcast_in_dim3A : f32 to vector<16xf32>
      %swap3A = arith.index_cast %while3A_244 : i32 to index
      %swap3A_246 = arith.constant 0 : index
      %swap3A_247 = tpu.vector_load %arg8[%swap3A, %swap3A_246] {strides = array<i32>} : memref<125x128xf32, #tpu.memory_space<vmem>>, vector<1x16xf32>,
      %swap3A_248 = vector.shape_cast %swap3A_247 : vector<1x16xf32> to vector<16xf32>
      %swap3A_249 = vector.shape_cast %broadcast_in_dim3A_245 : vector<16xf32> to vector<1x16xf32>
      tpu.vector_store %arg8[%swap3A, %swap3A_246], %swap3A_249 {strides = array<i32>} : memref<125x128xf32, #tpu.memory_space<vmem>>, vector<1x16xf32>,
      %broadcast_in_dim3A_250 = arith.constant 0.000000e+00 : f32
      %broadcast_in_dim3A_251 = vector.broadcast %broadcast_in_dim3A_250 : f32 to vector<16xf32>
      %swap3A_252 = arith.index_cast %while3A_244 : i32 to index
      %swap3A_253 = arith.constant 16 : index
      %swap3A_254 = tpu.vector_load %arg8[%swap3A_252, %swap3A_253] {strides = array<i32>} : memref<125x128xf32, #tpu.memory_space<vmem>>, vector<1x16xf32>,
      %swap3A_255 = vector.shape_cast %swap3A_254 : vector<1x16xf32> to vector<16xf32>
      %swap3A_256 = vector.shape_cast %broadcast_in_dim3A_251 : vector<16xf32> to vector<1x16xf32>
      tpu.vector_store %arg8[%swap3A_252, %swap3A_253], %swap3A_256 {strides = array<i32>} : memref<125x128xf32, #tpu.memory_space<vmem>>, vector<1x16xf32>,
      %broadcast_in_dim3A_257 = arith.constant 0.000000e+00 : f32
      %broadcast_in_dim3A_258 = vector.broadcast %broadcast_in_dim3A_257 : f32 to vector<16xf32>
      %swap3A_259 = arith.index_cast %while3A_244 : i32 to index
      %swap3A_260 = arith.constant 32 : index
      %swap3A_261 = tpu.vector_load %arg8[%swap3A_259, %swap3A_260] {strides = array<i32>} : memref<125x128xf32, #tpu.memory_space<vmem>>, vector<1x16xf32>,
      %swap3A_262 = vector.shape_cast %swap3A_261 : vector<1x16xf32> to vector<16xf32>
      %swap3A_263 = vector.shape_cast %broadcast_in_dim3A_258 : vector<16xf32> to vector<1x16xf32>
      tpu.vector_store %arg8[%swap3A_259, %swap3A_260], %swap3A_263 {strides = array<i32>} : memref<125x128xf32, #tpu.memory_space<vmem>>, vector<1x16xf32>,
      %broadcast_in_dim3A_264 = arith.constant 0.000000e+00 : f32
      %broadcast_in_dim3A_265 = vector.broadcast %broadcast_in_dim3A_264 : f32 to vector<16xf32>
      %swap3A_266 = arith.index_cast %while3A_244 : i32 to index
      %swap3A_267 = arith.constant 48 : index
      %swap3A_268 = tpu.vector_load %arg8[%swap3A_266, %swap3A_267] {strides = array<i32>} : memref<125x128xf32, #tpu.memory_space<vmem>>, vector<1x16xf32>,
      %swap3A_269 = vector.shape_cast %swap3A_268 : vector<1x16xf32> to vector<16xf32>
      %swap3A_270 = vector.shape_cast %broadcast_in_dim3A_265 : vector<16xf32> to vector<1x16xf32>
      tpu.vector_store %arg8[%swap3A_266, %swap3A_267], %swap3A_270 {strides = array<i32>} : memref<125x128xf32, #tpu.memory_space<vmem>>, vector<1x16xf32>,
      %broadcast_in_dim3A_271 = arith.constant 0.000000e+00 : f32
      %broadcast_in_dim3A_272 = vector.broadcast %broadcast_in_dim3A_271 : f32 to vector<16xf32>
      %swap3A_273 = arith.index_cast %while3A_244 : i32 to index
      %swap3A_274 = arith.constant 64 : index
      %swap3A_275 = tpu.vector_load %arg8[%swap3A_273, %swap3A_274] {strides = array<i32>} : memref<125x128xf32, #tpu.memory_space<vmem>>, vector<1x16xf32>,
      %swap3A_276 = vector.shape_cast %swap3A_275 : vector<1x16xf32> to vector<16xf32>
      %swap3A_277 = vector.shape_cast %broadcast_in_dim3A_272 : vector<16xf32> to vector<1x16xf32>
      tpu.vector_store %arg8[%swap3A_273, %swap3A_274], %swap3A_277 {strides = array<i32>} : memref<125x128xf32, #tpu.memory_space<vmem>>, vector<1x16xf32>,
      %broadcast_in_dim3A_278 = arith.constant 0.000000e+00 : f32
      %broadcast_in_dim3A_279 = vector.broadcast %broadcast_in_dim3A_278 : f32 to vector<16xf32>
      %swap3A_280 = arith.index_cast %while3A_244 : i32 to index
      %swap3A_281 = arith.constant 80 : index
      %swap3A_282 = tpu.vector_load %arg8[%swap3A_280, %swap3A_281] {strides = array<i32>} : memref<125x128xf32, #tpu.memory_space<vmem>>, vector<1x16xf32>,
      %swap3A_283 = vector.shape_cast %swap3A_282 : vector<1x16xf32> to vector<16xf32>
      %swap3A_284 = vector.shape_cast %broadcast_in_dim3A_279 : vector<16xf32> to vector<1x16xf32>
      tpu.vector_store %arg8[%swap3A_280, %swap3A_281], %swap3A_284 {strides = array<i32>} : memref<125x128xf32, #tpu.memory_space<vmem>>, vector<1x16xf32>,
      %broadcast_in_dim3A_285 = arith.constant 0.000000e+00 : f32
      %broadcast_in_dim3A_286 = vector.broadcast %broadcast_in_dim3A_285 : f32 to vector<16xf32>
      %swap3A_287 = arith.index_cast %while3A_244 : i32 to index
      %swap3A_288 = arith.constant 96 : index
      %swap3A_289 = tpu.vector_load %arg8[%swap3A_287, %swap3A_288] {strides = array<i32>} : memref<125x128xf32, #tpu.memory_space<vmem>>, vector<1x16xf32>,
      %swap3A_290 = vector.shape_cast %swap3A_289 : vector<1x16xf32> to vector<16xf32>
      %swap3A_291 = vector.shape_cast %broadcast_in_dim3A_286 : vector<16xf32> to vector<1x16xf32>
      tpu.vector_store %arg8[%swap3A_287, %swap3A_288], %swap3A_291 {strides = array<i32>} : memref<125x128xf32, #tpu.memory_space<vmem>>, vector<1x16xf32>,
      %broadcast_in_dim3A_292 = arith.constant 0.000000e+00 : f32
      %broadcast_in_dim3A_293 = vector.broadcast %broadcast_in_dim3A_292 : f32 to vector<16xf32>
      %swap3A_294 = arith.index_cast %while3A_244 : i32 to index
      %swap3A_295 = arith.constant 112 : index
      %swap3A_296 = tpu.vector_load %arg8[%swap3A_294, %swap3A_295] {strides = array<i32>} : memref<125x128xf32, #tpu.memory_space<vmem>>, vector<1x16xf32>,
      %swap3A_297 = vector.shape_cast %swap3A_296 : vector<1x16xf32> to vector<16xf32>
      %swap3A_298 = vector.shape_cast %broadcast_in_dim3A_293 : vector<16xf32> to vector<1x16xf32>
      tpu.vector_store %arg8[%swap3A_294, %swap3A_295], %swap3A_298 {strides = array<i32>} : memref<125x128xf32, #tpu.memory_space<vmem>>, vector<1x16xf32>,
    }
    %while3A_10 = arith.constant 1 : i32
    scf.for %while3A_244 = %while3A_8 to %while3A_4 step %while3A_10  : i32 {
      %broadcast_in_dim3A = arith.constant 0.000000e+00 : f32
      %broadcast_in_dim3A_245 = vector.broadcast %broadcast_in_dim3A : f32 to vector<16xf32>
      %swap3A = arith.index_cast %while3A_244 : i32 to index
      %swap3A_246 = arith.constant 0 : index
      %swap3A_247 = tpu.vector_load %arg8[%swap3A, %swap3A_246] {strides = array<i32>} : memref<125x128xf32, #tpu.memory_space<vmem>>, vector<1x16xf32>,
      %swap3A_248 = vector.shape_cast %swap3A_247 : vector<1x16xf32> to vector<16xf32>
      %swap3A_249 = vector.shape_cast %broadcast_in_dim3A_245 : vector<16xf32> to vector<1x16xf32>
      tpu.vector_store %arg8[%swap3A, %swap3A_246], %swap3A_249 {strides = array<i32>} : memref<125x128xf32, #tpu.memory_space<vmem>>, vector<1x16xf32>,
      %broadcast_in_dim3A_250 = arith.constant 0.000000e+00 : f32
      %broadcast_in_dim3A_251 = vector.broadcast %broadcast_in_dim3A_250 : f32 to vector<16xf32>
      %swap3A_252 = arith.index_cast %while3A_244 : i32 to index
      %swap3A_253 = arith.constant 16 : index
      %swap3A_254 = tpu.vector_load %arg8[%swap3A_252, %swap3A_253] {strides = array<i32>} : memref<125x128xf32, #tpu.memory_space<vmem>>, vector<1x16xf32>,
      %swap3A_255 = vector.shape_cast %swap3A_254 : vector<1x16xf32> to vector<16xf32>
      %swap3A_256 = vector.shape_cast %broadcast_in_dim3A_251 : vector<16xf32> to vector<1x16xf32>
      tpu.vector_store %arg8[%swap3A_252, %swap3A_253], %swap3A_256 {strides = array<i32>} : memref<125x128xf32, #tpu.memory_space<vmem>>, vector<1x16xf32>,
      %broadcast_in_dim3A_257 = arith.constant 0.000000e+00 : f32
      %broadcast_in_dim3A_258 = vector.broadcast %broadcast_in_dim3A_257 : f32 to vector<16xf32>
      %swap3A_259 = arith.index_cast %while3A_244 : i32 to index
      %swap3A_260 = arith.constant 32 : index
      %swap3A_261 = tpu.vector_load %arg8[%swap3A_259, %swap3A_260] {strides = array<i32>} : memref<125x128xf32, #tpu.memory_space<vmem>>, vector<1x16xf32>,
      %swap3A_262 = vector.shape_cast %swap3A_261 : vector<1x16xf32> to vector<16xf32>
      %swap3A_263 = vector.shape_cast %broadcast_in_dim3A_258 : vector<16xf32> to vector<1x16xf32>
      tpu.vector_store %arg8[%swap3A_259, %swap3A_260], %swap3A_263 {strides = array<i32>} : memref<125x128xf32, #tpu.memory_space<vmem>>, vector<1x16xf32>,
      %broadcast_in_dim3A_264 = arith.constant 0.000000e+00 : f32
      %broadcast_in_dim3A_265 = vector.broadcast %broadcast_in_dim3A_264 : f32 to vector<16xf32>
      %swap3A_266 = arith.index_cast %while3A_244 : i32 to index
      %swap3A_267 = arith.constant 48 : index
      %swap3A_268 = tpu.vector_load %arg8[%swap3A_266, %swap3A_267] {strides = array<i32>} : memref<125x128xf32, #tpu.memory_space<vmem>>, vector<1x16xf32>,
      %swap3A_269 = vector.shape_cast %swap3A_268 : vector<1x16xf32> to vector<16xf32>
      %swap3A_270 = vector.shape_cast %broadcast_in_dim3A_265 : vector<16xf32> to vector<1x16xf32>
      tpu.vector_store %arg8[%swap3A_266, %swap3A_267], %swap3A_270 {strides = array<i32>} : memref<125x128xf32, #tpu.memory_space<vmem>>, vector<1x16xf32>,
      %broadcast_in_dim3A_271 = arith.constant 0.000000e+00 : f32
      %broadcast_in_dim3A_272 = vector.broadcast %broadcast_in_dim3A_271 : f32 to vector<16xf32>
      %swap3A_273 = arith.index_cast %while3A_244 : i32 to index
      %swap3A_274 = arith.constant 64 : index
      %swap3A_275 = tpu.vector_load %arg8[%swap3A_273, %swap3A_274] {strides = array<i32>} : memref<125x128xf32, #tpu.memory_space<vmem>>, vector<1x16xf32>,
      %swap3A_276 = vector.shape_cast %swap3A_275 : vector<1x16xf32> to vector<16xf32>
      %swap3A_277 = vector.shape_cast %broadcast_in_dim3A_272 : vector<16xf32> to vector<1x16xf32>
      tpu.vector_store %arg8[%swap3A_273, %swap3A_274], %swap3A_277 {strides = array<i32>} : memref<125x128xf32, #tpu.memory_space<vmem>>, vector<1x16xf32>,
      %broadcast_in_dim3A_278 = arith.constant 0.000000e+00 : f32
      %broadcast_in_dim3A_279 = vector.broadcast %broadcast_in_dim3A_278 : f32 to vector<16xf32>
      %swap3A_280 = arith.index_cast %while3A_244 : i32 to index
      %swap3A_281 = arith.constant 80 : index
      %swap3A_282 = tpu.vector_load %arg8[%swap3A_280, %swap3A_281] {strides = array<i32>} : memref<125x128xf32, #tpu.memory_space<vmem>>, vector<1x16xf32>,
      %swap3A_283 = vector.shape_cast %swap3A_282 : vector<1x16xf32> to vector<16xf32>
      %swap3A_284 = vector.shape_cast %broadcast_in_dim3A_279 : vector<16xf32> to vector<1x16xf32>
      tpu.vector_store %arg8[%swap3A_280, %swap3A_281], %swap3A_284 {strides = array<i32>} : memref<125x128xf32, #tpu.memory_space<vmem>>, vector<1x16xf32>,
      %broadcast_in_dim3A_285 = arith.constant 0.000000e+00 : f32
      %broadcast_in_dim3A_286 = vector.broadcast %broadcast_in_dim3A_285 : f32 to vector<16xf32>
      %swap3A_287 = arith.index_cast %while3A_244 : i32 to index
      %swap3A_288 = arith.constant 96 : index
      %swap3A_289 = tpu.vector_load %arg8[%swap3A_287, %swap3A_288] {strides = array<i32>} : memref<125x128xf32, #tpu.memory_space<vmem>>, vector<1x16xf32>,
      %swap3A_290 = vector.shape_cast %swap3A_289 : vector<1x16xf32> to vector<16xf32>
      %swap3A_291 = vector.shape_cast %broadcast_in_dim3A_286 : vector<16xf32> to vector<1x16xf32>
      tpu.vector_store %arg8[%swap3A_287, %swap3A_288], %swap3A_291 {strides = array<i32>} : memref<125x128xf32, #tpu.memory_space<vmem>>, vector<1x16xf32>,
      %broadcast_in_dim3A_292 = arith.constant 0.000000e+00 : f32
      %broadcast_in_dim3A_293 = vector.broadcast %broadcast_in_dim3A_292 : f32 to vector<16xf32>
      %swap3A_294 = arith.index_cast %while3A_244 : i32 to index
      %swap3A_295 = arith.constant 112 : index
      %swap3A_296 = tpu.vector_load %arg8[%swap3A_294, %swap3A_295] {strides = array<i32>} : memref<125x128xf32, #tpu.memory_space<vmem>>, vector<1x16xf32>,
      %swap3A_297 = vector.shape_cast %swap3A_296 : vector<1x16xf32> to vector<16xf32>
      %swap3A_298 = vector.shape_cast %broadcast_in_dim3A_293 : vector<16xf32> to vector<1x16xf32>
      tpu.vector_store %arg8[%swap3A_294, %swap3A_295], %swap3A_298 {strides = array<i32>} : memref<125x128xf32, #tpu.memory_space<vmem>>, vector<1x16xf32>,
    }
    "tpu.region"() ({
      %run_scoped3A = tpu.sem_alloc : memref<!tpu.dma_semaphore, #tpu.memory_space<semaphore_mem>>
      %dma_start3A_244 = arith.constant 0 : i32
      %dma_start3A_245 = arith.constant 0 : i32
      %dma_start3A_246 = tpu.memref_slice %arg2[%add3A, %dma_start3A_244, %dma_start3A_245] : memref<32x80x125xi32, #tpu.memory_space<hbm>> -> memref<1x80x125xi32, #tpu.memory_space<hbm>>
      %dma_start3A_247 = tpu.memref_squeeze %dma_start3A_246 : memref<1x80x125xi32, #tpu.memory_space<hbm>> -> memref<80x125xi32, #tpu.memory_space<hbm>>
      %dma_start3A_248 = arith.constant 0 : i32
      %dma_start3A_249 = arith.constant 0 : i32
      %dma_start3A_250 = tpu.memref_slice %dma_start3A_247[%dma_start3A_248, %dma_start3A_249] : memref<80x125xi32, #tpu.memory_space<hbm>> -> memref<40x125xi32, #tpu.memory_space<hbm>>
      %dma_start3A_251 = arith.constant 0 : i32
      %dma_start3A_252 = arith.constant 0 : i32
      %dma_start3A_253 = tpu.memref_slice %arg2[%add3A, %dma_start3A_251, %dma_start3A_252] : memref<32x80x125xi32, #tpu.memory_space<hbm>> -> memref<1x80x125xi32, #tpu.memory_space<hbm>>
      %dma_start3A_254 = tpu.memref_squeeze %dma_start3A_253 : memref<1x80x125xi32, #tpu.memory_space<hbm>> -> memref<80x125xi32, #tpu.memory_space<hbm>>
      %dma_start3A_255 = arith.constant 0 : i32
      %dma_start3A_256 = arith.constant 0 : i32
      %dma_start3A_257 = tpu.memref_slice %dma_start3A_254[%dma_start3A_255, %dma_start3A_256] : memref<80x125xi32, #tpu.memory_space<hbm>> -> memref<40x125xi32, #tpu.memory_space<hbm>>
      tpu.enqueue_dma source(%dma_start3A_257 : memref<40x125xi32, #tpu.memory_space<hbm>>) target(%arg6 : memref<40x125xi32, #tpu.memory_space<vmem>>) target_semaphore(%run_scoped3A : memref<!tpu.dma_semaphore, #tpu.memory_space<semaphore_mem>>)
      %dma_wait3A_258 = arith.constant 0 : i32
      %dma_wait3A_259 = arith.constant 0 : i32
      %dma_wait3A_260 = tpu.memref_slice %arg2[%add3A, %dma_wait3A_258, %dma_wait3A_259] : memref<32x80x125xi32, #tpu.memory_space<hbm>> -> memref<1x80x125xi32, #tpu.memory_space<hbm>>
      %dma_wait3A_261 = tpu.memref_squeeze %dma_wait3A_260 : memref<1x80x125xi32, #tpu.memory_space<hbm>> -> memref<80x125xi32, #tpu.memory_space<hbm>>
      %dma_wait3A_262 = arith.constant 0 : i32
      %dma_wait3A_263 = arith.constant 0 : i32
      %dma_wait3A_264 = tpu.memref_slice %dma_wait3A_261[%dma_wait3A_262, %dma_wait3A_263] : memref<80x125xi32, #tpu.memory_space<hbm>> -> memref<40x125xi32, #tpu.memory_space<hbm>>
      %dma_wait3A_265 = arith.constant 0 : i32
      %dma_wait3A_266 = arith.constant 0 : i32
      %dma_wait3A_267 = tpu.memref_slice %arg2[%add3A, %dma_wait3A_265, %dma_wait3A_266] : memref<32x80x125xi32, #tpu.memory_space<hbm>> -> memref<1x80x125xi32, #tpu.memory_space<hbm>>
      %dma_wait3A_268 = tpu.memref_squeeze %dma_wait3A_267 : memref<1x80x125xi32, #tpu.memory_space<hbm>> -> memref<80x125xi32, #tpu.memory_space<hbm>>
      %dma_wait3A_269 = arith.constant 0 : i32
      %dma_wait3A_270 = arith.constant 0 : i32
      %dma_wait3A_271 = tpu.memref_slice %dma_wait3A_268[%dma_wait3A_269, %dma_wait3A_270] : memref<80x125xi32, #tpu.memory_space<hbm>> -> memref<40x125xi32, #tpu.memory_space<hbm>>
      tpu.wait_dma2 semaphore(%run_scoped3A : memref<!tpu.dma_semaphore, #tpu.memory_space<semaphore_mem>>) src(%dma_wait3A_271 : memref<40x125xi32, #tpu.memory_space<hbm>>) dst(%arg6 : memref<40x125xi32, #tpu.memory_space<vmem>>)
      tpu.yield
    }) : () -> ()
    "tpu.region"() ({
      %run_scoped3A = tpu.sem_alloc : memref<!tpu.dma_semaphore, #tpu.memory_space<semaphore_mem>>
      %dma_start3A_244 = arith.constant 0 : i32
      %dma_start3A_245 = arith.constant 0 : i32
      %dma_start3A_246 = tpu.memref_slice %arg3[%add3A, %dma_start3A_244, %dma_start3A_245] : memref<32x80x125xi32, #tpu.memory_space<hbm>> -> memref<1x80x125xi32, #tpu.memory_space<hbm>>
      %dma_start3A_247 = tpu.memref_squeeze %dma_start3A_246 : memref<1x80x125xi32, #tpu.memory_space<hbm>> -> memref<80x125xi32, #tpu.memory_space<hbm>>
      %dma_start3A_248 = arith.constant 0 : i32
      %dma_start3A_249 = arith.constant 0 : i32
      %dma_start3A_250 = tpu.memref_slice %dma_start3A_247[%dma_start3A_248, %dma_start3A_249] : memref<80x125xi32, #tpu.memory_space<hbm>> -> memref<40x125xi32, #tpu.memory_space<hbm>>
      %dma_start3A_251 = arith.constant 0 : i32
      %dma_start3A_252 = arith.constant 0 : i32
      %dma_start3A_253 = tpu.memref_slice %arg3[%add3A, %dma_start3A_251, %dma_start3A_252] : memref<32x80x125xi32, #tpu.memory_space<hbm>> -> memref<1x80x125xi32, #tpu.memory_space<hbm>>
      %dma_start3A_254 = tpu.memref_squeeze %dma_start3A_253 : memref<1x80x125xi32, #tpu.memory_space<hbm>> -> memref<80x125xi32, #tpu.memory_space<hbm>>
      %dma_start3A_255 = arith.constant 0 : i32
      %dma_start3A_256 = arith.constant 0 : i32
      %dma_start3A_257 = tpu.memref_slice %dma_start3A_254[%dma_start3A_255, %dma_start3A_256] : memref<80x125xi32, #tpu.memory_space<hbm>> -> memref<40x125xi32, #tpu.memory_space<hbm>>
      tpu.enqueue_dma source(%dma_start3A_257 : memref<40x125xi32, #tpu.memory_space<hbm>>) target(%arg7 : memref<40x125xi32, #tpu.memory_space<vmem>>) target_semaphore(%run_scoped3A : memref<!tpu.dma_semaphore, #tpu.memory_space<semaphore_mem>>)
      %dma_wait3A_258 = arith.constant 0 : i32
      %dma_wait3A_259 = arith.constant 0 : i32
      %dma_wait3A_260 = tpu.memref_slice %arg3[%add3A, %dma_wait3A_258, %dma_wait3A_259] : memref<32x80x125xi32, #tpu.memory_space<hbm>> -> memref<1x80x125xi32, #tpu.memory_space<hbm>>
      %dma_wait3A_261 = tpu.memref_squeeze %dma_wait3A_260 : memref<1x80x125xi32, #tpu.memory_space<hbm>> -> memref<80x125xi32, #tpu.memory_space<hbm>>
      %dma_wait3A_262 = arith.constant 0 : i32
      %dma_wait3A_263 = arith.constant 0 : i32
      %dma_wait3A_264 = tpu.memref_slice %dma_wait3A_261[%dma_wait3A_262, %dma_wait3A_263] : memref<80x125xi32, #tpu.memory_space<hbm>> -> memref<40x125xi32, #tpu.memory_space<hbm>>
      %dma_wait3A_265 = arith.constant 0 : i32
      %dma_wait3A_266 = arith.constant 0 : i32
      %dma_wait3A_267 = tpu.memref_slice %arg3[%add3A, %dma_wait3A_265, %dma_wait3A_266] : memref<32x80x125xi32, #tpu.memory_space<hbm>> -> memref<1x80x125xi32, #tpu.memory_space<hbm>>
      %dma_wait3A_268 = tpu.memref_squeeze %dma_wait3A_267 : memref<1x80x125xi32, #tpu.memory_space<hbm>> -> memref<80x125xi32, #tpu.memory_space<hbm>>
      %dma_wait3A_269 = arith.constant 0 : i32
      %dma_wait3A_270 = arith.constant 0 : i32
      %dma_wait3A_271 = tpu.memref_slice %dma_wait3A_268[%dma_wait3A_269, %dma_wait3A_270] : memref<80x125xi32, #tpu.memory_space<hbm>> -> memref<40x125xi32, #tpu.memory_space<hbm>>
      tpu.wait_dma2 semaphore(%run_scoped3A : memref<!tpu.dma_semaphore, #tpu.memory_space<semaphore_mem>>) src(%dma_wait3A_271 : memref<40x125xi32, #tpu.memory_space<hbm>>) dst(%arg7 : memref<40x125xi32, #tpu.memory_space<vmem>>)
      tpu.yield
    }) : () -> ()
    %dma_start3A = arith.constant 1 : i32
    %dma_start3A_11 = arith.constant 0 : i32
    %dma_start3A_12 = tpu.memref_slice %arg6[%dma_start3A, %dma_start3A_11] : memref<40x125xi32, #tpu.memory_space<vmem>> -> memref<1x125xi32, #tpu.memory_space<vmem>>
    %dma_start3A_13 = tpu.memref_squeeze %dma_start3A_12 : memref<1x125xi32, #tpu.memory_space<vmem>> -> memref<125xi32, #tpu.memory_space<vmem>>
    %dma_start3A_14 = arith.constant 0 : i32
    %dma_start3A_15 = arith.constant 0 : i32
    %dma_start3A_16 = tpu.memref_slice %arg4[%dma_start3A_14, %dma_start3A_15] : memref<10000x128xf32, #tpu.memory_space<hbm>> -> memref<10000x128xf32, #tpu.memory_space<hbm>>
    tpu.enqueue_indirect_dma source(%dma_start3A_16 : memref<10000x128xf32, #tpu.memory_space<hbm>>) target(%arg9 : memref<125x128xf32, #tpu.memory_space<vmem>>) offsets(%dma_start3A_13 : memref<125xi32, #tpu.memory_space<vmem>>) semaphore(%arg12 : memref<!tpu.dma_semaphore, #tpu.memory_space<semaphore_mem>>)
    %mul3A_17 = arith.constant 624 : i32
    %mul3A_18 = arith.muli %arg1, %mul3A_17 : i32
    %add3A_19 = arith.constant 0 : i32
    %add3A_20 = arith.addi %mul3A_18, %add3A_19 : i32
    %dma_start3A_21 = arith.constant 0 : i32
    %dma_start3A_22 = arith.constant 0 : i32
    %dma_start3A_23 = tpu.memref_slice %arg8[%dma_start3A_21, %dma_start3A_22] : memref<125x128xf32, #tpu.memory_space<vmem>> -> memref<120x128xf32, #tpu.memory_space<vmem>>
    %dma_start3A_24 = arith.constant 0 : i32
    %dma_start3A_25 = tpu.memref_slice %arg10[%add3A_20, %dma_start3A_24] : memref<10000x128xf32, #tpu.memory_space<vmem_shared>> -> memref<120x128xf32, #tpu.memory_space<vmem_shared>>
    %dma_start3A_26 = arith.constant 0 : i32
    %dma_start3A_27 = tpu.memref_slice %arg10[%add3A_20, %dma_start3A_26] : memref<10000x128xf32, #tpu.memory_space<vmem_shared>> -> memref<120x128xf32, #tpu.memory_space<vmem_shared>>
    %dma_start3A_28 = arith.constant 0 : i32
    %dma_start3A_29 = arith.constant 0 : i32
    %dma_start3A_30 = tpu.memref_slice %arg8[%dma_start3A_28, %dma_start3A_29] : memref<125x128xf32, #tpu.memory_space<vmem>> -> memref<120x128xf32, #tpu.memory_space<vmem>>
    tpu.enqueue_dma source(%dma_start3A_30 : memref<120x128xf32, #tpu.memory_space<vmem>>) target(%dma_start3A_27 : memref<120x128xf32, #tpu.memory_space<vmem_shared>>) target_semaphore(%arg13 : memref<!tpu.dma_semaphore, #tpu.memory_space<semaphore_mem>>)
    %mul3A_31 = arith.constant 624 : i32
    %mul3A_32 = arith.muli %arg1, %mul3A_31 : i32
    %add3A_33 = arith.constant 120 : i32
    %add3A_34 = arith.addi %mul3A_32, %add3A_33 : i32
    %dma_start3A_35 = arith.constant 0 : i32
    %dma_start3A_36 = arith.constant 0 : i32
    %dma_start3A_37 = tpu.memref_slice %arg8[%dma_start3A_35, %dma_start3A_36] : memref<125x128xf32, #tpu.memory_space<vmem>> -> memref<120x128xf32, #tpu.memory_space<vmem>>
    %dma_start3A_38 = arith.constant 0 : i32
    %dma_start3A_39 = tpu.memref_slice %arg10[%add3A_34, %dma_start3A_38] : memref<10000x128xf32, #tpu.memory_space<vmem_shared>> -> memref<120x128xf32, #tpu.memory_space<vmem_shared>>
    %dma_start3A_40 = arith.constant 0 : i32
    %dma_start3A_41 = tpu.memref_slice %arg10[%add3A_34, %dma_start3A_40] : memref<10000x128xf32, #tpu.memory_space<vmem_shared>> -> memref<120x128xf32, #tpu.memory_space<vmem_shared>>
    %dma_start3A_42 = arith.constant 0 : i32
    %dma_start3A_43 = arith.constant 0 : i32
    %dma_start3A_44 = tpu.memref_slice %arg8[%dma_start3A_42, %dma_start3A_43] : memref<125x128xf32, #tpu.memory_space<vmem>> -> memref<120x128xf32, #tpu.memory_space<vmem>>
    tpu.enqueue_dma source(%dma_start3A_44 : memref<120x128xf32, #tpu.memory_space<vmem>>) target(%dma_start3A_41 : memref<120x128xf32, #tpu.memory_space<vmem_shared>>) target_semaphore(%arg13 : memref<!tpu.dma_semaphore, #tpu.memory_space<semaphore_mem>>)
    %mul3A_45 = arith.constant 624 : i32
    %mul3A_46 = arith.muli %arg1, %mul3A_45 : i32
    %add3A_47 = arith.constant 240 : i32
    %add3A_48 = arith.addi %mul3A_46, %add3A_47 : i32
    %dma_start3A_49 = arith.constant 0 : i32
    %dma_start3A_50 = arith.constant 0 : i32
    %dma_start3A_51 = tpu.memref_slice %arg8[%dma_start3A_49, %dma_start3A_50] : memref<125x128xf32, #tpu.memory_space<vmem>> -> memref<120x128xf32, #tpu.memory_space<vmem>>
    %dma_start3A_52 = arith.constant 0 : i32
    %dma_start3A_53 = tpu.memref_slice %arg10[%add3A_48, %dma_start3A_52] : memref<10000x128xf32, #tpu.memory_space<vmem_shared>> -> memref<120x128xf32, #tpu.memory_space<vmem_shared>>
    %dma_start3A_54 = arith.constant 0 : i32
    %dma_start3A_55 = tpu.memref_slice %arg10[%add3A_48, %dma_start3A_54] : memref<10000x128xf32, #tpu.memory_space<vmem_shared>> -> memref<120x128xf32, #tpu.memory_space<vmem_shared>>
    %dma_start3A_56 = arith.constant 0 : i32
    %dma_start3A_57 = arith.constant 0 : i32
    %dma_start3A_58 = tpu.memref_slice %arg8[%dma_start3A_56, %dma_start3A_57] : memref<125x128xf32, #tpu.memory_space<vmem>> -> memref<120x128xf32, #tpu.memory_space<vmem>>
    tpu.enqueue_dma source(%dma_start3A_58 : memref<120x128xf32, #tpu.memory_space<vmem>>) target(%dma_start3A_55 : memref<120x128xf32, #tpu.memory_space<vmem_shared>>) target_semaphore(%arg13 : memref<!tpu.dma_semaphore, #tpu.memory_space<semaphore_mem>>)
    %mul3A_59 = arith.constant 624 : i32
    %mul3A_60 = arith.muli %arg1, %mul3A_59 : i32
    %add3A_61 = arith.constant 360 : i32
    %add3A_62 = arith.addi %mul3A_60, %add3A_61 : i32
    %dma_start3A_63 = arith.constant 0 : i32
    %dma_start3A_64 = arith.constant 0 : i32
    %dma_start3A_65 = tpu.memref_slice %arg8[%dma_start3A_63, %dma_start3A_64] : memref<125x128xf32, #tpu.memory_space<vmem>> -> memref<120x128xf32, #tpu.memory_space<vmem>>
    %dma_start3A_66 = arith.constant 0 : i32
    %dma_start3A_67 = tpu.memref_slice %arg10[%add3A_62, %dma_start3A_66] : memref<10000x128xf32, #tpu.memory_space<vmem_shared>> -> memref<120x128xf32, #tpu.memory_space<vmem_shared>>
    %dma_start3A_68 = arith.constant 0 : i32
    %dma_start3A_69 = tpu.memref_slice %arg10[%add3A_62, %dma_start3A_68] : memref<10000x128xf32, #tpu.memory_space<vmem_shared>> -> memref<120x128xf32, #tpu.memory_space<vmem_shared>>
    %dma_start3A_70 = arith.constant 0 : i32
    %dma_start3A_71 = arith.constant 0 : i32
    %dma_start3A_72 = tpu.memref_slice %arg8[%dma_start3A_70, %dma_start3A_71] : memref<125x128xf32, #tpu.memory_space<vmem>> -> memref<120x128xf32, #tpu.memory_space<vmem>>
    tpu.enqueue_dma source(%dma_start3A_72 : memref<120x128xf32, #tpu.memory_space<vmem>>) target(%dma_start3A_69 : memref<120x128xf32, #tpu.memory_space<vmem_shared>>) target_semaphore(%arg13 : memref<!tpu.dma_semaphore, #tpu.memory_space<semaphore_mem>>)
    %mul3A_73 = arith.constant 624 : i32
    %mul3A_74 = arith.muli %arg1, %mul3A_73 : i32
    %add3A_75 = arith.constant 480 : i32
    %add3A_76 = arith.addi %mul3A_74, %add3A_75 : i32
    %dma_start3A_77 = arith.constant 0 : i32
    %dma_start3A_78 = arith.constant 0 : i32
    %dma_start3A_79 = tpu.memref_slice %arg8[%dma_start3A_77, %dma_start3A_78] : memref<125x128xf32, #tpu.memory_space<vmem>> -> memref<120x128xf32, #tpu.memory_space<vmem>>
    %dma_start3A_80 = arith.constant 0 : i32
    %dma_start3A_81 = tpu.memref_slice %arg10[%add3A_76, %dma_start3A_80] : memref<10000x128xf32, #tpu.memory_space<vmem_shared>> -> memref<120x128xf32, #tpu.memory_space<vmem_shared>>
    %dma_start3A_82 = arith.constant 0 : i32
    %dma_start3A_83 = tpu.memref_slice %arg10[%add3A_76, %dma_start3A_82] : memref<10000x128xf32, #tpu.memory_space<vmem_shared>> -> memref<120x128xf32, #tpu.memory_space<vmem_shared>>
    %dma_start3A_84 = arith.constant 0 : i32
    %dma_start3A_85 = arith.constant 0 : i32
    %dma_start3A_86 = tpu.memref_slice %arg8[%dma_start3A_84, %dma_start3A_85] : memref<125x128xf32, #tpu.memory_space<vmem>> -> memref<120x128xf32, #tpu.memory_space<vmem>>
    tpu.enqueue_dma source(%dma_start3A_86 : memref<120x128xf32, #tpu.memory_space<vmem>>) target(%dma_start3A_83 : memref<120x128xf32, #tpu.memory_space<vmem_shared>>) target_semaphore(%arg13 : memref<!tpu.dma_semaphore, #tpu.memory_space<semaphore_mem>>)
    %mul3A_87 = arith.constant 624 : i32
    %mul3A_88 = arith.muli %arg1, %mul3A_87 : i32
    %add3A_89 = arith.constant 600 : i32
    %add3A_90 = arith.addi %mul3A_88, %add3A_89 : i32
    %dma_start3A_91 = arith.constant 0 : i32
    %dma_start3A_92 = arith.constant 0 : i32
    %dma_start3A_93 = tpu.memref_slice %arg8[%dma_start3A_91, %dma_start3A_92] : memref<125x128xf32, #tpu.memory_space<vmem>> -> memref<24x128xf32, #tpu.memory_space<vmem>>
    %dma_start3A_94 = arith.constant 0 : i32
    %dma_start3A_95 = tpu.memref_slice %arg10[%add3A_90, %dma_start3A_94] : memref<10000x128xf32, #tpu.memory_space<vmem_shared>> -> memref<24x128xf32, #tpu.memory_space<vmem_shared>>
    %dma_start3A_96 = arith.constant 0 : i32
    %dma_start3A_97 = tpu.memref_slice %arg10[%add3A_90, %dma_start3A_96] : memref<10000x128xf32, #tpu.memory_space<vmem_shared>> -> memref<24x128xf32, #tpu.memory_space<vmem_shared>>
    %dma_start3A_98 = arith.constant 0 : i32
    %dma_start3A_99 = arith.constant 0 : i32
    %dma_start3A_100 = tpu.memref_slice %arg8[%dma_start3A_98, %dma_start3A_99] : memref<125x128xf32, #tpu.memory_space<vmem>> -> memref<24x128xf32, #tpu.memory_space<vmem>>
    tpu.enqueue_dma source(%dma_start3A_100 : memref<24x128xf32, #tpu.memory_space<vmem>>) target(%dma_start3A_97 : memref<24x128xf32, #tpu.memory_space<vmem_shared>>) target_semaphore(%arg13 : memref<!tpu.dma_semaphore, #tpu.memory_space<semaphore_mem>>)
    %eq3A = arith.constant 15 : i32
    %eq3A_101 = arith.cmpi eq, %arg1, %eq3A : i32
    %convert_element_type3A = arith.extui %eq3A_101 : i1 to i32
    %cond3A = arith.constant 0 : i32
    %cond3A_102 = arith.cmpi ne, %convert_element_type3A, %cond3A : i32
    scf.if %cond3A_102 {
      %dma_start3A_244 = arith.constant 0 : i32
      %dma_start3A_245 = arith.constant 0 : i32
      %dma_start3A_246 = tpu.memref_slice %arg8[%dma_start3A_244, %dma_start3A_245] : memref<125x128xf32, #tpu.memory_space<vmem>> -> memref<16x128xf32, #tpu.memory_space<vmem>>
      %dma_start3A_247 = arith.constant 9984 : i32
      %dma_start3A_248 = arith.constant 0 : i32
      %dma_start3A_249 = tpu.memref_slice %arg10[%dma_start3A_247, %dma_start3A_248] : memref<10000x128xf32, #tpu.memory_space<vmem_shared>> -> memref<16x128xf32, #tpu.memory_space<vmem_shared>>
      %dma_start3A_250 = arith.constant 9984 : i32
      %dma_start3A_251 = arith.constant 0 : i32
      %dma_start3A_252 = tpu.memref_slice %arg10[%dma_start3A_250, %dma_start3A_251] : memref<10000x128xf32, #tpu.memory_space<vmem_shared>> -> memref<16x128xf32, #tpu.memory_space<vmem_shared>>
      %dma_start3A_253 = arith.constant 0 : i32
      %dma_start3A_254 = arith.constant 0 : i32
      %dma_start3A_255 = tpu.memref_slice %arg8[%dma_start3A_253, %dma_start3A_254] : memref<125x128xf32, #tpu.memory_space<vmem>> -> memref<16x128xf32, #tpu.memory_space<vmem>>
      tpu.enqueue_dma source(%dma_start3A_255 : memref<16x128xf32, #tpu.memory_space<vmem>>) target(%dma_start3A_252 : memref<16x128xf32, #tpu.memory_space<vmem_shared>>) target_semaphore(%arg13 : memref<!tpu.dma_semaphore, #tpu.memory_space<semaphore_mem>>)
    } else {
    }
    %mul3A_103 = arith.constant 624 : i32
    %mul3A_104 = arith.muli %arg1, %mul3A_103 : i32
    %add3A_105 = arith.constant 0 : i32
    %add3A_106 = arith.addi %mul3A_104, %add3A_105 : i32
    %dma_wait3A = arith.constant 0 : i32
    %dma_wait3A_107 = arith.constant 0 : i32
    %dma_wait3A_108 = tpu.memref_slice %arg8[%dma_wait3A, %dma_wait3A_107] : memref<125x128xf32, #tpu.memory_space<vmem>> -> memref<120x128xf32, #tpu.memory_space<vmem>>
    %dma_wait3A_109 = arith.constant 0 : i32
    %dma_wait3A_110 = tpu.memref_slice %arg10[%add3A_106, %dma_wait3A_109] : memref<10000x128xf32, #tpu.memory_space<vmem_shared>> -> memref<120x128xf32, #tpu.memory_space<vmem_shared>>
    %dma_wait3A_111 = arith.constant 0 : i32
    %dma_wait3A_112 = tpu.memref_slice %arg10[%add3A_106, %dma_wait3A_111] : memref<10000x128xf32, #tpu.memory_space<vmem_shared>> -> memref<120x128xf32, #tpu.memory_space<vmem_shared>>
    %dma_wait3A_113 = arith.constant 0 : i32
    %dma_wait3A_114 = arith.constant 0 : i32
    %dma_wait3A_115 = tpu.memref_slice %arg8[%dma_wait3A_113, %dma_wait3A_114] : memref<125x128xf32, #tpu.memory_space<vmem>> -> memref<120x128xf32, #tpu.memory_space<vmem>>
    tpu.wait_dma2 semaphore(%arg13 : memref<!tpu.dma_semaphore, #tpu.memory_space<semaphore_mem>>) src(%dma_wait3A_115 : memref<120x128xf32, #tpu.memory_space<vmem>>) dst(%dma_wait3A_112 : memref<120x128xf32, #tpu.memory_space<vmem_shared>>)
    %mul3A_116 = arith.constant 624 : i32
    %mul3A_117 = arith.muli %arg1, %mul3A_116 : i32
    %add3A_118 = arith.constant 120 : i32
    %add3A_119 = arith.addi %mul3A_117, %add3A_118 : i32
    %dma_wait3A_120 = arith.constant 0 : i32
    %dma_wait3A_121 = arith.constant 0 : i32
    %dma_wait3A_122 = tpu.memref_slice %arg8[%dma_wait3A_120, %dma_wait3A_121] : memref<125x128xf32, #tpu.memory_space<vmem>> -> memref<120x128xf32, #tpu.memory_space<vmem>>
    %dma_wait3A_123 = arith.constant 0 : i32
    %dma_wait3A_124 = tpu.memref_slice %arg10[%add3A_119, %dma_wait3A_123] : memref<10000x128xf32, #tpu.memory_space<vmem_shared>> -> memref<120x128xf32, #tpu.memory_space<vmem_shared>>
    %dma_wait3A_125 = arith.constant 0 : i32
    %dma_wait3A_126 = tpu.memref_slice %arg10[%add3A_119, %dma_wait3A_125] : memref<10000x128xf32, #tpu.memory_space<vmem_shared>> -> memref<120x128xf32, #tpu.memory_space<vmem_shared>>
    %dma_wait3A_127 = arith.constant 0 : i32
    %dma_wait3A_128 = arith.constant 0 : i32
    %dma_wait3A_129 = tpu.memref_slice %arg8[%dma_wait3A_127, %dma_wait3A_128] : memref<125x128xf32, #tpu.memory_space<vmem>> -> memref<120x128xf32, #tpu.memory_space<vmem>>
    tpu.wait_dma2 semaphore(%arg13 : memref<!tpu.dma_semaphore, #tpu.memory_space<semaphore_mem>>) src(%dma_wait3A_129 : memref<120x128xf32, #tpu.memory_space<vmem>>) dst(%dma_wait3A_126 : memref<120x128xf32, #tpu.memory_space<vmem_shared>>)
    %mul3A_130 = arith.constant 624 : i32
    %mul3A_131 = arith.muli %arg1, %mul3A_130 : i32
    %add3A_132 = arith.constant 240 : i32
    %add3A_133 = arith.addi %mul3A_131, %add3A_132 : i32
    %dma_wait3A_134 = arith.constant 0 : i32
    %dma_wait3A_135 = arith.constant 0 : i32
    %dma_wait3A_136 = tpu.memref_slice %arg8[%dma_wait3A_134, %dma_wait3A_135] : memref<125x128xf32, #tpu.memory_space<vmem>> -> memref<120x128xf32, #tpu.memory_space<vmem>>
    %dma_wait3A_137 = arith.constant 0 : i32
    %dma_wait3A_138 = tpu.memref_slice %arg10[%add3A_133, %dma_wait3A_137] : memref<10000x128xf32, #tpu.memory_space<vmem_shared>> -> memref<120x128xf32, #tpu.memory_space<vmem_shared>>
    %dma_wait3A_139 = arith.constant 0 : i32
    %dma_wait3A_140 = tpu.memref_slice %arg10[%add3A_133, %dma_wait3A_139] : memref<10000x128xf32, #tpu.memory_space<vmem_shared>> -> memref<120x128xf32, #tpu.memory_space<vmem_shared>>
    %dma_wait3A_141 = arith.constant 0 : i32
    %dma_wait3A_142 = arith.constant 0 : i32
    %dma_wait3A_143 = tpu.memref_slice %arg8[%dma_wait3A_141, %dma_wait3A_142] : memref<125x128xf32, #tpu.memory_space<vmem>> -> memref<120x128xf32, #tpu.memory_space<vmem>>
    tpu.wait_dma2 semaphore(%arg13 : memref<!tpu.dma_semaphore, #tpu.memory_space<semaphore_mem>>) src(%dma_wait3A_143 : memref<120x128xf32, #tpu.memory_space<vmem>>) dst(%dma_wait3A_140 : memref<120x128xf32, #tpu.memory_space<vmem_shared>>)
    %mul3A_144 = arith.constant 624 : i32
    %mul3A_145 = arith.muli %arg1, %mul3A_144 : i32
    %add3A_146 = arith.constant 360 : i32
    %add3A_147 = arith.addi %mul3A_145, %add3A_146 : i32
    %dma_wait3A_148 = arith.constant 0 : i32
    %dma_wait3A_149 = arith.constant 0 : i32
    %dma_wait3A_150 = tpu.memref_slice %arg8[%dma_wait3A_148, %dma_wait3A_149] : memref<125x128xf32, #tpu.memory_space<vmem>> -> memref<120x128xf32, #tpu.memory_space<vmem>>
    %dma_wait3A_151 = arith.constant 0 : i32
    %dma_wait3A_152 = tpu.memref_slice %arg10[%add3A_147, %dma_wait3A_151] : memref<10000x128xf32, #tpu.memory_space<vmem_shared>> -> memref<120x128xf32, #tpu.memory_space<vmem_shared>>
    %dma_wait3A_153 = arith.constant 0 : i32
    %dma_wait3A_154 = tpu.memref_slice %arg10[%add3A_147, %dma_wait3A_153] : memref<10000x128xf32, #tpu.memory_space<vmem_shared>> -> memref<120x128xf32, #tpu.memory_space<vmem_shared>>
    %dma_wait3A_155 = arith.constant 0 : i32
    %dma_wait3A_156 = arith.constant 0 : i32
    %dma_wait3A_157 = tpu.memref_slice %arg8[%dma_wait3A_155, %dma_wait3A_156] : memref<125x128xf32, #tpu.memory_space<vmem>> -> memref<120x128xf32, #tpu.memory_space<vmem>>
    tpu.wait_dma2 semaphore(%arg13 : memref<!tpu.dma_semaphore, #tpu.memory_space<semaphore_mem>>) src(%dma_wait3A_157 : memref<120x128xf32, #tpu.memory_space<vmem>>) dst(%dma_wait3A_154 : memref<120x128xf32, #tpu.memory_space<vmem_shared>>)
    %mul3A_158 = arith.constant 624 : i32
    %mul3A_159 = arith.muli %arg1, %mul3A_158 : i32
    %add3A_160 = arith.constant 480 : i32
    %add3A_161 = arith.addi %mul3A_159, %add3A_160 : i32
    %dma_wait3A_162 = arith.constant 0 : i32
    %dma_wait3A_163 = arith.constant 0 : i32
    %dma_wait3A_164 = tpu.memref_slice %arg8[%dma_wait3A_162, %dma_wait3A_163] : memref<125x128xf32, #tpu.memory_space<vmem>> -> memref<120x128xf32, #tpu.memory_space<vmem>>
    %dma_wait3A_165 = arith.constant 0 : i32
    %dma_wait3A_166 = tpu.memref_slice %arg10[%add3A_161, %dma_wait3A_165] : memref<10000x128xf32, #tpu.memory_space<vmem_shared>> -> memref<120x128xf32, #tpu.memory_space<vmem_shared>>
    %dma_wait3A_167 = arith.constant 0 : i32
    %dma_wait3A_168 = tpu.memref_slice %arg10[%add3A_161, %dma_wait3A_167] : memref<10000x128xf32, #tpu.memory_space<vmem_shared>> -> memref<120x128xf32, #tpu.memory_space<vmem_shared>>
    %dma_wait3A_169 = arith.constant 0 : i32
    %dma_wait3A_170 = arith.constant 0 : i32
    %dma_wait3A_171 = tpu.memref_slice %arg8[%dma_wait3A_169, %dma_wait3A_170] : memref<125x128xf32, #tpu.memory_space<vmem>> -> memref<120x128xf32, #tpu.memory_space<vmem>>
    tpu.wait_dma2 semaphore(%arg13 : memref<!tpu.dma_semaphore, #tpu.memory_space<semaphore_mem>>) src(%dma_wait3A_171 : memref<120x128xf32, #tpu.memory_space<vmem>>) dst(%dma_wait3A_168 : memref<120x128xf32, #tpu.memory_space<vmem_shared>>)
    %mul3A_172 = arith.constant 624 : i32
    %mul3A_173 = arith.muli %arg1, %mul3A_172 : i32
    %add3A_174 = arith.constant 600 : i32
    %add3A_175 = arith.addi %mul3A_173, %add3A_174 : i32
    %dma_wait3A_176 = arith.constant 0 : i32
    %dma_wait3A_177 = arith.constant 0 : i32
    %dma_wait3A_178 = tpu.memref_slice %arg8[%dma_wait3A_176, %dma_wait3A_177] : memref<125x128xf32, #tpu.memory_space<vmem>> -> memref<24x128xf32, #tpu.memory_space<vmem>>
    %dma_wait3A_179 = arith.constant 0 : i32
    %dma_wait3A_180 = tpu.memref_slice %arg10[%add3A_175, %dma_wait3A_179] : memref<10000x128xf32, #tpu.memory_space<vmem_shared>> -> memref<24x128xf32, #tpu.memory_space<vmem_shared>>
    %dma_wait3A_181 = arith.constant 0 : i32
    %dma_wait3A_182 = tpu.memref_slice %arg10[%add3A_175, %dma_wait3A_181] : memref<10000x128xf32, #tpu.memory_space<vmem_shared>> -> memref<24x128xf32, #tpu.memory_space<vmem_shared>>
    %dma_wait3A_183 = arith.constant 0 : i32
    %dma_wait3A_184 = arith.constant 0 : i32
    %dma_wait3A_185 = tpu.memref_slice %arg8[%dma_wait3A_183, %dma_wait3A_184] : memref<125x128xf32, #tpu.memory_space<vmem>> -> memref<24x128xf32, #tpu.memory_space<vmem>>
    tpu.wait_dma2 semaphore(%arg13 : memref<!tpu.dma_semaphore, #tpu.memory_space<semaphore_mem>>) src(%dma_wait3A_185 : memref<24x128xf32, #tpu.memory_space<vmem>>) dst(%dma_wait3A_182 : memref<24x128xf32, #tpu.memory_space<vmem_shared>>)
    %eq3A_186 = arith.constant 15 : i32
    %eq3A_187 = arith.cmpi eq, %arg1, %eq3A_186 : i32
    %convert_element_type3A_188 = arith.extui %eq3A_187 : i1 to i32
    %cond3A_189 = arith.constant 0 : i32
    %cond3A_190 = arith.cmpi ne, %convert_element_type3A_188, %cond3A_189 : i32
    scf.if %cond3A_190 {
      %dma_wait3A_244 = arith.constant 0 : i32
      %dma_wait3A_245 = arith.constant 0 : i32
      %dma_wait3A_246 = tpu.memref_slice %arg8[%dma_wait3A_244, %dma_wait3A_245] : memref<125x128xf32, #tpu.memory_space<vmem>> -> memref<16x128xf32, #tpu.memory_space<vmem>>
      %dma_wait3A_247 = arith.constant 9984 : i32
      %dma_wait3A_248 = arith.constant 0 : i32
      %dma_wait3A_249 = tpu.memref_slice %arg10[%dma_wait3A_247, %dma_wait3A_248] : memref<10000x128xf32, #tpu.memory_space<vmem_shared>> -> memref<16x128xf32, #tpu.memory_space<vmem_shared>>
      %dma_wait3A_250 = arith.constant 9984 : i32
      %dma_wait3A_251 = arith.constant 0 : i32
      %dma_wait3A_252 = tpu.memref_slice %arg10[%dma_wait3A_250, %dma_wait3A_251] : memref<10000x128xf32, #tpu.memory_space<vmem_shared>> -> memref<16x128xf32, #tpu.memory_space<vmem_shared>>
      %dma_wait3A_253 = arith.constant 0 : i32
      %dma_wait3A_254 = arith.constant 0 : i32
      %dma_wait3A_255 = tpu.memref_slice %arg8[%dma_wait3A_253, %dma_wait3A_254] : memref<125x128xf32, #tpu.memory_space<vmem>> -> memref<16x128xf32, #tpu.memory_space<vmem>>
      tpu.wait_dma2 semaphore(%arg13 : memref<!tpu.dma_semaphore, #tpu.memory_space<semaphore_mem>>) src(%dma_wait3A_255 : memref<16x128xf32, #tpu.memory_space<vmem>>) dst(%dma_wait3A_252 : memref<16x128xf32, #tpu.memory_space<vmem_shared>>)
    } else {
    }
    %dma_start3A_191 = arith.constant 0 : i32
    %dma_start3A_192 = arith.constant 0 : i32
    %dma_start3A_193 = tpu.memref_slice %arg6[%dma_start3A_191, %dma_start3A_192] : memref<40x125xi32, #tpu.memory_space<vmem>> -> memref<1x125xi32, #tpu.memory_space<vmem>>
    %dma_start3A_194 = tpu.memref_squeeze %dma_start3A_193 : memref<1x125xi32, #tpu.memory_space<vmem>> -> memref<125xi32, #tpu.memory_space<vmem>>
    %dma_start3A_195 = arith.constant 0 : i32
    %dma_start3A_196 = arith.constant 0 : i32
    %dma_start3A_197 = tpu.memref_slice %arg4[%dma_start3A_195, %dma_start3A_196] : memref<10000x128xf32, #tpu.memory_space<hbm>> -> memref<10000x128xf32, #tpu.memory_space<hbm>>
    tpu.enqueue_indirect_dma source(%dma_start3A_197 : memref<10000x128xf32, #tpu.memory_space<hbm>>) target(%arg8 : memref<125x128xf32, #tpu.memory_space<vmem>>) offsets(%dma_start3A_194 : memref<125xi32, #tpu.memory_space<vmem>>) semaphore(%arg11 : memref<!tpu.dma_semaphore, #tpu.memory_space<semaphore_mem>>)
    %barrier3A = arith.constant 0 : index
    tpu.barrier barrier_id(%barrier3A)
    %while3A_198 = arith.constant 0 : i32
    %while3A_199 = arith.constant 0 : i32
    %while3A_200 = arith.constant 20 : i32
    %while3A_201 = arith.subi %while3A_200, %while3A_199 : i32
    %while3A_202 = arith.addi %while3A_199, %while3A_201 : i32
    %while3A_203 = arith.constant 1 : i32
    %while3A_204 = arith.divsi %while3A_201, %while3A_203 : i32
    %while3A_205 = arith.muli %while3A_204, %while3A_203 : i32
    %while3A_206 = arith.addi %while3A_199, %while3A_205 : i32
    %while3A_207 = arith.constant 1 : i32
    scf.for %while3A_244 = %while3A_199 to %while3A_206 step %while3A_207  : i32 {
      %mul3A_245 = arith.constant 2 : i32
      %mul3A_246 = arith.muli %while3A_244, %mul3A_245 : i32
      %add3A_247 = arith.constant 1 : i32
      %add3A_248 = arith.addi %mul3A_246, %add3A_247 : i32
      %dma_wait3A_249 = arith.constant 0 : i32
      %dma_wait3A_250 = tpu.memref_slice %arg6[%mul3A_246, %dma_wait3A_249] : memref<40x125xi32, #tpu.memory_space<vmem>> -> memref<1x125xi32, #tpu.memory_space<vmem>>
      %dma_wait3A_251 = tpu.memref_squeeze %dma_wait3A_250 : memref<1x125xi32, #tpu.memory_space<vmem>> -> memref<125xi32, #tpu.memory_space<vmem>>
      %dma_wait3A_252 = arith.constant 0 : i32
      %dma_wait3A_253 = arith.constant 0 : i32
      %dma_wait3A_254 = tpu.memref_slice %arg4[%dma_wait3A_252, %dma_wait3A_253] : memref<10000x128xf32, #tpu.memory_space<hbm>> -> memref<10000x128xf32, #tpu.memory_space<hbm>>
      tpu.wait_indirect_dma semaphore(%arg11 : memref<!tpu.dma_semaphore, #tpu.memory_space<semaphore_mem>>) src(%dma_wait3A_254 : memref<10000x128xf32, #tpu.memory_space<hbm>>) dst(%arg8 : memref<125x128xf32, #tpu.memory_space<vmem>>)
      "tpu.region"() ({
        %run_scoped3A = tpu.sem_alloc : memref<!tpu.dma_semaphore, #tpu.memory_space<semaphore_mem>>
        %dma_start3A_274 = arith.constant 0 : i32
        %dma_start3A_275 = tpu.memref_slice %arg7[%mul3A_246, %dma_start3A_274] : memref<40x125xi32, #tpu.memory_space<vmem>> -> memref<1x125xi32, #tpu.memory_space<vmem>>
        %dma_start3A_276 = tpu.memref_squeeze %dma_start3A_275 : memref<1x125xi32, #tpu.memory_space<vmem>> -> memref<125xi32, #tpu.memory_space<vmem>>
        %dma_start3A_277 = arith.constant 0 : i32
        %dma_start3A_278 = arith.constant 0 : i32
        %dma_start3A_279 = tpu.memref_slice %arg10[%dma_start3A_277, %dma_start3A_278] : memref<10000x128xf32, #tpu.memory_space<vmem_shared>> -> memref<10000x128xf32, #tpu.memory_space<vmem_shared>>
        tpu.enqueue_indirect_dma source(%arg8 : memref<125x128xf32, #tpu.memory_space<vmem>>) target(%dma_start3A_279 : memref<10000x128xf32, #tpu.memory_space<vmem_shared>>) offsets(%dma_start3A_276 : memref<125xi32, #tpu.memory_space<vmem>>) semaphore(%run_scoped3A : memref<!tpu.dma_semaphore, #tpu.memory_space<semaphore_mem>>) {add = true}
        %dma_wait3A_280 = arith.constant 0 : i32
        %dma_wait3A_281 = tpu.memref_slice %arg7[%mul3A_246, %dma_wait3A_280] : memref<40x125xi32, #tpu.memory_space<vmem>> -> memref<1x125xi32, #tpu.memory_space<vmem>>
        %dma_wait3A_282 = tpu.memref_squeeze %dma_wait3A_281 : memref<1x125xi32, #tpu.memory_space<vmem>> -> memref<125xi32, #tpu.memory_space<vmem>>
        %dma_wait3A_283 = arith.constant 0 : i32
        %dma_wait3A_284 = arith.constant 0 : i32
        %dma_wait3A_285 = tpu.memref_slice %arg10[%dma_wait3A_283, %dma_wait3A_284] : memref<10000x128xf32, #tpu.memory_space<vmem_shared>> -> memref<10000x128xf32, #tpu.memory_space<vmem_shared>>
        tpu.wait_indirect_dma semaphore(%run_scoped3A : memref<!tpu.dma_semaphore, #tpu.memory_space<semaphore_mem>>) src(%arg8 : memref<125x128xf32, #tpu.memory_space<vmem>>) dst(%dma_wait3A_285 : memref<10000x128xf32, #tpu.memory_space<vmem_shared>>)
        tpu.yield
      }) : () -> ()
      %add3A_255 = arith.constant 2 : i32
      %add3A_256 = arith.addi %mul3A_246, %add3A_255 : i32
      %lt3A = arith.constant 40 : i32
      %lt3A_257 = arith.cmpi slt, %add3A_256, %lt3A : i32
      %convert_element_type3A_258 = arith.extui %lt3A_257 : i1 to i32
      %cond3A_259 = arith.constant 0 : i32
      %cond3A_260 = arith.cmpi ne, %convert_element_type3A_258, %cond3A_259 : i32
      scf.if %cond3A_260 {
        %add3A_274 = arith.constant 2 : i32
        %add3A_275 = arith.addi %mul3A_246, %add3A_274 : i32
        %dma_start3A_276 = arith.constant 0 : i32
        %dma_start3A_277 = tpu.memref_slice %arg6[%add3A_275, %dma_start3A_276] : memref<40x125xi32, #tpu.memory_space<vmem>> -> memref<1x125xi32, #tpu.memory_space<vmem>>
        %dma_start3A_278 = tpu.memref_squeeze %dma_start3A_277 : memref<1x125xi32, #tpu.memory_space<vmem>> -> memref<125xi32, #tpu.memory_space<vmem>>
        %dma_start3A_279 = arith.constant 0 : i32
        %dma_start3A_280 = arith.constant 0 : i32
        %dma_start3A_281 = tpu.memref_slice %arg4[%dma_start3A_279, %dma_start3A_280] : memref<10000x128xf32, #tpu.memory_space<hbm>> -> memref<10000x128xf32, #tpu.memory_space<hbm>>
        tpu.enqueue_indirect_dma source(%dma_start3A_281 : memref<10000x128xf32, #tpu.memory_space<hbm>>) target(%arg8 : memref<125x128xf32, #tpu.memory_space<vmem>>) offsets(%dma_start3A_278 : memref<125xi32, #tpu.memory_space<vmem>>) semaphore(%arg11 : memref<!tpu.dma_semaphore, #tpu.memory_space<semaphore_mem>>)
      } else {
      }
      %dma_wait3A_261 = arith.constant 0 : i32
      %dma_wait3A_262 = tpu.memref_slice %arg6[%add3A_248, %dma_wait3A_261] : memref<40x125xi32, #tpu.memory_space<vmem>> -> memref<1x125xi32, #tpu.memory_space<vmem>>
      %dma_wait3A_263 = tpu.memref_squeeze %dma_wait3A_262 : memref<1x125xi32, #tpu.memory_space<vmem>> -> memref<125xi32, #tpu.memory_space<vmem>>
      %dma_wait3A_264 = arith.constant 0 : i32
      %dma_wait3A_265 = arith.constant 0 : i32
      %dma_wait3A_266 = tpu.memref_slice %arg4[%dma_wait3A_264, %dma_wait3A_265] : memref<10000x128xf32, #tpu.memory_space<hbm>> -> memref<10000x128xf32, #tpu.memory_space<hbm>>
      tpu.wait_indirect_dma semaphore(%arg12 : memref<!tpu.dma_semaphore, #tpu.memory_space<semaphore_mem>>) src(%dma_wait3A_266 : memref<10000x128xf32, #tpu.memory_space<hbm>>) dst(%arg9 : memref<125x128xf32, #tpu.memory_space<vmem>>)
      "tpu.region"() ({
        %run_scoped3A = tpu.sem_alloc : memref<!tpu.dma_semaphore, #tpu.memory_space<semaphore_mem>>
        %dma_start3A_274 = arith.constant 0 : i32
        %dma_start3A_275 = tpu.memref_slice %arg7[%add3A_248, %dma_start3A_274] : memref<40x125xi32, #tpu.memory_space<vmem>> -> memref<1x125xi32, #tpu.memory_space<vmem>>
        %dma_start3A_276 = tpu.memref_squeeze %dma_start3A_275 : memref<1x125xi32, #tpu.memory_space<vmem>> -> memref<125xi32, #tpu.memory_space<vmem>>
        %dma_start3A_277 = arith.constant 0 : i32
        %dma_start3A_278 = arith.constant 0 : i32
        %dma_start3A_279 = tpu.memref_slice %arg10[%dma_start3A_277, %dma_start3A_278] : memref<10000x128xf32, #tpu.memory_space<vmem_shared>> -> memref<10000x128xf32, #tpu.memory_space<vmem_shared>>
        tpu.enqueue_indirect_dma source(%arg9 : memref<125x128xf32, #tpu.memory_space<vmem>>) target(%dma_start3A_279 : memref<10000x128xf32, #tpu.memory_space<vmem_shared>>) offsets(%dma_start3A_276 : memref<125xi32, #tpu.memory_space<vmem>>) semaphore(%run_scoped3A : memref<!tpu.dma_semaphore, #tpu.memory_space<semaphore_mem>>) {add = true}
        %dma_wait3A_280 = arith.constant 0 : i32
        %dma_wait3A_281 = tpu.memref_slice %arg7[%add3A_248, %dma_wait3A_280] : memref<40x125xi32, #tpu.memory_space<vmem>> -> memref<1x125xi32, #tpu.memory_space<vmem>>
        %dma_wait3A_282 = tpu.memref_squeeze %dma_wait3A_281 : memref<1x125xi32, #tpu.memory_space<vmem>> -> memref<125xi32, #tpu.memory_space<vmem>>
        %dma_wait3A_283 = arith.constant 0 : i32
        %dma_wait3A_284 = arith.constant 0 : i32
        %dma_wait3A_285 = tpu.memref_slice %arg10[%dma_wait3A_283, %dma_wait3A_284] : memref<10000x128xf32, #tpu.memory_space<vmem_shared>> -> memref<10000x128xf32, #tpu.memory_space<vmem_shared>>
        tpu.wait_indirect_dma semaphore(%run_scoped3A : memref<!tpu.dma_semaphore, #tpu.memory_space<semaphore_mem>>) src(%arg9 : memref<125x128xf32, #tpu.memory_space<vmem>>) dst(%dma_wait3A_285 : memref<10000x128xf32, #tpu.memory_space<vmem_shared>>)
        tpu.yield
      }) : () -> ()
      %add3A_267 = arith.constant 2 : i32
      %add3A_268 = arith.addi %add3A_248, %add3A_267 : i32
      %lt3A_269 = arith.constant 40 : i32
      %lt3A_270 = arith.cmpi slt, %add3A_268, %lt3A_269 : i32
      %convert_element_type3A_271 = arith.extui %lt3A_270 : i1 to i32
      %cond3A_272 = arith.constant 0 : i32
      %cond3A_273 = arith.cmpi ne, %convert_element_type3A_271, %cond3A_272 : i32
      scf.if %cond3A_273 {
        %add3A_274 = arith.constant 2 : i32
        %add3A_275 = arith.addi %add3A_248, %add3A_274 : i32
        %dma_start3A_276 = arith.constant 0 : i32
        %dma_start3A_277 = tpu.memref_slice %arg6[%add3A_275, %dma_start3A_276] : memref<40x125xi32, #tpu.memory_space<vmem>> -> memref<1x125xi32, #tpu.memory_space<vmem>>
        %dma_start3A_278 = tpu.memref_squeeze %dma_start3A_277 : memref<1x125xi32, #tpu.memory_space<vmem>> -> memref<125xi32, #tpu.memory_space<vmem>>
        %dma_start3A_279 = arith.constant 0 : i32
        %dma_start3A_280 = arith.constant 0 : i32
        %dma_start3A_281 = tpu.memref_slice %arg4[%dma_start3A_279, %dma_start3A_280] : memref<10000x128xf32, #tpu.memory_space<hbm>> -> memref<10000x128xf32, #tpu.memory_space<hbm>>
        tpu.enqueue_indirect_dma source(%dma_start3A_281 : memref<10000x128xf32, #tpu.memory_space<hbm>>) target(%arg9 : memref<125x128xf32, #tpu.memory_space<vmem>>) offsets(%dma_start3A_278 : memref<125xi32, #tpu.memory_space<vmem>>) semaphore(%arg12 : memref<!tpu.dma_semaphore, #tpu.memory_space<semaphore_mem>>)
      } else {
      }
    }
    %while3A_208 = arith.constant 1 : i32
    scf.for %while3A_244 = %while3A_206 to %while3A_202 step %while3A_208  : i32 {
      %mul3A_245 = arith.constant 2 : i32
      %mul3A_246 = arith.muli %while3A_244, %mul3A_245 : i32
      %add3A_247 = arith.constant 1 : i32
      %add3A_248 = arith.addi %mul3A_246, %add3A_247 : i32
      %dma_wait3A_249 = arith.constant 0 : i32
      %dma_wait3A_250 = tpu.memref_slice %arg6[%mul3A_246, %dma_wait3A_249] : memref<40x125xi32, #tpu.memory_space<vmem>> -> memref<1x125xi32, #tpu.memory_space<vmem>>
      %dma_wait3A_251 = tpu.memref_squeeze %dma_wait3A_250 : memref<1x125xi32, #tpu.memory_space<vmem>> -> memref<125xi32, #tpu.memory_space<vmem>>
      %dma_wait3A_252 = arith.constant 0 : i32
      %dma_wait3A_253 = arith.constant 0 : i32
      %dma_wait3A_254 = tpu.memref_slice %arg4[%dma_wait3A_252, %dma_wait3A_253] : memref<10000x128xf32, #tpu.memory_space<hbm>> -> memref<10000x128xf32, #tpu.memory_space<hbm>>
      tpu.wait_indirect_dma semaphore(%arg11 : memref<!tpu.dma_semaphore, #tpu.memory_space<semaphore_mem>>) src(%dma_wait3A_254 : memref<10000x128xf32, #tpu.memory_space<hbm>>) dst(%arg8 : memref<125x128xf32, #tpu.memory_space<vmem>>)
      "tpu.region"() ({
        %run_scoped3A = tpu.sem_alloc : memref<!tpu.dma_semaphore, #tpu.memory_space<semaphore_mem>>
        %dma_start3A_274 = arith.constant 0 : i32
        %dma_start3A_275 = tpu.memref_slice %arg7[%mul3A_246, %dma_start3A_274] : memref<40x125xi32, #tpu.memory_space<vmem>> -> memref<1x125xi32, #tpu.memory_space<vmem>>
        %dma_start3A_276 = tpu.memref_squeeze %dma_start3A_275 : memref<1x125xi32, #tpu.memory_space<vmem>> -> memref<125xi32, #tpu.memory_space<vmem>>
        %dma_start3A_277 = arith.constant 0 : i32
        %dma_start3A_278 = arith.constant 0 : i32
        %dma_start3A_279 = tpu.memref_slice %arg10[%dma_start3A_277, %dma_start3A_278] : memref<10000x128xf32, #tpu.memory_space<vmem_shared>> -> memref<10000x128xf32, #tpu.memory_space<vmem_shared>>
        tpu.enqueue_indirect_dma source(%arg8 : memref<125x128xf32, #tpu.memory_space<vmem>>) target(%dma_start3A_279 : memref<10000x128xf32, #tpu.memory_space<vmem_shared>>) offsets(%dma_start3A_276 : memref<125xi32, #tpu.memory_space<vmem>>) semaphore(%run_scoped3A : memref<!tpu.dma_semaphore, #tpu.memory_space<semaphore_mem>>) {add = true}
        %dma_wait3A_280 = arith.constant 0 : i32
        %dma_wait3A_281 = tpu.memref_slice %arg7[%mul3A_246, %dma_wait3A_280] : memref<40x125xi32, #tpu.memory_space<vmem>> -> memref<1x125xi32, #tpu.memory_space<vmem>>
        %dma_wait3A_282 = tpu.memref_squeeze %dma_wait3A_281 : memref<1x125xi32, #tpu.memory_space<vmem>> -> memref<125xi32, #tpu.memory_space<vmem>>
        %dma_wait3A_283 = arith.constant 0 : i32
        %dma_wait3A_284 = arith.constant 0 : i32
        %dma_wait3A_285 = tpu.memref_slice %arg10[%dma_wait3A_283, %dma_wait3A_284] : memref<10000x128xf32, #tpu.memory_space<vmem_shared>> -> memref<10000x128xf32, #tpu.memory_space<vmem_shared>>
        tpu.wait_indirect_dma semaphore(%run_scoped3A : memref<!tpu.dma_semaphore, #tpu.memory_space<semaphore_mem>>) src(%arg8 : memref<125x128xf32, #tpu.memory_space<vmem>>) dst(%dma_wait3A_285 : memref<10000x128xf32, #tpu.memory_space<vmem_shared>>)
        tpu.yield
      }) : () -> ()
      %add3A_255 = arith.constant 2 : i32
      %add3A_256 = arith.addi %mul3A_246, %add3A_255 : i32
      %lt3A = arith.constant 40 : i32
      %lt3A_257 = arith.cmpi slt, %add3A_256, %lt3A : i32
      %convert_element_type3A_258 = arith.extui %lt3A_257 : i1 to i32
      %cond3A_259 = arith.constant 0 : i32
      %cond3A_260 = arith.cmpi ne, %convert_element_type3A_258, %cond3A_259 : i32
      scf.if %cond3A_260 {
        %add3A_274 = arith.constant 2 : i32
        %add3A_275 = arith.addi %mul3A_246, %add3A_274 : i32
        %dma_start3A_276 = arith.constant 0 : i32
        %dma_start3A_277 = tpu.memref_slice %arg6[%add3A_275, %dma_start3A_276] : memref<40x125xi32, #tpu.memory_space<vmem>> -> memref<1x125xi32, #tpu.memory_space<vmem>>
        %dma_start3A_278 = tpu.memref_squeeze %dma_start3A_277 : memref<1x125xi32, #tpu.memory_space<vmem>> -> memref<125xi32, #tpu.memory_space<vmem>>
        %dma_start3A_279 = arith.constant 0 : i32
        %dma_start3A_280 = arith.constant 0 : i32
        %dma_start3A_281 = tpu.memref_slice %arg4[%dma_start3A_279, %dma_start3A_280] : memref<10000x128xf32, #tpu.memory_space<hbm>> -> memref<10000x128xf32, #tpu.memory_space<hbm>>
        tpu.enqueue_indirect_dma source(%dma_start3A_281 : memref<10000x128xf32, #tpu.memory_space<hbm>>) target(%arg8 : memref<125x128xf32, #tpu.memory_space<vmem>>) offsets(%dma_start3A_278 : memref<125xi32, #tpu.memory_space<vmem>>) semaphore(%arg11 : memref<!tpu.dma_semaphore, #tpu.memory_space<semaphore_mem>>)
      } else {
      }
      %dma_wait3A_261 = arith.constant 0 : i32
      %dma_wait3A_262 = tpu.memref_slice %arg6[%add3A_248, %dma_wait3A_261] : memref<40x125xi32, #tpu.memory_space<vmem>> -> memref<1x125xi32, #tpu.memory_space<vmem>>
      %dma_wait3A_263 = tpu.memref_squeeze %dma_wait3A_262 : memref<1x125xi32, #tpu.memory_space<vmem>> -> memref<125xi32, #tpu.memory_space<vmem>>
      %dma_wait3A_264 = arith.constant 0 : i32
      %dma_wait3A_265 = arith.constant 0 : i32
      %dma_wait3A_266 = tpu.memref_slice %arg4[%dma_wait3A_264, %dma_wait3A_265] : memref<10000x128xf32, #tpu.memory_space<hbm>> -> memref<10000x128xf32, #tpu.memory_space<hbm>>
      tpu.wait_indirect_dma semaphore(%arg12 : memref<!tpu.dma_semaphore, #tpu.memory_space<semaphore_mem>>) src(%dma_wait3A_266 : memref<10000x128xf32, #tpu.memory_space<hbm>>) dst(%arg9 : memref<125x128xf32, #tpu.memory_space<vmem>>)
      "tpu.region"() ({
        %run_scoped3A = tpu.sem_alloc : memref<!tpu.dma_semaphore, #tpu.memory_space<semaphore_mem>>
        %dma_start3A_274 = arith.constant 0 : i32
        %dma_start3A_275 = tpu.memref_slice %arg7[%add3A_248, %dma_start3A_274] : memref<40x125xi32, #tpu.memory_space<vmem>> -> memref<1x125xi32, #tpu.memory_space<vmem>>
        %dma_start3A_276 = tpu.memref_squeeze %dma_start3A_275 : memref<1x125xi32, #tpu.memory_space<vmem>> -> memref<125xi32, #tpu.memory_space<vmem>>
        %dma_start3A_277 = arith.constant 0 : i32
        %dma_start3A_278 = arith.constant 0 : i32
        %dma_start3A_279 = tpu.memref_slice %arg10[%dma_start3A_277, %dma_start3A_278] : memref<10000x128xf32, #tpu.memory_space<vmem_shared>> -> memref<10000x128xf32, #tpu.memory_space<vmem_shared>>
        tpu.enqueue_indirect_dma source(%arg9 : memref<125x128xf32, #tpu.memory_space<vmem>>) target(%dma_start3A_279 : memref<10000x128xf32, #tpu.memory_space<vmem_shared>>) offsets(%dma_start3A_276 : memref<125xi32, #tpu.memory_space<vmem>>) semaphore(%run_scoped3A : memref<!tpu.dma_semaphore, #tpu.memory_space<semaphore_mem>>) {add = true}
        %dma_wait3A_280 = arith.constant 0 : i32
        %dma_wait3A_281 = tpu.memref_slice %arg7[%add3A_248, %dma_wait3A_280] : memref<40x125xi32, #tpu.memory_space<vmem>> -> memref<1x125xi32, #tpu.memory_space<vmem>>
        %dma_wait3A_282 = tpu.memref_squeeze %dma_wait3A_281 : memref<1x125xi32, #tpu.memory_space<vmem>> -> memref<125xi32, #tpu.memory_space<vmem>>
        %dma_wait3A_283 = arith.constant 0 : i32
        %dma_wait3A_284 = arith.constant 0 : i32
        %dma_wait3A_285 = tpu.memref_slice %arg10[%dma_wait3A_283, %dma_wait3A_284] : memref<10000x128xf32, #tpu.memory_space<vmem_shared>> -> memref<10000x128xf32, #tpu.memory_space<vmem_shared>>
        tpu.wait_indirect_dma semaphore(%run_scoped3A : memref<!tpu.dma_semaphore, #tpu.memory_space<semaphore_mem>>) src(%arg9 : memref<125x128xf32, #tpu.memory_space<vmem>>) dst(%dma_wait3A_285 : memref<10000x128xf32, #tpu.memory_space<vmem_shared>>)
        tpu.yield
      }) : () -> ()
      %add3A_267 = arith.constant 2 : i32
      %add3A_268 = arith.addi %add3A_248, %add3A_267 : i32
      %lt3A_269 = arith.constant 40 : i32
      %lt3A_270 = arith.cmpi slt, %add3A_268, %lt3A_269 : i32
      %convert_element_type3A_271 = arith.extui %lt3A_270 : i1 to i32
      %cond3A_272 = arith.constant 0 : i32
      %cond3A_273 = arith.cmpi ne, %convert_element_type3A_271, %cond3A_272 : i32
      scf.if %cond3A_273 {
        %add3A_274 = arith.constant 2 : i32
        %add3A_275 = arith.addi %add3A_248, %add3A_274 : i32
        %dma_start3A_276 = arith.constant 0 : i32
        %dma_start3A_277 = tpu.memref_slice %arg6[%add3A_275, %dma_start3A_276] : memref<40x125xi32, #tpu.memory_space<vmem>> -> memref<1x125xi32, #tpu.memory_space<vmem>>
        %dma_start3A_278 = tpu.memref_squeeze %dma_start3A_277 : memref<1x125xi32, #tpu.memory_space<vmem>> -> memref<125xi32, #tpu.memory_space<vmem>>
        %dma_start3A_279 = arith.constant 0 : i32
        %dma_start3A_280 = arith.constant 0 : i32
        %dma_start3A_281 = tpu.memref_slice %arg4[%dma_start3A_279, %dma_start3A_280] : memref<10000x128xf32, #tpu.memory_space<hbm>> -> memref<10000x128xf32, #tpu.memory_space<hbm>>
        tpu.enqueue_indirect_dma source(%dma_start3A_281 : memref<10000x128xf32, #tpu.memory_space<hbm>>) target(%arg9 : memref<125x128xf32, #tpu.memory_space<vmem>>) offsets(%dma_start3A_278 : memref<125xi32, #tpu.memory_space<vmem>>) semaphore(%arg12 : memref<!tpu.dma_semaphore, #tpu.memory_space<semaphore_mem>>)
      } else {
      }
    }
    "tpu.region"() ({
      %run_scoped3A = tpu.sem_alloc : memref<!tpu.dma_semaphore, #tpu.memory_space<semaphore_mem>>
      %dma_start3A_244 = arith.constant 0 : i32
      %dma_start3A_245 = arith.constant 0 : i32
      %dma_start3A_246 = tpu.memref_slice %arg2[%add3A, %dma_start3A_244, %dma_start3A_245] : memref<32x80x125xi32, #tpu.memory_space<hbm>> -> memref<1x80x125xi32, #tpu.memory_space<hbm>>
      %dma_start3A_247 = tpu.memref_squeeze %dma_start3A_246 : memref<1x80x125xi32, #tpu.memory_space<hbm>> -> memref<80x125xi32, #tpu.memory_space<hbm>>
      %dma_start3A_248 = arith.constant 40 : i32
      %dma_start3A_249 = arith.constant 0 : i32
      %dma_start3A_250 = tpu.memref_slice %dma_start3A_247[%dma_start3A_248, %dma_start3A_249] : memref<80x125xi32, #tpu.memory_space<hbm>> -> memref<40x125xi32, #tpu.memory_space<hbm>>
      %dma_start3A_251 = arith.constant 0 : i32
      %dma_start3A_252 = arith.constant 0 : i32
      %dma_start3A_253 = tpu.memref_slice %arg2[%add3A, %dma_start3A_251, %dma_start3A_252] : memref<32x80x125xi32, #tpu.memory_space<hbm>> -> memref<1x80x125xi32, #tpu.memory_space<hbm>>
      %dma_start3A_254 = tpu.memref_squeeze %dma_start3A_253 : memref<1x80x125xi32, #tpu.memory_space<hbm>> -> memref<80x125xi32, #tpu.memory_space<hbm>>
      %dma_start3A_255 = arith.constant 40 : i32
      %dma_start3A_256 = arith.constant 0 : i32
      %dma_start3A_257 = tpu.memref_slice %dma_start3A_254[%dma_start3A_255, %dma_start3A_256] : memref<80x125xi32, #tpu.memory_space<hbm>> -> memref<40x125xi32, #tpu.memory_space<hbm>>
      tpu.enqueue_dma source(%dma_start3A_257 : memref<40x125xi32, #tpu.memory_space<hbm>>) target(%arg6 : memref<40x125xi32, #tpu.memory_space<vmem>>) target_semaphore(%run_scoped3A : memref<!tpu.dma_semaphore, #tpu.memory_space<semaphore_mem>>)
      %dma_wait3A_258 = arith.constant 0 : i32
      %dma_wait3A_259 = arith.constant 0 : i32
      %dma_wait3A_260 = tpu.memref_slice %arg2[%add3A, %dma_wait3A_258, %dma_wait3A_259] : memref<32x80x125xi32, #tpu.memory_space<hbm>> -> memref<1x80x125xi32, #tpu.memory_space<hbm>>
      %dma_wait3A_261 = tpu.memref_squeeze %dma_wait3A_260 : memref<1x80x125xi32, #tpu.memory_space<hbm>> -> memref<80x125xi32, #tpu.memory_space<hbm>>
      %dma_wait3A_262 = arith.constant 40 : i32
      %dma_wait3A_263 = arith.constant 0 : i32
      %dma_wait3A_264 = tpu.memref_slice %dma_wait3A_261[%dma_wait3A_262, %dma_wait3A_263] : memref<80x125xi32, #tpu.memory_space<hbm>> -> memref<40x125xi32, #tpu.memory_space<hbm>>
      %dma_wait3A_265 = arith.constant 0 : i32
      %dma_wait3A_266 = arith.constant 0 : i32
      %dma_wait3A_267 = tpu.memref_slice %arg2[%add3A, %dma_wait3A_265, %dma_wait3A_266] : memref<32x80x125xi32, #tpu.memory_space<hbm>> -> memref<1x80x125xi32, #tpu.memory_space<hbm>>
      %dma_wait3A_268 = tpu.memref_squeeze %dma_wait3A_267 : memref<1x80x125xi32, #tpu.memory_space<hbm>> -> memref<80x125xi32, #tpu.memory_space<hbm>>
      %dma_wait3A_269 = arith.constant 40 : i32
      %dma_wait3A_270 = arith.constant 0 : i32
      %dma_wait3A_271 = tpu.memref_slice %dma_wait3A_268[%dma_wait3A_269, %dma_wait3A_270] : memref<80x125xi32, #tpu.memory_space<hbm>> -> memref<40x125xi32, #tpu.memory_space<hbm>>
      tpu.wait_dma2 semaphore(%run_scoped3A : memref<!tpu.dma_semaphore, #tpu.memory_space<semaphore_mem>>) src(%dma_wait3A_271 : memref<40x125xi32, #tpu.memory_space<hbm>>) dst(%arg6 : memref<40x125xi32, #tpu.memory_space<vmem>>)
      tpu.yield
    }) : () -> ()
    "tpu.region"() ({
      %run_scoped3A = tpu.sem_alloc : memref<!tpu.dma_semaphore, #tpu.memory_space<semaphore_mem>>
      %dma_start3A_244 = arith.constant 0 : i32
      %dma_start3A_245 = arith.constant 0 : i32
      %dma_start3A_246 = tpu.memref_slice %arg3[%add3A, %dma_start3A_244, %dma_start3A_245] : memref<32x80x125xi32, #tpu.memory_space<hbm>> -> memref<1x80x125xi32, #tpu.memory_space<hbm>>
      %dma_start3A_247 = tpu.memref_squeeze %dma_start3A_246 : memref<1x80x125xi32, #tpu.memory_space<hbm>> -> memref<80x125xi32, #tpu.memory_space<hbm>>
      %dma_start3A_248 = arith.constant 40 : i32
      %dma_start3A_249 = arith.constant 0 : i32
      %dma_start3A_250 = tpu.memref_slice %dma_start3A_247[%dma_start3A_248, %dma_start3A_249] : memref<80x125xi32, #tpu.memory_space<hbm>> -> memref<40x125xi32, #tpu.memory_space<hbm>>
      %dma_start3A_251 = arith.constant 0 : i32
      %dma_start3A_252 = arith.constant 0 : i32
      %dma_start3A_253 = tpu.memref_slice %arg3[%add3A, %dma_start3A_251, %dma_start3A_252] : memref<32x80x125xi32, #tpu.memory_space<hbm>> -> memref<1x80x125xi32, #tpu.memory_space<hbm>>
      %dma_start3A_254 = tpu.memref_squeeze %dma_start3A_253 : memref<1x80x125xi32, #tpu.memory_space<hbm>> -> memref<80x125xi32, #tpu.memory_space<hbm>>
      %dma_start3A_255 = arith.constant 40 : i32
      %dma_start3A_256 = arith.constant 0 : i32
      %dma_start3A_257 = tpu.memref_slice %dma_start3A_254[%dma_start3A_255, %dma_start3A_256] : memref<80x125xi32, #tpu.memory_space<hbm>> -> memref<40x125xi32, #tpu.memory_space<hbm>>
      tpu.enqueue_dma source(%dma_start3A_257 : memref<40x125xi32, #tpu.memory_space<hbm>>) target(%arg7 : memref<40x125xi32, #tpu.memory_space<vmem>>) target_semaphore(%run_scoped3A : memref<!tpu.dma_semaphore, #tpu.memory_space<semaphore_mem>>)
      %dma_wait3A_258 = arith.constant 0 : i32
      %dma_wait3A_259 = arith.constant 0 : i32
      %dma_wait3A_260 = tpu.memref_slice %arg3[%add3A, %dma_wait3A_258, %dma_wait3A_259] : memref<32x80x125xi32, #tpu.memory_space<hbm>> -> memref<1x80x125xi32, #tpu.memory_space<hbm>>
      %dma_wait3A_261 = tpu.memref_squeeze %dma_wait3A_260 : memref<1x80x125xi32, #tpu.memory_space<hbm>> -> memref<80x125xi32, #tpu.memory_space<hbm>>
      %dma_wait3A_262 = arith.constant 40 : i32
      %dma_wait3A_263 = arith.constant 0 : i32
      %dma_wait3A_264 = tpu.memref_slice %dma_wait3A_261[%dma_wait3A_262, %dma_wait3A_263] : memref<80x125xi32, #tpu.memory_space<hbm>> -> memref<40x125xi32, #tpu.memory_space<hbm>>
      %dma_wait3A_265 = arith.constant 0 : i32
      %dma_wait3A_266 = arith.constant 0 : i32
      %dma_wait3A_267 = tpu.memref_slice %arg3[%add3A, %dma_wait3A_265, %dma_wait3A_266] : memref<32x80x125xi32, #tpu.memory_space<hbm>> -> memref<1x80x125xi32, #tpu.memory_space<hbm>>
      %dma_wait3A_268 = tpu.memref_squeeze %dma_wait3A_267 : memref<1x80x125xi32, #tpu.memory_space<hbm>> -> memref<80x125xi32, #tpu.memory_space<hbm>>
      %dma_wait3A_269 = arith.constant 40 : i32
      %dma_wait3A_270 = arith.constant 0 : i32
      %dma_wait3A_271 = tpu.memref_slice %dma_wait3A_268[%dma_wait3A_269, %dma_wait3A_270] : memref<80x125xi32, #tpu.memory_space<hbm>> -> memref<40x125xi32, #tpu.memory_space<hbm>>
      tpu.wait_dma2 semaphore(%run_scoped3A : memref<!tpu.dma_semaphore, #tpu.memory_space<semaphore_mem>>) src(%dma_wait3A_271 : memref<40x125xi32, #tpu.memory_space<hbm>>) dst(%arg7 : memref<40x125xi32, #tpu.memory_space<vmem>>)
      tpu.yield
    }) : () -> ()
    %dma_start3A_209 = arith.constant 0 : i32
    %dma_start3A_210 = arith.constant 0 : i32
    %dma_start3A_211 = tpu.memref_slice %arg6[%dma_start3A_209, %dma_start3A_210] : memref<40x125xi32, #tpu.memory_space<vmem>> -> memref<1x125xi32, #tpu.memory_space<vmem>>
    %dma_start3A_212 = tpu.memref_squeeze %dma_start3A_211 : memref<1x125xi32, #tpu.memory_space<vmem>> -> memref<125xi32, #tpu.memory_space<vmem>>
    %dma_start3A_213 = arith.constant 0 : i32
    %dma_start3A_214 = arith.constant 0 : i32
    %dma_start3A_215 = tpu.memref_slice %arg4[%dma_start3A_213, %dma_start3A_214] : memref<10000x128xf32, #tpu.memory_space<hbm>> -> memref<10000x128xf32, #tpu.memory_space<hbm>>
    tpu.enqueue_indirect_dma source(%dma_start3A_215 : memref<10000x128xf32, #tpu.memory_space<hbm>>) target(%arg8 : memref<125x128xf32, #tpu.memory_space<vmem>>) offsets(%dma_start3A_212 : memref<125xi32, #tpu.memory_space<vmem>>) semaphore(%arg11 : memref<!tpu.dma_semaphore, #tpu.memory_space<semaphore_mem>>)
    %dma_start3A_216 = arith.constant 1 : i32
    %dma_start3A_217 = arith.constant 0 : i32
    %dma_start3A_218 = tpu.memref_slice %arg6[%dma_start3A_216, %dma_start3A_217] : memref<40x125xi32, #tpu.memory_space<vmem>> -> memref<1x125xi32, #tpu.memory_space<vmem>>
    %dma_start3A_219 = tpu.memref_squeeze %dma_start3A_218 : memref<1x125xi32, #tpu.memory_space<vmem>> -> memref<125xi32, #tpu.memory_space<vmem>>
    %dma_start3A_220 = arith.constant 0 : i32
    %dma_start3A_221 = arith.constant 0 : i32
    %dma_start3A_222 = tpu.memref_slice %arg4[%dma_start3A_220, %dma_start3A_221] : memref<10000x128xf32, #tpu.memory_space<hbm>> -> memref<10000x128xf32, #tpu.memory_space<hbm>>
    tpu.enqueue_indirect_dma source(%dma_start3A_222 : memref<10000x128xf32, #tpu.memory_space<hbm>>) target(%arg9 : memref<125x128xf32, #tpu.memory_space<vmem>>) offsets(%dma_start3A_219 : memref<125xi32, #tpu.memory_space<vmem>>) semaphore(%arg12 : memref<!tpu.dma_semaphore, #tpu.memory_space<semaphore_mem>>)
    %while3A_223 = arith.constant 0 : i32
    %while3A_224 = arith.constant 0 : i32
    %while3A_225 = arith.constant 20 : i32
    %while3A_226 = arith.subi %while3A_225, %while3A_224 : i32
    %while3A_227 = arith.addi %while3A_224, %while3A_226 : i32
    %while3A_228 = arith.constant 1 : i32
    %while3A_229 = arith.divsi %while3A_226, %while3A_228 : i32
    %while3A_230 = arith.muli %while3A_229, %while3A_228 : i32
    %while3A_231 = arith.addi %while3A_224, %while3A_230 : i32
    %while3A_232 = arith.constant 1 : i32
    scf.for %while3A_244 = %while3A_224 to %while3A_231 step %while3A_232  : i32 {
      %mul3A_245 = arith.constant 2 : i32
      %mul3A_246 = arith.muli %while3A_244, %mul3A_245 : i32
      %add3A_247 = arith.constant 1 : i32
      %add3A_248 = arith.addi %mul3A_246, %add3A_247 : i32
      %dma_wait3A_249 = arith.constant 0 : i32
      %dma_wait3A_250 = tpu.memref_slice %arg6[%mul3A_246, %dma_wait3A_249] : memref<40x125xi32, #tpu.memory_space<vmem>> -> memref<1x125xi32, #tpu.memory_space<vmem>>
      %dma_wait3A_251 = tpu.memref_squeeze %dma_wait3A_250 : memref<1x125xi32, #tpu.memory_space<vmem>> -> memref<125xi32, #tpu.memory_space<vmem>>
      %dma_wait3A_252 = arith.constant 0 : i32
      %dma_wait3A_253 = arith.constant 0 : i32
      %dma_wait3A_254 = tpu.memref_slice %arg4[%dma_wait3A_252, %dma_wait3A_253] : memref<10000x128xf32, #tpu.memory_space<hbm>> -> memref<10000x128xf32, #tpu.memory_space<hbm>>
      tpu.wait_indirect_dma semaphore(%arg11 : memref<!tpu.dma_semaphore, #tpu.memory_space<semaphore_mem>>) src(%dma_wait3A_254 : memref<10000x128xf32, #tpu.memory_space<hbm>>) dst(%arg8 : memref<125x128xf32, #tpu.memory_space<vmem>>)
      "tpu.region"() ({
        %run_scoped3A = tpu.sem_alloc : memref<!tpu.dma_semaphore, #tpu.memory_space<semaphore_mem>>
        %dma_start3A_274 = arith.constant 0 : i32
        %dma_start3A_275 = tpu.memref_slice %arg7[%mul3A_246, %dma_start3A_274] : memref<40x125xi32, #tpu.memory_space<vmem>> -> memref<1x125xi32, #tpu.memory_space<vmem>>
        %dma_start3A_276 = tpu.memref_squeeze %dma_start3A_275 : memref<1x125xi32, #tpu.memory_space<vmem>> -> memref<125xi32, #tpu.memory_space<vmem>>
        %dma_start3A_277 = arith.constant 0 : i32
        %dma_start3A_278 = arith.constant 0 : i32
        %dma_start3A_279 = tpu.memref_slice %arg10[%dma_start3A_277, %dma_start3A_278] : memref<10000x128xf32, #tpu.memory_space<vmem_shared>> -> memref<10000x128xf32, #tpu.memory_space<vmem_shared>>
        tpu.enqueue_indirect_dma source(%arg8 : memref<125x128xf32, #tpu.memory_space<vmem>>) target(%dma_start3A_279 : memref<10000x128xf32, #tpu.memory_space<vmem_shared>>) offsets(%dma_start3A_276 : memref<125xi32, #tpu.memory_space<vmem>>) semaphore(%run_scoped3A : memref<!tpu.dma_semaphore, #tpu.memory_space<semaphore_mem>>) {add = true}
        %dma_wait3A_280 = arith.constant 0 : i32
        %dma_wait3A_281 = tpu.memref_slice %arg7[%mul3A_246, %dma_wait3A_280] : memref<40x125xi32, #tpu.memory_space<vmem>> -> memref<1x125xi32, #tpu.memory_space<vmem>>
        %dma_wait3A_282 = tpu.memref_squeeze %dma_wait3A_281 : memref<1x125xi32, #tpu.memory_space<vmem>> -> memref<125xi32, #tpu.memory_space<vmem>>
        %dma_wait3A_283 = arith.constant 0 : i32
        %dma_wait3A_284 = arith.constant 0 : i32
        %dma_wait3A_285 = tpu.memref_slice %arg10[%dma_wait3A_283, %dma_wait3A_284] : memref<10000x128xf32, #tpu.memory_space<vmem_shared>> -> memref<10000x128xf32, #tpu.memory_space<vmem_shared>>
        tpu.wait_indirect_dma semaphore(%run_scoped3A : memref<!tpu.dma_semaphore, #tpu.memory_space<semaphore_mem>>) src(%arg8 : memref<125x128xf32, #tpu.memory_space<vmem>>) dst(%dma_wait3A_285 : memref<10000x128xf32, #tpu.memory_space<vmem_shared>>)
        tpu.yield
      }) : () -> ()
      %add3A_255 = arith.constant 2 : i32
      %add3A_256 = arith.addi %mul3A_246, %add3A_255 : i32
      %lt3A = arith.constant 40 : i32
      %lt3A_257 = arith.cmpi slt, %add3A_256, %lt3A : i32
      %convert_element_type3A_258 = arith.extui %lt3A_257 : i1 to i32
      %cond3A_259 = arith.constant 0 : i32
      %cond3A_260 = arith.cmpi ne, %convert_element_type3A_258, %cond3A_259 : i32
      scf.if %cond3A_260 {
        %add3A_274 = arith.constant 2 : i32
        %add3A_275 = arith.addi %mul3A_246, %add3A_274 : i32
        %dma_start3A_276 = arith.constant 0 : i32
        %dma_start3A_277 = tpu.memref_slice %arg6[%add3A_275, %dma_start3A_276] : memref<40x125xi32, #tpu.memory_space<vmem>> -> memref<1x125xi32, #tpu.memory_space<vmem>>
        %dma_start3A_278 = tpu.memref_squeeze %dma_start3A_277 : memref<1x125xi32, #tpu.memory_space<vmem>> -> memref<125xi32, #tpu.memory_space<vmem>>
        %dma_start3A_279 = arith.constant 0 : i32
        %dma_start3A_280 = arith.constant 0 : i32
        %dma_start3A_281 = tpu.memref_slice %arg4[%dma_start3A_279, %dma_start3A_280] : memref<10000x128xf32, #tpu.memory_space<hbm>> -> memref<10000x128xf32, #tpu.memory_space<hbm>>
        tpu.enqueue_indirect_dma source(%dma_start3A_281 : memref<10000x128xf32, #tpu.memory_space<hbm>>) target(%arg8 : memref<125x128xf32, #tpu.memory_space<vmem>>) offsets(%dma_start3A_278 : memref<125xi32, #tpu.memory_space<vmem>>) semaphore(%arg11 : memref<!tpu.dma_semaphore, #tpu.memory_space<semaphore_mem>>)
      } else {
      }
      %dma_wait3A_261 = arith.constant 0 : i32
      %dma_wait3A_262 = tpu.memref_slice %arg6[%add3A_248, %dma_wait3A_261] : memref<40x125xi32, #tpu.memory_space<vmem>> -> memref<1x125xi32, #tpu.memory_space<vmem>>
      %dma_wait3A_263 = tpu.memref_squeeze %dma_wait3A_262 : memref<1x125xi32, #tpu.memory_space<vmem>> -> memref<125xi32, #tpu.memory_space<vmem>>
      %dma_wait3A_264 = arith.constant 0 : i32
      %dma_wait3A_265 = arith.constant 0 : i32
      %dma_wait3A_266 = tpu.memref_slice %arg4[%dma_wait3A_264, %dma_wait3A_265] : memref<10000x128xf32, #tpu.memory_space<hbm>> -> memref<10000x128xf32, #tpu.memory_space<hbm>>
      tpu.wait_indirect_dma semaphore(%arg12 : memref<!tpu.dma_semaphore, #tpu.memory_space<semaphore_mem>>) src(%dma_wait3A_266 : memref<10000x128xf32, #tpu.memory_space<hbm>>) dst(%arg9 : memref<125x128xf32, #tpu.memory_space<vmem>>)
      "tpu.region"() ({
        %run_scoped3A = tpu.sem_alloc : memref<!tpu.dma_semaphore, #tpu.memory_space<semaphore_mem>>
        %dma_start3A_274 = arith.constant 0 : i32
        %dma_start3A_275 = tpu.memref_slice %arg7[%add3A_248, %dma_start3A_274] : memref<40x125xi32, #tpu.memory_space<vmem>> -> memref<1x125xi32, #tpu.memory_space<vmem>>
        %dma_start3A_276 = tpu.memref_squeeze %dma_start3A_275 : memref<1x125xi32, #tpu.memory_space<vmem>> -> memref<125xi32, #tpu.memory_space<vmem>>
        %dma_start3A_277 = arith.constant 0 : i32
        %dma_start3A_278 = arith.constant 0 : i32
        %dma_start3A_279 = tpu.memref_slice %arg10[%dma_start3A_277, %dma_start3A_278] : memref<10000x128xf32, #tpu.memory_space<vmem_shared>> -> memref<10000x128xf32, #tpu.memory_space<vmem_shared>>
        tpu.enqueue_indirect_dma source(%arg9 : memref<125x128xf32, #tpu.memory_space<vmem>>) target(%dma_start3A_279 : memref<10000x128xf32, #tpu.memory_space<vmem_shared>>) offsets(%dma_start3A_276 : memref<125xi32, #tpu.memory_space<vmem>>) semaphore(%run_scoped3A : memref<!tpu.dma_semaphore, #tpu.memory_space<semaphore_mem>>) {add = true}
        %dma_wait3A_280 = arith.constant 0 : i32
        %dma_wait3A_281 = tpu.memref_slice %arg7[%add3A_248, %dma_wait3A_280] : memref<40x125xi32, #tpu.memory_space<vmem>> -> memref<1x125xi32, #tpu.memory_space<vmem>>
        %dma_wait3A_282 = tpu.memref_squeeze %dma_wait3A_281 : memref<1x125xi32, #tpu.memory_space<vmem>> -> memref<125xi32, #tpu.memory_space<vmem>>
        %dma_wait3A_283 = arith.constant 0 : i32
        %dma_wait3A_284 = arith.constant 0 : i32
        %dma_wait3A_285 = tpu.memref_slice %arg10[%dma_wait3A_283, %dma_wait3A_284] : memref<10000x128xf32, #tpu.memory_space<vmem_shared>> -> memref<10000x128xf32, #tpu.memory_space<vmem_shared>>
        tpu.wait_indirect_dma semaphore(%run_scoped3A : memref<!tpu.dma_semaphore, #tpu.memory_space<semaphore_mem>>) src(%arg9 : memref<125x128xf32, #tpu.memory_space<vmem>>) dst(%dma_wait3A_285 : memref<10000x128xf32, #tpu.memory_space<vmem_shared>>)
        tpu.yield
      }) : () -> ()
      %add3A_267 = arith.constant 2 : i32
      %add3A_268 = arith.addi %add3A_248, %add3A_267 : i32
      %lt3A_269 = arith.constant 40 : i32
      %lt3A_270 = arith.cmpi slt, %add3A_268, %lt3A_269 : i32
      %convert_element_type3A_271 = arith.extui %lt3A_270 : i1 to i32
      %cond3A_272 = arith.constant 0 : i32
      %cond3A_273 = arith.cmpi ne, %convert_element_type3A_271, %cond3A_272 : i32
      scf.if %cond3A_273 {
        %add3A_274 = arith.constant 2 : i32
        %add3A_275 = arith.addi %add3A_248, %add3A_274 : i32
        %dma_start3A_276 = arith.constant 0 : i32
        %dma_start3A_277 = tpu.memref_slice %arg6[%add3A_275, %dma_start3A_276] : memref<40x125xi32, #tpu.memory_space<vmem>> -> memref<1x125xi32, #tpu.memory_space<vmem>>
        %dma_start3A_278 = tpu.memref_squeeze %dma_start3A_277 : memref<1x125xi32, #tpu.memory_space<vmem>> -> memref<125xi32, #tpu.memory_space<vmem>>
        %dma_start3A_279 = arith.constant 0 : i32
        %dma_start3A_280 = arith.constant 0 : i32
        %dma_start3A_281 = tpu.memref_slice %arg4[%dma_start3A_279, %dma_start3A_280] : memref<10000x128xf32, #tpu.memory_space<hbm>> -> memref<10000x128xf32, #tpu.memory_space<hbm>>
        tpu.enqueue_indirect_dma source(%dma_start3A_281 : memref<10000x128xf32, #tpu.memory_space<hbm>>) target(%arg9 : memref<125x128xf32, #tpu.memory_space<vmem>>) offsets(%dma_start3A_278 : memref<125xi32, #tpu.memory_space<vmem>>) semaphore(%arg12 : memref<!tpu.dma_semaphore, #tpu.memory_space<semaphore_mem>>)
      } else {
      }
    }
    %while3A_233 = arith.constant 1 : i32
    scf.for %while3A_244 = %while3A_231 to %while3A_227 step %while3A_233  : i32 {
      %mul3A_245 = arith.constant 2 : i32
      %mul3A_246 = arith.muli %while3A_244, %mul3A_245 : i32
      %add3A_247 = arith.constant 1 : i32
      %add3A_248 = arith.addi %mul3A_246, %add3A_247 : i32
      %dma_wait3A_249 = arith.constant 0 : i32
      %dma_wait3A_250 = tpu.memref_slice %arg6[%mul3A_246, %dma_wait3A_249] : memref<40x125xi32, #tpu.memory_space<vmem>> -> memref<1x125xi32, #tpu.memory_space<vmem>>
      %dma_wait3A_251 = tpu.memref_squeeze %dma_wait3A_250 : memref<1x125xi32, #tpu.memory_space<vmem>> -> memref<125xi32, #tpu.memory_space<vmem>>
      %dma_wait3A_252 = arith.constant 0 : i32
      %dma_wait3A_253 = arith.constant 0 : i32
      %dma_wait3A_254 = tpu.memref_slice %arg4[%dma_wait3A_252, %dma_wait3A_253] : memref<10000x128xf32, #tpu.memory_space<hbm>> -> memref<10000x128xf32, #tpu.memory_space<hbm>>
      tpu.wait_indirect_dma semaphore(%arg11 : memref<!tpu.dma_semaphore, #tpu.memory_space<semaphore_mem>>) src(%dma_wait3A_254 : memref<10000x128xf32, #tpu.memory_space<hbm>>) dst(%arg8 : memref<125x128xf32, #tpu.memory_space<vmem>>)
      "tpu.region"() ({
        %run_scoped3A = tpu.sem_alloc : memref<!tpu.dma_semaphore, #tpu.memory_space<semaphore_mem>>
        %dma_start3A_274 = arith.constant 0 : i32
        %dma_start3A_275 = tpu.memref_slice %arg7[%mul3A_246, %dma_start3A_274] : memref<40x125xi32, #tpu.memory_space<vmem>> -> memref<1x125xi32, #tpu.memory_space<vmem>>
        %dma_start3A_276 = tpu.memref_squeeze %dma_start3A_275 : memref<1x125xi32, #tpu.memory_space<vmem>> -> memref<125xi32, #tpu.memory_space<vmem>>
        %dma_start3A_277 = arith.constant 0 : i32
        %dma_start3A_278 = arith.constant 0 : i32
        %dma_start3A_279 = tpu.memref_slice %arg10[%dma_start3A_277, %dma_start3A_278] : memref<10000x128xf32, #tpu.memory_space<vmem_shared>> -> memref<10000x128xf32, #tpu.memory_space<vmem_shared>>
        tpu.enqueue_indirect_dma source(%arg8 : memref<125x128xf32, #tpu.memory_space<vmem>>) target(%dma_start3A_279 : memref<10000x128xf32, #tpu.memory_space<vmem_shared>>) offsets(%dma_start3A_276 : memref<125xi32, #tpu.memory_space<vmem>>) semaphore(%run_scoped3A : memref<!tpu.dma_semaphore, #tpu.memory_space<semaphore_mem>>) {add = true}
        %dma_wait3A_280 = arith.constant 0 : i32
        %dma_wait3A_281 = tpu.memref_slice %arg7[%mul3A_246, %dma_wait3A_280] : memref<40x125xi32, #tpu.memory_space<vmem>> -> memref<1x125xi32, #tpu.memory_space<vmem>>
        %dma_wait3A_282 = tpu.memref_squeeze %dma_wait3A_281 : memref<1x125xi32, #tpu.memory_space<vmem>> -> memref<125xi32, #tpu.memory_space<vmem>>
        %dma_wait3A_283 = arith.constant 0 : i32
        %dma_wait3A_284 = arith.constant 0 : i32
        %dma_wait3A_285 = tpu.memref_slice %arg10[%dma_wait3A_283, %dma_wait3A_284] : memref<10000x128xf32, #tpu.memory_space<vmem_shared>> -> memref<10000x128xf32, #tpu.memory_space<vmem_shared>>
        tpu.wait_indirect_dma semaphore(%run_scoped3A : memref<!tpu.dma_semaphore, #tpu.memory_space<semaphore_mem>>) src(%arg8 : memref<125x128xf32, #tpu.memory_space<vmem>>) dst(%dma_wait3A_285 : memref<10000x128xf32, #tpu.memory_space<vmem_shared>>)
        tpu.yield
      }) : () -> ()
      %add3A_255 = arith.constant 2 : i32
      %add3A_256 = arith.addi %mul3A_246, %add3A_255 : i32
      %lt3A = arith.constant 40 : i32
      %lt3A_257 = arith.cmpi slt, %add3A_256, %lt3A : i32
      %convert_element_type3A_258 = arith.extui %lt3A_257 : i1 to i32
      %cond3A_259 = arith.constant 0 : i32
      %cond3A_260 = arith.cmpi ne, %convert_element_type3A_258, %cond3A_259 : i32
      scf.if %cond3A_260 {
        %add3A_274 = arith.constant 2 : i32
        %add3A_275 = arith.addi %mul3A_246, %add3A_274 : i32
        %dma_start3A_276 = arith.constant 0 : i32
        %dma_start3A_277 = tpu.memref_slice %arg6[%add3A_275, %dma_start3A_276] : memref<40x125xi32, #tpu.memory_space<vmem>> -> memref<1x125xi32, #tpu.memory_space<vmem>>
        %dma_start3A_278 = tpu.memref_squeeze %dma_start3A_277 : memref<1x125xi32, #tpu.memory_space<vmem>> -> memref<125xi32, #tpu.memory_space<vmem>>
        %dma_start3A_279 = arith.constant 0 : i32
        %dma_start3A_280 = arith.constant 0 : i32
        %dma_start3A_281 = tpu.memref_slice %arg4[%dma_start3A_279, %dma_start3A_280] : memref<10000x128xf32, #tpu.memory_space<hbm>> -> memref<10000x128xf32, #tpu.memory_space<hbm>>
        tpu.enqueue_indirect_dma source(%dma_start3A_281 : memref<10000x128xf32, #tpu.memory_space<hbm>>) target(%arg8 : memref<125x128xf32, #tpu.memory_space<vmem>>) offsets(%dma_start3A_278 : memref<125xi32, #tpu.memory_space<vmem>>) semaphore(%arg11 : memref<!tpu.dma_semaphore, #tpu.memory_space<semaphore_mem>>)
      } else {
      }
      %dma_wait3A_261 = arith.constant 0 : i32
      %dma_wait3A_262 = tpu.memref_slice %arg6[%add3A_248, %dma_wait3A_261] : memref<40x125xi32, #tpu.memory_space<vmem>> -> memref<1x125xi32, #tpu.memory_space<vmem>>
      %dma_wait3A_263 = tpu.memref_squeeze %dma_wait3A_262 : memref<1x125xi32, #tpu.memory_space<vmem>> -> memref<125xi32, #tpu.memory_space<vmem>>
      %dma_wait3A_264 = arith.constant 0 : i32
      %dma_wait3A_265 = arith.constant 0 : i32
      %dma_wait3A_266 = tpu.memref_slice %arg4[%dma_wait3A_264, %dma_wait3A_265] : memref<10000x128xf32, #tpu.memory_space<hbm>> -> memref<10000x128xf32, #tpu.memory_space<hbm>>
      tpu.wait_indirect_dma semaphore(%arg12 : memref<!tpu.dma_semaphore, #tpu.memory_space<semaphore_mem>>) src(%dma_wait3A_266 : memref<10000x128xf32, #tpu.memory_space<hbm>>) dst(%arg9 : memref<125x128xf32, #tpu.memory_space<vmem>>)
      "tpu.region"() ({
        %run_scoped3A = tpu.sem_alloc : memref<!tpu.dma_semaphore, #tpu.memory_space<semaphore_mem>>
        %dma_start3A_274 = arith.constant 0 : i32
        %dma_start3A_275 = tpu.memref_slice %arg7[%add3A_248, %dma_start3A_274] : memref<40x125xi32, #tpu.memory_space<vmem>> -> memref<1x125xi32, #tpu.memory_space<vmem>>
        %dma_start3A_276 = tpu.memref_squeeze %dma_start3A_275 : memref<1x125xi32, #tpu.memory_space<vmem>> -> memref<125xi32, #tpu.memory_space<vmem>>
        %dma_start3A_277 = arith.constant 0 : i32
        %dma_start3A_278 = arith.constant 0 : i32
        %dma_start3A_279 = tpu.memref_slice %arg10[%dma_start3A_277, %dma_start3A_278] : memref<10000x128xf32, #tpu.memory_space<vmem_shared>> -> memref<10000x128xf32, #tpu.memory_space<vmem_shared>>
        tpu.enqueue_indirect_dma source(%arg9 : memref<125x128xf32, #tpu.memory_space<vmem>>) target(%dma_start3A_279 : memref<10000x128xf32, #tpu.memory_space<vmem_shared>>) offsets(%dma_start3A_276 : memref<125xi32, #tpu.memory_space<vmem>>) semaphore(%run_scoped3A : memref<!tpu.dma_semaphore, #tpu.memory_space<semaphore_mem>>) {add = true}
        %dma_wait3A_280 = arith.constant 0 : i32
        %dma_wait3A_281 = tpu.memref_slice %arg7[%add3A_248, %dma_wait3A_280] : memref<40x125xi32, #tpu.memory_space<vmem>> -> memref<1x125xi32, #tpu.memory_space<vmem>>
        %dma_wait3A_282 = tpu.memref_squeeze %dma_wait3A_281 : memref<1x125xi32, #tpu.memory_space<vmem>> -> memref<125xi32, #tpu.memory_space<vmem>>
        %dma_wait3A_283 = arith.constant 0 : i32
        %dma_wait3A_284 = arith.constant 0 : i32
        %dma_wait3A_285 = tpu.memref_slice %arg10[%dma_wait3A_283, %dma_wait3A_284] : memref<10000x128xf32, #tpu.memory_space<vmem_shared>> -> memref<10000x128xf32, #tpu.memory_space<vmem_shared>>
        tpu.wait_indirect_dma semaphore(%run_scoped3A : memref<!tpu.dma_semaphore, #tpu.memory_space<semaphore_mem>>) src(%arg9 : memref<125x128xf32, #tpu.memory_space<vmem>>) dst(%dma_wait3A_285 : memref<10000x128xf32, #tpu.memory_space<vmem_shared>>)
        tpu.yield
      }) : () -> ()
      %add3A_267 = arith.constant 2 : i32
      %add3A_268 = arith.addi %add3A_248, %add3A_267 : i32
      %lt3A_269 = arith.constant 40 : i32
      %lt3A_270 = arith.cmpi slt, %add3A_268, %lt3A_269 : i32
      %convert_element_type3A_271 = arith.extui %lt3A_270 : i1 to i32
      %cond3A_272 = arith.constant 0 : i32
      %cond3A_273 = arith.cmpi ne, %convert_element_type3A_271, %cond3A_272 : i32
      scf.if %cond3A_273 {
        %add3A_274 = arith.constant 2 : i32
        %add3A_275 = arith.addi %add3A_248, %add3A_274 : i32
        %dma_start3A_276 = arith.constant 0 : i32
        %dma_start3A_277 = tpu.memref_slice %arg6[%add3A_275, %dma_start3A_276] : memref<40x125xi32, #tpu.memory_space<vmem>> -> memref<1x125xi32, #tpu.memory_space<vmem>>
        %dma_start3A_278 = tpu.memref_squeeze %dma_start3A_277 : memref<1x125xi32, #tpu.memory_space<vmem>> -> memref<125xi32, #tpu.memory_space<vmem>>
        %dma_start3A_279 = arith.constant 0 : i32
        %dma_start3A_280 = arith.constant 0 : i32
        %dma_start3A_281 = tpu.memref_slice %arg4[%dma_start3A_279, %dma_start3A_280] : memref<10000x128xf32, #tpu.memory_space<hbm>> -> memref<10000x128xf32, #tpu.memory_space<hbm>>
        tpu.enqueue_indirect_dma source(%dma_start3A_281 : memref<10000x128xf32, #tpu.memory_space<hbm>>) target(%arg9 : memref<125x128xf32, #tpu.memory_space<vmem>>) offsets(%dma_start3A_278 : memref<125xi32, #tpu.memory_space<vmem>>) semaphore(%arg12 : memref<!tpu.dma_semaphore, #tpu.memory_space<semaphore_mem>>)
      } else {
      }
    }
    %barrier3A_234 = arith.constant 0 : index
    tpu.barrier barrier_id(%barrier3A_234)
    %mul3A_235 = arith.constant 624 : i32
    %mul3A_236 = arith.muli %arg1, %mul3A_235 : i32
    %mul3A_237 = arith.constant 624 : i32
    %mul3A_238 = arith.muli %arg1, %mul3A_237 : i32
    "tpu.region"() ({
      %run_scoped3A = tpu.sem_alloc : memref<!tpu.dma_semaphore, #tpu.memory_space<semaphore_mem>>
      %dma_start3A_244 = arith.constant 0 : i32
      %dma_start3A_245 = arith.constant 0 : i32
      %dma_start3A_246 = tpu.memref_slice %arg5[%arg0, %dma_start3A_244, %dma_start3A_245] : memref<2x10000x128xf32, #tpu.memory_space<hbm>> -> memref<1x10000x128xf32, #tpu.memory_space<hbm>>
      %dma_start3A_247 = tpu.memref_squeeze %dma_start3A_246 : memref<1x10000x128xf32, #tpu.memory_space<hbm>> -> memref<10000x128xf32, #tpu.memory_space<hbm>>
      %dma_start3A_248 = arith.constant 0 : i32
      %dma_start3A_249 = tpu.memref_slice %dma_start3A_247[%mul3A_238, %dma_start3A_248] : memref<10000x128xf32, #tpu.memory_space<hbm>> -> memref<624x128xf32, #tpu.memory_space<hbm>>
      %dma_start3A_250 = arith.constant 0 : i32
      %dma_start3A_251 = tpu.memref_slice %arg10[%mul3A_236, %dma_start3A_250] : memref<10000x128xf32, #tpu.memory_space<vmem_shared>> -> memref<624x128xf32, #tpu.memory_space<vmem_shared>>
      tpu.enqueue_dma source(%dma_start3A_251 : memref<624x128xf32, #tpu.memory_space<vmem_shared>>) target(%dma_start3A_249 : memref<624x128xf32, #tpu.memory_space<hbm>>) target_semaphore(%run_scoped3A : memref<!tpu.dma_semaphore, #tpu.memory_space<semaphore_mem>>)
      %dma_wait3A_252 = arith.constant 0 : i32
      %dma_wait3A_253 = arith.constant 0 : i32
      %dma_wait3A_254 = tpu.memref_slice %arg5[%arg0, %dma_wait3A_252, %dma_wait3A_253] : memref<2x10000x128xf32, #tpu.memory_space<hbm>> -> memref<1x10000x128xf32, #tpu.memory_space<hbm>>
      %dma_wait3A_255 = tpu.memref_squeeze %dma_wait3A_254 : memref<1x10000x128xf32, #tpu.memory_space<hbm>> -> memref<10000x128xf32, #tpu.memory_space<hbm>>
      %dma_wait3A_256 = arith.constant 0 : i32
      %dma_wait3A_257 = tpu.memref_slice %dma_wait3A_255[%mul3A_238, %dma_wait3A_256] : memref<10000x128xf32, #tpu.memory_space<hbm>> -> memref<624x128xf32, #tpu.memory_space<hbm>>
      %dma_wait3A_258 = arith.constant 0 : i32
      %dma_wait3A_259 = tpu.memref_slice %arg10[%mul3A_236, %dma_wait3A_258] : memref<10000x128xf32, #tpu.memory_space<vmem_shared>> -> memref<624x128xf32, #tpu.memory_space<vmem_shared>>
      tpu.wait_dma2 semaphore(%run_scoped3A : memref<!tpu.dma_semaphore, #tpu.memory_space<semaphore_mem>>) src(%dma_wait3A_259 : memref<624x128xf32, #tpu.memory_space<vmem_shared>>) dst(%dma_wait3A_257 : memref<624x128xf32, #tpu.memory_space<hbm>>)
      tpu.yield
    }) : () -> ()
    %eq3A_239 = arith.constant 15 : i32
    %eq3A_240 = arith.cmpi eq, %arg1, %eq3A_239 : i32
    %convert_element_type3A_241 = arith.extui %eq3A_240 : i1 to i32
    %cond3A_242 = arith.constant 0 : i32
    %cond3A_243 = arith.cmpi ne, %convert_element_type3A_241, %cond3A_242 : i32
    scf.if %cond3A_243 {
      "tpu.region"() ({
        %run_scoped3A = tpu.sem_alloc : memref<!tpu.dma_semaphore, #tpu.memory_space<semaphore_mem>>
        %dma_start3A_244 = arith.constant 0 : i32
        %dma_start3A_245 = arith.constant 0 : i32
        %dma_start3A_246 = tpu.memref_slice %arg5[%arg0, %dma_start3A_244, %dma_start3A_245] : memref<2x10000x128xf32, #tpu.memory_space<hbm>> -> memref<1x10000x128xf32, #tpu.memory_space<hbm>>
        %dma_start3A_247 = tpu.memref_squeeze %dma_start3A_246 : memref<1x10000x128xf32, #tpu.memory_space<hbm>> -> memref<10000x128xf32, #tpu.memory_space<hbm>>
        %dma_start3A_248 = arith.constant 9984 : i32
        %dma_start3A_249 = arith.constant 0 : i32
        %dma_start3A_250 = tpu.memref_slice %dma_start3A_247[%dma_start3A_248, %dma_start3A_249] : memref<10000x128xf32, #tpu.memory_space<hbm>> -> memref<16x128xf32, #tpu.memory_space<hbm>>
        %dma_start3A_251 = arith.constant 9984 : i32
        %dma_start3A_252 = arith.constant 0 : i32
        %dma_start3A_253 = tpu.memref_slice %arg10[%dma_start3A_251, %dma_start3A_252] : memref<10000x128xf32, #tpu.memory_space<vmem_shared>> -> memref<16x128xf32, #tpu.memory_space<vmem_shared>>
        tpu.enqueue_dma source(%dma_start3A_253 : memref<16x128xf32, #tpu.memory_space<vmem_shared>>) target(%dma_start3A_250 : memref<16x128xf32, #tpu.memory_space<hbm>>) target_semaphore(%run_scoped3A : memref<!tpu.dma_semaphore, #tpu.memory_space<semaphore_mem>>)
        %dma_wait3A_254 = arith.constant 0 : i32
        %dma_wait3A_255 = arith.constant 0 : i32
        %dma_wait3A_256 = tpu.memref_slice %arg5[%arg0, %dma_wait3A_254, %dma_wait3A_255] : memref<2x10000x128xf32, #tpu.memory_space<hbm>> -> memref<1x10000x128xf32, #tpu.memory_space<hbm>>
        %dma_wait3A_257 = tpu.memref_squeeze %dma_wait3A_256 : memref<1x10000x128xf32, #tpu.memory_space<hbm>> -> memref<10000x128xf32, #tpu.memory_space<hbm>>
        %dma_wait3A_258 = arith.constant 9984 : i32
        %dma_wait3A_259 = arith.constant 0 : i32
        %dma_wait3A_260 = tpu.memref_slice %dma_wait3A_257[%dma_wait3A_258, %dma_wait3A_259] : memref<10000x128xf32, #tpu.memory_space<hbm>> -> memref<16x128xf32, #tpu.memory_space<hbm>>
        %dma_wait3A_261 = arith.constant 9984 : i32
        %dma_wait3A_262 = arith.constant 0 : i32
        %dma_wait3A_263 = tpu.memref_slice %arg10[%dma_wait3A_261, %dma_wait3A_262] : memref<10000x128xf32, #tpu.memory_space<vmem_shared>> -> memref<16x128xf32, #tpu.memory_space<vmem_shared>>
        tpu.wait_dma2 semaphore(%run_scoped3A : memref<!tpu.dma_semaphore, #tpu.memory_space<semaphore_mem>>) src(%dma_wait3A_263 : memref<16x128xf32, #tpu.memory_space<vmem_shared>>) dst(%dma_wait3A_260 : memref<16x128xf32, #tpu.memory_space<hbm>>)
        tpu.yield
      }) : () -> ()
    } else {
    }
    return
  }
}

#map = affine_map<(d0, d1) -> (0, 0)>
#map1 = affine_map<(d0, d1) -> (0)>
module attributes {stable_mosaic.version = 14 : i64} {
  func.func @body(%arg0: i32, %arg1: i32, %arg2: memref<10000x128xf32, #tpu.memory_space<hbm>>, %arg3: memref<32x256xi32, #tpu.memory_space<hbm>>, %arg4: memref<32x256xi32, #tpu.memory_space<hbm>>, %arg5: memref<8192xf32, #tpu.memory_space<hbm>>, %arg6: memref<256xi32, #tpu.memory_space<vmem>>, %arg7: memref<256xi32, #tpu.memory_space<vmem>>, %arg8: memref<256x128xf32, #tpu.memory_space<vmem>>, %arg9: memref<256x128xf32, #tpu.memory_space<vmem>>, %arg10: memref<256xf32, #tpu.memory_space<vmem>>) attributes {dimension_semantics = [#tpu.dimension_semantics<core_parallel>, #tpu.dimension_semantics<subcore_parallel>], iteration_bounds = array<i64: 2, 16>, scalar_prefetch = 0 : i64, scratch_operands = 5 : i64, tpu.core_type = #tpu.core_type<sc_vector_subcore>, window_params = [{transform_indices = #map}, {transform_indices = #map}, {transform_indices = #map}, {transform_indices = #map1}]} {
    %mul3A = arith.constant 16 : i32
    %mul3A_0 = arith.muli %arg0, %mul3A : i32
    %add3A = arith.addi %mul3A_0, %arg1 : i32
    "tpu.region"() ({
      %run_scoped3A = tpu.sem_alloc : memref<!tpu.dma_semaphore, #tpu.memory_space<semaphore_mem>>
      %dma_start3A = arith.constant 0 : i32
      %dma_start3A_132 = tpu.memref_slice %arg3[%add3A, %dma_start3A] : memref<32x256xi32, #tpu.memory_space<hbm>> -> memref<1x256xi32, #tpu.memory_space<hbm>>
      %dma_start3A_133 = tpu.memref_squeeze %dma_start3A_132 : memref<1x256xi32, #tpu.memory_space<hbm>> -> memref<256xi32, #tpu.memory_space<hbm>>
      %dma_start3A_134 = arith.constant 0 : i32
      %dma_start3A_135 = tpu.memref_slice %arg3[%add3A, %dma_start3A_134] : memref<32x256xi32, #tpu.memory_space<hbm>> -> memref<1x256xi32, #tpu.memory_space<hbm>>
      %dma_start3A_136 = tpu.memref_squeeze %dma_start3A_135 : memref<1x256xi32, #tpu.memory_space<hbm>> -> memref<256xi32, #tpu.memory_space<hbm>>
      tpu.enqueue_dma source(%dma_start3A_136 : memref<256xi32, #tpu.memory_space<hbm>>) target(%arg6 : memref<256xi32, #tpu.memory_space<vmem>>) target_semaphore(%run_scoped3A : memref<!tpu.dma_semaphore, #tpu.memory_space<semaphore_mem>>)
      %dma_wait3A = arith.constant 0 : i32
      %dma_wait3A_137 = tpu.memref_slice %arg3[%add3A, %dma_wait3A] : memref<32x256xi32, #tpu.memory_space<hbm>> -> memref<1x256xi32, #tpu.memory_space<hbm>>
      %dma_wait3A_138 = tpu.memref_squeeze %dma_wait3A_137 : memref<1x256xi32, #tpu.memory_space<hbm>> -> memref<256xi32, #tpu.memory_space<hbm>>
      %dma_wait3A_139 = arith.constant 0 : i32
      %dma_wait3A_140 = tpu.memref_slice %arg3[%add3A, %dma_wait3A_139] : memref<32x256xi32, #tpu.memory_space<hbm>> -> memref<1x256xi32, #tpu.memory_space<hbm>>
      %dma_wait3A_141 = tpu.memref_squeeze %dma_wait3A_140 : memref<1x256xi32, #tpu.memory_space<hbm>> -> memref<256xi32, #tpu.memory_space<hbm>>
      tpu.wait_dma2 semaphore(%run_scoped3A : memref<!tpu.dma_semaphore, #tpu.memory_space<semaphore_mem>>) src(%dma_wait3A_141 : memref<256xi32, #tpu.memory_space<hbm>>) dst(%arg6 : memref<256xi32, #tpu.memory_space<vmem>>)
      tpu.yield
    }) : () -> ()
    "tpu.region"() ({
      %run_scoped3A = tpu.sem_alloc : memref<!tpu.dma_semaphore, #tpu.memory_space<semaphore_mem>>
      %dma_start3A = arith.constant 0 : i32
      %dma_start3A_132 = tpu.memref_slice %arg4[%add3A, %dma_start3A] : memref<32x256xi32, #tpu.memory_space<hbm>> -> memref<1x256xi32, #tpu.memory_space<hbm>>
      %dma_start3A_133 = tpu.memref_squeeze %dma_start3A_132 : memref<1x256xi32, #tpu.memory_space<hbm>> -> memref<256xi32, #tpu.memory_space<hbm>>
      %dma_start3A_134 = arith.constant 0 : i32
      %dma_start3A_135 = tpu.memref_slice %arg4[%add3A, %dma_start3A_134] : memref<32x256xi32, #tpu.memory_space<hbm>> -> memref<1x256xi32, #tpu.memory_space<hbm>>
      %dma_start3A_136 = tpu.memref_squeeze %dma_start3A_135 : memref<1x256xi32, #tpu.memory_space<hbm>> -> memref<256xi32, #tpu.memory_space<hbm>>
      tpu.enqueue_dma source(%dma_start3A_136 : memref<256xi32, #tpu.memory_space<hbm>>) target(%arg7 : memref<256xi32, #tpu.memory_space<vmem>>) target_semaphore(%run_scoped3A : memref<!tpu.dma_semaphore, #tpu.memory_space<semaphore_mem>>)
      %dma_wait3A = arith.constant 0 : i32
      %dma_wait3A_137 = tpu.memref_slice %arg4[%add3A, %dma_wait3A] : memref<32x256xi32, #tpu.memory_space<hbm>> -> memref<1x256xi32, #tpu.memory_space<hbm>>
      %dma_wait3A_138 = tpu.memref_squeeze %dma_wait3A_137 : memref<1x256xi32, #tpu.memory_space<hbm>> -> memref<256xi32, #tpu.memory_space<hbm>>
      %dma_wait3A_139 = arith.constant 0 : i32
      %dma_wait3A_140 = tpu.memref_slice %arg4[%add3A, %dma_wait3A_139] : memref<32x256xi32, #tpu.memory_space<hbm>> -> memref<1x256xi32, #tpu.memory_space<hbm>>
      %dma_wait3A_141 = tpu.memref_squeeze %dma_wait3A_140 : memref<1x256xi32, #tpu.memory_space<hbm>> -> memref<256xi32, #tpu.memory_space<hbm>>
      tpu.wait_dma2 semaphore(%run_scoped3A : memref<!tpu.dma_semaphore, #tpu.memory_space<semaphore_mem>>) src(%dma_wait3A_141 : memref<256xi32, #tpu.memory_space<hbm>>) dst(%arg7 : memref<256xi32, #tpu.memory_space<vmem>>)
      tpu.yield
    }) : () -> ()
    "tpu.region"() ({
      %run_scoped3A = tpu.sem_alloc : memref<!tpu.dma_semaphore, #tpu.memory_space<semaphore_mem>>
      %dma_start3A = arith.constant 0 : i32
      %dma_start3A_132 = arith.constant 0 : i32
      %dma_start3A_133 = tpu.memref_slice %arg2[%dma_start3A, %dma_start3A_132] : memref<10000x128xf32, #tpu.memory_space<hbm>> -> memref<10000x128xf32, #tpu.memory_space<hbm>>
      tpu.enqueue_indirect_dma source(%dma_start3A_133 : memref<10000x128xf32, #tpu.memory_space<hbm>>) target(%arg8 : memref<256x128xf32, #tpu.memory_space<vmem>>) offsets(%arg6 : memref<256xi32, #tpu.memory_space<vmem>>) semaphore(%run_scoped3A : memref<!tpu.dma_semaphore, #tpu.memory_space<semaphore_mem>>)
      %dma_wait3A = arith.constant 0 : i32
      %dma_wait3A_134 = arith.constant 0 : i32
      %dma_wait3A_135 = tpu.memref_slice %arg2[%dma_wait3A, %dma_wait3A_134] : memref<10000x128xf32, #tpu.memory_space<hbm>> -> memref<10000x128xf32, #tpu.memory_space<hbm>>
      tpu.wait_indirect_dma semaphore(%run_scoped3A : memref<!tpu.dma_semaphore, #tpu.memory_space<semaphore_mem>>) src(%dma_wait3A_135 : memref<10000x128xf32, #tpu.memory_space<hbm>>) dst(%arg8 : memref<256x128xf32, #tpu.memory_space<vmem>>)
      tpu.yield
    }) : () -> ()
    "tpu.region"() ({
      %run_scoped3A = tpu.sem_alloc : memref<!tpu.dma_semaphore, #tpu.memory_space<semaphore_mem>>
      %dma_start3A = arith.constant 0 : i32
      %dma_start3A_132 = arith.constant 0 : i32
      %dma_start3A_133 = tpu.memref_slice %arg2[%dma_start3A, %dma_start3A_132] : memref<10000x128xf32, #tpu.memory_space<hbm>> -> memref<10000x128xf32, #tpu.memory_space<hbm>>
      tpu.enqueue_indirect_dma source(%dma_start3A_133 : memref<10000x128xf32, #tpu.memory_space<hbm>>) target(%arg9 : memref<256x128xf32, #tpu.memory_space<vmem>>) offsets(%arg7 : memref<256xi32, #tpu.memory_space<vmem>>) semaphore(%run_scoped3A : memref<!tpu.dma_semaphore, #tpu.memory_space<semaphore_mem>>)
      %dma_wait3A = arith.constant 0 : i32
      %dma_wait3A_134 = arith.constant 0 : i32
      %dma_wait3A_135 = tpu.memref_slice %arg2[%dma_wait3A, %dma_wait3A_134] : memref<10000x128xf32, #tpu.memory_space<hbm>> -> memref<10000x128xf32, #tpu.memory_space<hbm>>
      tpu.wait_indirect_dma semaphore(%run_scoped3A : memref<!tpu.dma_semaphore, #tpu.memory_space<semaphore_mem>>) src(%dma_wait3A_135 : memref<10000x128xf32, #tpu.memory_space<hbm>>) dst(%arg9 : memref<256x128xf32, #tpu.memory_space<vmem>>)
      tpu.yield
    }) : () -> ()
    %broadcast_in_dim3A = arith.constant 0 : i32
    %broadcast_in_dim3A_1 = vector.broadcast %broadcast_in_dim3A : i32 to vector<16xi32>
    %broadcast_in_dim3A_2 = arith.constant 1 : i32
    %broadcast_in_dim3A_3 = vector.broadcast %broadcast_in_dim3A_2 : i32 to vector<16xi32>
    %iota3A = tpu.iota {dimensions = array<i32: 0>} : vector<16xi32>
    %add3A_4 = arith.constant 0 : i32
    %add3A_5 = vector.broadcast %add3A_4 : i32 to vector<16xi32>
    %add3A_6 = arith.addi %iota3A, %add3A_5 : vector<16xi32>
    %gather3A = tpu.vector_load_idx %arg8[%add3A_6, %broadcast_in_dim3A_1] : memref<256x128xf32, #tpu.memory_space<vmem>>[vector<16xi32>, vector<16xi32>], vector<16xf32>,
    %gather3A_7 = tpu.vector_load_idx %arg9[%add3A_6, %broadcast_in_dim3A_3] : memref<256x128xf32, #tpu.memory_space<vmem>>[vector<16xi32>, vector<16xi32>], vector<16xf32>,
    %add3A_8 = arith.addf %gather3A, %gather3A_7 : vector<16xf32>
    %swap3A = arith.constant 0 : index
    %swap3A_9 = tpu.vector_load %arg10[%swap3A] {strides = array<i32>} : memref<256xf32, #tpu.memory_space<vmem>>, vector<16xf32>,
    tpu.vector_store %arg10[%swap3A], %add3A_8 {strides = array<i32>} : memref<256xf32, #tpu.memory_space<vmem>>, vector<16xf32>,
    %add3A_10 = arith.constant 16 : i32
    %add3A_11 = vector.broadcast %add3A_10 : i32 to vector<16xi32>
    %add3A_12 = arith.addi %iota3A, %add3A_11 : vector<16xi32>
    %gather3A_13 = tpu.vector_load_idx %arg8[%add3A_12, %broadcast_in_dim3A_1] : memref<256x128xf32, #tpu.memory_space<vmem>>[vector<16xi32>, vector<16xi32>], vector<16xf32>,
    %gather3A_14 = tpu.vector_load_idx %arg9[%add3A_12, %broadcast_in_dim3A_3] : memref<256x128xf32, #tpu.memory_space<vmem>>[vector<16xi32>, vector<16xi32>], vector<16xf32>,
    %add3A_15 = arith.addf %gather3A_13, %gather3A_14 : vector<16xf32>
    %swap3A_16 = arith.constant 16 : index
    %swap3A_17 = tpu.vector_load %arg10[%swap3A_16] {strides = array<i32>} : memref<256xf32, #tpu.memory_space<vmem>>, vector<16xf32>,
    tpu.vector_store %arg10[%swap3A_16], %add3A_15 {strides = array<i32>} : memref<256xf32, #tpu.memory_space<vmem>>, vector<16xf32>,
    %add3A_18 = arith.constant 32 : i32
    %add3A_19 = vector.broadcast %add3A_18 : i32 to vector<16xi32>
    %add3A_20 = arith.addi %iota3A, %add3A_19 : vector<16xi32>
    %gather3A_21 = tpu.vector_load_idx %arg8[%add3A_20, %broadcast_in_dim3A_1] : memref<256x128xf32, #tpu.memory_space<vmem>>[vector<16xi32>, vector<16xi32>], vector<16xf32>,
    %gather3A_22 = tpu.vector_load_idx %arg9[%add3A_20, %broadcast_in_dim3A_3] : memref<256x128xf32, #tpu.memory_space<vmem>>[vector<16xi32>, vector<16xi32>], vector<16xf32>,
    %add3A_23 = arith.addf %gather3A_21, %gather3A_22 : vector<16xf32>
    %swap3A_24 = arith.constant 32 : index
    %swap3A_25 = tpu.vector_load %arg10[%swap3A_24] {strides = array<i32>} : memref<256xf32, #tpu.memory_space<vmem>>, vector<16xf32>,
    tpu.vector_store %arg10[%swap3A_24], %add3A_23 {strides = array<i32>} : memref<256xf32, #tpu.memory_space<vmem>>, vector<16xf32>,
    %add3A_26 = arith.constant 48 : i32
    %add3A_27 = vector.broadcast %add3A_26 : i32 to vector<16xi32>
    %add3A_28 = arith.addi %iota3A, %add3A_27 : vector<16xi32>
    %gather3A_29 = tpu.vector_load_idx %arg8[%add3A_28, %broadcast_in_dim3A_1] : memref<256x128xf32, #tpu.memory_space<vmem>>[vector<16xi32>, vector<16xi32>], vector<16xf32>,
    %gather3A_30 = tpu.vector_load_idx %arg9[%add3A_28, %broadcast_in_dim3A_3] : memref<256x128xf32, #tpu.memory_space<vmem>>[vector<16xi32>, vector<16xi32>], vector<16xf32>,
    %add3A_31 = arith.addf %gather3A_29, %gather3A_30 : vector<16xf32>
    %swap3A_32 = arith.constant 48 : index
    %swap3A_33 = tpu.vector_load %arg10[%swap3A_32] {strides = array<i32>} : memref<256xf32, #tpu.memory_space<vmem>>, vector<16xf32>,
    tpu.vector_store %arg10[%swap3A_32], %add3A_31 {strides = array<i32>} : memref<256xf32, #tpu.memory_space<vmem>>, vector<16xf32>,
    %add3A_34 = arith.constant 64 : i32
    %add3A_35 = vector.broadcast %add3A_34 : i32 to vector<16xi32>
    %add3A_36 = arith.addi %iota3A, %add3A_35 : vector<16xi32>
    %gather3A_37 = tpu.vector_load_idx %arg8[%add3A_36, %broadcast_in_dim3A_1] : memref<256x128xf32, #tpu.memory_space<vmem>>[vector<16xi32>, vector<16xi32>], vector<16xf32>,
    %gather3A_38 = tpu.vector_load_idx %arg9[%add3A_36, %broadcast_in_dim3A_3] : memref<256x128xf32, #tpu.memory_space<vmem>>[vector<16xi32>, vector<16xi32>], vector<16xf32>,
    %add3A_39 = arith.addf %gather3A_37, %gather3A_38 : vector<16xf32>
    %swap3A_40 = arith.constant 64 : index
    %swap3A_41 = tpu.vector_load %arg10[%swap3A_40] {strides = array<i32>} : memref<256xf32, #tpu.memory_space<vmem>>, vector<16xf32>,
    tpu.vector_store %arg10[%swap3A_40], %add3A_39 {strides = array<i32>} : memref<256xf32, #tpu.memory_space<vmem>>, vector<16xf32>,
    %add3A_42 = arith.constant 80 : i32
    %add3A_43 = vector.broadcast %add3A_42 : i32 to vector<16xi32>
    %add3A_44 = arith.addi %iota3A, %add3A_43 : vector<16xi32>
    %gather3A_45 = tpu.vector_load_idx %arg8[%add3A_44, %broadcast_in_dim3A_1] : memref<256x128xf32, #tpu.memory_space<vmem>>[vector<16xi32>, vector<16xi32>], vector<16xf32>,
    %gather3A_46 = tpu.vector_load_idx %arg9[%add3A_44, %broadcast_in_dim3A_3] : memref<256x128xf32, #tpu.memory_space<vmem>>[vector<16xi32>, vector<16xi32>], vector<16xf32>,
    %add3A_47 = arith.addf %gather3A_45, %gather3A_46 : vector<16xf32>
    %swap3A_48 = arith.constant 80 : index
    %swap3A_49 = tpu.vector_load %arg10[%swap3A_48] {strides = array<i32>} : memref<256xf32, #tpu.memory_space<vmem>>, vector<16xf32>,
    tpu.vector_store %arg10[%swap3A_48], %add3A_47 {strides = array<i32>} : memref<256xf32, #tpu.memory_space<vmem>>, vector<16xf32>,
    %add3A_50 = arith.constant 96 : i32
    %add3A_51 = vector.broadcast %add3A_50 : i32 to vector<16xi32>
    %add3A_52 = arith.addi %iota3A, %add3A_51 : vector<16xi32>
    %gather3A_53 = tpu.vector_load_idx %arg8[%add3A_52, %broadcast_in_dim3A_1] : memref<256x128xf32, #tpu.memory_space<vmem>>[vector<16xi32>, vector<16xi32>], vector<16xf32>,
    %gather3A_54 = tpu.vector_load_idx %arg9[%add3A_52, %broadcast_in_dim3A_3] : memref<256x128xf32, #tpu.memory_space<vmem>>[vector<16xi32>, vector<16xi32>], vector<16xf32>,
    %add3A_55 = arith.addf %gather3A_53, %gather3A_54 : vector<16xf32>
    %swap3A_56 = arith.constant 96 : index
    %swap3A_57 = tpu.vector_load %arg10[%swap3A_56] {strides = array<i32>} : memref<256xf32, #tpu.memory_space<vmem>>, vector<16xf32>,
    tpu.vector_store %arg10[%swap3A_56], %add3A_55 {strides = array<i32>} : memref<256xf32, #tpu.memory_space<vmem>>, vector<16xf32>,
    %add3A_58 = arith.constant 112 : i32
    %add3A_59 = vector.broadcast %add3A_58 : i32 to vector<16xi32>
    %add3A_60 = arith.addi %iota3A, %add3A_59 : vector<16xi32>
    %gather3A_61 = tpu.vector_load_idx %arg8[%add3A_60, %broadcast_in_dim3A_1] : memref<256x128xf32, #tpu.memory_space<vmem>>[vector<16xi32>, vector<16xi32>], vector<16xf32>,
    %gather3A_62 = tpu.vector_load_idx %arg9[%add3A_60, %broadcast_in_dim3A_3] : memref<256x128xf32, #tpu.memory_space<vmem>>[vector<16xi32>, vector<16xi32>], vector<16xf32>,
    %add3A_63 = arith.addf %gather3A_61, %gather3A_62 : vector<16xf32>
    %swap3A_64 = arith.constant 112 : index
    %swap3A_65 = tpu.vector_load %arg10[%swap3A_64] {strides = array<i32>} : memref<256xf32, #tpu.memory_space<vmem>>, vector<16xf32>,
    tpu.vector_store %arg10[%swap3A_64], %add3A_63 {strides = array<i32>} : memref<256xf32, #tpu.memory_space<vmem>>, vector<16xf32>,
    %add3A_66 = arith.constant 128 : i32
    %add3A_67 = vector.broadcast %add3A_66 : i32 to vector<16xi32>
    %add3A_68 = arith.addi %iota3A, %add3A_67 : vector<16xi32>
    %gather3A_69 = tpu.vector_load_idx %arg8[%add3A_68, %broadcast_in_dim3A_1] : memref<256x128xf32, #tpu.memory_space<vmem>>[vector<16xi32>, vector<16xi32>], vector<16xf32>,
    %gather3A_70 = tpu.vector_load_idx %arg9[%add3A_68, %broadcast_in_dim3A_3] : memref<256x128xf32, #tpu.memory_space<vmem>>[vector<16xi32>, vector<16xi32>], vector<16xf32>,
    %add3A_71 = arith.addf %gather3A_69, %gather3A_70 : vector<16xf32>
    %swap3A_72 = arith.constant 128 : index
    %swap3A_73 = tpu.vector_load %arg10[%swap3A_72] {strides = array<i32>} : memref<256xf32, #tpu.memory_space<vmem>>, vector<16xf32>,
    tpu.vector_store %arg10[%swap3A_72], %add3A_71 {strides = array<i32>} : memref<256xf32, #tpu.memory_space<vmem>>, vector<16xf32>,
    %add3A_74 = arith.constant 144 : i32
    %add3A_75 = vector.broadcast %add3A_74 : i32 to vector<16xi32>
    %add3A_76 = arith.addi %iota3A, %add3A_75 : vector<16xi32>
    %gather3A_77 = tpu.vector_load_idx %arg8[%add3A_76, %broadcast_in_dim3A_1] : memref<256x128xf32, #tpu.memory_space<vmem>>[vector<16xi32>, vector<16xi32>], vector<16xf32>,
    %gather3A_78 = tpu.vector_load_idx %arg9[%add3A_76, %broadcast_in_dim3A_3] : memref<256x128xf32, #tpu.memory_space<vmem>>[vector<16xi32>, vector<16xi32>], vector<16xf32>,
    %add3A_79 = arith.addf %gather3A_77, %gather3A_78 : vector<16xf32>
    %swap3A_80 = arith.constant 144 : index
    %swap3A_81 = tpu.vector_load %arg10[%swap3A_80] {strides = array<i32>} : memref<256xf32, #tpu.memory_space<vmem>>, vector<16xf32>,
    tpu.vector_store %arg10[%swap3A_80], %add3A_79 {strides = array<i32>} : memref<256xf32, #tpu.memory_space<vmem>>, vector<16xf32>,
    %add3A_82 = arith.constant 160 : i32
    %add3A_83 = vector.broadcast %add3A_82 : i32 to vector<16xi32>
    %add3A_84 = arith.addi %iota3A, %add3A_83 : vector<16xi32>
    %gather3A_85 = tpu.vector_load_idx %arg8[%add3A_84, %broadcast_in_dim3A_1] : memref<256x128xf32, #tpu.memory_space<vmem>>[vector<16xi32>, vector<16xi32>], vector<16xf32>,
    %gather3A_86 = tpu.vector_load_idx %arg9[%add3A_84, %broadcast_in_dim3A_3] : memref<256x128xf32, #tpu.memory_space<vmem>>[vector<16xi32>, vector<16xi32>], vector<16xf32>,
    %add3A_87 = arith.addf %gather3A_85, %gather3A_86 : vector<16xf32>
    %swap3A_88 = arith.constant 160 : index
    %swap3A_89 = tpu.vector_load %arg10[%swap3A_88] {strides = array<i32>} : memref<256xf32, #tpu.memory_space<vmem>>, vector<16xf32>,
    tpu.vector_store %arg10[%swap3A_88], %add3A_87 {strides = array<i32>} : memref<256xf32, #tpu.memory_space<vmem>>, vector<16xf32>,
    %add3A_90 = arith.constant 176 : i32
    %add3A_91 = vector.broadcast %add3A_90 : i32 to vector<16xi32>
    %add3A_92 = arith.addi %iota3A, %add3A_91 : vector<16xi32>
    %gather3A_93 = tpu.vector_load_idx %arg8[%add3A_92, %broadcast_in_dim3A_1] : memref<256x128xf32, #tpu.memory_space<vmem>>[vector<16xi32>, vector<16xi32>], vector<16xf32>,
    %gather3A_94 = tpu.vector_load_idx %arg9[%add3A_92, %broadcast_in_dim3A_3] : memref<256x128xf32, #tpu.memory_space<vmem>>[vector<16xi32>, vector<16xi32>], vector<16xf32>,
    %add3A_95 = arith.addf %gather3A_93, %gather3A_94 : vector<16xf32>
    %swap3A_96 = arith.constant 176 : index
    %swap3A_97 = tpu.vector_load %arg10[%swap3A_96] {strides = array<i32>} : memref<256xf32, #tpu.memory_space<vmem>>, vector<16xf32>,
    tpu.vector_store %arg10[%swap3A_96], %add3A_95 {strides = array<i32>} : memref<256xf32, #tpu.memory_space<vmem>>, vector<16xf32>,
    %add3A_98 = arith.constant 192 : i32
    %add3A_99 = vector.broadcast %add3A_98 : i32 to vector<16xi32>
    %add3A_100 = arith.addi %iota3A, %add3A_99 : vector<16xi32>
    %gather3A_101 = tpu.vector_load_idx %arg8[%add3A_100, %broadcast_in_dim3A_1] : memref<256x128xf32, #tpu.memory_space<vmem>>[vector<16xi32>, vector<16xi32>], vector<16xf32>,
    %gather3A_102 = tpu.vector_load_idx %arg9[%add3A_100, %broadcast_in_dim3A_3] : memref<256x128xf32, #tpu.memory_space<vmem>>[vector<16xi32>, vector<16xi32>], vector<16xf32>,
    %add3A_103 = arith.addf %gather3A_101, %gather3A_102 : vector<16xf32>
    %swap3A_104 = arith.constant 192 : index
    %swap3A_105 = tpu.vector_load %arg10[%swap3A_104] {strides = array<i32>} : memref<256xf32, #tpu.memory_space<vmem>>, vector<16xf32>,
    tpu.vector_store %arg10[%swap3A_104], %add3A_103 {strides = array<i32>} : memref<256xf32, #tpu.memory_space<vmem>>, vector<16xf32>,
    %add3A_106 = arith.constant 208 : i32
    %add3A_107 = vector.broadcast %add3A_106 : i32 to vector<16xi32>
    %add3A_108 = arith.addi %iota3A, %add3A_107 : vector<16xi32>
    %gather3A_109 = tpu.vector_load_idx %arg8[%add3A_108, %broadcast_in_dim3A_1] : memref<256x128xf32, #tpu.memory_space<vmem>>[vector<16xi32>, vector<16xi32>], vector<16xf32>,
    %gather3A_110 = tpu.vector_load_idx %arg9[%add3A_108, %broadcast_in_dim3A_3] : memref<256x128xf32, #tpu.memory_space<vmem>>[vector<16xi32>, vector<16xi32>], vector<16xf32>,
    %add3A_111 = arith.addf %gather3A_109, %gather3A_110 : vector<16xf32>
    %swap3A_112 = arith.constant 208 : index
    %swap3A_113 = tpu.vector_load %arg10[%swap3A_112] {strides = array<i32>} : memref<256xf32, #tpu.memory_space<vmem>>, vector<16xf32>,
    tpu.vector_store %arg10[%swap3A_112], %add3A_111 {strides = array<i32>} : memref<256xf32, #tpu.memory_space<vmem>>, vector<16xf32>,
    %add3A_114 = arith.constant 224 : i32
    %add3A_115 = vector.broadcast %add3A_114 : i32 to vector<16xi32>
    %add3A_116 = arith.addi %iota3A, %add3A_115 : vector<16xi32>
    %gather3A_117 = tpu.vector_load_idx %arg8[%add3A_116, %broadcast_in_dim3A_1] : memref<256x128xf32, #tpu.memory_space<vmem>>[vector<16xi32>, vector<16xi32>], vector<16xf32>,
    %gather3A_118 = tpu.vector_load_idx %arg9[%add3A_116, %broadcast_in_dim3A_3] : memref<256x128xf32, #tpu.memory_space<vmem>>[vector<16xi32>, vector<16xi32>], vector<16xf32>,
    %add3A_119 = arith.addf %gather3A_117, %gather3A_118 : vector<16xf32>
    %swap3A_120 = arith.constant 224 : index
    %swap3A_121 = tpu.vector_load %arg10[%swap3A_120] {strides = array<i32>} : memref<256xf32, #tpu.memory_space<vmem>>, vector<16xf32>,
    tpu.vector_store %arg10[%swap3A_120], %add3A_119 {strides = array<i32>} : memref<256xf32, #tpu.memory_space<vmem>>, vector<16xf32>,
    %add3A_122 = arith.constant 240 : i32
    %add3A_123 = vector.broadcast %add3A_122 : i32 to vector<16xi32>
    %add3A_124 = arith.addi %iota3A, %add3A_123 : vector<16xi32>
    %gather3A_125 = tpu.vector_load_idx %arg8[%add3A_124, %broadcast_in_dim3A_1] : memref<256x128xf32, #tpu.memory_space<vmem>>[vector<16xi32>, vector<16xi32>], vector<16xf32>,
    %gather3A_126 = tpu.vector_load_idx %arg9[%add3A_124, %broadcast_in_dim3A_3] : memref<256x128xf32, #tpu.memory_space<vmem>>[vector<16xi32>, vector<16xi32>], vector<16xf32>,
    %add3A_127 = arith.addf %gather3A_125, %gather3A_126 : vector<16xf32>
    %swap3A_128 = arith.constant 240 : index
    %swap3A_129 = tpu.vector_load %arg10[%swap3A_128] {strides = array<i32>} : memref<256xf32, #tpu.memory_space<vmem>>, vector<16xf32>,
    tpu.vector_store %arg10[%swap3A_128], %add3A_127 {strides = array<i32>} : memref<256xf32, #tpu.memory_space<vmem>>, vector<16xf32>,
    %mul3A_130 = arith.constant 256 : i32
    %mul3A_131 = arith.muli %add3A, %mul3A_130 : i32
    "tpu.region"() ({
      %run_scoped3A = tpu.sem_alloc : memref<!tpu.dma_semaphore, #tpu.memory_space<semaphore_mem>>
      %dma_start3A = tpu.memref_slice %arg5[%mul3A_131] : memref<8192xf32, #tpu.memory_space<hbm>> -> memref<256xf32, #tpu.memory_space<hbm>>
      %dma_start3A_132 = tpu.memref_slice %arg5[%mul3A_131] : memref<8192xf32, #tpu.memory_space<hbm>> -> memref<256xf32, #tpu.memory_space<hbm>>
      tpu.enqueue_dma source(%arg10 : memref<256xf32, #tpu.memory_space<vmem>>) target(%dma_start3A_132 : memref<256xf32, #tpu.memory_space<hbm>>) target_semaphore(%run_scoped3A : memref<!tpu.dma_semaphore, #tpu.memory_space<semaphore_mem>>)
      %dma_wait3A = tpu.memref_slice %arg5[%mul3A_131] : memref<8192xf32, #tpu.memory_space<hbm>> -> memref<256xf32, #tpu.memory_space<hbm>>
      %dma_wait3A_133 = tpu.memref_slice %arg5[%mul3A_131] : memref<8192xf32, #tpu.memory_space<hbm>> -> memref<256xf32, #tpu.memory_space<hbm>>
      tpu.wait_dma2 semaphore(%run_scoped3A : memref<!tpu.dma_semaphore, #tpu.memory_space<semaphore_mem>>) src(%arg10 : memref<256xf32, #tpu.memory_space<vmem>>) dst(%dma_wait3A_133 : memref<256xf32, #tpu.memory_space<hbm>>)
      tpu.yield
    }) : () -> ()
    return
  }
}

#map = affine_map<(d0, d1) -> (0, 0, 0)>
#map1 = affine_map<(d0, d1) -> (0, 0)>
module attributes {stable_mosaic.version = 14 : i64} {
  func.func @body(%arg0: i32, %arg1: i32, %arg2: memref<32x80x125xi32, #tpu.memory_space<hbm>>, %arg3: memref<32x80x125xi32, #tpu.memory_space<hbm>>, %arg4: memref<10000x128xf32, #tpu.memory_space<hbm>>, %arg5: memref<2x10000x128xf32, #tpu.memory_space<hbm>>, %arg6: memref<40x125xi32, #tpu.memory_space<vmem>>, %arg7: memref<40x125xi32, #tpu.memory_space<vmem>>, %arg8: memref<125x128xf32, #tpu.memory_space<vmem>>, %arg9: memref<125x128xf32, #tpu.memory_space<vmem>>, %arg10: memref<10000x128xf32, #tpu.memory_space<vmem_shared>>, %arg11: memref<!tpu.dma_semaphore, #tpu.memory_space<semaphore_mem>>, %arg12: memref<!tpu.dma_semaphore, #tpu.memory_space<semaphore_mem>>, %arg13: memref<!tpu.dma_semaphore, #tpu.memory_space<semaphore_mem>>) attributes {dimension_semantics = [#tpu.dimension_semantics<core_parallel>, #tpu.dimension_semantics<subcore_parallel>], iteration_bounds = array<i64: 2, 16>, scalar_prefetch = 0 : i64, scratch_operands = 8 : i64, tpu.core_type = #tpu.core_type<sc_vector_subcore>, window_params = [{transform_indices = #map}, {transform_indices = #map}, {transform_indices = #map1}, {transform_indices = #map}]} {
    %mul3A = arith.constant 16 : i32
    %mul3A_0 = arith.muli %arg0, %mul3A : i32
    %add3A = arith.addi %mul3A_0, %arg1 : i32
    %while3A = arith.constant 0 : i32
    %while3A_1 = arith.constant 0 : i32
    %while3A_2 = arith.constant 125 : i32
    %while3A_3 = arith.subi %while3A_2, %while3A_1 : i32
    %while3A_4 = arith.addi %while3A_1, %while3A_3 : i32
    %while3A_5 = arith.constant 1 : i32
    %while3A_6 = arith.divsi %while3A_3, %while3A_5 : i32
    %while3A_7 = arith.muli %while3A_6, %while3A_5 : i32
    %while3A_8 = arith.addi %while3A_1, %while3A_7 : i32
    %while3A_9 = arith.constant 1 : i32
    scf.for %while3A_244 = %while3A_1 to %while3A_8 step %while3A_9  : i32 {
      %broadcast_in_dim3A = arith.constant 0.000000e+00 : f32
      %broadcast_in_dim3A_245 = vector.broadcast %broadcast_in_dim3A : f32 to vector<16xf32>
      %swap3A = arith.index_cast %while3A_244 : i32 to index
      %swap3A_246 = arith.constant 0 : index
      %swap3A_247 = tpu.vector_load %arg8[%swap3A, %swap3A_246] {strides = array<i32>} : memref<125x128xf32, #tpu.memory_space<vmem>>, vector<1x16xf32>,
      %swap3A_248 = vector.shape_cast %swap3A_247 : vector<1x16xf32> to vector<16xf32>
      %swap3A_249 = vector.shape_cast %broadcast_in_dim3A_245 : vector<16xf32> to vector<1x16xf32>
      tpu.vector_store %arg8[%swap3A, %swap3A_246], %swap3A_249 {strides = array<i32>} : memref<125x128xf32, #tpu.memory_space<vmem>>, vector<1x16xf32>,
      %broadcast_in_dim3A_250 = arith.constant 0.000000e+00 : f32
      %broadcast_in_dim3A_251 = vector.broadcast %broadcast_in_dim3A_250 : f32 to vector<16xf32>
      %swap3A_252 = arith.index_cast %while3A_244 : i32 to index
      %swap3A_253 = arith.constant 16 : index
      %swap3A_254 = tpu.vector_load %arg8[%swap3A_252, %swap3A_253] {strides = array<i32>} : memref<125x128xf32, #tpu.memory_space<vmem>>, vector<1x16xf32>,
      %swap3A_255 = vector.shape_cast %swap3A_254 : vector<1x16xf32> to vector<16xf32>
      %swap3A_256 = vector.shape_cast %broadcast_in_dim3A_251 : vector<16xf32> to vector<1x16xf32>
      tpu.vector_store %arg8[%swap3A_252, %swap3A_253], %swap3A_256 {strides = array<i32>} : memref<125x128xf32, #tpu.memory_space<vmem>>, vector<1x16xf32>,
      %broadcast_in_dim3A_257 = arith.constant 0.000000e+00 : f32
      %broadcast_in_dim3A_258 = vector.broadcast %broadcast_in_dim3A_257 : f32 to vector<16xf32>
      %swap3A_259 = arith.index_cast %while3A_244 : i32 to index
      %swap3A_260 = arith.constant 32 : index
      %swap3A_261 = tpu.vector_load %arg8[%swap3A_259, %swap3A_260] {strides = array<i32>} : memref<125x128xf32, #tpu.memory_space<vmem>>, vector<1x16xf32>,
      %swap3A_262 = vector.shape_cast %swap3A_261 : vector<1x16xf32> to vector<16xf32>
      %swap3A_263 = vector.shape_cast %broadcast_in_dim3A_258 : vector<16xf32> to vector<1x16xf32>
      tpu.vector_store %arg8[%swap3A_259, %swap3A_260], %swap3A_263 {strides = array<i32>} : memref<125x128xf32, #tpu.memory_space<vmem>>, vector<1x16xf32>,
      %broadcast_in_dim3A_264 = arith.constant 0.000000e+00 : f32
      %broadcast_in_dim3A_265 = vector.broadcast %broadcast_in_dim3A_264 : f32 to vector<16xf32>
      %swap3A_266 = arith.index_cast %while3A_244 : i32 to index
      %swap3A_267 = arith.constant 48 : index
      %swap3A_268 = tpu.vector_load %arg8[%swap3A_266, %swap3A_267] {strides = array<i32>} : memref<125x128xf32, #tpu.memory_space<vmem>>, vector<1x16xf32>,
      %swap3A_269 = vector.shape_cast %swap3A_268 : vector<1x16xf32> to vector<16xf32>
      %swap3A_270 = vector.shape_cast %broadcast_in_dim3A_265 : vector<16xf32> to vector<1x16xf32>
      tpu.vector_store %arg8[%swap3A_266, %swap3A_267], %swap3A_270 {strides = array<i32>} : memref<125x128xf32, #tpu.memory_space<vmem>>, vector<1x16xf32>,
      %broadcast_in_dim3A_271 = arith.constant 0.000000e+00 : f32
      %broadcast_in_dim3A_272 = vector.broadcast %broadcast_in_dim3A_271 : f32 to vector<16xf32>
      %swap3A_273 = arith.index_cast %while3A_244 : i32 to index
      %swap3A_274 = arith.constant 64 : index
      %swap3A_275 = tpu.vector_load %arg8[%swap3A_273, %swap3A_274] {strides = array<i32>} : memref<125x128xf32, #tpu.memory_space<vmem>>, vector<1x16xf32>,
      %swap3A_276 = vector.shape_cast %swap3A_275 : vector<1x16xf32> to vector<16xf32>
      %swap3A_277 = vector.shape_cast %broadcast_in_dim3A_272 : vector<16xf32> to vector<1x16xf32>
      tpu.vector_store %arg8[%swap3A_273, %swap3A_274], %swap3A_277 {strides = array<i32>} : memref<125x128xf32, #tpu.memory_space<vmem>>, vector<1x16xf32>,
      %broadcast_in_dim3A_278 = arith.constant 0.000000e+00 : f32
      %broadcast_in_dim3A_279 = vector.broadcast %broadcast_in_dim3A_278 : f32 to vector<16xf32>
      %swap3A_280 = arith.index_cast %while3A_244 : i32 to index
      %swap3A_281 = arith.constant 80 : index
      %swap3A_282 = tpu.vector_load %arg8[%swap3A_280, %swap3A_281] {strides = array<i32>} : memref<125x128xf32, #tpu.memory_space<vmem>>, vector<1x16xf32>,
      %swap3A_283 = vector.shape_cast %swap3A_282 : vector<1x16xf32> to vector<16xf32>
      %swap3A_284 = vector.shape_cast %broadcast_in_dim3A_279 : vector<16xf32> to vector<1x16xf32>
      tpu.vector_store %arg8[%swap3A_280, %swap3A_281], %swap3A_284 {strides = array<i32>} : memref<125x128xf32, #tpu.memory_space<vmem>>, vector<1x16xf32>,
      %broadcast_in_dim3A_285 = arith.constant 0.000000e+00 : f32
      %broadcast_in_dim3A_286 = vector.broadcast %broadcast_in_dim3A_285 : f32 to vector<16xf32>
      %swap3A_287 = arith.index_cast %while3A_244 : i32 to index
      %swap3A_288 = arith.constant 96 : index
      %swap3A_289 = tpu.vector_load %arg8[%swap3A_287, %swap3A_288] {strides = array<i32>} : memref<125x128xf32, #tpu.memory_space<vmem>>, vector<1x16xf32>,
      %swap3A_290 = vector.shape_cast %swap3A_289 : vector<1x16xf32> to vector<16xf32>
      %swap3A_291 = vector.shape_cast %broadcast_in_dim3A_286 : vector<16xf32> to vector<1x16xf32>
      tpu.vector_store %arg8[%swap3A_287, %swap3A_288], %swap3A_291 {strides = array<i32>} : memref<125x128xf32, #tpu.memory_space<vmem>>, vector<1x16xf32>,
      %broadcast_in_dim3A_292 = arith.constant 0.000000e+00 : f32
      %broadcast_in_dim3A_293 = vector.broadcast %broadcast_in_dim3A_292 : f32 to vector<16xf32>
      %swap3A_294 = arith.index_cast %while3A_244 : i32 to index
      %swap3A_295 = arith.constant 112 : index
      %swap3A_296 = tpu.vector_load %arg8[%swap3A_294, %swap3A_295] {strides = array<i32>} : memref<125x128xf32, #tpu.memory_space<vmem>>, vector<1x16xf32>,
      %swap3A_297 = vector.shape_cast %swap3A_296 : vector<1x16xf32> to vector<16xf32>
      %swap3A_298 = vector.shape_cast %broadcast_in_dim3A_293 : vector<16xf32> to vector<1x16xf32>
      tpu.vector_store %arg8[%swap3A_294, %swap3A_295], %swap3A_298 {strides = array<i32>} : memref<125x128xf32, #tpu.memory_space<vmem>>, vector<1x16xf32>,
    }
    %while3A_10 = arith.constant 1 : i32
    scf.for %while3A_244 = %while3A_8 to %while3A_4 step %while3A_10  : i32 {
      %broadcast_in_dim3A = arith.constant 0.000000e+00 : f32
      %broadcast_in_dim3A_245 = vector.broadcast %broadcast_in_dim3A : f32 to vector<16xf32>
      %swap3A = arith.index_cast %while3A_244 : i32 to index
      %swap3A_246 = arith.constant 0 : index
      %swap3A_247 = tpu.vector_load %arg8[%swap3A, %swap3A_246] {strides = array<i32>} : memref<125x128xf32, #tpu.memory_space<vmem>>, vector<1x16xf32>,
      %swap3A_248 = vector.shape_cast %swap3A_247 : vector<1x16xf32> to vector<16xf32>
      %swap3A_249 = vector.shape_cast %broadcast_in_dim3A_245 : vector<16xf32> to vector<1x16xf32>
      tpu.vector_store %arg8[%swap3A, %swap3A_246], %swap3A_249 {strides = array<i32>} : memref<125x128xf32, #tpu.memory_space<vmem>>, vector<1x16xf32>,
      %broadcast_in_dim3A_250 = arith.constant 0.000000e+00 : f32
      %broadcast_in_dim3A_251 = vector.broadcast %broadcast_in_dim3A_250 : f32 to vector<16xf32>
      %swap3A_252 = arith.index_cast %while3A_244 : i32 to index
      %swap3A_253 = arith.constant 16 : index
      %swap3A_254 = tpu.vector_load %arg8[%swap3A_252, %swap3A_253] {strides = array<i32>} : memref<125x128xf32, #tpu.memory_space<vmem>>, vector<1x16xf32>,
      %swap3A_255 = vector.shape_cast %swap3A_254 : vector<1x16xf32> to vector<16xf32>
      %swap3A_256 = vector.shape_cast %broadcast_in_dim3A_251 : vector<16xf32> to vector<1x16xf32>
      tpu.vector_store %arg8[%swap3A_252, %swap3A_253], %swap3A_256 {strides = array<i32>} : memref<125x128xf32, #tpu.memory_space<vmem>>, vector<1x16xf32>,
      %broadcast_in_dim3A_257 = arith.constant 0.000000e+00 : f32
      %broadcast_in_dim3A_258 = vector.broadcast %broadcast_in_dim3A_257 : f32 to vector<16xf32>
      %swap3A_259 = arith.index_cast %while3A_244 : i32 to index
      %swap3A_260 = arith.constant 32 : index
      %swap3A_261 = tpu.vector_load %arg8[%swap3A_259, %swap3A_260] {strides = array<i32>} : memref<125x128xf32, #tpu.memory_space<vmem>>, vector<1x16xf32>,
      %swap3A_262 = vector.shape_cast %swap3A_261 : vector<1x16xf32> to vector<16xf32>
      %swap3A_263 = vector.shape_cast %broadcast_in_dim3A_258 : vector<16xf32> to vector<1x16xf32>
      tpu.vector_store %arg8[%swap3A_259, %swap3A_260], %swap3A_263 {strides = array<i32>} : memref<125x128xf32, #tpu.memory_space<vmem>>, vector<1x16xf32>,
      %broadcast_in_dim3A_264 = arith.constant 0.000000e+00 : f32
      %broadcast_in_dim3A_265 = vector.broadcast %broadcast_in_dim3A_264 : f32 to vector<16xf32>
      %swap3A_266 = arith.index_cast %while3A_244 : i32 to index
      %swap3A_267 = arith.constant 48 : index
      %swap3A_268 = tpu.vector_load %arg8[%swap3A_266, %swap3A_267] {strides = array<i32>} : memref<125x128xf32, #tpu.memory_space<vmem>>, vector<1x16xf32>,
      %swap3A_269 = vector.shape_cast %swap3A_268 : vector<1x16xf32> to vector<16xf32>
      %swap3A_270 = vector.shape_cast %broadcast_in_dim3A_265 : vector<16xf32> to vector<1x16xf32>
      tpu.vector_store %arg8[%swap3A_266, %swap3A_267], %swap3A_270 {strides = array<i32>} : memref<125x128xf32, #tpu.memory_space<vmem>>, vector<1x16xf32>,
      %broadcast_in_dim3A_271 = arith.constant 0.000000e+00 : f32
      %broadcast_in_dim3A_272 = vector.broadcast %broadcast_in_dim3A_271 : f32 to vector<16xf32>
      %swap3A_273 = arith.index_cast %while3A_244 : i32 to index
      %swap3A_274 = arith.constant 64 : index
      %swap3A_275 = tpu.vector_load %arg8[%swap3A_273, %swap3A_274] {strides = array<i32>} : memref<125x128xf32, #tpu.memory_space<vmem>>, vector<1x16xf32>,
      %swap3A_276 = vector.shape_cast %swap3A_275 : vector<1x16xf32> to vector<16xf32>
      %swap3A_277 = vector.shape_cast %broadcast_in_dim3A_272 : vector<16xf32> to vector<1x16xf32>
      tpu.vector_store %arg8[%swap3A_273, %swap3A_274], %swap3A_277 {strides = array<i32>} : memref<125x128xf32, #tpu.memory_space<vmem>>, vector<1x16xf32>,
      %broadcast_in_dim3A_278 = arith.constant 0.000000e+00 : f32
      %broadcast_in_dim3A_279 = vector.broadcast %broadcast_in_dim3A_278 : f32 to vector<16xf32>
      %swap3A_280 = arith.index_cast %while3A_244 : i32 to index
      %swap3A_281 = arith.constant 80 : index
      %swap3A_282 = tpu.vector_load %arg8[%swap3A_280, %swap3A_281] {strides = array<i32>} : memref<125x128xf32, #tpu.memory_space<vmem>>, vector<1x16xf32>,
      %swap3A_283 = vector.shape_cast %swap3A_282 : vector<1x16xf32> to vector<16xf32>
      %swap3A_284 = vector.shape_cast %broadcast_in_dim3A_279 : vector<16xf32> to vector<1x16xf32>
      tpu.vector_store %arg8[%swap3A_280, %swap3A_281], %swap3A_284 {strides = array<i32>} : memref<125x128xf32, #tpu.memory_space<vmem>>, vector<1x16xf32>,
      %broadcast_in_dim3A_285 = arith.constant 0.000000e+00 : f32
      %broadcast_in_dim3A_286 = vector.broadcast %broadcast_in_dim3A_285 : f32 to vector<16xf32>
      %swap3A_287 = arith.index_cast %while3A_244 : i32 to index
      %swap3A_288 = arith.constant 96 : index
      %swap3A_289 = tpu.vector_load %arg8[%swap3A_287, %swap3A_288] {strides = array<i32>} : memref<125x128xf32, #tpu.memory_space<vmem>>, vector<1x16xf32>,
      %swap3A_290 = vector.shape_cast %swap3A_289 : vector<1x16xf32> to vector<16xf32>
      %swap3A_291 = vector.shape_cast %broadcast_in_dim3A_286 : vector<16xf32> to vector<1x16xf32>
      tpu.vector_store %arg8[%swap3A_287, %swap3A_288], %swap3A_291 {strides = array<i32>} : memref<125x128xf32, #tpu.memory_space<vmem>>, vector<1x16xf32>,
      %broadcast_in_dim3A_292 = arith.constant 0.000000e+00 : f32
      %broadcast_in_dim3A_293 = vector.broadcast %broadcast_in_dim3A_292 : f32 to vector<16xf32>
      %swap3A_294 = arith.index_cast %while3A_244 : i32 to index
      %swap3A_295 = arith.constant 112 : index
      %swap3A_296 = tpu.vector_load %arg8[%swap3A_294, %swap3A_295] {strides = array<i32>} : memref<125x128xf32, #tpu.memory_space<vmem>>, vector<1x16xf32>,
      %swap3A_297 = vector.shape_cast %swap3A_296 : vector<1x16xf32> to vector<16xf32>
      %swap3A_298 = vector.shape_cast %broadcast_in_dim3A_293 : vector<16xf32> to vector<1x16xf32>
      tpu.vector_store %arg8[%swap3A_294, %swap3A_295], %swap3A_298 {strides = array<i32>} : memref<125x128xf32, #tpu.memory_space<vmem>>, vector<1x16xf32>,
    }
    "tpu.region"() ({
      %run_scoped3A = tpu.sem_alloc : memref<!tpu.dma_semaphore, #tpu.memory_space<semaphore_mem>>
      %dma_start3A_244 = arith.constant 0 : i32
      %dma_start3A_245 = arith.constant 0 : i32
      %dma_start3A_246 = tpu.memref_slice %arg2[%add3A, %dma_start3A_244, %dma_start3A_245] : memref<32x80x125xi32, #tpu.memory_space<hbm>> -> memref<1x80x125xi32, #tpu.memory_space<hbm>>
      %dma_start3A_247 = tpu.memref_squeeze %dma_start3A_246 : memref<1x80x125xi32, #tpu.memory_space<hbm>> -> memref<80x125xi32, #tpu.memory_space<hbm>>
      %dma_start3A_248 = arith.constant 0 : i32
      %dma_start3A_249 = arith.constant 0 : i32
      %dma_start3A_250 = tpu.memref_slice %dma_start3A_247[%dma_start3A_248, %dma_start3A_249] : memref<80x125xi32, #tpu.memory_space<hbm>> -> memref<40x125xi32, #tpu.memory_space<hbm>>
      %dma_start3A_251 = arith.constant 0 : i32
      %dma_start3A_252 = arith.constant 0 : i32
      %dma_start3A_253 = tpu.memref_slice %arg2[%add3A, %dma_start3A_251, %dma_start3A_252] : memref<32x80x125xi32, #tpu.memory_space<hbm>> -> memref<1x80x125xi32, #tpu.memory_space<hbm>>
      %dma_start3A_254 = tpu.memref_squeeze %dma_start3A_253 : memref<1x80x125xi32, #tpu.memory_space<hbm>> -> memref<80x125xi32, #tpu.memory_space<hbm>>
      %dma_start3A_255 = arith.constant 0 : i32
      %dma_start3A_256 = arith.constant 0 : i32
      %dma_start3A_257 = tpu.memref_slice %dma_start3A_254[%dma_start3A_255, %dma_start3A_256] : memref<80x125xi32, #tpu.memory_space<hbm>> -> memref<40x125xi32, #tpu.memory_space<hbm>>
      tpu.enqueue_dma source(%dma_start3A_257 : memref<40x125xi32, #tpu.memory_space<hbm>>) target(%arg6 : memref<40x125xi32, #tpu.memory_space<vmem>>) target_semaphore(%run_scoped3A : memref<!tpu.dma_semaphore, #tpu.memory_space<semaphore_mem>>)
      %dma_wait3A_258 = arith.constant 0 : i32
      %dma_wait3A_259 = arith.constant 0 : i32
      %dma_wait3A_260 = tpu.memref_slice %arg2[%add3A, %dma_wait3A_258, %dma_wait3A_259] : memref<32x80x125xi32, #tpu.memory_space<hbm>> -> memref<1x80x125xi32, #tpu.memory_space<hbm>>
      %dma_wait3A_261 = tpu.memref_squeeze %dma_wait3A_260 : memref<1x80x125xi32, #tpu.memory_space<hbm>> -> memref<80x125xi32, #tpu.memory_space<hbm>>
      %dma_wait3A_262 = arith.constant 0 : i32
      %dma_wait3A_263 = arith.constant 0 : i32
      %dma_wait3A_264 = tpu.memref_slice %dma_wait3A_261[%dma_wait3A_262, %dma_wait3A_263] : memref<80x125xi32, #tpu.memory_space<hbm>> -> memref<40x125xi32, #tpu.memory_space<hbm>>
      %dma_wait3A_265 = arith.constant 0 : i32
      %dma_wait3A_266 = arith.constant 0 : i32
      %dma_wait3A_267 = tpu.memref_slice %arg2[%add3A, %dma_wait3A_265, %dma_wait3A_266] : memref<32x80x125xi32, #tpu.memory_space<hbm>> -> memref<1x80x125xi32, #tpu.memory_space<hbm>>
      %dma_wait3A_268 = tpu.memref_squeeze %dma_wait3A_267 : memref<1x80x125xi32, #tpu.memory_space<hbm>> -> memref<80x125xi32, #tpu.memory_space<hbm>>
      %dma_wait3A_269 = arith.constant 0 : i32
      %dma_wait3A_270 = arith.constant 0 : i32
      %dma_wait3A_271 = tpu.memref_slice %dma_wait3A_268[%dma_wait3A_269, %dma_wait3A_270] : memref<80x125xi32, #tpu.memory_space<hbm>> -> memref<40x125xi32, #tpu.memory_space<hbm>>
      tpu.wait_dma2 semaphore(%run_scoped3A : memref<!tpu.dma_semaphore, #tpu.memory_space<semaphore_mem>>) src(%dma_wait3A_271 : memref<40x125xi32, #tpu.memory_space<hbm>>) dst(%arg6 : memref<40x125xi32, #tpu.memory_space<vmem>>)
      tpu.yield
    }) : () -> ()
    "tpu.region"() ({
      %run_scoped3A = tpu.sem_alloc : memref<!tpu.dma_semaphore, #tpu.memory_space<semaphore_mem>>
      %dma_start3A_244 = arith.constant 0 : i32
      %dma_start3A_245 = arith.constant 0 : i32
      %dma_start3A_246 = tpu.memref_slice %arg3[%add3A, %dma_start3A_244, %dma_start3A_245] : memref<32x80x125xi32, #tpu.memory_space<hbm>> -> memref<1x80x125xi32, #tpu.memory_space<hbm>>
      %dma_start3A_247 = tpu.memref_squeeze %dma_start3A_246 : memref<1x80x125xi32, #tpu.memory_space<hbm>> -> memref<80x125xi32, #tpu.memory_space<hbm>>
      %dma_start3A_248 = arith.constant 0 : i32
      %dma_start3A_249 = arith.constant 0 : i32
      %dma_start3A_250 = tpu.memref_slice %dma_start3A_247[%dma_start3A_248, %dma_start3A_249] : memref<80x125xi32, #tpu.memory_space<hbm>> -> memref<40x125xi32, #tpu.memory_space<hbm>>
      %dma_start3A_251 = arith.constant 0 : i32
      %dma_start3A_252 = arith.constant 0 : i32
      %dma_start3A_253 = tpu.memref_slice %arg3[%add3A, %dma_start3A_251, %dma_start3A_252] : memref<32x80x125xi32, #tpu.memory_space<hbm>> -> memref<1x80x125xi32, #tpu.memory_space<hbm>>
      %dma_start3A_254 = tpu.memref_squeeze %dma_start3A_253 : memref<1x80x125xi32, #tpu.memory_space<hbm>> -> memref<80x125xi32, #tpu.memory_space<hbm>>
      %dma_start3A_255 = arith.constant 0 : i32
      %dma_start3A_256 = arith.constant 0 : i32
      %dma_start3A_257 = tpu.memref_slice %dma_start3A_254[%dma_start3A_255, %dma_start3A_256] : memref<80x125xi32, #tpu.memory_space<hbm>> -> memref<40x125xi32, #tpu.memory_space<hbm>>
      tpu.enqueue_dma source(%dma_start3A_257 : memref<40x125xi32, #tpu.memory_space<hbm>>) target(%arg7 : memref<40x125xi32, #tpu.memory_space<vmem>>) target_semaphore(%run_scoped3A : memref<!tpu.dma_semaphore, #tpu.memory_space<semaphore_mem>>)
      %dma_wait3A_258 = arith.constant 0 : i32
      %dma_wait3A_259 = arith.constant 0 : i32
      %dma_wait3A_260 = tpu.memref_slice %arg3[%add3A, %dma_wait3A_258, %dma_wait3A_259] : memref<32x80x125xi32, #tpu.memory_space<hbm>> -> memref<1x80x125xi32, #tpu.memory_space<hbm>>
      %dma_wait3A_261 = tpu.memref_squeeze %dma_wait3A_260 : memref<1x80x125xi32, #tpu.memory_space<hbm>> -> memref<80x125xi32, #tpu.memory_space<hbm>>
      %dma_wait3A_262 = arith.constant 0 : i32
      %dma_wait3A_263 = arith.constant 0 : i32
      %dma_wait3A_264 = tpu.memref_slice %dma_wait3A_261[%dma_wait3A_262, %dma_wait3A_263] : memref<80x125xi32, #tpu.memory_space<hbm>> -> memref<40x125xi32, #tpu.memory_space<hbm>>
      %dma_wait3A_265 = arith.constant 0 : i32
      %dma_wait3A_266 = arith.constant 0 : i32
      %dma_wait3A_267 = tpu.memref_slice %arg3[%add3A, %dma_wait3A_265, %dma_wait3A_266] : memref<32x80x125xi32, #tpu.memory_space<hbm>> -> memref<1x80x125xi32, #tpu.memory_space<hbm>>
      %dma_wait3A_268 = tpu.memref_squeeze %dma_wait3A_267 : memref<1x80x125xi32, #tpu.memory_space<hbm>> -> memref<80x125xi32, #tpu.memory_space<hbm>>
      %dma_wait3A_269 = arith.constant 0 : i32
      %dma_wait3A_270 = arith.constant 0 : i32
      %dma_wait3A_271 = tpu.memref_slice %dma_wait3A_268[%dma_wait3A_269, %dma_wait3A_270] : memref<80x125xi32, #tpu.memory_space<hbm>> -> memref<40x125xi32, #tpu.memory_space<hbm>>
      tpu.wait_dma2 semaphore(%run_scoped3A : memref<!tpu.dma_semaphore, #tpu.memory_space<semaphore_mem>>) src(%dma_wait3A_271 : memref<40x125xi32, #tpu.memory_space<hbm>>) dst(%arg7 : memref<40x125xi32, #tpu.memory_space<vmem>>)
      tpu.yield
    }) : () -> ()
    %dma_start3A = arith.constant 1 : i32
    %dma_start3A_11 = arith.constant 0 : i32
    %dma_start3A_12 = tpu.memref_slice %arg6[%dma_start3A, %dma_start3A_11] : memref<40x125xi32, #tpu.memory_space<vmem>> -> memref<1x125xi32, #tpu.memory_space<vmem>>
    %dma_start3A_13 = tpu.memref_squeeze %dma_start3A_12 : memref<1x125xi32, #tpu.memory_space<vmem>> -> memref<125xi32, #tpu.memory_space<vmem>>
    %dma_start3A_14 = arith.constant 0 : i32
    %dma_start3A_15 = arith.constant 0 : i32
    %dma_start3A_16 = tpu.memref_slice %arg4[%dma_start3A_14, %dma_start3A_15] : memref<10000x128xf32, #tpu.memory_space<hbm>> -> memref<10000x128xf32, #tpu.memory_space<hbm>>
    tpu.enqueue_indirect_dma source(%dma_start3A_16 : memref<10000x128xf32, #tpu.memory_space<hbm>>) target(%arg9 : memref<125x128xf32, #tpu.memory_space<vmem>>) offsets(%dma_start3A_13 : memref<125xi32, #tpu.memory_space<vmem>>) semaphore(%arg12 : memref<!tpu.dma_semaphore, #tpu.memory_space<semaphore_mem>>)
    %mul3A_17 = arith.constant 624 : i32
    %mul3A_18 = arith.muli %arg1, %mul3A_17 : i32
    %add3A_19 = arith.constant 0 : i32
    %add3A_20 = arith.addi %mul3A_18, %add3A_19 : i32
    %dma_start3A_21 = arith.constant 0 : i32
    %dma_start3A_22 = arith.constant 0 : i32
    %dma_start3A_23 = tpu.memref_slice %arg8[%dma_start3A_21, %dma_start3A_22] : memref<125x128xf32, #tpu.memory_space<vmem>> -> memref<120x128xf32, #tpu.memory_space<vmem>>
    %dma_start3A_24 = arith.constant 0 : i32
    %dma_start3A_25 = tpu.memref_slice %arg10[%add3A_20, %dma_start3A_24] : memref<10000x128xf32, #tpu.memory_space<vmem_shared>> -> memref<120x128xf32, #tpu.memory_space<vmem_shared>>
    %dma_start3A_26 = arith.constant 0 : i32
    %dma_start3A_27 = tpu.memref_slice %arg10[%add3A_20, %dma_start3A_26] : memref<10000x128xf32, #tpu.memory_space<vmem_shared>> -> memref<120x128xf32, #tpu.memory_space<vmem_shared>>
    %dma_start3A_28 = arith.constant 0 : i32
    %dma_start3A_29 = arith.constant 0 : i32
    %dma_start3A_30 = tpu.memref_slice %arg8[%dma_start3A_28, %dma_start3A_29] : memref<125x128xf32, #tpu.memory_space<vmem>> -> memref<120x128xf32, #tpu.memory_space<vmem>>
    tpu.enqueue_dma source(%dma_start3A_30 : memref<120x128xf32, #tpu.memory_space<vmem>>) target(%dma_start3A_27 : memref<120x128xf32, #tpu.memory_space<vmem_shared>>) target_semaphore(%arg13 : memref<!tpu.dma_semaphore, #tpu.memory_space<semaphore_mem>>)
    %mul3A_31 = arith.constant 624 : i32
    %mul3A_32 = arith.muli %arg1, %mul3A_31 : i32
    %add3A_33 = arith.constant 120 : i32
    %add3A_34 = arith.addi %mul3A_32, %add3A_33 : i32
    %dma_start3A_35 = arith.constant 0 : i32
    %dma_start3A_36 = arith.constant 0 : i32
    %dma_start3A_37 = tpu.memref_slice %arg8[%dma_start3A_35, %dma_start3A_36] : memref<125x128xf32, #tpu.memory_space<vmem>> -> memref<120x128xf32, #tpu.memory_space<vmem>>
    %dma_start3A_38 = arith.constant 0 : i32
    %dma_start3A_39 = tpu.memref_slice %arg10[%add3A_34, %dma_start3A_38] : memref<10000x128xf32, #tpu.memory_space<vmem_shared>> -> memref<120x128xf32, #tpu.memory_space<vmem_shared>>
    %dma_start3A_40 = arith.constant 0 : i32
    %dma_start3A_41 = tpu.memref_slice %arg10[%add3A_34, %dma_start3A_40] : memref<10000x128xf32, #tpu.memory_space<vmem_shared>> -> memref<120x128xf32, #tpu.memory_space<vmem_shared>>
    %dma_start3A_42 = arith.constant 0 : i32
    %dma_start3A_43 = arith.constant 0 : i32
    %dma_start3A_44 = tpu.memref_slice %arg8[%dma_start3A_42, %dma_start3A_43] : memref<125x128xf32, #tpu.memory_space<vmem>> -> memref<120x128xf32, #tpu.memory_space<vmem>>
    tpu.enqueue_dma source(%dma_start3A_44 : memref<120x128xf32, #tpu.memory_space<vmem>>) target(%dma_start3A_41 : memref<120x128xf32, #tpu.memory_space<vmem_shared>>) target_semaphore(%arg13 : memref<!tpu.dma_semaphore, #tpu.memory_space<semaphore_mem>>)
    %mul3A_45 = arith.constant 624 : i32
    %mul3A_46 = arith.muli %arg1, %mul3A_45 : i32
    %add3A_47 = arith.constant 240 : i32
    %add3A_48 = arith.addi %mul3A_46, %add3A_47 : i32
    %dma_start3A_49 = arith.constant 0 : i32
    %dma_start3A_50 = arith.constant 0 : i32
    %dma_start3A_51 = tpu.memref_slice %arg8[%dma_start3A_49, %dma_start3A_50] : memref<125x128xf32, #tpu.memory_space<vmem>> -> memref<120x128xf32, #tpu.memory_space<vmem>>
    %dma_start3A_52 = arith.constant 0 : i32
    %dma_start3A_53 = tpu.memref_slice %arg10[%add3A_48, %dma_start3A_52] : memref<10000x128xf32, #tpu.memory_space<vmem_shared>> -> memref<120x128xf32, #tpu.memory_space<vmem_shared>>
    %dma_start3A_54 = arith.constant 0 : i32
    %dma_start3A_55 = tpu.memref_slice %arg10[%add3A_48, %dma_start3A_54] : memref<10000x128xf32, #tpu.memory_space<vmem_shared>> -> memref<120x128xf32, #tpu.memory_space<vmem_shared>>
    %dma_start3A_56 = arith.constant 0 : i32
    %dma_start3A_57 = arith.constant 0 : i32
    %dma_start3A_58 = tpu.memref_slice %arg8[%dma_start3A_56, %dma_start3A_57] : memref<125x128xf32, #tpu.memory_space<vmem>> -> memref<120x128xf32, #tpu.memory_space<vmem>>
    tpu.enqueue_dma source(%dma_start3A_58 : memref<120x128xf32, #tpu.memory_space<vmem>>) target(%dma_start3A_55 : memref<120x128xf32, #tpu.memory_space<vmem_shared>>) target_semaphore(%arg13 : memref<!tpu.dma_semaphore, #tpu.memory_space<semaphore_mem>>)
    %mul3A_59 = arith.constant 624 : i32
    %mul3A_60 = arith.muli %arg1, %mul3A_59 : i32
    %add3A_61 = arith.constant 360 : i32
    %add3A_62 = arith.addi %mul3A_60, %add3A_61 : i32
    %dma_start3A_63 = arith.constant 0 : i32
    %dma_start3A_64 = arith.constant 0 : i32
    %dma_start3A_65 = tpu.memref_slice %arg8[%dma_start3A_63, %dma_start3A_64] : memref<125x128xf32, #tpu.memory_space<vmem>> -> memref<120x128xf32, #tpu.memory_space<vmem>>
    %dma_start3A_66 = arith.constant 0 : i32
    %dma_start3A_67 = tpu.memref_slice %arg10[%add3A_62, %dma_start3A_66] : memref<10000x128xf32, #tpu.memory_space<vmem_shared>> -> memref<120x128xf32, #tpu.memory_space<vmem_shared>>
    %dma_start3A_68 = arith.constant 0 : i32
    %dma_start3A_69 = tpu.memref_slice %arg10[%add3A_62, %dma_start3A_68] : memref<10000x128xf32, #tpu.memory_space<vmem_shared>> -> memref<120x128xf32, #tpu.memory_space<vmem_shared>>
    %dma_start3A_70 = arith.constant 0 : i32
    %dma_start3A_71 = arith.constant 0 : i32
    %dma_start3A_72 = tpu.memref_slice %arg8[%dma_start3A_70, %dma_start3A_71] : memref<125x128xf32, #tpu.memory_space<vmem>> -> memref<120x128xf32, #tpu.memory_space<vmem>>
    tpu.enqueue_dma source(%dma_start3A_72 : memref<120x128xf32, #tpu.memory_space<vmem>>) target(%dma_start3A_69 : memref<120x128xf32, #tpu.memory_space<vmem_shared>>) target_semaphore(%arg13 : memref<!tpu.dma_semaphore, #tpu.memory_space<semaphore_mem>>)
    %mul3A_73 = arith.constant 624 : i32
    %mul3A_74 = arith.muli %arg1, %mul3A_73 : i32
    %add3A_75 = arith.constant 480 : i32
    %add3A_76 = arith.addi %mul3A_74, %add3A_75 : i32
    %dma_start3A_77 = arith.constant 0 : i32
    %dma_start3A_78 = arith.constant 0 : i32
    %dma_start3A_79 = tpu.memref_slice %arg8[%dma_start3A_77, %dma_start3A_78] : memref<125x128xf32, #tpu.memory_space<vmem>> -> memref<120x128xf32, #tpu.memory_space<vmem>>
    %dma_start3A_80 = arith.constant 0 : i32
    %dma_start3A_81 = tpu.memref_slice %arg10[%add3A_76, %dma_start3A_80] : memref<10000x128xf32, #tpu.memory_space<vmem_shared>> -> memref<120x128xf32, #tpu.memory_space<vmem_shared>>
    %dma_start3A_82 = arith.constant 0 : i32
    %dma_start3A_83 = tpu.memref_slice %arg10[%add3A_76, %dma_start3A_82] : memref<10000x128xf32, #tpu.memory_space<vmem_shared>> -> memref<120x128xf32, #tpu.memory_space<vmem_shared>>
    %dma_start3A_84 = arith.constant 0 : i32
    %dma_start3A_85 = arith.constant 0 : i32
    %dma_start3A_86 = tpu.memref_slice %arg8[%dma_start3A_84, %dma_start3A_85] : memref<125x128xf32, #tpu.memory_space<vmem>> -> memref<120x128xf32, #tpu.memory_space<vmem>>
    tpu.enqueue_dma source(%dma_start3A_86 : memref<120x128xf32, #tpu.memory_space<vmem>>) target(%dma_start3A_83 : memref<120x128xf32, #tpu.memory_space<vmem_shared>>) target_semaphore(%arg13 : memref<!tpu.dma_semaphore, #tpu.memory_space<semaphore_mem>>)
    %mul3A_87 = arith.constant 624 : i32
    %mul3A_88 = arith.muli %arg1, %mul3A_87 : i32
    %add3A_89 = arith.constant 600 : i32
    %add3A_90 = arith.addi %mul3A_88, %add3A_89 : i32
    %dma_start3A_91 = arith.constant 0 : i32
    %dma_start3A_92 = arith.constant 0 : i32
    %dma_start3A_93 = tpu.memref_slice %arg8[%dma_start3A_91, %dma_start3A_92] : memref<125x128xf32, #tpu.memory_space<vmem>> -> memref<24x128xf32, #tpu.memory_space<vmem>>
    %dma_start3A_94 = arith.constant 0 : i32
    %dma_start3A_95 = tpu.memref_slice %arg10[%add3A_90, %dma_start3A_94] : memref<10000x128xf32, #tpu.memory_space<vmem_shared>> -> memref<24x128xf32, #tpu.memory_space<vmem_shared>>
    %dma_start3A_96 = arith.constant 0 : i32
    %dma_start3A_97 = tpu.memref_slice %arg10[%add3A_90, %dma_start3A_96] : memref<10000x128xf32, #tpu.memory_space<vmem_shared>> -> memref<24x128xf32, #tpu.memory_space<vmem_shared>>
    %dma_start3A_98 = arith.constant 0 : i32
    %dma_start3A_99 = arith.constant 0 : i32
    %dma_start3A_100 = tpu.memref_slice %arg8[%dma_start3A_98, %dma_start3A_99] : memref<125x128xf32, #tpu.memory_space<vmem>> -> memref<24x128xf32, #tpu.memory_space<vmem>>
    tpu.enqueue_dma source(%dma_start3A_100 : memref<24x128xf32, #tpu.memory_space<vmem>>) target(%dma_start3A_97 : memref<24x128xf32, #tpu.memory_space<vmem_shared>>) target_semaphore(%arg13 : memref<!tpu.dma_semaphore, #tpu.memory_space<semaphore_mem>>)
    %eq3A = arith.constant 15 : i32
    %eq3A_101 = arith.cmpi eq, %arg1, %eq3A : i32
    %convert_element_type3A = arith.extui %eq3A_101 : i1 to i32
    %cond3A = arith.constant 0 : i32
    %cond3A_102 = arith.cmpi ne, %convert_element_type3A, %cond3A : i32
    scf.if %cond3A_102 {
      %dma_start3A_244 = arith.constant 0 : i32
      %dma_start3A_245 = arith.constant 0 : i32
      %dma_start3A_246 = tpu.memref_slice %arg8[%dma_start3A_244, %dma_start3A_245] : memref<125x128xf32, #tpu.memory_space<vmem>> -> memref<16x128xf32, #tpu.memory_space<vmem>>
      %dma_start3A_247 = arith.constant 9984 : i32
      %dma_start3A_248 = arith.constant 0 : i32
      %dma_start3A_249 = tpu.memref_slice %arg10[%dma_start3A_247, %dma_start3A_248] : memref<10000x128xf32, #tpu.memory_space<vmem_shared>> -> memref<16x128xf32, #tpu.memory_space<vmem_shared>>
      %dma_start3A_250 = arith.constant 9984 : i32
      %dma_start3A_251 = arith.constant 0 : i32
      %dma_start3A_252 = tpu.memref_slice %arg10[%dma_start3A_250, %dma_start3A_251] : memref<10000x128xf32, #tpu.memory_space<vmem_shared>> -> memref<16x128xf32, #tpu.memory_space<vmem_shared>>
      %dma_start3A_253 = arith.constant 0 : i32
      %dma_start3A_254 = arith.constant 0 : i32
      %dma_start3A_255 = tpu.memref_slice %arg8[%dma_start3A_253, %dma_start3A_254] : memref<125x128xf32, #tpu.memory_space<vmem>> -> memref<16x128xf32, #tpu.memory_space<vmem>>
      tpu.enqueue_dma source(%dma_start3A_255 : memref<16x128xf32, #tpu.memory_space<vmem>>) target(%dma_start3A_252 : memref<16x128xf32, #tpu.memory_space<vmem_shared>>) target_semaphore(%arg13 : memref<!tpu.dma_semaphore, #tpu.memory_space<semaphore_mem>>)
    } else {
    }
    %mul3A_103 = arith.constant 624 : i32
    %mul3A_104 = arith.muli %arg1, %mul3A_103 : i32
    %add3A_105 = arith.constant 0 : i32
    %add3A_106 = arith.addi %mul3A_104, %add3A_105 : i32
    %dma_wait3A = arith.constant 0 : i32
    %dma_wait3A_107 = arith.constant 0 : i32
    %dma_wait3A_108 = tpu.memref_slice %arg8[%dma_wait3A, %dma_wait3A_107] : memref<125x128xf32, #tpu.memory_space<vmem>> -> memref<120x128xf32, #tpu.memory_space<vmem>>
    %dma_wait3A_109 = arith.constant 0 : i32
    %dma_wait3A_110 = tpu.memref_slice %arg10[%add3A_106, %dma_wait3A_109] : memref<10000x128xf32, #tpu.memory_space<vmem_shared>> -> memref<120x128xf32, #tpu.memory_space<vmem_shared>>
    %dma_wait3A_111 = arith.constant 0 : i32
    %dma_wait3A_112 = tpu.memref_slice %arg10[%add3A_106, %dma_wait3A_111] : memref<10000x128xf32, #tpu.memory_space<vmem_shared>> -> memref<120x128xf32, #tpu.memory_space<vmem_shared>>
    %dma_wait3A_113 = arith.constant 0 : i32
    %dma_wait3A_114 = arith.constant 0 : i32
    %dma_wait3A_115 = tpu.memref_slice %arg8[%dma_wait3A_113, %dma_wait3A_114] : memref<125x128xf32, #tpu.memory_space<vmem>> -> memref<120x128xf32, #tpu.memory_space<vmem>>
    tpu.wait_dma2 semaphore(%arg13 : memref<!tpu.dma_semaphore, #tpu.memory_space<semaphore_mem>>) src(%dma_wait3A_115 : memref<120x128xf32, #tpu.memory_space<vmem>>) dst(%dma_wait3A_112 : memref<120x128xf32, #tpu.memory_space<vmem_shared>>)
    %mul3A_116 = arith.constant 624 : i32
    %mul3A_117 = arith.muli %arg1, %mul3A_116 : i32
    %add3A_118 = arith.constant 120 : i32
    %add3A_119 = arith.addi %mul3A_117, %add3A_118 : i32
    %dma_wait3A_120 = arith.constant 0 : i32
    %dma_wait3A_121 = arith.constant 0 : i32
    %dma_wait3A_122 = tpu.memref_slice %arg8[%dma_wait3A_120, %dma_wait3A_121] : memref<125x128xf32, #tpu.memory_space<vmem>> -> memref<120x128xf32, #tpu.memory_space<vmem>>
    %dma_wait3A_123 = arith.constant 0 : i32
    %dma_wait3A_124 = tpu.memref_slice %arg10[%add3A_119, %dma_wait3A_123] : memref<10000x128xf32, #tpu.memory_space<vmem_shared>> -> memref<120x128xf32, #tpu.memory_space<vmem_shared>>
    %dma_wait3A_125 = arith.constant 0 : i32
    %dma_wait3A_126 = tpu.memref_slice %arg10[%add3A_119, %dma_wait3A_125] : memref<10000x128xf32, #tpu.memory_space<vmem_shared>> -> memref<120x128xf32, #tpu.memory_space<vmem_shared>>
    %dma_wait3A_127 = arith.constant 0 : i32
    %dma_wait3A_128 = arith.constant 0 : i32
    %dma_wait3A_129 = tpu.memref_slice %arg8[%dma_wait3A_127, %dma_wait3A_128] : memref<125x128xf32, #tpu.memory_space<vmem>> -> memref<120x128xf32, #tpu.memory_space<vmem>>
    tpu.wait_dma2 semaphore(%arg13 : memref<!tpu.dma_semaphore, #tpu.memory_space<semaphore_mem>>) src(%dma_wait3A_129 : memref<120x128xf32, #tpu.memory_space<vmem>>) dst(%dma_wait3A_126 : memref<120x128xf32, #tpu.memory_space<vmem_shared>>)
    %mul3A_130 = arith.constant 624 : i32
    %mul3A_131 = arith.muli %arg1, %mul3A_130 : i32
    %add3A_132 = arith.constant 240 : i32
    %add3A_133 = arith.addi %mul3A_131, %add3A_132 : i32
    %dma_wait3A_134 = arith.constant 0 : i32
    %dma_wait3A_135 = arith.constant 0 : i32
    %dma_wait3A_136 = tpu.memref_slice %arg8[%dma_wait3A_134, %dma_wait3A_135] : memref<125x128xf32, #tpu.memory_space<vmem>> -> memref<120x128xf32, #tpu.memory_space<vmem>>
    %dma_wait3A_137 = arith.constant 0 : i32
    %dma_wait3A_138 = tpu.memref_slice %arg10[%add3A_133, %dma_wait3A_137] : memref<10000x128xf32, #tpu.memory_space<vmem_shared>> -> memref<120x128xf32, #tpu.memory_space<vmem_shared>>
    %dma_wait3A_139 = arith.constant 0 : i32
    %dma_wait3A_140 = tpu.memref_slice %arg10[%add3A_133, %dma_wait3A_139] : memref<10000x128xf32, #tpu.memory_space<vmem_shared>> -> memref<120x128xf32, #tpu.memory_space<vmem_shared>>
    %dma_wait3A_141 = arith.constant 0 : i32
    %dma_wait3A_142 = arith.constant 0 : i32
    %dma_wait3A_143 = tpu.memref_slice %arg8[%dma_wait3A_141, %dma_wait3A_142] : memref<125x128xf32, #tpu.memory_space<vmem>> -> memref<120x128xf32, #tpu.memory_space<vmem>>
    tpu.wait_dma2 semaphore(%arg13 : memref<!tpu.dma_semaphore, #tpu.memory_space<semaphore_mem>>) src(%dma_wait3A_143 : memref<120x128xf32, #tpu.memory_space<vmem>>) dst(%dma_wait3A_140 : memref<120x128xf32, #tpu.memory_space<vmem_shared>>)
    %mul3A_144 = arith.constant 624 : i32
    %mul3A_145 = arith.muli %arg1, %mul3A_144 : i32
    %add3A_146 = arith.constant 360 : i32
    %add3A_147 = arith.addi %mul3A_145, %add3A_146 : i32
    %dma_wait3A_148 = arith.constant 0 : i32
    %dma_wait3A_149 = arith.constant 0 : i32
    %dma_wait3A_150 = tpu.memref_slice %arg8[%dma_wait3A_148, %dma_wait3A_149] : memref<125x128xf32, #tpu.memory_space<vmem>> -> memref<120x128xf32, #tpu.memory_space<vmem>>
    %dma_wait3A_151 = arith.constant 0 : i32
    %dma_wait3A_152 = tpu.memref_slice %arg10[%add3A_147, %dma_wait3A_151] : memref<10000x128xf32, #tpu.memory_space<vmem_shared>> -> memref<120x128xf32, #tpu.memory_space<vmem_shared>>
    %dma_wait3A_153 = arith.constant 0 : i32
    %dma_wait3A_154 = tpu.memref_slice %arg10[%add3A_147, %dma_wait3A_153] : memref<10000x128xf32, #tpu.memory_space<vmem_shared>> -> memref<120x128xf32, #tpu.memory_space<vmem_shared>>
    %dma_wait3A_155 = arith.constant 0 : i32
    %dma_wait3A_156 = arith.constant 0 : i32
    %dma_wait3A_157 = tpu.memref_slice %arg8[%dma_wait3A_155, %dma_wait3A_156] : memref<125x128xf32, #tpu.memory_space<vmem>> -> memref<120x128xf32, #tpu.memory_space<vmem>>
    tpu.wait_dma2 semaphore(%arg13 : memref<!tpu.dma_semaphore, #tpu.memory_space<semaphore_mem>>) src(%dma_wait3A_157 : memref<120x128xf32, #tpu.memory_space<vmem>>) dst(%dma_wait3A_154 : memref<120x128xf32, #tpu.memory_space<vmem_shared>>)
    %mul3A_158 = arith.constant 624 : i32
    %mul3A_159 = arith.muli %arg1, %mul3A_158 : i32
    %add3A_160 = arith.constant 480 : i32
    %add3A_161 = arith.addi %mul3A_159, %add3A_160 : i32
    %dma_wait3A_162 = arith.constant 0 : i32
    %dma_wait3A_163 = arith.constant 0 : i32
    %dma_wait3A_164 = tpu.memref_slice %arg8[%dma_wait3A_162, %dma_wait3A_163] : memref<125x128xf32, #tpu.memory_space<vmem>> -> memref<120x128xf32, #tpu.memory_space<vmem>>
    %dma_wait3A_165 = arith.constant 0 : i32
    %dma_wait3A_166 = tpu.memref_slice %arg10[%add3A_161, %dma_wait3A_165] : memref<10000x128xf32, #tpu.memory_space<vmem_shared>> -> memref<120x128xf32, #tpu.memory_space<vmem_shared>>
    %dma_wait3A_167 = arith.constant 0 : i32
    %dma_wait3A_168 = tpu.memref_slice %arg10[%add3A_161, %dma_wait3A_167] : memref<10000x128xf32, #tpu.memory_space<vmem_shared>> -> memref<120x128xf32, #tpu.memory_space<vmem_shared>>
    %dma_wait3A_169 = arith.constant 0 : i32
    %dma_wait3A_170 = arith.constant 0 : i32
    %dma_wait3A_171 = tpu.memref_slice %arg8[%dma_wait3A_169, %dma_wait3A_170] : memref<125x128xf32, #tpu.memory_space<vmem>> -> memref<120x128xf32, #tpu.memory_space<vmem>>
    tpu.wait_dma2 semaphore(%arg13 : memref<!tpu.dma_semaphore, #tpu.memory_space<semaphore_mem>>) src(%dma_wait3A_171 : memref<120x128xf32, #tpu.memory_space<vmem>>) dst(%dma_wait3A_168 : memref<120x128xf32, #tpu.memory_space<vmem_shared>>)
    %mul3A_172 = arith.constant 624 : i32
    %mul3A_173 = arith.muli %arg1, %mul3A_172 : i32
    %add3A_174 = arith.constant 600 : i32
    %add3A_175 = arith.addi %mul3A_173, %add3A_174 : i32
    %dma_wait3A_176 = arith.constant 0 : i32
    %dma_wait3A_177 = arith.constant 0 : i32
    %dma_wait3A_178 = tpu.memref_slice %arg8[%dma_wait3A_176, %dma_wait3A_177] : memref<125x128xf32, #tpu.memory_space<vmem>> -> memref<24x128xf32, #tpu.memory_space<vmem>>
    %dma_wait3A_179 = arith.constant 0 : i32
    %dma_wait3A_180 = tpu.memref_slice %arg10[%add3A_175, %dma_wait3A_179] : memref<10000x128xf32, #tpu.memory_space<vmem_shared>> -> memref<24x128xf32, #tpu.memory_space<vmem_shared>>
    %dma_wait3A_181 = arith.constant 0 : i32
    %dma_wait3A_182 = tpu.memref_slice %arg10[%add3A_175, %dma_wait3A_181] : memref<10000x128xf32, #tpu.memory_space<vmem_shared>> -> memref<24x128xf32, #tpu.memory_space<vmem_shared>>
    %dma_wait3A_183 = arith.constant 0 : i32
    %dma_wait3A_184 = arith.constant 0 : i32
    %dma_wait3A_185 = tpu.memref_slice %arg8[%dma_wait3A_183, %dma_wait3A_184] : memref<125x128xf32, #tpu.memory_space<vmem>> -> memref<24x128xf32, #tpu.memory_space<vmem>>
    tpu.wait_dma2 semaphore(%arg13 : memref<!tpu.dma_semaphore, #tpu.memory_space<semaphore_mem>>) src(%dma_wait3A_185 : memref<24x128xf32, #tpu.memory_space<vmem>>) dst(%dma_wait3A_182 : memref<24x128xf32, #tpu.memory_space<vmem_shared>>)
    %eq3A_186 = arith.constant 15 : i32
    %eq3A_187 = arith.cmpi eq, %arg1, %eq3A_186 : i32
    %convert_element_type3A_188 = arith.extui %eq3A_187 : i1 to i32
    %cond3A_189 = arith.constant 0 : i32
    %cond3A_190 = arith.cmpi ne, %convert_element_type3A_188, %cond3A_189 : i32
    scf.if %cond3A_190 {
      %dma_wait3A_244 = arith.constant 0 : i32
      %dma_wait3A_245 = arith.constant 0 : i32
      %dma_wait3A_246 = tpu.memref_slice %arg8[%dma_wait3A_244, %dma_wait3A_245] : memref<125x128xf32, #tpu.memory_space<vmem>> -> memref<16x128xf32, #tpu.memory_space<vmem>>
      %dma_wait3A_247 = arith.constant 9984 : i32
      %dma_wait3A_248 = arith.constant 0 : i32
      %dma_wait3A_249 = tpu.memref_slice %arg10[%dma_wait3A_247, %dma_wait3A_248] : memref<10000x128xf32, #tpu.memory_space<vmem_shared>> -> memref<16x128xf32, #tpu.memory_space<vmem_shared>>
      %dma_wait3A_250 = arith.constant 9984 : i32
      %dma_wait3A_251 = arith.constant 0 : i32
      %dma_wait3A_252 = tpu.memref_slice %arg10[%dma_wait3A_250, %dma_wait3A_251] : memref<10000x128xf32, #tpu.memory_space<vmem_shared>> -> memref<16x128xf32, #tpu.memory_space<vmem_shared>>
      %dma_wait3A_253 = arith.constant 0 : i32
      %dma_wait3A_254 = arith.constant 0 : i32
      %dma_wait3A_255 = tpu.memref_slice %arg8[%dma_wait3A_253, %dma_wait3A_254] : memref<125x128xf32, #tpu.memory_space<vmem>> -> memref<16x128xf32, #tpu.memory_space<vmem>>
      tpu.wait_dma2 semaphore(%arg13 : memref<!tpu.dma_semaphore, #tpu.memory_space<semaphore_mem>>) src(%dma_wait3A_255 : memref<16x128xf32, #tpu.memory_space<vmem>>) dst(%dma_wait3A_252 : memref<16x128xf32, #tpu.memory_space<vmem_shared>>)
    } else {
    }
    %dma_start3A_191 = arith.constant 0 : i32
    %dma_start3A_192 = arith.constant 0 : i32
    %dma_start3A_193 = tpu.memref_slice %arg6[%dma_start3A_191, %dma_start3A_192] : memref<40x125xi32, #tpu.memory_space<vmem>> -> memref<1x125xi32, #tpu.memory_space<vmem>>
    %dma_start3A_194 = tpu.memref_squeeze %dma_start3A_193 : memref<1x125xi32, #tpu.memory_space<vmem>> -> memref<125xi32, #tpu.memory_space<vmem>>
    %dma_start3A_195 = arith.constant 0 : i32
    %dma_start3A_196 = arith.constant 0 : i32
    %dma_start3A_197 = tpu.memref_slice %arg4[%dma_start3A_195, %dma_start3A_196] : memref<10000x128xf32, #tpu.memory_space<hbm>> -> memref<10000x128xf32, #tpu.memory_space<hbm>>
    tpu.enqueue_indirect_dma source(%dma_start3A_197 : memref<10000x128xf32, #tpu.memory_space<hbm>>) target(%arg8 : memref<125x128xf32, #tpu.memory_space<vmem>>) offsets(%dma_start3A_194 : memref<125xi32, #tpu.memory_space<vmem>>) semaphore(%arg11 : memref<!tpu.dma_semaphore, #tpu.memory_space<semaphore_mem>>)
    %barrier3A = arith.constant 0 : index
    tpu.barrier barrier_id(%barrier3A)
    %while3A_198 = arith.constant 0 : i32
    %while3A_199 = arith.constant 0 : i32
    %while3A_200 = arith.constant 20 : i32
    %while3A_201 = arith.subi %while3A_200, %while3A_199 : i32
    %while3A_202 = arith.addi %while3A_199, %while3A_201 : i32
    %while3A_203 = arith.constant 1 : i32
    %while3A_204 = arith.divsi %while3A_201, %while3A_203 : i32
    %while3A_205 = arith.muli %while3A_204, %while3A_203 : i32
    %while3A_206 = arith.addi %while3A_199, %while3A_205 : i32
    %while3A_207 = arith.constant 1 : i32
    scf.for %while3A_244 = %while3A_199 to %while3A_206 step %while3A_207  : i32 {
      %mul3A_245 = arith.constant 2 : i32
      %mul3A_246 = arith.muli %while3A_244, %mul3A_245 : i32
      %add3A_247 = arith.constant 1 : i32
      %add3A_248 = arith.addi %mul3A_246, %add3A_247 : i32
      %dma_wait3A_249 = arith.constant 0 : i32
      %dma_wait3A_250 = tpu.memref_slice %arg6[%mul3A_246, %dma_wait3A_249] : memref<40x125xi32, #tpu.memory_space<vmem>> -> memref<1x125xi32, #tpu.memory_space<vmem>>
      %dma_wait3A_251 = tpu.memref_squeeze %dma_wait3A_250 : memref<1x125xi32, #tpu.memory_space<vmem>> -> memref<125xi32, #tpu.memory_space<vmem>>
      %dma_wait3A_252 = arith.constant 0 : i32
      %dma_wait3A_253 = arith.constant 0 : i32
      %dma_wait3A_254 = tpu.memref_slice %arg4[%dma_wait3A_252, %dma_wait3A_253] : memref<10000x128xf32, #tpu.memory_space<hbm>> -> memref<10000x128xf32, #tpu.memory_space<hbm>>
      tpu.wait_indirect_dma semaphore(%arg11 : memref<!tpu.dma_semaphore, #tpu.memory_space<semaphore_mem>>) src(%dma_wait3A_254 : memref<10000x128xf32, #tpu.memory_space<hbm>>) dst(%arg8 : memref<125x128xf32, #tpu.memory_space<vmem>>)
      "tpu.region"() ({
        %run_scoped3A = tpu.sem_alloc : memref<!tpu.dma_semaphore, #tpu.memory_space<semaphore_mem>>
        %dma_start3A_274 = arith.constant 0 : i32
        %dma_start3A_275 = tpu.memref_slice %arg7[%mul3A_246, %dma_start3A_274] : memref<40x125xi32, #tpu.memory_space<vmem>> -> memref<1x125xi32, #tpu.memory_space<vmem>>
        %dma_start3A_276 = tpu.memref_squeeze %dma_start3A_275 : memref<1x125xi32, #tpu.memory_space<vmem>> -> memref<125xi32, #tpu.memory_space<vmem>>
        %dma_start3A_277 = arith.constant 0 : i32
        %dma_start3A_278 = arith.constant 0 : i32
        %dma_start3A_279 = tpu.memref_slice %arg10[%dma_start3A_277, %dma_start3A_278] : memref<10000x128xf32, #tpu.memory_space<vmem_shared>> -> memref<10000x128xf32, #tpu.memory_space<vmem_shared>>
        tpu.enqueue_indirect_dma source(%arg8 : memref<125x128xf32, #tpu.memory_space<vmem>>) target(%dma_start3A_279 : memref<10000x128xf32, #tpu.memory_space<vmem_shared>>) offsets(%dma_start3A_276 : memref<125xi32, #tpu.memory_space<vmem>>) semaphore(%run_scoped3A : memref<!tpu.dma_semaphore, #tpu.memory_space<semaphore_mem>>) {add = true}
        %dma_wait3A_280 = arith.constant 0 : i32
        %dma_wait3A_281 = tpu.memref_slice %arg7[%mul3A_246, %dma_wait3A_280] : memref<40x125xi32, #tpu.memory_space<vmem>> -> memref<1x125xi32, #tpu.memory_space<vmem>>
        %dma_wait3A_282 = tpu.memref_squeeze %dma_wait3A_281 : memref<1x125xi32, #tpu.memory_space<vmem>> -> memref<125xi32, #tpu.memory_space<vmem>>
        %dma_wait3A_283 = arith.constant 0 : i32
        %dma_wait3A_284 = arith.constant 0 : i32
        %dma_wait3A_285 = tpu.memref_slice %arg10[%dma_wait3A_283, %dma_wait3A_284] : memref<10000x128xf32, #tpu.memory_space<vmem_shared>> -> memref<10000x128xf32, #tpu.memory_space<vmem_shared>>
        tpu.wait_indirect_dma semaphore(%run_scoped3A : memref<!tpu.dma_semaphore, #tpu.memory_space<semaphore_mem>>) src(%arg8 : memref<125x128xf32, #tpu.memory_space<vmem>>) dst(%dma_wait3A_285 : memref<10000x128xf32, #tpu.memory_space<vmem_shared>>)
        tpu.yield
      }) : () -> ()
      %add3A_255 = arith.constant 2 : i32
      %add3A_256 = arith.addi %mul3A_246, %add3A_255 : i32
      %lt3A = arith.constant 40 : i32
      %lt3A_257 = arith.cmpi slt, %add3A_256, %lt3A : i32
      %convert_element_type3A_258 = arith.extui %lt3A_257 : i1 to i32
      %cond3A_259 = arith.constant 0 : i32
      %cond3A_260 = arith.cmpi ne, %convert_element_type3A_258, %cond3A_259 : i32
      scf.if %cond3A_260 {
        %add3A_274 = arith.constant 2 : i32
        %add3A_275 = arith.addi %mul3A_246, %add3A_274 : i32
        %dma_start3A_276 = arith.constant 0 : i32
        %dma_start3A_277 = tpu.memref_slice %arg6[%add3A_275, %dma_start3A_276] : memref<40x125xi32, #tpu.memory_space<vmem>> -> memref<1x125xi32, #tpu.memory_space<vmem>>
        %dma_start3A_278 = tpu.memref_squeeze %dma_start3A_277 : memref<1x125xi32, #tpu.memory_space<vmem>> -> memref<125xi32, #tpu.memory_space<vmem>>
        %dma_start3A_279 = arith.constant 0 : i32
        %dma_start3A_280 = arith.constant 0 : i32
        %dma_start3A_281 = tpu.memref_slice %arg4[%dma_start3A_279, %dma_start3A_280] : memref<10000x128xf32, #tpu.memory_space<hbm>> -> memref<10000x128xf32, #tpu.memory_space<hbm>>
        tpu.enqueue_indirect_dma source(%dma_start3A_281 : memref<10000x128xf32, #tpu.memory_space<hbm>>) target(%arg8 : memref<125x128xf32, #tpu.memory_space<vmem>>) offsets(%dma_start3A_278 : memref<125xi32, #tpu.memory_space<vmem>>) semaphore(%arg11 : memref<!tpu.dma_semaphore, #tpu.memory_space<semaphore_mem>>)
      } else {
      }
      %dma_wait3A_261 = arith.constant 0 : i32
      %dma_wait3A_262 = tpu.memref_slice %arg6[%add3A_248, %dma_wait3A_261] : memref<40x125xi32, #tpu.memory_space<vmem>> -> memref<1x125xi32, #tpu.memory_space<vmem>>
      %dma_wait3A_263 = tpu.memref_squeeze %dma_wait3A_262 : memref<1x125xi32, #tpu.memory_space<vmem>> -> memref<125xi32, #tpu.memory_space<vmem>>
      %dma_wait3A_264 = arith.constant 0 : i32
      %dma_wait3A_265 = arith.constant 0 : i32
      %dma_wait3A_266 = tpu.memref_slice %arg4[%dma_wait3A_264, %dma_wait3A_265] : memref<10000x128xf32, #tpu.memory_space<hbm>> -> memref<10000x128xf32, #tpu.memory_space<hbm>>
      tpu.wait_indirect_dma semaphore(%arg12 : memref<!tpu.dma_semaphore, #tpu.memory_space<semaphore_mem>>) src(%dma_wait3A_266 : memref<10000x128xf32, #tpu.memory_space<hbm>>) dst(%arg9 : memref<125x128xf32, #tpu.memory_space<vmem>>)
      "tpu.region"() ({
        %run_scoped3A = tpu.sem_alloc : memref<!tpu.dma_semaphore, #tpu.memory_space<semaphore_mem>>
        %dma_start3A_274 = arith.constant 0 : i32
        %dma_start3A_275 = tpu.memref_slice %arg7[%add3A_248, %dma_start3A_274] : memref<40x125xi32, #tpu.memory_space<vmem>> -> memref<1x125xi32, #tpu.memory_space<vmem>>
        %dma_start3A_276 = tpu.memref_squeeze %dma_start3A_275 : memref<1x125xi32, #tpu.memory_space<vmem>> -> memref<125xi32, #tpu.memory_space<vmem>>
        %dma_start3A_277 = arith.constant 0 : i32
        %dma_start3A_278 = arith.constant 0 : i32
        %dma_start3A_279 = tpu.memref_slice %arg10[%dma_start3A_277, %dma_start3A_278] : memref<10000x128xf32, #tpu.memory_space<vmem_shared>> -> memref<10000x128xf32, #tpu.memory_space<vmem_shared>>
        tpu.enqueue_indirect_dma source(%arg9 : memref<125x128xf32, #tpu.memory_space<vmem>>) target(%dma_start3A_279 : memref<10000x128xf32, #tpu.memory_space<vmem_shared>>) offsets(%dma_start3A_276 : memref<125xi32, #tpu.memory_space<vmem>>) semaphore(%run_scoped3A : memref<!tpu.dma_semaphore, #tpu.memory_space<semaphore_mem>>) {add = true}
        %dma_wait3A_280 = arith.constant 0 : i32
        %dma_wait3A_281 = tpu.memref_slice %arg7[%add3A_248, %dma_wait3A_280] : memref<40x125xi32, #tpu.memory_space<vmem>> -> memref<1x125xi32, #tpu.memory_space<vmem>>
        %dma_wait3A_282 = tpu.memref_squeeze %dma_wait3A_281 : memref<1x125xi32, #tpu.memory_space<vmem>> -> memref<125xi32, #tpu.memory_space<vmem>>
        %dma_wait3A_283 = arith.constant 0 : i32
        %dma_wait3A_284 = arith.constant 0 : i32
        %dma_wait3A_285 = tpu.memref_slice %arg10[%dma_wait3A_283, %dma_wait3A_284] : memref<10000x128xf32, #tpu.memory_space<vmem_shared>> -> memref<10000x128xf32, #tpu.memory_space<vmem_shared>>
        tpu.wait_indirect_dma semaphore(%run_scoped3A : memref<!tpu.dma_semaphore, #tpu.memory_space<semaphore_mem>>) src(%arg9 : memref<125x128xf32, #tpu.memory_space<vmem>>) dst(%dma_wait3A_285 : memref<10000x128xf32, #tpu.memory_space<vmem_shared>>)
        tpu.yield
      }) : () -> ()
      %add3A_267 = arith.constant 2 : i32
      %add3A_268 = arith.addi %add3A_248, %add3A_267 : i32
      %lt3A_269 = arith.constant 40 : i32
      %lt3A_270 = arith.cmpi slt, %add3A_268, %lt3A_269 : i32
      %convert_element_type3A_271 = arith.extui %lt3A_270 : i1 to i32
      %cond3A_272 = arith.constant 0 : i32
      %cond3A_273 = arith.cmpi ne, %convert_element_type3A_271, %cond3A_272 : i32
      scf.if %cond3A_273 {
        %add3A_274 = arith.constant 2 : i32
        %add3A_275 = arith.addi %add3A_248, %add3A_274 : i32
        %dma_start3A_276 = arith.constant 0 : i32
        %dma_start3A_277 = tpu.memref_slice %arg6[%add3A_275, %dma_start3A_276] : memref<40x125xi32, #tpu.memory_space<vmem>> -> memref<1x125xi32, #tpu.memory_space<vmem>>
        %dma_start3A_278 = tpu.memref_squeeze %dma_start3A_277 : memref<1x125xi32, #tpu.memory_space<vmem>> -> memref<125xi32, #tpu.memory_space<vmem>>
        %dma_start3A_279 = arith.constant 0 : i32
        %dma_start3A_280 = arith.constant 0 : i32
        %dma_start3A_281 = tpu.memref_slice %arg4[%dma_start3A_279, %dma_start3A_280] : memref<10000x128xf32, #tpu.memory_space<hbm>> -> memref<10000x128xf32, #tpu.memory_space<hbm>>
        tpu.enqueue_indirect_dma source(%dma_start3A_281 : memref<10000x128xf32, #tpu.memory_space<hbm>>) target(%arg9 : memref<125x128xf32, #tpu.memory_space<vmem>>) offsets(%dma_start3A_278 : memref<125xi32, #tpu.memory_space<vmem>>) semaphore(%arg12 : memref<!tpu.dma_semaphore, #tpu.memory_space<semaphore_mem>>)
      } else {
      }
    }
    %while3A_208 = arith.constant 1 : i32
    scf.for %while3A_244 = %while3A_206 to %while3A_202 step %while3A_208  : i32 {
      %mul3A_245 = arith.constant 2 : i32
      %mul3A_246 = arith.muli %while3A_244, %mul3A_245 : i32
      %add3A_247 = arith.constant 1 : i32
      %add3A_248 = arith.addi %mul3A_246, %add3A_247 : i32
      %dma_wait3A_249 = arith.constant 0 : i32
      %dma_wait3A_250 = tpu.memref_slice %arg6[%mul3A_246, %dma_wait3A_249] : memref<40x125xi32, #tpu.memory_space<vmem>> -> memref<1x125xi32, #tpu.memory_space<vmem>>
      %dma_wait3A_251 = tpu.memref_squeeze %dma_wait3A_250 : memref<1x125xi32, #tpu.memory_space<vmem>> -> memref<125xi32, #tpu.memory_space<vmem>>
      %dma_wait3A_252 = arith.constant 0 : i32
      %dma_wait3A_253 = arith.constant 0 : i32
      %dma_wait3A_254 = tpu.memref_slice %arg4[%dma_wait3A_252, %dma_wait3A_253] : memref<10000x128xf32, #tpu.memory_space<hbm>> -> memref<10000x128xf32, #tpu.memory_space<hbm>>
      tpu.wait_indirect_dma semaphore(%arg11 : memref<!tpu.dma_semaphore, #tpu.memory_space<semaphore_mem>>) src(%dma_wait3A_254 : memref<10000x128xf32, #tpu.memory_space<hbm>>) dst(%arg8 : memref<125x128xf32, #tpu.memory_space<vmem>>)
      "tpu.region"() ({
        %run_scoped3A = tpu.sem_alloc : memref<!tpu.dma_semaphore, #tpu.memory_space<semaphore_mem>>
        %dma_start3A_274 = arith.constant 0 : i32
        %dma_start3A_275 = tpu.memref_slice %arg7[%mul3A_246, %dma_start3A_274] : memref<40x125xi32, #tpu.memory_space<vmem>> -> memref<1x125xi32, #tpu.memory_space<vmem>>
        %dma_start3A_276 = tpu.memref_squeeze %dma_start3A_275 : memref<1x125xi32, #tpu.memory_space<vmem>> -> memref<125xi32, #tpu.memory_space<vmem>>
        %dma_start3A_277 = arith.constant 0 : i32
        %dma_start3A_278 = arith.constant 0 : i32
        %dma_start3A_279 = tpu.memref_slice %arg10[%dma_start3A_277, %dma_start3A_278] : memref<10000x128xf32, #tpu.memory_space<vmem_shared>> -> memref<10000x128xf32, #tpu.memory_space<vmem_shared>>
        tpu.enqueue_indirect_dma source(%arg8 : memref<125x128xf32, #tpu.memory_space<vmem>>) target(%dma_start3A_279 : memref<10000x128xf32, #tpu.memory_space<vmem_shared>>) offsets(%dma_start3A_276 : memref<125xi32, #tpu.memory_space<vmem>>) semaphore(%run_scoped3A : memref<!tpu.dma_semaphore, #tpu.memory_space<semaphore_mem>>) {add = true}
        %dma_wait3A_280 = arith.constant 0 : i32
        %dma_wait3A_281 = tpu.memref_slice %arg7[%mul3A_246, %dma_wait3A_280] : memref<40x125xi32, #tpu.memory_space<vmem>> -> memref<1x125xi32, #tpu.memory_space<vmem>>
        %dma_wait3A_282 = tpu.memref_squeeze %dma_wait3A_281 : memref<1x125xi32, #tpu.memory_space<vmem>> -> memref<125xi32, #tpu.memory_space<vmem>>
        %dma_wait3A_283 = arith.constant 0 : i32
        %dma_wait3A_284 = arith.constant 0 : i32
        %dma_wait3A_285 = tpu.memref_slice %arg10[%dma_wait3A_283, %dma_wait3A_284] : memref<10000x128xf32, #tpu.memory_space<vmem_shared>> -> memref<10000x128xf32, #tpu.memory_space<vmem_shared>>
        tpu.wait_indirect_dma semaphore(%run_scoped3A : memref<!tpu.dma_semaphore, #tpu.memory_space<semaphore_mem>>) src(%arg8 : memref<125x128xf32, #tpu.memory_space<vmem>>) dst(%dma_wait3A_285 : memref<10000x128xf32, #tpu.memory_space<vmem_shared>>)
        tpu.yield
      }) : () -> ()
      %add3A_255 = arith.constant 2 : i32
      %add3A_256 = arith.addi %mul3A_246, %add3A_255 : i32
      %lt3A = arith.constant 40 : i32
      %lt3A_257 = arith.cmpi slt, %add3A_256, %lt3A : i32
      %convert_element_type3A_258 = arith.extui %lt3A_257 : i1 to i32
      %cond3A_259 = arith.constant 0 : i32
      %cond3A_260 = arith.cmpi ne, %convert_element_type3A_258, %cond3A_259 : i32
      scf.if %cond3A_260 {
        %add3A_274 = arith.constant 2 : i32
        %add3A_275 = arith.addi %mul3A_246, %add3A_274 : i32
        %dma_start3A_276 = arith.constant 0 : i32
        %dma_start3A_277 = tpu.memref_slice %arg6[%add3A_275, %dma_start3A_276] : memref<40x125xi32, #tpu.memory_space<vmem>> -> memref<1x125xi32, #tpu.memory_space<vmem>>
        %dma_start3A_278 = tpu.memref_squeeze %dma_start3A_277 : memref<1x125xi32, #tpu.memory_space<vmem>> -> memref<125xi32, #tpu.memory_space<vmem>>
        %dma_start3A_279 = arith.constant 0 : i32
        %dma_start3A_280 = arith.constant 0 : i32
        %dma_start3A_281 = tpu.memref_slice %arg4[%dma_start3A_279, %dma_start3A_280] : memref<10000x128xf32, #tpu.memory_space<hbm>> -> memref<10000x128xf32, #tpu.memory_space<hbm>>
        tpu.enqueue_indirect_dma source(%dma_start3A_281 : memref<10000x128xf32, #tpu.memory_space<hbm>>) target(%arg8 : memref<125x128xf32, #tpu.memory_space<vmem>>) offsets(%dma_start3A_278 : memref<125xi32, #tpu.memory_space<vmem>>) semaphore(%arg11 : memref<!tpu.dma_semaphore, #tpu.memory_space<semaphore_mem>>)
      } else {
      }
      %dma_wait3A_261 = arith.constant 0 : i32
      %dma_wait3A_262 = tpu.memref_slice %arg6[%add3A_248, %dma_wait3A_261] : memref<40x125xi32, #tpu.memory_space<vmem>> -> memref<1x125xi32, #tpu.memory_space<vmem>>
      %dma_wait3A_263 = tpu.memref_squeeze %dma_wait3A_262 : memref<1x125xi32, #tpu.memory_space<vmem>> -> memref<125xi32, #tpu.memory_space<vmem>>
      %dma_wait3A_264 = arith.constant 0 : i32
      %dma_wait3A_265 = arith.constant 0 : i32
      %dma_wait3A_266 = tpu.memref_slice %arg4[%dma_wait3A_264, %dma_wait3A_265] : memref<10000x128xf32, #tpu.memory_space<hbm>> -> memref<10000x128xf32, #tpu.memory_space<hbm>>
      tpu.wait_indirect_dma semaphore(%arg12 : memref<!tpu.dma_semaphore, #tpu.memory_space<semaphore_mem>>) src(%dma_wait3A_266 : memref<10000x128xf32, #tpu.memory_space<hbm>>) dst(%arg9 : memref<125x128xf32, #tpu.memory_space<vmem>>)
      "tpu.region"() ({
        %run_scoped3A = tpu.sem_alloc : memref<!tpu.dma_semaphore, #tpu.memory_space<semaphore_mem>>
        %dma_start3A_274 = arith.constant 0 : i32
        %dma_start3A_275 = tpu.memref_slice %arg7[%add3A_248, %dma_start3A_274] : memref<40x125xi32, #tpu.memory_space<vmem>> -> memref<1x125xi32, #tpu.memory_space<vmem>>
        %dma_start3A_276 = tpu.memref_squeeze %dma_start3A_275 : memref<1x125xi32, #tpu.memory_space<vmem>> -> memref<125xi32, #tpu.memory_space<vmem>>
        %dma_start3A_277 = arith.constant 0 : i32
        %dma_start3A_278 = arith.constant 0 : i32
        %dma_start3A_279 = tpu.memref_slice %arg10[%dma_start3A_277, %dma_start3A_278] : memref<10000x128xf32, #tpu.memory_space<vmem_shared>> -> memref<10000x128xf32, #tpu.memory_space<vmem_shared>>
        tpu.enqueue_indirect_dma source(%arg9 : memref<125x128xf32, #tpu.memory_space<vmem>>) target(%dma_start3A_279 : memref<10000x128xf32, #tpu.memory_space<vmem_shared>>) offsets(%dma_start3A_276 : memref<125xi32, #tpu.memory_space<vmem>>) semaphore(%run_scoped3A : memref<!tpu.dma_semaphore, #tpu.memory_space<semaphore_mem>>) {add = true}
        %dma_wait3A_280 = arith.constant 0 : i32
        %dma_wait3A_281 = tpu.memref_slice %arg7[%add3A_248, %dma_wait3A_280] : memref<40x125xi32, #tpu.memory_space<vmem>> -> memref<1x125xi32, #tpu.memory_space<vmem>>
        %dma_wait3A_282 = tpu.memref_squeeze %dma_wait3A_281 : memref<1x125xi32, #tpu.memory_space<vmem>> -> memref<125xi32, #tpu.memory_space<vmem>>
        %dma_wait3A_283 = arith.constant 0 : i32
        %dma_wait3A_284 = arith.constant 0 : i32
        %dma_wait3A_285 = tpu.memref_slice %arg10[%dma_wait3A_283, %dma_wait3A_284] : memref<10000x128xf32, #tpu.memory_space<vmem_shared>> -> memref<10000x128xf32, #tpu.memory_space<vmem_shared>>
        tpu.wait_indirect_dma semaphore(%run_scoped3A : memref<!tpu.dma_semaphore, #tpu.memory_space<semaphore_mem>>) src(%arg9 : memref<125x128xf32, #tpu.memory_space<vmem>>) dst(%dma_wait3A_285 : memref<10000x128xf32, #tpu.memory_space<vmem_shared>>)
        tpu.yield
      }) : () -> ()
      %add3A_267 = arith.constant 2 : i32
      %add3A_268 = arith.addi %add3A_248, %add3A_267 : i32
      %lt3A_269 = arith.constant 40 : i32
      %lt3A_270 = arith.cmpi slt, %add3A_268, %lt3A_269 : i32
      %convert_element_type3A_271 = arith.extui %lt3A_270 : i1 to i32
      %cond3A_272 = arith.constant 0 : i32
      %cond3A_273 = arith.cmpi ne, %convert_element_type3A_271, %cond3A_272 : i32
      scf.if %cond3A_273 {
        %add3A_274 = arith.constant 2 : i32
        %add3A_275 = arith.addi %add3A_248, %add3A_274 : i32
        %dma_start3A_276 = arith.constant 0 : i32
        %dma_start3A_277 = tpu.memref_slice %arg6[%add3A_275, %dma_start3A_276] : memref<40x125xi32, #tpu.memory_space<vmem>> -> memref<1x125xi32, #tpu.memory_space<vmem>>
        %dma_start3A_278 = tpu.memref_squeeze %dma_start3A_277 : memref<1x125xi32, #tpu.memory_space<vmem>> -> memref<125xi32, #tpu.memory_space<vmem>>
        %dma_start3A_279 = arith.constant 0 : i32
        %dma_start3A_280 = arith.constant 0 : i32
        %dma_start3A_281 = tpu.memref_slice %arg4[%dma_start3A_279, %dma_start3A_280] : memref<10000x128xf32, #tpu.memory_space<hbm>> -> memref<10000x128xf32, #tpu.memory_space<hbm>>
        tpu.enqueue_indirect_dma source(%dma_start3A_281 : memref<10000x128xf32, #tpu.memory_space<hbm>>) target(%arg9 : memref<125x128xf32, #tpu.memory_space<vmem>>) offsets(%dma_start3A_278 : memref<125xi32, #tpu.memory_space<vmem>>) semaphore(%arg12 : memref<!tpu.dma_semaphore, #tpu.memory_space<semaphore_mem>>)
      } else {
      }
    }
    "tpu.region"() ({
      %run_scoped3A = tpu.sem_alloc : memref<!tpu.dma_semaphore, #tpu.memory_space<semaphore_mem>>
      %dma_start3A_244 = arith.constant 0 : i32
      %dma_start3A_245 = arith.constant 0 : i32
      %dma_start3A_246 = tpu.memref_slice %arg2[%add3A, %dma_start3A_244, %dma_start3A_245] : memref<32x80x125xi32, #tpu.memory_space<hbm>> -> memref<1x80x125xi32, #tpu.memory_space<hbm>>
      %dma_start3A_247 = tpu.memref_squeeze %dma_start3A_246 : memref<1x80x125xi32, #tpu.memory_space<hbm>> -> memref<80x125xi32, #tpu.memory_space<hbm>>
      %dma_start3A_248 = arith.constant 40 : i32
      %dma_start3A_249 = arith.constant 0 : i32
      %dma_start3A_250 = tpu.memref_slice %dma_start3A_247[%dma_start3A_248, %dma_start3A_249] : memref<80x125xi32, #tpu.memory_space<hbm>> -> memref<40x125xi32, #tpu.memory_space<hbm>>
      %dma_start3A_251 = arith.constant 0 : i32
      %dma_start3A_252 = arith.constant 0 : i32
      %dma_start3A_253 = tpu.memref_slice %arg2[%add3A, %dma_start3A_251, %dma_start3A_252] : memref<32x80x125xi32, #tpu.memory_space<hbm>> -> memref<1x80x125xi32, #tpu.memory_space<hbm>>
      %dma_start3A_254 = tpu.memref_squeeze %dma_start3A_253 : memref<1x80x125xi32, #tpu.memory_space<hbm>> -> memref<80x125xi32, #tpu.memory_space<hbm>>
      %dma_start3A_255 = arith.constant 40 : i32
      %dma_start3A_256 = arith.constant 0 : i32
      %dma_start3A_257 = tpu.memref_slice %dma_start3A_254[%dma_start3A_255, %dma_start3A_256] : memref<80x125xi32, #tpu.memory_space<hbm>> -> memref<40x125xi32, #tpu.memory_space<hbm>>
      tpu.enqueue_dma source(%dma_start3A_257 : memref<40x125xi32, #tpu.memory_space<hbm>>) target(%arg6 : memref<40x125xi32, #tpu.memory_space<vmem>>) target_semaphore(%run_scoped3A : memref<!tpu.dma_semaphore, #tpu.memory_space<semaphore_mem>>)
      %dma_wait3A_258 = arith.constant 0 : i32
      %dma_wait3A_259 = arith.constant 0 : i32
      %dma_wait3A_260 = tpu.memref_slice %arg2[%add3A, %dma_wait3A_258, %dma_wait3A_259] : memref<32x80x125xi32, #tpu.memory_space<hbm>> -> memref<1x80x125xi32, #tpu.memory_space<hbm>>
      %dma_wait3A_261 = tpu.memref_squeeze %dma_wait3A_260 : memref<1x80x125xi32, #tpu.memory_space<hbm>> -> memref<80x125xi32, #tpu.memory_space<hbm>>
      %dma_wait3A_262 = arith.constant 40 : i32
      %dma_wait3A_263 = arith.constant 0 : i32
      %dma_wait3A_264 = tpu.memref_slice %dma_wait3A_261[%dma_wait3A_262, %dma_wait3A_263] : memref<80x125xi32, #tpu.memory_space<hbm>> -> memref<40x125xi32, #tpu.memory_space<hbm>>
      %dma_wait3A_265 = arith.constant 0 : i32
      %dma_wait3A_266 = arith.constant 0 : i32
      %dma_wait3A_267 = tpu.memref_slice %arg2[%add3A, %dma_wait3A_265, %dma_wait3A_266] : memref<32x80x125xi32, #tpu.memory_space<hbm>> -> memref<1x80x125xi32, #tpu.memory_space<hbm>>
      %dma_wait3A_268 = tpu.memref_squeeze %dma_wait3A_267 : memref<1x80x125xi32, #tpu.memory_space<hbm>> -> memref<80x125xi32, #tpu.memory_space<hbm>>
      %dma_wait3A_269 = arith.constant 40 : i32
      %dma_wait3A_270 = arith.constant 0 : i32
      %dma_wait3A_271 = tpu.memref_slice %dma_wait3A_268[%dma_wait3A_269, %dma_wait3A_270] : memref<80x125xi32, #tpu.memory_space<hbm>> -> memref<40x125xi32, #tpu.memory_space<hbm>>
      tpu.wait_dma2 semaphore(%run_scoped3A : memref<!tpu.dma_semaphore, #tpu.memory_space<semaphore_mem>>) src(%dma_wait3A_271 : memref<40x125xi32, #tpu.memory_space<hbm>>) dst(%arg6 : memref<40x125xi32, #tpu.memory_space<vmem>>)
      tpu.yield
    }) : () -> ()
    "tpu.region"() ({
      %run_scoped3A = tpu.sem_alloc : memref<!tpu.dma_semaphore, #tpu.memory_space<semaphore_mem>>
      %dma_start3A_244 = arith.constant 0 : i32
      %dma_start3A_245 = arith.constant 0 : i32
      %dma_start3A_246 = tpu.memref_slice %arg3[%add3A, %dma_start3A_244, %dma_start3A_245] : memref<32x80x125xi32, #tpu.memory_space<hbm>> -> memref<1x80x125xi32, #tpu.memory_space<hbm>>
      %dma_start3A_247 = tpu.memref_squeeze %dma_start3A_246 : memref<1x80x125xi32, #tpu.memory_space<hbm>> -> memref<80x125xi32, #tpu.memory_space<hbm>>
      %dma_start3A_248 = arith.constant 40 : i32
      %dma_start3A_249 = arith.constant 0 : i32
      %dma_start3A_250 = tpu.memref_slice %dma_start3A_247[%dma_start3A_248, %dma_start3A_249] : memref<80x125xi32, #tpu.memory_space<hbm>> -> memref<40x125xi32, #tpu.memory_space<hbm>>
      %dma_start3A_251 = arith.constant 0 : i32
      %dma_start3A_252 = arith.constant 0 : i32
      %dma_start3A_253 = tpu.memref_slice %arg3[%add3A, %dma_start3A_251, %dma_start3A_252] : memref<32x80x125xi32, #tpu.memory_space<hbm>> -> memref<1x80x125xi32, #tpu.memory_space<hbm>>
      %dma_start3A_254 = tpu.memref_squeeze %dma_start3A_253 : memref<1x80x125xi32, #tpu.memory_space<hbm>> -> memref<80x125xi32, #tpu.memory_space<hbm>>
      %dma_start3A_255 = arith.constant 40 : i32
      %dma_start3A_256 = arith.constant 0 : i32
      %dma_start3A_257 = tpu.memref_slice %dma_start3A_254[%dma_start3A_255, %dma_start3A_256] : memref<80x125xi32, #tpu.memory_space<hbm>> -> memref<40x125xi32, #tpu.memory_space<hbm>>
      tpu.enqueue_dma source(%dma_start3A_257 : memref<40x125xi32, #tpu.memory_space<hbm>>) target(%arg7 : memref<40x125xi32, #tpu.memory_space<vmem>>) target_semaphore(%run_scoped3A : memref<!tpu.dma_semaphore, #tpu.memory_space<semaphore_mem>>)
      %dma_wait3A_258 = arith.constant 0 : i32
      %dma_wait3A_259 = arith.constant 0 : i32
      %dma_wait3A_260 = tpu.memref_slice %arg3[%add3A, %dma_wait3A_258, %dma_wait3A_259] : memref<32x80x125xi32, #tpu.memory_space<hbm>> -> memref<1x80x125xi32, #tpu.memory_space<hbm>>
      %dma_wait3A_261 = tpu.memref_squeeze %dma_wait3A_260 : memref<1x80x125xi32, #tpu.memory_space<hbm>> -> memref<80x125xi32, #tpu.memory_space<hbm>>
      %dma_wait3A_262 = arith.constant 40 : i32
      %dma_wait3A_263 = arith.constant 0 : i32
      %dma_wait3A_264 = tpu.memref_slice %dma_wait3A_261[%dma_wait3A_262, %dma_wait3A_263] : memref<80x125xi32, #tpu.memory_space<hbm>> -> memref<40x125xi32, #tpu.memory_space<hbm>>
      %dma_wait3A_265 = arith.constant 0 : i32
      %dma_wait3A_266 = arith.constant 0 : i32
      %dma_wait3A_267 = tpu.memref_slice %arg3[%add3A, %dma_wait3A_265, %dma_wait3A_266] : memref<32x80x125xi32, #tpu.memory_space<hbm>> -> memref<1x80x125xi32, #tpu.memory_space<hbm>>
      %dma_wait3A_268 = tpu.memref_squeeze %dma_wait3A_267 : memref<1x80x125xi32, #tpu.memory_space<hbm>> -> memref<80x125xi32, #tpu.memory_space<hbm>>
      %dma_wait3A_269 = arith.constant 40 : i32
      %dma_wait3A_270 = arith.constant 0 : i32
      %dma_wait3A_271 = tpu.memref_slice %dma_wait3A_268[%dma_wait3A_269, %dma_wait3A_270] : memref<80x125xi32, #tpu.memory_space<hbm>> -> memref<40x125xi32, #tpu.memory_space<hbm>>
      tpu.wait_dma2 semaphore(%run_scoped3A : memref<!tpu.dma_semaphore, #tpu.memory_space<semaphore_mem>>) src(%dma_wait3A_271 : memref<40x125xi32, #tpu.memory_space<hbm>>) dst(%arg7 : memref<40x125xi32, #tpu.memory_space<vmem>>)
      tpu.yield
    }) : () -> ()
    %dma_start3A_209 = arith.constant 0 : i32
    %dma_start3A_210 = arith.constant 0 : i32
    %dma_start3A_211 = tpu.memref_slice %arg6[%dma_start3A_209, %dma_start3A_210] : memref<40x125xi32, #tpu.memory_space<vmem>> -> memref<1x125xi32, #tpu.memory_space<vmem>>
    %dma_start3A_212 = tpu.memref_squeeze %dma_start3A_211 : memref<1x125xi32, #tpu.memory_space<vmem>> -> memref<125xi32, #tpu.memory_space<vmem>>
    %dma_start3A_213 = arith.constant 0 : i32
    %dma_start3A_214 = arith.constant 0 : i32
    %dma_start3A_215 = tpu.memref_slice %arg4[%dma_start3A_213, %dma_start3A_214] : memref<10000x128xf32, #tpu.memory_space<hbm>> -> memref<10000x128xf32, #tpu.memory_space<hbm>>
    tpu.enqueue_indirect_dma source(%dma_start3A_215 : memref<10000x128xf32, #tpu.memory_space<hbm>>) target(%arg8 : memref<125x128xf32, #tpu.memory_space<vmem>>) offsets(%dma_start3A_212 : memref<125xi32, #tpu.memory_space<vmem>>) semaphore(%arg11 : memref<!tpu.dma_semaphore, #tpu.memory_space<semaphore_mem>>)
    %dma_start3A_216 = arith.constant 1 : i32
    %dma_start3A_217 = arith.constant 0 : i32
    %dma_start3A_218 = tpu.memref_slice %arg6[%dma_start3A_216, %dma_start3A_217] : memref<40x125xi32, #tpu.memory_space<vmem>> -> memref<1x125xi32, #tpu.memory_space<vmem>>
    %dma_start3A_219 = tpu.memref_squeeze %dma_start3A_218 : memref<1x125xi32, #tpu.memory_space<vmem>> -> memref<125xi32, #tpu.memory_space<vmem>>
    %dma_start3A_220 = arith.constant 0 : i32
    %dma_start3A_221 = arith.constant 0 : i32
    %dma_start3A_222 = tpu.memref_slice %arg4[%dma_start3A_220, %dma_start3A_221] : memref<10000x128xf32, #tpu.memory_space<hbm>> -> memref<10000x128xf32, #tpu.memory_space<hbm>>
    tpu.enqueue_indirect_dma source(%dma_start3A_222 : memref<10000x128xf32, #tpu.memory_space<hbm>>) target(%arg9 : memref<125x128xf32, #tpu.memory_space<vmem>>) offsets(%dma_start3A_219 : memref<125xi32, #tpu.memory_space<vmem>>) semaphore(%arg12 : memref<!tpu.dma_semaphore, #tpu.memory_space<semaphore_mem>>)
    %while3A_223 = arith.constant 0 : i32
    %while3A_224 = arith.constant 0 : i32
    %while3A_225 = arith.constant 20 : i32
    %while3A_226 = arith.subi %while3A_225, %while3A_224 : i32
    %while3A_227 = arith.addi %while3A_224, %while3A_226 : i32
    %while3A_228 = arith.constant 1 : i32
    %while3A_229 = arith.divsi %while3A_226, %while3A_228 : i32
    %while3A_230 = arith.muli %while3A_229, %while3A_228 : i32
    %while3A_231 = arith.addi %while3A_224, %while3A_230 : i32
    %while3A_232 = arith.constant 1 : i32
    scf.for %while3A_244 = %while3A_224 to %while3A_231 step %while3A_232  : i32 {
      %mul3A_245 = arith.constant 2 : i32
      %mul3A_246 = arith.muli %while3A_244, %mul3A_245 : i32
      %add3A_247 = arith.constant 1 : i32
      %add3A_248 = arith.addi %mul3A_246, %add3A_247 : i32
      %dma_wait3A_249 = arith.constant 0 : i32
      %dma_wait3A_250 = tpu.memref_slice %arg6[%mul3A_246, %dma_wait3A_249] : memref<40x125xi32, #tpu.memory_space<vmem>> -> memref<1x125xi32, #tpu.memory_space<vmem>>
      %dma_wait3A_251 = tpu.memref_squeeze %dma_wait3A_250 : memref<1x125xi32, #tpu.memory_space<vmem>> -> memref<125xi32, #tpu.memory_space<vmem>>
      %dma_wait3A_252 = arith.constant 0 : i32
      %dma_wait3A_253 = arith.constant 0 : i32
      %dma_wait3A_254 = tpu.memref_slice %arg4[%dma_wait3A_252, %dma_wait3A_253] : memref<10000x128xf32, #tpu.memory_space<hbm>> -> memref<10000x128xf32, #tpu.memory_space<hbm>>
      tpu.wait_indirect_dma semaphore(%arg11 : memref<!tpu.dma_semaphore, #tpu.memory_space<semaphore_mem>>) src(%dma_wait3A_254 : memref<10000x128xf32, #tpu.memory_space<hbm>>) dst(%arg8 : memref<125x128xf32, #tpu.memory_space<vmem>>)
      "tpu.region"() ({
        %run_scoped3A = tpu.sem_alloc : memref<!tpu.dma_semaphore, #tpu.memory_space<semaphore_mem>>
        %dma_start3A_274 = arith.constant 0 : i32
        %dma_start3A_275 = tpu.memref_slice %arg7[%mul3A_246, %dma_start3A_274] : memref<40x125xi32, #tpu.memory_space<vmem>> -> memref<1x125xi32, #tpu.memory_space<vmem>>
        %dma_start3A_276 = tpu.memref_squeeze %dma_start3A_275 : memref<1x125xi32, #tpu.memory_space<vmem>> -> memref<125xi32, #tpu.memory_space<vmem>>
        %dma_start3A_277 = arith.constant 0 : i32
        %dma_start3A_278 = arith.constant 0 : i32
        %dma_start3A_279 = tpu.memref_slice %arg10[%dma_start3A_277, %dma_start3A_278] : memref<10000x128xf32, #tpu.memory_space<vmem_shared>> -> memref<10000x128xf32, #tpu.memory_space<vmem_shared>>
        tpu.enqueue_indirect_dma source(%arg8 : memref<125x128xf32, #tpu.memory_space<vmem>>) target(%dma_start3A_279 : memref<10000x128xf32, #tpu.memory_space<vmem_shared>>) offsets(%dma_start3A_276 : memref<125xi32, #tpu.memory_space<vmem>>) semaphore(%run_scoped3A : memref<!tpu.dma_semaphore, #tpu.memory_space<semaphore_mem>>) {add = true}
        %dma_wait3A_280 = arith.constant 0 : i32
        %dma_wait3A_281 = tpu.memref_slice %arg7[%mul3A_246, %dma_wait3A_280] : memref<40x125xi32, #tpu.memory_space<vmem>> -> memref<1x125xi32, #tpu.memory_space<vmem>>
        %dma_wait3A_282 = tpu.memref_squeeze %dma_wait3A_281 : memref<1x125xi32, #tpu.memory_space<vmem>> -> memref<125xi32, #tpu.memory_space<vmem>>
        %dma_wait3A_283 = arith.constant 0 : i32
        %dma_wait3A_284 = arith.constant 0 : i32
        %dma_wait3A_285 = tpu.memref_slice %arg10[%dma_wait3A_283, %dma_wait3A_284] : memref<10000x128xf32, #tpu.memory_space<vmem_shared>> -> memref<10000x128xf32, #tpu.memory_space<vmem_shared>>
        tpu.wait_indirect_dma semaphore(%run_scoped3A : memref<!tpu.dma_semaphore, #tpu.memory_space<semaphore_mem>>) src(%arg8 : memref<125x128xf32, #tpu.memory_space<vmem>>) dst(%dma_wait3A_285 : memref<10000x128xf32, #tpu.memory_space<vmem_shared>>)
        tpu.yield
      }) : () -> ()
      %add3A_255 = arith.constant 2 : i32
      %add3A_256 = arith.addi %mul3A_246, %add3A_255 : i32
      %lt3A = arith.constant 40 : i32
      %lt3A_257 = arith.cmpi slt, %add3A_256, %lt3A : i32
      %convert_element_type3A_258 = arith.extui %lt3A_257 : i1 to i32
      %cond3A_259 = arith.constant 0 : i32
      %cond3A_260 = arith.cmpi ne, %convert_element_type3A_258, %cond3A_259 : i32
      scf.if %cond3A_260 {
        %add3A_274 = arith.constant 2 : i32
        %add3A_275 = arith.addi %mul3A_246, %add3A_274 : i32
        %dma_start3A_276 = arith.constant 0 : i32
        %dma_start3A_277 = tpu.memref_slice %arg6[%add3A_275, %dma_start3A_276] : memref<40x125xi32, #tpu.memory_space<vmem>> -> memref<1x125xi32, #tpu.memory_space<vmem>>
        %dma_start3A_278 = tpu.memref_squeeze %dma_start3A_277 : memref<1x125xi32, #tpu.memory_space<vmem>> -> memref<125xi32, #tpu.memory_space<vmem>>
        %dma_start3A_279 = arith.constant 0 : i32
        %dma_start3A_280 = arith.constant 0 : i32
        %dma_start3A_281 = tpu.memref_slice %arg4[%dma_start3A_279, %dma_start3A_280] : memref<10000x128xf32, #tpu.memory_space<hbm>> -> memref<10000x128xf32, #tpu.memory_space<hbm>>
        tpu.enqueue_indirect_dma source(%dma_start3A_281 : memref<10000x128xf32, #tpu.memory_space<hbm>>) target(%arg8 : memref<125x128xf32, #tpu.memory_space<vmem>>) offsets(%dma_start3A_278 : memref<125xi32, #tpu.memory_space<vmem>>) semaphore(%arg11 : memref<!tpu.dma_semaphore, #tpu.memory_space<semaphore_mem>>)
      } else {
      }
      %dma_wait3A_261 = arith.constant 0 : i32
      %dma_wait3A_262 = tpu.memref_slice %arg6[%add3A_248, %dma_wait3A_261] : memref<40x125xi32, #tpu.memory_space<vmem>> -> memref<1x125xi32, #tpu.memory_space<vmem>>
      %dma_wait3A_263 = tpu.memref_squeeze %dma_wait3A_262 : memref<1x125xi32, #tpu.memory_space<vmem>> -> memref<125xi32, #tpu.memory_space<vmem>>
      %dma_wait3A_264 = arith.constant 0 : i32
      %dma_wait3A_265 = arith.constant 0 : i32
      %dma_wait3A_266 = tpu.memref_slice %arg4[%dma_wait3A_264, %dma_wait3A_265] : memref<10000x128xf32, #tpu.memory_space<hbm>> -> memref<10000x128xf32, #tpu.memory_space<hbm>>
      tpu.wait_indirect_dma semaphore(%arg12 : memref<!tpu.dma_semaphore, #tpu.memory_space<semaphore_mem>>) src(%dma_wait3A_266 : memref<10000x128xf32, #tpu.memory_space<hbm>>) dst(%arg9 : memref<125x128xf32, #tpu.memory_space<vmem>>)
      "tpu.region"() ({
        %run_scoped3A = tpu.sem_alloc : memref<!tpu.dma_semaphore, #tpu.memory_space<semaphore_mem>>
        %dma_start3A_274 = arith.constant 0 : i32
        %dma_start3A_275 = tpu.memref_slice %arg7[%add3A_248, %dma_start3A_274] : memref<40x125xi32, #tpu.memory_space<vmem>> -> memref<1x125xi32, #tpu.memory_space<vmem>>
        %dma_start3A_276 = tpu.memref_squeeze %dma_start3A_275 : memref<1x125xi32, #tpu.memory_space<vmem>> -> memref<125xi32, #tpu.memory_space<vmem>>
        %dma_start3A_277 = arith.constant 0 : i32
        %dma_start3A_278 = arith.constant 0 : i32
        %dma_start3A_279 = tpu.memref_slice %arg10[%dma_start3A_277, %dma_start3A_278] : memref<10000x128xf32, #tpu.memory_space<vmem_shared>> -> memref<10000x128xf32, #tpu.memory_space<vmem_shared>>
        tpu.enqueue_indirect_dma source(%arg9 : memref<125x128xf32, #tpu.memory_space<vmem>>) target(%dma_start3A_279 : memref<10000x128xf32, #tpu.memory_space<vmem_shared>>) offsets(%dma_start3A_276 : memref<125xi32, #tpu.memory_space<vmem>>) semaphore(%run_scoped3A : memref<!tpu.dma_semaphore, #tpu.memory_space<semaphore_mem>>) {add = true}
        %dma_wait3A_280 = arith.constant 0 : i32
        %dma_wait3A_281 = tpu.memref_slice %arg7[%add3A_248, %dma_wait3A_280] : memref<40x125xi32, #tpu.memory_space<vmem>> -> memref<1x125xi32, #tpu.memory_space<vmem>>
        %dma_wait3A_282 = tpu.memref_squeeze %dma_wait3A_281 : memref<1x125xi32, #tpu.memory_space<vmem>> -> memref<125xi32, #tpu.memory_space<vmem>>
        %dma_wait3A_283 = arith.constant 0 : i32
        %dma_wait3A_284 = arith.constant 0 : i32
        %dma_wait3A_285 = tpu.memref_slice %arg10[%dma_wait3A_283, %dma_wait3A_284] : memref<10000x128xf32, #tpu.memory_space<vmem_shared>> -> memref<10000x128xf32, #tpu.memory_space<vmem_shared>>
        tpu.wait_indirect_dma semaphore(%run_scoped3A : memref<!tpu.dma_semaphore, #tpu.memory_space<semaphore_mem>>) src(%arg9 : memref<125x128xf32, #tpu.memory_space<vmem>>) dst(%dma_wait3A_285 : memref<10000x128xf32, #tpu.memory_space<vmem_shared>>)
        tpu.yield
      }) : () -> ()
      %add3A_267 = arith.constant 2 : i32
      %add3A_268 = arith.addi %add3A_248, %add3A_267 : i32
      %lt3A_269 = arith.constant 40 : i32
      %lt3A_270 = arith.cmpi slt, %add3A_268, %lt3A_269 : i32
      %convert_element_type3A_271 = arith.extui %lt3A_270 : i1 to i32
      %cond3A_272 = arith.constant 0 : i32
      %cond3A_273 = arith.cmpi ne, %convert_element_type3A_271, %cond3A_272 : i32
      scf.if %cond3A_273 {
        %add3A_274 = arith.constant 2 : i32
        %add3A_275 = arith.addi %add3A_248, %add3A_274 : i32
        %dma_start3A_276 = arith.constant 0 : i32
        %dma_start3A_277 = tpu.memref_slice %arg6[%add3A_275, %dma_start3A_276] : memref<40x125xi32, #tpu.memory_space<vmem>> -> memref<1x125xi32, #tpu.memory_space<vmem>>
        %dma_start3A_278 = tpu.memref_squeeze %dma_start3A_277 : memref<1x125xi32, #tpu.memory_space<vmem>> -> memref<125xi32, #tpu.memory_space<vmem>>
        %dma_start3A_279 = arith.constant 0 : i32
        %dma_start3A_280 = arith.constant 0 : i32
        %dma_start3A_281 = tpu.memref_slice %arg4[%dma_start3A_279, %dma_start3A_280] : memref<10000x128xf32, #tpu.memory_space<hbm>> -> memref<10000x128xf32, #tpu.memory_space<hbm>>
        tpu.enqueue_indirect_dma source(%dma_start3A_281 : memref<10000x128xf32, #tpu.memory_space<hbm>>) target(%arg9 : memref<125x128xf32, #tpu.memory_space<vmem>>) offsets(%dma_start3A_278 : memref<125xi32, #tpu.memory_space<vmem>>) semaphore(%arg12 : memref<!tpu.dma_semaphore, #tpu.memory_space<semaphore_mem>>)
      } else {
      }
    }
    %while3A_233 = arith.constant 1 : i32
    scf.for %while3A_244 = %while3A_231 to %while3A_227 step %while3A_233  : i32 {
      %mul3A_245 = arith.constant 2 : i32
      %mul3A_246 = arith.muli %while3A_244, %mul3A_245 : i32
      %add3A_247 = arith.constant 1 : i32
      %add3A_248 = arith.addi %mul3A_246, %add3A_247 : i32
      %dma_wait3A_249 = arith.constant 0 : i32
      %dma_wait3A_250 = tpu.memref_slice %arg6[%mul3A_246, %dma_wait3A_249] : memref<40x125xi32, #tpu.memory_space<vmem>> -> memref<1x125xi32, #tpu.memory_space<vmem>>
      %dma_wait3A_251 = tpu.memref_squeeze %dma_wait3A_250 : memref<1x125xi32, #tpu.memory_space<vmem>> -> memref<125xi32, #tpu.memory_space<vmem>>
      %dma_wait3A_252 = arith.constant 0 : i32
      %dma_wait3A_253 = arith.constant 0 : i32
      %dma_wait3A_254 = tpu.memref_slice %arg4[%dma_wait3A_252, %dma_wait3A_253] : memref<10000x128xf32, #tpu.memory_space<hbm>> -> memref<10000x128xf32, #tpu.memory_space<hbm>>
      tpu.wait_indirect_dma semaphore(%arg11 : memref<!tpu.dma_semaphore, #tpu.memory_space<semaphore_mem>>) src(%dma_wait3A_254 : memref<10000x128xf32, #tpu.memory_space<hbm>>) dst(%arg8 : memref<125x128xf32, #tpu.memory_space<vmem>>)
      "tpu.region"() ({
        %run_scoped3A = tpu.sem_alloc : memref<!tpu.dma_semaphore, #tpu.memory_space<semaphore_mem>>
        %dma_start3A_274 = arith.constant 0 : i32
        %dma_start3A_275 = tpu.memref_slice %arg7[%mul3A_246, %dma_start3A_274] : memref<40x125xi32, #tpu.memory_space<vmem>> -> memref<1x125xi32, #tpu.memory_space<vmem>>
        %dma_start3A_276 = tpu.memref_squeeze %dma_start3A_275 : memref<1x125xi32, #tpu.memory_space<vmem>> -> memref<125xi32, #tpu.memory_space<vmem>>
        %dma_start3A_277 = arith.constant 0 : i32
        %dma_start3A_278 = arith.constant 0 : i32
        %dma_start3A_279 = tpu.memref_slice %arg10[%dma_start3A_277, %dma_start3A_278] : memref<10000x128xf32, #tpu.memory_space<vmem_shared>> -> memref<10000x128xf32, #tpu.memory_space<vmem_shared>>
        tpu.enqueue_indirect_dma source(%arg8 : memref<125x128xf32, #tpu.memory_space<vmem>>) target(%dma_start3A_279 : memref<10000x128xf32, #tpu.memory_space<vmem_shared>>) offsets(%dma_start3A_276 : memref<125xi32, #tpu.memory_space<vmem>>) semaphore(%run_scoped3A : memref<!tpu.dma_semaphore, #tpu.memory_space<semaphore_mem>>) {add = true}
        %dma_wait3A_280 = arith.constant 0 : i32
        %dma_wait3A_281 = tpu.memref_slice %arg7[%mul3A_246, %dma_wait3A_280] : memref<40x125xi32, #tpu.memory_space<vmem>> -> memref<1x125xi32, #tpu.memory_space<vmem>>
        %dma_wait3A_282 = tpu.memref_squeeze %dma_wait3A_281 : memref<1x125xi32, #tpu.memory_space<vmem>> -> memref<125xi32, #tpu.memory_space<vmem>>
        %dma_wait3A_283 = arith.constant 0 : i32
        %dma_wait3A_284 = arith.constant 0 : i32
        %dma_wait3A_285 = tpu.memref_slice %arg10[%dma_wait3A_283, %dma_wait3A_284] : memref<10000x128xf32, #tpu.memory_space<vmem_shared>> -> memref<10000x128xf32, #tpu.memory_space<vmem_shared>>
        tpu.wait_indirect_dma semaphore(%run_scoped3A : memref<!tpu.dma_semaphore, #tpu.memory_space<semaphore_mem>>) src(%arg8 : memref<125x128xf32, #tpu.memory_space<vmem>>) dst(%dma_wait3A_285 : memref<10000x128xf32, #tpu.memory_space<vmem_shared>>)
        tpu.yield
      }) : () -> ()
      %add3A_255 = arith.constant 2 : i32
      %add3A_256 = arith.addi %mul3A_246, %add3A_255 : i32
      %lt3A = arith.constant 40 : i32
      %lt3A_257 = arith.cmpi slt, %add3A_256, %lt3A : i32
      %convert_element_type3A_258 = arith.extui %lt3A_257 : i1 to i32
      %cond3A_259 = arith.constant 0 : i32
      %cond3A_260 = arith.cmpi ne, %convert_element_type3A_258, %cond3A_259 : i32
      scf.if %cond3A_260 {
        %add3A_274 = arith.constant 2 : i32
        %add3A_275 = arith.addi %mul3A_246, %add3A_274 : i32
        %dma_start3A_276 = arith.constant 0 : i32
        %dma_start3A_277 = tpu.memref_slice %arg6[%add3A_275, %dma_start3A_276] : memref<40x125xi32, #tpu.memory_space<vmem>> -> memref<1x125xi32, #tpu.memory_space<vmem>>
        %dma_start3A_278 = tpu.memref_squeeze %dma_start3A_277 : memref<1x125xi32, #tpu.memory_space<vmem>> -> memref<125xi32, #tpu.memory_space<vmem>>
        %dma_start3A_279 = arith.constant 0 : i32
        %dma_start3A_280 = arith.constant 0 : i32
        %dma_start3A_281 = tpu.memref_slice %arg4[%dma_start3A_279, %dma_start3A_280] : memref<10000x128xf32, #tpu.memory_space<hbm>> -> memref<10000x128xf32, #tpu.memory_space<hbm>>
        tpu.enqueue_indirect_dma source(%dma_start3A_281 : memref<10000x128xf32, #tpu.memory_space<hbm>>) target(%arg8 : memref<125x128xf32, #tpu.memory_space<vmem>>) offsets(%dma_start3A_278 : memref<125xi32, #tpu.memory_space<vmem>>) semaphore(%arg11 : memref<!tpu.dma_semaphore, #tpu.memory_space<semaphore_mem>>)
      } else {
      }
      %dma_wait3A_261 = arith.constant 0 : i32
      %dma_wait3A_262 = tpu.memref_slice %arg6[%add3A_248, %dma_wait3A_261] : memref<40x125xi32, #tpu.memory_space<vmem>> -> memref<1x125xi32, #tpu.memory_space<vmem>>
      %dma_wait3A_263 = tpu.memref_squeeze %dma_wait3A_262 : memref<1x125xi32, #tpu.memory_space<vmem>> -> memref<125xi32, #tpu.memory_space<vmem>>
      %dma_wait3A_264 = arith.constant 0 : i32
      %dma_wait3A_265 = arith.constant 0 : i32
      %dma_wait3A_266 = tpu.memref_slice %arg4[%dma_wait3A_264, %dma_wait3A_265] : memref<10000x128xf32, #tpu.memory_space<hbm>> -> memref<10000x128xf32, #tpu.memory_space<hbm>>
      tpu.wait_indirect_dma semaphore(%arg12 : memref<!tpu.dma_semaphore, #tpu.memory_space<semaphore_mem>>) src(%dma_wait3A_266 : memref<10000x128xf32, #tpu.memory_space<hbm>>) dst(%arg9 : memref<125x128xf32, #tpu.memory_space<vmem>>)
      "tpu.region"() ({
        %run_scoped3A = tpu.sem_alloc : memref<!tpu.dma_semaphore, #tpu.memory_space<semaphore_mem>>
        %dma_start3A_274 = arith.constant 0 : i32
        %dma_start3A_275 = tpu.memref_slice %arg7[%add3A_248, %dma_start3A_274] : memref<40x125xi32, #tpu.memory_space<vmem>> -> memref<1x125xi32, #tpu.memory_space<vmem>>
        %dma_start3A_276 = tpu.memref_squeeze %dma_start3A_275 : memref<1x125xi32, #tpu.memory_space<vmem>> -> memref<125xi32, #tpu.memory_space<vmem>>
        %dma_start3A_277 = arith.constant 0 : i32
        %dma_start3A_278 = arith.constant 0 : i32
        %dma_start3A_279 = tpu.memref_slice %arg10[%dma_start3A_277, %dma_start3A_278] : memref<10000x128xf32, #tpu.memory_space<vmem_shared>> -> memref<10000x128xf32, #tpu.memory_space<vmem_shared>>
        tpu.enqueue_indirect_dma source(%arg9 : memref<125x128xf32, #tpu.memory_space<vmem>>) target(%dma_start3A_279 : memref<10000x128xf32, #tpu.memory_space<vmem_shared>>) offsets(%dma_start3A_276 : memref<125xi32, #tpu.memory_space<vmem>>) semaphore(%run_scoped3A : memref<!tpu.dma_semaphore, #tpu.memory_space<semaphore_mem>>) {add = true}
        %dma_wait3A_280 = arith.constant 0 : i32
        %dma_wait3A_281 = tpu.memref_slice %arg7[%add3A_248, %dma_wait3A_280] : memref<40x125xi32, #tpu.memory_space<vmem>> -> memref<1x125xi32, #tpu.memory_space<vmem>>
        %dma_wait3A_282 = tpu.memref_squeeze %dma_wait3A_281 : memref<1x125xi32, #tpu.memory_space<vmem>> -> memref<125xi32, #tpu.memory_space<vmem>>
        %dma_wait3A_283 = arith.constant 0 : i32
        %dma_wait3A_284 = arith.constant 0 : i32
        %dma_wait3A_285 = tpu.memref_slice %arg10[%dma_wait3A_283, %dma_wait3A_284] : memref<10000x128xf32, #tpu.memory_space<vmem_shared>> -> memref<10000x128xf32, #tpu.memory_space<vmem_shared>>
        tpu.wait_indirect_dma semaphore(%run_scoped3A : memref<!tpu.dma_semaphore, #tpu.memory_space<semaphore_mem>>) src(%arg9 : memref<125x128xf32, #tpu.memory_space<vmem>>) dst(%dma_wait3A_285 : memref<10000x128xf32, #tpu.memory_space<vmem_shared>>)
        tpu.yield
      }) : () -> ()
      %add3A_267 = arith.constant 2 : i32
      %add3A_268 = arith.addi %add3A_248, %add3A_267 : i32
      %lt3A_269 = arith.constant 40 : i32
      %lt3A_270 = arith.cmpi slt, %add3A_268, %lt3A_269 : i32
      %convert_element_type3A_271 = arith.extui %lt3A_270 : i1 to i32
      %cond3A_272 = arith.constant 0 : i32
      %cond3A_273 = arith.cmpi ne, %convert_element_type3A_271, %cond3A_272 : i32
      scf.if %cond3A_273 {
        %add3A_274 = arith.constant 2 : i32
        %add3A_275 = arith.addi %add3A_248, %add3A_274 : i32
        %dma_start3A_276 = arith.constant 0 : i32
        %dma_start3A_277 = tpu.memref_slice %arg6[%add3A_275, %dma_start3A_276] : memref<40x125xi32, #tpu.memory_space<vmem>> -> memref<1x125xi32, #tpu.memory_space<vmem>>
        %dma_start3A_278 = tpu.memref_squeeze %dma_start3A_277 : memref<1x125xi32, #tpu.memory_space<vmem>> -> memref<125xi32, #tpu.memory_space<vmem>>
        %dma_start3A_279 = arith.constant 0 : i32
        %dma_start3A_280 = arith.constant 0 : i32
        %dma_start3A_281 = tpu.memref_slice %arg4[%dma_start3A_279, %dma_start3A_280] : memref<10000x128xf32, #tpu.memory_space<hbm>> -> memref<10000x128xf32, #tpu.memory_space<hbm>>
        tpu.enqueue_indirect_dma source(%dma_start3A_281 : memref<10000x128xf32, #tpu.memory_space<hbm>>) target(%arg9 : memref<125x128xf32, #tpu.memory_space<vmem>>) offsets(%dma_start3A_278 : memref<125xi32, #tpu.memory_space<vmem>>) semaphore(%arg12 : memref<!tpu.dma_semaphore, #tpu.memory_space<semaphore_mem>>)
      } else {
      }
    }
    %barrier3A_234 = arith.constant 0 : index
    tpu.barrier barrier_id(%barrier3A_234)
    %mul3A_235 = arith.constant 624 : i32
    %mul3A_236 = arith.muli %arg1, %mul3A_235 : i32
    %mul3A_237 = arith.constant 624 : i32
    %mul3A_238 = arith.muli %arg1, %mul3A_237 : i32
    "tpu.region"() ({
      %run_scoped3A = tpu.sem_alloc : memref<!tpu.dma_semaphore, #tpu.memory_space<semaphore_mem>>
      %dma_start3A_244 = arith.constant 0 : i32
      %dma_start3A_245 = arith.constant 0 : i32
      %dma_start3A_246 = tpu.memref_slice %arg5[%arg0, %dma_start3A_244, %dma_start3A_245] : memref<2x10000x128xf32, #tpu.memory_space<hbm>> -> memref<1x10000x128xf32, #tpu.memory_space<hbm>>
      %dma_start3A_247 = tpu.memref_squeeze %dma_start3A_246 : memref<1x10000x128xf32, #tpu.memory_space<hbm>> -> memref<10000x128xf32, #tpu.memory_space<hbm>>
      %dma_start3A_248 = arith.constant 0 : i32
      %dma_start3A_249 = tpu.memref_slice %dma_start3A_247[%mul3A_238, %dma_start3A_248] : memref<10000x128xf32, #tpu.memory_space<hbm>> -> memref<624x128xf32, #tpu.memory_space<hbm>>
      %dma_start3A_250 = arith.constant 0 : i32
      %dma_start3A_251 = tpu.memref_slice %arg10[%mul3A_236, %dma_start3A_250] : memref<10000x128xf32, #tpu.memory_space<vmem_shared>> -> memref<624x128xf32, #tpu.memory_space<vmem_shared>>
      tpu.enqueue_dma source(%dma_start3A_251 : memref<624x128xf32, #tpu.memory_space<vmem_shared>>) target(%dma_start3A_249 : memref<624x128xf32, #tpu.memory_space<hbm>>) target_semaphore(%run_scoped3A : memref<!tpu.dma_semaphore, #tpu.memory_space<semaphore_mem>>)
      %dma_wait3A_252 = arith.constant 0 : i32
      %dma_wait3A_253 = arith.constant 0 : i32
      %dma_wait3A_254 = tpu.memref_slice %arg5[%arg0, %dma_wait3A_252, %dma_wait3A_253] : memref<2x10000x128xf32, #tpu.memory_space<hbm>> -> memref<1x10000x128xf32, #tpu.memory_space<hbm>>
      %dma_wait3A_255 = tpu.memref_squeeze %dma_wait3A_254 : memref<1x10000x128xf32, #tpu.memory_space<hbm>> -> memref<10000x128xf32, #tpu.memory_space<hbm>>
      %dma_wait3A_256 = arith.constant 0 : i32
      %dma_wait3A_257 = tpu.memref_slice %dma_wait3A_255[%mul3A_238, %dma_wait3A_256] : memref<10000x128xf32, #tpu.memory_space<hbm>> -> memref<624x128xf32, #tpu.memory_space<hbm>>
      %dma_wait3A_258 = arith.constant 0 : i32
      %dma_wait3A_259 = tpu.memref_slice %arg10[%mul3A_236, %dma_wait3A_258] : memref<10000x128xf32, #tpu.memory_space<vmem_shared>> -> memref<624x128xf32, #tpu.memory_space<vmem_shared>>
      tpu.wait_dma2 semaphore(%run_scoped3A : memref<!tpu.dma_semaphore, #tpu.memory_space<semaphore_mem>>) src(%dma_wait3A_259 : memref<624x128xf32, #tpu.memory_space<vmem_shared>>) dst(%dma_wait3A_257 : memref<624x128xf32, #tpu.memory_space<hbm>>)
      tpu.yield
    }) : () -> ()
    %eq3A_239 = arith.constant 15 : i32
    %eq3A_240 = arith.cmpi eq, %arg1, %eq3A_239 : i32
    %convert_element_type3A_241 = arith.extui %eq3A_240 : i1 to i32
    %cond3A_242 = arith.constant 0 : i32
    %cond3A_243 = arith.cmpi ne, %convert_element_type3A_241, %cond3A_242 : i32
    scf.if %cond3A_243 {
      "tpu.region"() ({
        %run_scoped3A = tpu.sem_alloc : memref<!tpu.dma_semaphore, #tpu.memory_space<semaphore_mem>>
        %dma_start3A_244 = arith.constant 0 : i32
        %dma_start3A_245 = arith.constant 0 : i32
        %dma_start3A_246 = tpu.memref_slice %arg5[%arg0, %dma_start3A_244, %dma_start3A_245] : memref<2x10000x128xf32, #tpu.memory_space<hbm>> -> memref<1x10000x128xf32, #tpu.memory_space<hbm>>
        %dma_start3A_247 = tpu.memref_squeeze %dma_start3A_246 : memref<1x10000x128xf32, #tpu.memory_space<hbm>> -> memref<10000x128xf32, #tpu.memory_space<hbm>>
        %dma_start3A_248 = arith.constant 9984 : i32
        %dma_start3A_249 = arith.constant 0 : i32
        %dma_start3A_250 = tpu.memref_slice %dma_start3A_247[%dma_start3A_248, %dma_start3A_249] : memref<10000x128xf32, #tpu.memory_space<hbm>> -> memref<16x128xf32, #tpu.memory_space<hbm>>
        %dma_start3A_251 = arith.constant 9984 : i32
        %dma_start3A_252 = arith.constant 0 : i32
        %dma_start3A_253 = tpu.memref_slice %arg10[%dma_start3A_251, %dma_start3A_252] : memref<10000x128xf32, #tpu.memory_space<vmem_shared>> -> memref<16x128xf32, #tpu.memory_space<vmem_shared>>
        tpu.enqueue_dma source(%dma_start3A_253 : memref<16x128xf32, #tpu.memory_space<vmem_shared>>) target(%dma_start3A_250 : memref<16x128xf32, #tpu.memory_space<hbm>>) target_semaphore(%run_scoped3A : memref<!tpu.dma_semaphore, #tpu.memory_space<semaphore_mem>>)
        %dma_wait3A_254 = arith.constant 0 : i32
        %dma_wait3A_255 = arith.constant 0 : i32
        %dma_wait3A_256 = tpu.memref_slice %arg5[%arg0, %dma_wait3A_254, %dma_wait3A_255] : memref<2x10000x128xf32, #tpu.memory_space<hbm>> -> memref<1x10000x128xf32, #tpu.memory_space<hbm>>
        %dma_wait3A_257 = tpu.memref_squeeze %dma_wait3A_256 : memref<1x10000x128xf32, #tpu.memory_space<hbm>> -> memref<10000x128xf32, #tpu.memory_space<hbm>>
        %dma_wait3A_258 = arith.constant 9984 : i32
        %dma_wait3A_259 = arith.constant 0 : i32
        %dma_wait3A_260 = tpu.memref_slice %dma_wait3A_257[%dma_wait3A_258, %dma_wait3A_259] : memref<10000x128xf32, #tpu.memory_space<hbm>> -> memref<16x128xf32, #tpu.memory_space<hbm>>
        %dma_wait3A_261 = arith.constant 9984 : i32
        %dma_wait3A_262 = arith.constant 0 : i32
        %dma_wait3A_263 = tpu.memref_slice %arg10[%dma_wait3A_261, %dma_wait3A_262] : memref<10000x128xf32, #tpu.memory_space<vmem_shared>> -> memref<16x128xf32, #tpu.memory_space<vmem_shared>>
        tpu.wait_dma2 semaphore(%run_scoped3A : memref<!tpu.dma_semaphore, #tpu.memory_space<semaphore_mem>>) src(%dma_wait3A_263 : memref<16x128xf32, #tpu.memory_space<vmem_shared>>) dst(%dma_wait3A_260 : memref<16x128xf32, #tpu.memory_space<hbm>>)
        tpu.yield
      }) : () -> ()
    } else {
    }
    return
  }
}

module attributes {stable_mosaic.version = 14 : i64} {
  func.func @_mm1_body(%arg0: i32, %arg1: memref<1000x128xf32, #tpu.memory_space<vmem>>, %arg2: memref<128x128xf32, #tpu.memory_space<vmem>>, %arg3: memref<1000x128xf32, #tpu.memory_space<vmem>>) attributes {dimension_semantics = [#tpu.dimension_semantics<arbitrary>], iteration_bounds = array<i64: 10>, scalar_prefetch = 0 : i64, scratch_operands = 0 : i64, tpu.core_type = #tpu.core_type<tc>, window_params = [{transform_indices = @transform_0, window_bounds = array<i64: 1000, 128>}, {pipeline_mode = #tpu.pipeline_mode<synchronous>, transform_indices = @transform_1, window_bounds = array<i64: 128, 128>}, {transform_indices = @transform_2, window_bounds = array<i64: 1000, 128>}]} {
    %get3A = arith.constant 0 : index
    %get3A_0 = arith.constant 0 : index
    %get3A_1 = vector.load %arg1[%get3A, %get3A_0] : memref<1000x128xf32, #tpu.memory_space<vmem>>, vector<1000x128xf32>
    %get3A_2 = arith.constant 0 : index
    %get3A_3 = arith.constant 0 : index
    %get3A_4 = vector.load %arg2[%get3A_2, %get3A_3] : memref<128x128xf32, #tpu.memory_space<vmem>>, vector<128x128xf32>
    %dot_general3A = arith.constant dense<0.000000e+00> : vector<1000x128xf32>
    %dot_general3A_5 = tpu.matmul %get3A_1, %get3A_4, %dot_general3A {dimension_numbers = #tpu.dot_dimension_numbers<[1], [0], [0], [1], [0, 0, 1, 1], [], []>, precision = #tpu.contract_precision<fp32>, transpose_lhs_hint = false} : vector<1000x128xf32>, vector<128x128xf32>, vector<1000x128xf32> -> vector<1000x128xf32>
    %swap3A = arith.constant 0 : index
    %swap3A_6 = arith.constant 0 : index
    %swap3A_7 = vector.load %arg3[%swap3A, %swap3A_6] : memref<1000x128xf32, #tpu.memory_space<vmem>>, vector<1000x128xf32>
    tpu.vector_store %arg3[%swap3A, %swap3A_6], %dot_general3A_5 {strides = array<i32>} : memref<1000x128xf32, #tpu.memory_space<vmem>>, vector<1000x128xf32>,
    return
  }
  func.func @transform_0(%arg0: i32) -> (i32, i32) {
    %c0_i32 = arith.constant 0 : i32
    %c0_i32_0 = arith.constant 0 : i32
    return %arg0, %c0_i32 : i32, i32
  }
  func.func @transform_1(%arg0: i32) -> (i32, i32) {
    %c0_i32 = arith.constant 0 : i32
    %c0_i32_0 = arith.constant 0 : i32
    %c0_i32_1 = arith.constant 0 : i32
    return %c0_i32, %c0_i32_0 : i32, i32
  }
  func.func @transform_2(%arg0: i32) -> (i32, i32) {
    %c0_i32 = arith.constant 0 : i32
    %c0_i32_0 = arith.constant 0 : i32
    return %arg0, %c0_i32 : i32, i32
  }
}

module attributes {stable_mosaic.version = 14 : i64} {
  func.func @_mm2_body(%arg0: i32, %arg1: memref<2x1000x128xf32, #tpu.memory_space<vmem>>, %arg2: memref<128x128xf32, #tpu.memory_space<vmem>>, %arg3: memref<1000x128xf32, #tpu.memory_space<vmem>>) attributes {dimension_semantics = [#tpu.dimension_semantics<arbitrary>], iteration_bounds = array<i64: 10>, scalar_prefetch = 0 : i64, scratch_operands = 0 : i64, tpu.core_type = #tpu.core_type<tc>, window_params = [{transform_indices = @transform_0, window_bounds = array<i64: 2, 1000, 128>}, {pipeline_mode = #tpu.pipeline_mode<synchronous>, transform_indices = @transform_1, window_bounds = array<i64: 128, 128>}, {transform_indices = @transform_2, window_bounds = array<i64: 1000, 128>}]} {
    %get3A = arith.constant 0 : index
    %get3A_0 = arith.constant 0 : index
    %get3A_1 = arith.constant 0 : index
    %get3A_2 = vector.load %arg1[%get3A, %get3A_0, %get3A_1] : memref<2x1000x128xf32, #tpu.memory_space<vmem>>, vector<1x1000x128xf32>
    %get3A_3 = vector.shape_cast %get3A_2 : vector<1x1000x128xf32> to vector<1000x128xf32>
    %get3A_4 = arith.constant 1 : index
    %get3A_5 = arith.constant 0 : index
    %get3A_6 = arith.constant 0 : index
    %get3A_7 = vector.load %arg1[%get3A_4, %get3A_5, %get3A_6] : memref<2x1000x128xf32, #tpu.memory_space<vmem>>, vector<1x1000x128xf32>
    %get3A_8 = vector.shape_cast %get3A_7 : vector<1x1000x128xf32> to vector<1000x128xf32>
    %add3A = arith.addf %get3A_3, %get3A_8 : vector<1000x128xf32>
    %max3A = arith.constant 0.000000e+00 : f32
    %max3A_9 = vector.broadcast %max3A : f32 to vector<1000x128xf32>
    %max3A_10 = arith.maximumf %add3A, %max3A_9 : vector<1000x128xf32>
    %get3A_11 = arith.constant 0 : index
    %get3A_12 = arith.constant 0 : index
    %get3A_13 = vector.load %arg2[%get3A_11, %get3A_12] : memref<128x128xf32, #tpu.memory_space<vmem>>, vector<128x128xf32>
    %dot_general3A = arith.constant dense<0.000000e+00> : vector<1000x128xf32>
    %dot_general3A_14 = tpu.matmul %max3A_10, %get3A_13, %dot_general3A {dimension_numbers = #tpu.dot_dimension_numbers<[1], [0], [0], [1], [0, 0, 1, 1], [], []>, precision = #tpu.contract_precision<fp32>, transpose_lhs_hint = false} : vector<1000x128xf32>, vector<128x128xf32>, vector<1000x128xf32> -> vector<1000x128xf32>
    %swap3A = arith.constant 0 : index
    %swap3A_15 = arith.constant 0 : index
    %swap3A_16 = vector.load %arg3[%swap3A, %swap3A_15] : memref<1000x128xf32, #tpu.memory_space<vmem>>, vector<1000x128xf32>
    tpu.vector_store %arg3[%swap3A, %swap3A_15], %dot_general3A_14 {strides = array<i32>} : memref<1000x128xf32, #tpu.memory_space<vmem>>, vector<1000x128xf32>,
    return
  }
  func.func @transform_0(%arg0: i32) -> (i32, i32, i32) {
    %c0_i32 = arith.constant 0 : i32
    %c0_i32_0 = arith.constant 0 : i32
    %c0_i32_1 = arith.constant 0 : i32
    return %c0_i32, %arg0, %c0_i32_0 : i32, i32, i32
  }
  func.func @transform_1(%arg0: i32) -> (i32, i32) {
    %c0_i32 = arith.constant 0 : i32
    %c0_i32_0 = arith.constant 0 : i32
    %c0_i32_1 = arith.constant 0 : i32
    return %c0_i32, %c0_i32_0 : i32, i32
  }
  func.func @transform_2(%arg0: i32) -> (i32, i32) {
    %c0_i32 = arith.constant 0 : i32
    %c0_i32_0 = arith.constant 0 : i32
    return %arg0, %c0_i32 : i32, i32
  }
}

module attributes {stable_mosaic.version = 14 : i64} {
  func.func @_mmr_body(%arg0: i32, %arg1: memref<1000x128xf32, #tpu.memory_space<vmem>>, %arg2: memref<128x128xf32, #tpu.memory_space<vmem>>, %arg3: memref<1000x128xf32, #tpu.memory_space<vmem>>) attributes {dimension_semantics = [#tpu.dimension_semantics<arbitrary>], iteration_bounds = array<i64: 10>, scalar_prefetch = 0 : i64, scratch_operands = 0 : i64, tpu.core_type = #tpu.core_type<tc>, window_params = [{transform_indices = @transform_0, window_bounds = array<i64: 1000, 128>}, {pipeline_mode = #tpu.pipeline_mode<synchronous>, transform_indices = @transform_1, window_bounds = array<i64: 128, 128>}, {transform_indices = @transform_2, window_bounds = array<i64: 1000, 128>}]} {
    %get3A = arith.constant 0 : index
    %get3A_0 = arith.constant 0 : index
    %get3A_1 = vector.load %arg1[%get3A, %get3A_0] : memref<1000x128xf32, #tpu.memory_space<vmem>>, vector<1000x128xf32>
    %get3A_2 = arith.constant 0 : index
    %get3A_3 = arith.constant 0 : index
    %get3A_4 = vector.load %arg2[%get3A_2, %get3A_3] : memref<128x128xf32, #tpu.memory_space<vmem>>, vector<128x128xf32>
    %dot_general3A = arith.constant dense<0.000000e+00> : vector<1000x128xf32>
    %dot_general3A_5 = tpu.matmul %get3A_1, %get3A_4, %dot_general3A {dimension_numbers = #tpu.dot_dimension_numbers<[1], [0], [0], [1], [0, 0, 1, 1], [], []>, precision = #tpu.contract_precision<fp32>, transpose_lhs_hint = false} : vector<1000x128xf32>, vector<128x128xf32>, vector<1000x128xf32> -> vector<1000x128xf32>
    %swap3A = arith.constant 0 : index
    %swap3A_6 = arith.constant 0 : index
    %swap3A_7 = vector.load %arg3[%swap3A, %swap3A_6] : memref<1000x128xf32, #tpu.memory_space<vmem>>, vector<1000x128xf32>
    tpu.vector_store %arg3[%swap3A, %swap3A_6], %dot_general3A_5 {strides = array<i32>} : memref<1000x128xf32, #tpu.memory_space<vmem>>, vector<1000x128xf32>,
    return
  }
  func.func @transform_0(%arg0: i32) -> (i32, i32) {
    %c0_i32 = arith.constant 0 : i32
    %c0_i32_0 = arith.constant 0 : i32
    return %arg0, %c0_i32 : i32, i32
  }
  func.func @transform_1(%arg0: i32) -> (i32, i32) {
    %c0_i32 = arith.constant 0 : i32
    %c0_i32_0 = arith.constant 0 : i32
    %c0_i32_1 = arith.constant 0 : i32
    return %c0_i32, %c0_i32_0 : i32, i32
  }
  func.func @transform_2(%arg0: i32) -> (i32, i32) {
    %c0_i32 = arith.constant 0 : i32
    %c0_i32_0 = arith.constant 0 : i32
    return %arg0, %c0_i32 : i32, i32
  }
}

module attributes {stable_mosaic.version = 14 : i64} {
  func.func @_fold_body(%arg0: memref<256x64xf32, #tpu.memory_space<vmem>>, %arg1: memref<64x1xf32, #tpu.memory_space<vmem>>, %arg2: memref<1x64xf32, #tpu.memory_space<vmem>>, %arg3: memref<1x1xf32, #tpu.memory_space<vmem>>, %arg4: memref<128x128xf32, #tpu.memory_space<vmem>>, %arg5: memref<8x128xf32, #tpu.memory_space<vmem>>) attributes {dimension_semantics = [], scalar_prefetch = 0 : i64, scratch_operands = 0 : i64, tpu.core_type = #tpu.core_type<tc>} {
    %get3A = arith.constant 0 : index
    %get3A_0 = arith.constant 0 : index
    %get3A_1 = vector.load %arg0[%get3A, %get3A_0] : memref<256x64xf32, #tpu.memory_space<vmem>>, vector<256x64xf32>
    %get3A_2 = arith.constant 0 : index
    %get3A_3 = arith.constant 0 : index
    %get3A_4 = vector.load %arg1[%get3A_2, %get3A_3] : memref<64x1xf32, #tpu.memory_space<vmem>>, vector<64x1xf32>
    %dot_general3A = arith.constant dense<0.000000e+00> : vector<256x1xf32>
    %dot_general3A_5 = tpu.matmul %get3A_1, %get3A_4, %dot_general3A {dimension_numbers = #tpu.dot_dimension_numbers<[1], [0], [0], [1], [0, 0, 1, 1], [], []>, precision = #tpu.contract_precision<fp32>, transpose_lhs_hint = false} : vector<256x64xf32>, vector<64x1xf32>, vector<256x1xf32> -> vector<256x1xf32>
    %iota3A = tpu.iota {dimensions = array<i32: 1>} : vector<128x128xi32>
    %eq3A = arith.constant 0 : i32
    %eq3A_6 = vector.broadcast %eq3A : i32 to vector<128x128xi32>
    %eq3A_7 = arith.cmpi eq, %iota3A, %eq3A_6 : vector<128x128xi32>
    %slice3A = vector.extract_strided_slice %dot_general3A_5 {offsets = [0, 0], sizes = [128, 1], strides = [1, 1]} : vector<256x1xf32> to vector<128x1xf32>
    %eq3A_8 = arith.constant 1 : i32
    %eq3A_9 = vector.broadcast %eq3A_8 : i32 to vector<128x128xi32>
    %eq3A_10 = arith.cmpi eq, %iota3A, %eq3A_9 : vector<128x128xi32>
    %slice3A_11 = vector.extract_strided_slice %dot_general3A_5 {offsets = [128, 0], sizes = [128, 1], strides = [1, 1]} : vector<256x1xf32> to vector<128x1xf32>
    %jit3A = arith.constant 0.000000e+00 : f64
    %convert_element_type3A = arith.truncf %jit3A : f64 to f32
    %broadcast_in_dim3A = vector.shape_cast %slice3A_11 : vector<128x1xf32> to vector<128x1xf32>
    %broadcast_in_dim3A_12 = vector.broadcast %broadcast_in_dim3A : vector<128x1xf32> to vector<128x128xf32>
    %broadcast_in_dim3A_13 = vector.broadcast %convert_element_type3A : f32 to vector<128x128xf32>
    %select_n3A = arith.select %eq3A_10, %broadcast_in_dim3A_12, %broadcast_in_dim3A_13 : vector<128x128xi1>, vector<128x128xf32>
    %broadcast_in_dim3A_14 = vector.shape_cast %slice3A : vector<128x1xf32> to vector<128x1xf32>
    %broadcast_in_dim3A_15 = vector.broadcast %broadcast_in_dim3A_14 : vector<128x1xf32> to vector<128x128xf32>
    %select_n3A_16 = arith.select %eq3A_7, %broadcast_in_dim3A_15, %select_n3A : vector<128x128xi1>, vector<128x128xf32>
    %swap3A = arith.constant 0 : index
    %swap3A_17 = arith.constant 0 : index
    %swap3A_18 = vector.load %arg4[%swap3A, %swap3A_17] : memref<128x128xf32, #tpu.memory_space<vmem>>, vector<128x128xf32>
    tpu.vector_store %arg4[%swap3A, %swap3A_17], %select_n3A_16 {strides = array<i32>} : memref<128x128xf32, #tpu.memory_space<vmem>>, vector<128x128xf32>,
    %get3A_19 = arith.constant 0 : index
    %get3A_20 = arith.constant 0 : index
    %get3A_21 = vector.load %arg2[%get3A_19, %get3A_20] : memref<1x64xf32, #tpu.memory_space<vmem>>, vector<1x64xf32>
    %get3A_22 = arith.constant 0 : index
    %get3A_23 = arith.constant 0 : index
    %get3A_24 = vector.load %arg1[%get3A_22, %get3A_23] : memref<64x1xf32, #tpu.memory_space<vmem>>, vector<64x1xf32>
    %dot_general3A_25 = arith.constant dense<0.000000e+00> : vector<1x1xf32>
    %dot_general3A_26 = tpu.matmul %get3A_21, %get3A_24, %dot_general3A_25 {dimension_numbers = #tpu.dot_dimension_numbers<[1], [0], [0], [1], [0, 0, 1, 1], [], []>, precision = #tpu.contract_precision<fp32>, transpose_lhs_hint = false} : vector<1x64xf32>, vector<64x1xf32>, vector<1x1xf32> -> vector<1x1xf32>
    %squeeze3A = vector.extract %dot_general3A_26[0, 0] : f32 from vector<1x1xf32>
    %get3A_27 = arith.constant 0 : index
    %get3A_28 = arith.constant 0 : index
    %get3A_29 = vector.load %arg3[%get3A_27, %get3A_28] : memref<1x1xf32, #tpu.memory_space<vmem>>, vector<1x1xf32>
    %get3A_30 = vector.extract %get3A_29[0, 0] : f32 from vector<1x1xf32>
    %add3A = arith.addf %squeeze3A, %get3A_30 : f32
    %iota3A_31 = tpu.iota {dimensions = array<i32: 1>} : vector<8x128xi32>
    %eq3A_32 = arith.constant 0 : i32
    %eq3A_33 = vector.broadcast %eq3A_32 : i32 to vector<8x128xi32>
    %eq3A_34 = arith.cmpi eq, %iota3A_31, %eq3A_33 : vector<8x128xi32>
    %jit3A_35 = arith.constant 0.000000e+00 : f64
    %convert_element_type3A_36 = arith.truncf %jit3A_35 : f64 to f32
    %broadcast_in_dim3A_37 = vector.broadcast %add3A : f32 to vector<8x128xf32>
    %broadcast_in_dim3A_38 = vector.broadcast %convert_element_type3A_36 : f32 to vector<8x128xf32>
    %select_n3A_39 = arith.select %eq3A_34, %broadcast_in_dim3A_37, %broadcast_in_dim3A_38 : vector<8x128xi1>, vector<8x128xf32>
    %swap3A_40 = arith.constant 0 : index
    %swap3A_41 = arith.constant 0 : index
    %swap3A_42 = vector.load %arg5[%swap3A_40, %swap3A_41] : memref<8x128xf32, #tpu.memory_space<vmem>>, vector<8x128xf32>
    tpu.vector_store %arg5[%swap3A_40, %swap3A_41], %select_n3A_39 {strides = array<i32>} : memref<8x128xf32, #tpu.memory_space<vmem>>, vector<8x128xf32>,
    return
  }
}

module attributes {stable_mosaic.version = 14 : i64} {
  func.func @_mm3_body(%arg0: i32, %arg1: memref<2x1000x128xf32, #tpu.memory_space<vmem>>, %arg2: memref<1000x128xf32, #tpu.memory_space<vmem>>, %arg3: memref<128x128xf32, #tpu.memory_space<vmem>>, %arg4: memref<8x128xf32, #tpu.memory_space<vmem>>, %arg5: memref<1000x128xf32, #tpu.memory_space<vmem>>, %arg6: memref<1000x128xf32, #tpu.memory_space<vmem>>) attributes {dimension_semantics = [#tpu.dimension_semantics<arbitrary>], iteration_bounds = array<i64: 10>, scalar_prefetch = 0 : i64, scratch_operands = 0 : i64, tpu.core_type = #tpu.core_type<tc>, window_params = [{transform_indices = @transform_0, window_bounds = array<i64: 2, 1000, 128>}, {transform_indices = @transform_1, window_bounds = array<i64: 1000, 128>}, {pipeline_mode = #tpu.pipeline_mode<synchronous>, transform_indices = @transform_2, window_bounds = array<i64: 128, 128>}, {pipeline_mode = #tpu.pipeline_mode<synchronous>, transform_indices = @transform_3, window_bounds = array<i64: 8, 128>}, {transform_indices = @transform_4, window_bounds = array<i64: 1000, 128>}, {transform_indices = @transform_5, window_bounds = array<i64: 1000, 128>}]} {
    %get3A = arith.constant 0 : index
    %get3A_0 = arith.constant 0 : index
    %get3A_1 = arith.constant 0 : index
    %get3A_2 = vector.load %arg1[%get3A, %get3A_0, %get3A_1] : memref<2x1000x128xf32, #tpu.memory_space<vmem>>, vector<1x1000x128xf32>
    %get3A_3 = vector.shape_cast %get3A_2 : vector<1x1000x128xf32> to vector<1000x128xf32>
    %get3A_4 = arith.constant 1 : index
    %get3A_5 = arith.constant 0 : index
    %get3A_6 = arith.constant 0 : index
    %get3A_7 = vector.load %arg1[%get3A_4, %get3A_5, %get3A_6] : memref<2x1000x128xf32, #tpu.memory_space<vmem>>, vector<1x1000x128xf32>
    %get3A_8 = vector.shape_cast %get3A_7 : vector<1x1000x128xf32> to vector<1000x128xf32>
    %add3A = arith.addf %get3A_3, %get3A_8 : vector<1000x128xf32>
    %get3A_9 = arith.constant 0 : index
    %get3A_10 = arith.constant 0 : index
    %get3A_11 = vector.load %arg2[%get3A_9, %get3A_10] : memref<1000x128xf32, #tpu.memory_space<vmem>>, vector<1000x128xf32>
    %add3A_12 = arith.addf %add3A, %get3A_11 : vector<1000x128xf32>
    %max3A = arith.constant 0.000000e+00 : f32
    %max3A_13 = vector.broadcast %max3A : f32 to vector<1000x128xf32>
    %max3A_14 = arith.maximumf %add3A_12, %max3A_13 : vector<1000x128xf32>
    %swap3A = arith.constant 0 : index
    %swap3A_15 = arith.constant 0 : index
    %swap3A_16 = vector.load %arg5[%swap3A, %swap3A_15] : memref<1000x128xf32, #tpu.memory_space<vmem>>, vector<1000x128xf32>
    tpu.vector_store %arg5[%swap3A, %swap3A_15], %max3A_14 {strides = array<i32>} : memref<1000x128xf32, #tpu.memory_space<vmem>>, vector<1000x128xf32>,
    %get3A_17 = arith.constant 0 : index
    %get3A_18 = arith.constant 0 : index
    %get3A_19 = vector.load %arg3[%get3A_17, %get3A_18] : memref<128x128xf32, #tpu.memory_space<vmem>>, vector<128x128xf32>
    %dot_general3A = arith.constant dense<0.000000e+00> : vector<1000x128xf32>
    %dot_general3A_20 = tpu.matmul %max3A_14, %get3A_19, %dot_general3A {dimension_numbers = #tpu.dot_dimension_numbers<[1], [0], [0], [1], [0, 0, 1, 1], [], []>, precision = #tpu.contract_precision<fp32>, transpose_lhs_hint = false} : vector<1000x128xf32>, vector<128x128xf32>, vector<1000x128xf32> -> vector<1000x128xf32>
    %get3A_21 = arith.constant 0 : index
    %get3A_22 = arith.constant 0 : index
    %get3A_23 = vector.load %arg4[%get3A_21, %get3A_22] : memref<8x128xf32, #tpu.memory_space<vmem>>, vector<1x128xf32>
    %add3A_24 = vector.broadcast %get3A_23 : vector<1x128xf32> to vector<1000x128xf32>
    %add3A_25 = arith.addf %dot_general3A_20, %add3A_24 : vector<1000x128xf32>
    %swap3A_26 = arith.constant 0 : index
    %swap3A_27 = arith.constant 0 : index
    %swap3A_28 = vector.load %arg6[%swap3A_26, %swap3A_27] : memref<1000x128xf32, #tpu.memory_space<vmem>>, vector<1000x128xf32>
    tpu.vector_store %arg6[%swap3A_26, %swap3A_27], %add3A_25 {strides = array<i32>} : memref<1000x128xf32, #tpu.memory_space<vmem>>, vector<1000x128xf32>,
    return
  }
  func.func @transform_0(%arg0: i32) -> (i32, i32, i32) {
    %c0_i32 = arith.constant 0 : i32
    %c0_i32_0 = arith.constant 0 : i32
    %c0_i32_1 = arith.constant 0 : i32
    return %c0_i32, %arg0, %c0_i32_0 : i32, i32, i32
  }
  func.func @transform_1(%arg0: i32) -> (i32, i32) {
    %c0_i32 = arith.constant 0 : i32
    %c0_i32_0 = arith.constant 0 : i32
    return %arg0, %c0_i32 : i32, i32
  }
  func.func @transform_2(%arg0: i32) -> (i32, i32) {
    %c0_i32 = arith.constant 0 : i32
    %c0_i32_0 = arith.constant 0 : i32
    %c0_i32_1 = arith.constant 0 : i32
    return %c0_i32, %c0_i32_0 : i32, i32
  }
  func.func @transform_3(%arg0: i32) -> (i32, i32) {
    %c0_i32 = arith.constant 0 : i32
    %c0_i32_0 = arith.constant 0 : i32
    %c0_i32_1 = arith.constant 0 : i32
    return %c0_i32, %c0_i32_0 : i32, i32
  }
  func.func @transform_4(%arg0: i32) -> (i32, i32) {
    %c0_i32 = arith.constant 0 : i32
    %c0_i32_0 = arith.constant 0 : i32
    return %arg0, %c0_i32 : i32, i32
  }
  func.func @transform_5(%arg0: i32) -> (i32, i32) {
    %c0_i32 = arith.constant 0 : i32
    %c0_i32_0 = arith.constant 0 : i32
    return %arg0, %c0_i32 : i32, i32
  }
}

</mosaic_0001>

<sc_bundles>
// kernel: kernel.10.cloned.1.call-start
scs
__scs_entry_jumppad:
0x0: {  	(pc) =	sbr.rel $0x88, $3  }
0x1: {  	(tag) =	ssettag $0x0;
	lr =	simm.s32 $0x1  }
0x2: {  	[smem:$0x3F97] =	sst lr;
	_ =	strace $0xD0000000  }
0x3: {  	_ = 	snop  }
0x4: {  	_ = 	snop  }
0x5: {  	_ = 	snop  }
0x6: {  	_ = 	snop  }
0x7: {  	_ = 	snop  }
__scs_overlays_trampoline_lowered:
0x8: {  	[smem:$0x3FA6] =	sst s0  }
0x9: {  	[smem:$0x3FA7] =	sst s1  }
0xa: {  	[smem:$0x3FA8] =	sst s2  }
0xb: {  	[smem:$0x3FA9] =	sst s3  }
0xc: {  	[smem:$0x3FAA] =	sst s4  }
0xd: {  	[smem:$0x3FAB] =	sst s5  }
0xe: {  	[smem:$0x3FAC] =	sst s6  }
0xf: {  	[smem:$0x3FAD] =	sst s7  }
0x10: {  	[smem:$0x3FAE] =	sst s8  }
0x11: {  	[smem:$0x3FAF] =	sst s9;
	s0 =	simm.s32 @!p0 $0x0  }
0x12: {  	s1 =	sld [smem:$0x3F95];
	s0 =	simm.s32 @p0 $0x1  }
0x13: {  	[smem:$0x3FB0] =	sst s0;
	s0 =	simm.s32 @!p1 $0x0  }
0x14: {  	s2 =	sld [smem:$0x3F94];
	s0 =	simm.s32 @p1 $0x1  }
0x15: {  	[smem:$0x3FB1] =	sst s0;
	s0 =	simm.s32 @!p2 $0x0  }
0x16: {  	s3 =	sld [smem:$0x3FDB];
	s0 =	simm.s32 @p2 $0x1  }
0x17: {  	s4 =	simm.s32 $0x1BF5;
	[smem:$0x3FB3] =	sst s0  }
0x18: {  	s0 =	sld [smem:$0x3F96];
	_ =	swait.ge [sflag:s4], $0x0  }
0x19: {  	s7 =	sld [smem:$0x3F97]  }
0x1a: {  	s8 =	sadd.s32 $0xFFFFE003, lr  }
0x1b: {  	s9 =	sadd.s32 $0xFFFFFEF7, lr;
	s5 =	simm.s32 $0xFFFFFFFF;
	p2 =	slt.u32 s8, $0xFFFFF086  }
0x1c: {  	p1 =	slt.u32 s9, $0xF7A;
	s5 =	simm.s32 @!p2 $0x0  }
0x1d: {  	s5 =	simm.s32 @p1 $0x1;
	p0 =	seq.s32 s7, s2  }
0x1e: {  	s7 =	smul.u32 @!p0 $0xF7A, s2;
	p2 =	seq.s32 @!p0 s5, $0x0  }
0x1f: {  	s9 =	smul.u32 $0xF7A, s1;
	s8 =	simm.s32 @!p0 $0x1BF5;
	p2 =	por !p2, p0  }
0x20: {  	[sflag:s8] =	ssyncset.s32 @!p0 $0xFFFFF086;
	s6 =	sadd.s32 @!p0 s3, s7;
	s7 =	simm.s32 @!p0 $0x108  }
0x21: {  	s3 =	sadd.s32 s3, s9;
	s6 =	sadd.s32 @!p0 $0x88, s6;
	s7 =	simm.s32 @p2 $0x1082  }
0x22: {  	[simem:s7], [sflag:s8] =	dma.local @!p0 [hbm:s6], $0xF7A  }
0x23: {  	s9 =	sor.u32 $0xD0000000, s2;
	s6 =	simm.s32 $0x108;
	_ =	swait.ge @!p0 [sflag:s8], $0x0  }
0x24: {  	s3 =	sadd.s32 $0x88, s3;
	s6 =	simm.s32 @!p1 $0x1082;
	[sflag:s4] =	ssyncset.s32 $0xFFFFF086  }
0x25: {  	[simem:s6], [sflag:s4] =	dma.local [hbm:s3], $0xF7A  }
0x26: {  	[smem:$0x3F97] =	sst s1;
	(tag) =	ssettag s2;
	_ =	strace s9  }
0x27: {  	s1 =	sld [smem:$0x3FA7]  }
0x28: {  	s2 =	sld [smem:$0x3FA8]  }
0x29: {  	s4 =	sld [smem:$0x3FAA]  }
0x2a: {  	p0 =	seq.s32 s5, $0x0;
	s5 =	sld [smem:$0x3FAB]  }
0x2b: {  	s6 =	sld [smem:$0x3FAC]  }
0x2c: {  	s7 =	sld [smem:$0x3FAD]  }
0x2d: {  	s3 =	simm.s32 $0x108;
	s8 =	sld [smem:$0x3FAE]  }
0x2e: {  	s3 =	simm.s32 @!p0 $0x1082;
	s9 =	sld [smem:$0x3FAF]  }
0x2f: {  	lr =	sadd.s32 s0, s3;
	s0 =	sld [smem:$0x3FA6]  }
0x30: {  	s3 =	sld [smem:$0x3FA9]  }
0x31: {  	[smem:$0x3FB2] =	sst s10  }
0x32: {  	s10 =	sld [smem:$0x3FB0];
	_ =	sdelay $0x3  }
0x33: {  	p0 =	seq.s32 s10, $0x1;
	s10 =	sld [smem:$0x3FB2];
	_ =	sdelay $0x3  }
0x34: {  	[smem:$0x3FB2] =	sst s10  }
0x35: {  	s10 =	sld [smem:$0x3FB1];
	_ =	sdelay $0x3  }
0x36: {  	p1 =	seq.s32 s10, $0x1;
	s10 =	sld [smem:$0x3FB2];
	_ =	sdelay $0x3  }
0x37: {  	[smem:$0x3FB2] =	sst s10  }
0x38: {  	s10 =	sld [smem:$0x3FB3]  }
0x39: {  	_ = 	snop;
	(pc) =	sbr.ind lr, $3  }
0x3a: {  	_ = 	snop  }
0x3b: {  	_ = 	snop  }
0x3c: {  	p2 =	seq.s32 s10, $0x1;
	s10 =	sld [smem:$0x3FB2]  }
0x3d: {  	_ =	shalt  }
0x3e: {  	_ =	shalt  }
0x3f: {  	_ =	shalt  }
0x40: {  	_ =	shalt  }
0x41: {  	_ =	shalt  }
0x42: {  	_ =	shalt  }
0x43: {  	_ =	shalt  }
0x44: {  	_ =	shalt  }
0x45: {  	_ =	shalt  }
0x46: {  	_ =	shalt  }
0x47: {  	_ =	shalt  }
0x48: {  	_ =	shalt  }
0x49: {  	_ =	shalt  }
0x4a: {  	_ =	shalt  }
0x4b: {  	_ =	shalt  }
0x4c: {  	_ =	shalt  }
0x4d: {  	_ =	shalt  }
0x4e: {  	_ =	shalt  }
0x4f: {  	_ =	shalt  }
0x50: {  	_ =	shalt  }
0x51: {  	_ =	shalt  }
0x52: {  	_ =	shalt  }
0x53: {  	_ =	shalt  }
0x54: {  	_ =	shalt  }
0x55: {  	_ =	shalt  }
0x56: {  	_ =	shalt  }
0x57: {  	_ =	shalt  }
0x58: {  	_ =	shalt  }
0x59: {  	_ =	shalt  }
0x5a: {  	_ =	shalt  }
0x5b: {  	_ =	shalt  }
0x5c: {  	_ =	shalt  }
0x5d: {  	_ =	shalt  }
0x5e: {  	_ =	shalt  }
0x5f: {  	_ =	shalt  }
0x60: {  	_ =	shalt  }
0x61: {  	_ =	shalt  }
0x62: {  	_ =	shalt  }
0x63: {  	_ =	shalt  }
0x64: {  	_ =	shalt  }
0x65: {  	_ =	shalt  }
0x66: {  	_ =	shalt  }
0x67: {  	_ =	shalt  }
0x68: {  	_ =	shalt  }
0x69: {  	_ =	shalt  }
0x6a: {  	_ =	shalt  }
0x6b: {  	_ =	shalt  }
0x6c: {  	_ =	shalt  }
0x6d: {  	_ =	shalt  }
0x6e: {  	_ =	shalt  }
0x6f: {  	_ =	shalt  }
0x70: {  	_ =	shalt  }
0x71: {  	_ =	shalt  }
0x72: {  	_ =	shalt  }
0x73: {  	_ =	shalt  }
0x74: {  	_ =	shalt  }
0x75: {  	_ =	shalt  }
0x76: {  	_ =	shalt  }
0x77: {  	_ =	shalt  }
0x78: {  	_ =	shalt  }
0x79: {  	_ =	shalt  }
0x7a: {  	_ =	shalt  }
0x7b: {  	_ =	shalt  }
0x7c: {  	_ =	shalt  }
0x7d: {  	_ =	shalt  }
0x7e: {  	_ =	shalt  }
0x7f: {  	_ =	shalt  }
0x80: {  	_ =	shalt  }
0x81: {  	_ =	shalt  }
0x82: {  	_ =	shalt  }
0x83: {  	_ =	shalt  }
0x84: {  	_ =	shalt  }
0x85: {  	_ =	shalt  }
0x86: {  	_ =	shalt  }
0x87: {  	_ =	shalt  }
.Lfunc_end0:
.L_simem_size_0:
called_computation_lowered:
.L_overlay_start_0:
0x88: {  	s2 =	sld [smem:$0x3FD9]  }
0x89: {  	s3 =	sld [smem:$0x3FFE];
	_ =	sdelay $0x1  }
0x8a: {  	s1 =	srdreg.scid  }
0x8b: {  	s0 =	sand.u32 $0x1, s1  }
0x8c: {  	s14 =	sshll.u32 s0, $0xA;
	s2 =	sadd.s32 s3, s2  }
0x8d: {  	s2 =	sadd.s32 s2, s14  }
0x8e: {  	[smem:$0x3FBE] =	sst s2  }
0x8f: {  	_ = 	snop  }
0x90: {  	s2 =	sld [smem:$0x3FD0];
	_ =	sdelay $0x2  }
0x91: {  	s15 =	simm.s32 $0xA;
	s4 =	simm.s32 $0x10  }
0x92: {  	[smem:s4], [sflag:s15] =	dma.local [hbm:s2], $0x1  }
0x93: {  	_ =	swait.eq [sflag:s15], $0x1  }
0x94: {  	[sflag:s15] =	ssyncset.done $0x0  }
0x95: {  	[sflag:s15] =	ssyncadd.s32 $0xFFFFFFFF  }
0x96: {  	s16 =	sld [smem:$0x11];
	(tm) =	ssettm $0x1  }
0x97: {  	s17 =	sld [smem:$0x3FFB];
	_ =	sdelay $0x3  }
0x98: {  	_ =	strace s17  }
0x99: {  	s3 =	sld [smem:$0x3FFC];
	_ =	sdelay $0x3  }
0x9a: {  	_ =	strace s3  }
0x9b: {  	s3 =	sld [smem:$0x3FFD];
	_ =	sdelay $0x3  }
0x9c: {  	_ =	strace s3  }
0x9d: {  	_ =	strace $0x8FFFFFFF  }
0x9e: {  	s18 =	sld [smem:$0x3FDB];
	_ =	sdelay $0x1  }
0x9f: {  	s19 =	simm.s32 $_scs_section_size  }
0xa0: {  	s5 =	simm.s32 $_size__tile_overlayer_lowered;
	s6 =	simm.s32 $_tile_overlayer_lowered  }
0xa1: {  	s22 =	simm.s32 $0x1BFF;
	s21 =	sshll.u32 s6, $0x1;
	s3 =	sadd.s32 s19, s18  }
0xa2: {  	s7 =	simm.s32 $0x0;
	s20 =	sshll.u32 s5, $0x1;
	s5 =	sadd.s32 s21, s3  }
0xa3: {  	[timem:s7], [sflag:s22] =	dma.local [hbm:s5], s20  }
0xa4: {  	_ =	swait.ge [sflag:s22], s20  }
0xa5: {  	s4 =	ssub.s32 $0x0, s20;
	[sflag:s22] =	ssyncset.done $0x0  }
0xa6: {  	[sflag:s22] =	ssyncadd.s32 s4;
	_ =	sdelay $0x1  }
0xa7: {  	s23 =	simm.s32 $0x1B8B  }
0xa8: {  	_ =	swait.ge [sflag:s23], $0x1  }
0xa9: {  	[sflag:s23] =	ssyncset.done $0x0  }
0xaa: {  	s25 =	simm.s32 $0x1B8E;
	s24 =	sld [smem:$0x3FFE];
	[sflag:s23] =	ssyncadd.s32 $0xFFFFFFFF  }
0xab: {  	s26 =	simm.s32 $execute0_lowered;
	[smem:$0x3FD2] =	sst s25  }
0xac: {  	s5 =	sshll.u32 s26, $0x1;
	_ =	strace $0x80000046;
	[dreg:$0x1] =	wrdreg $0xFFFFFFFF  }
0xad: {  	s28 =	simm.s32 $_size_execute0_lowered;
	s3 =	sadd.s32 s3, s5;
	[dreg:$0x0] =	wrdreg $0x0  }
0xae: {  	s5 =	sshll.u32 s28, $0x1;
	[dreg:$0x2] =	wrdreg s3  }
0xaf: {  	[dreg:$0x3] =	wrdreg s5  }
0xb0: {  	[dreg:$0x4] =	wrdreg $0xC0  }
0xb1: {  	_ =	task [dreg:s7], $0x5FFFF  }
0xb2: {  	[dreg:$0x1] =	wrdreg $0xFFFFFFFF  }
0xb3: {  	[dreg:$0x0] =	wrdreg $0x60  }
0xb4: {  	[dreg:$0x2] =	wrdreg s24  }
0xb5: {  	[dreg:$0x3] =	wrdreg s16  }
0xb6: {  	[dreg:$0x4] =	wrdreg $0xA8000  }
0xb7: {  	[dreg:$0x5] =	wrdreg $0x9  }
0xb8: {  	_ =	task.clear_ibuf [dreg:s7], $0x6FFFF;
	_ =	strace $0x90000046  }
0xb9: {  	s29 =	simm.s32 $0x9;
	_ =	strace $0x80000048  }
0xba: {  	_ =	swait.ge [sflag:s29], $0x1  }
0xbb: {  	[sflag:s29] =	ssyncadd.s32 $0xFFFFFFFF  }
0xbc: {  	_ =	strace $0x90000048  }
0xbd: {  	_ =	sfence  }
0xbe: {  	s30 =	sld [smem:$0x0];
	_ =	sdelay $0x2  }
0xbf: {  	s31 =	sshll.u32 s1, $0xD;
	s1 =	sshrl.u32 s1, $0x2  }
0xc0: {  	s3 =	sand.u32 $0x4000, s31;
	s1 =	sadd.s32 s1, s30  }
0xc1: {  	s0 =	sor.u32 s3, s0;
	s1 =	sshll.u32 s1, $0x11  }
0xc2: {  	s0 =	sor.u32 s1, s0  }
0xc3: {  	s0 =	sadd.s32 $0x8F2B, s0  }
0xc4: {  	[sflag:s0] =	ssyncadd.remote.s32 $0x1  }
0xc5: {  	_ =	sfence.sel $0xFFFF  }
0xc6: {  	[dreg:$0x0] =	wrdreg $0xFFFFFFFF;
	(pc) =	sbr.abs _section_cstart, $3  }
0xc7: {  	[dreg:$0x1] =	wrdreg $0xFFFFFFFF  }
0xc8: {  	_ =	task.clear_ibuf [dreg:s7], $0x2FFFF;
	_ =	strace $0x9FFFFFFF  }
0xc9: {  	(tm) =	ssettm $0x7FFFFFFF  }
tec
execute0_lowered:
.L_overlay_start_1:
0x0: {  	(tag) =	ssettag $0x1  }
0x1: {  	s1 =	rddreg [dreg:$0x0]  }
0x2: {  	s0 =	srdreg.scid;
	s15 =	rddreg [dreg:$0x1]  }
0x3: {  	s26 =	stileid.u32;
	s2 =	rddreg [dreg:$0x2]  }
0x4: {  	s17 =	simm.s32 $0x4;
	s18 =	simm.s32 $0x1400;
	s19 =	simm.s32 $0x7D  }
0x5: {  	s20 =	simm.s32 $0x80;
	s21 =	simm.s32 $0x6800;
	s22 =	simm.s32 $0x2800  }
0x6: {  	s23 =	simm.s32 $0x3;
	s24 =	simm.s32 $0x1;
	s28 =	simm.s32 $0x2700  }
0x7: {  	s29 =	simm.s32 $0x2780;
	s30 =	simm.s32 $0x0;
	s5 =	smul.u32 $0x4E000, s26  }
0x8: {  	s11 =	sand.u32 $0x1, s0;
	s13 =	sadd.s32 $0x138000, s2;
	s25 =	smul.u32 $0x2700, s26  }
0x9: {  	p0 =	sne.s32 s26, $0xF;
	s3 =	sshll.u32 s11, $0x4;
	s6 =	ssub.s32 $0x2, s11  }
0xa: {  	s16 =	smul.u32 $0x27100, s11;
	s4 =	sor.u32 s26, s3;
	s3 =	simm.s32 $0x0  }
0xb: {  	s7 =	sshrl.u32 s6, $0x1;
	s5 =	sshrl.u32 s5, $0x2;
	s26 =	simm.s32 $0x2  }
0xc: {  	s4 =	smul.u32 $0x500, s4;
	[smem:$0x7FF] =	sst s3;
	s31 =	ssub.s32 s6, s7  }
0xd: {  	s5 =	sadd.s32 s5, s2;
	s15 =	sadd.s32 s15, s16;
	_ =	strace $0x80000047  }
0xe: {  	s8 =	sadd.s32 $0x3C00, s5;
	s9 =	sadd.s32 $0x7800, s5;
	s10 =	sadd.s32 $0xB400, s5  }
0xf: {  	s11 =	sadd.s32 $0xF000, s5;
	s12 =	sadd.s32 $0x12C00, s5;
	s16 =	smax.u32 s31, $0x1  }
0x10: {  	s25 =	sadd.s32 s25, s15;
	s14 =	sadd.s32 s4, s1;
	s4 =	sadd.s32 $0x15C00, s1  }
0x11: {  	v0 =	vimm.f32 $0.0e+00;
	s6 =	sadd.s32 $0x1C00, s14;
	s7 =	sadd.s32 $0xBC00, s14;
	s14 =	sadd.s32 $0x1E80, s14  }
.LBB2_1:
0x12: {  	s31 =	simm.s32 $0x0;
	s1 =	simm.s32 $0x200  }
.LBB2_2:
0x13: {  	p1 =	sne.s32 s1, $0xF800;
	[tilespmem:s31+$0x2870] =	vst v0  }
0x14: {  	[tilespmem:s31+$0x2800] =	vst v0  }
0x15: {  	[tilespmem:s31+$0x2810] =	vst v0  }
.Ltmp0:
0x16: {  	[tilespmem:s31+$0x2820] =	vst v0;
	(pc) =	sbr.rel @p1 .LBB2_2-.Ltmp0, $4  }
0x17: {  	[tilespmem:s31+$0x2830] =	vst v0  }
0x18: {  	[tilespmem:s31+$0x2840] =	vst v0  }
0x19: {  	[tilespmem:s31+$0x2850] =	vst v0  }
0x1a: {  	[tilespmem:s31+$0x2860] =	vst v0;
	s31 =	sshra.s32 s1, $0x2;
	s1 =	sadd.s32 $0x200, s1  }
0x1b: {  	[tilespmem:s31+$0x2870] =	vst v0  }
0x1c: {  	[tilespmem:s31+$0x2800] =	vst v0  }
0x1d: {  	[tilespmem:s31+$0x2810] =	vst v0  }
0x1e: {  	[tilespmem:s31+$0x2820] =	vst v0  }
0x1f: {  	[tilespmem:s31+$0x2830] =	vst v0  }
0x20: {  	[tilespmem:s31+$0x2840] =	vst v0  }
0x21: {  	[tilespmem:s31+$0x2850] =	vst v0  }
0x22: {  	[tilespmem:s31+$0x2860] =	vst v0  }
0x23: {  	[tilespmem:s3], [sflag:$0x4] =	stream.linear.gather [hbm4b:s6+s3], $0x1400, $0x38;
	[tilespmem:$0x1E080] =	vst v63  }
0x24: {  	_ =	swait.ge [sflag:s17], $0x1400  }
0x25: {  	[sflag:s17] =	ssyncset.done $0x0  }
0x26: {  	[sflag:s17] =	ssyncadd.s32 $0xFFFFEC00  }
0x27: {  	[tilespmem:s18], [sflag:$0x4] =	stream.linear.gather [hbm4b:s7+s3], $0x1400, $0x38;
	[tilespmem:$0x1E080] =	vst v63  }
0x28: {  	_ =	swait.ge [sflag:s17], $0x1400  }
0x29: {  	[sflag:s17] =	ssyncset.done $0x0  }
0x2a: {  	[sflag:s17] =	ssyncadd.s32 $0xFFFFEC00  }
0x2b: {  	[tilespmem:s21], [sflag:$0x2] =	stream.indirect.gather [hbm4b:s4+s19], $0x80, s20, s19, $0xb8;
	[tilespmem:$0x1E080] =	vst v63  }
0x2c: {  	_ = 	snop  }
0x2d: {  	[spmem:s5] =	stream.linear.scatter [tilespmem:s22], [sflag:$0x3], $0x3C00, $0x38;
	[tilespmem:$0x1E080] =	vst v63  }
0x2e: {  	_ = 	snop  }
0x2f: {  	[spmem:s8] =	stream.linear.scatter [tilespmem:s22], [sflag:$0x3], $0x3C00, $0x38;
	[tilespmem:$0x1E080] =	vst v63  }
0x30: {  	_ = 	snop  }
0x31: {  	[spmem:s9] =	stream.linear.scatter [tilespmem:s22], [sflag:$0x3], $0x3C00, $0x38;
	[tilespmem:$0x1E080] =	vst v63  }
0x32: {  	_ = 	snop  }
0x33: {  	[spmem:s10] =	stream.linear.scatter [tilespmem:s22], [sflag:$0x3], $0x3C00, $0x38;
	[tilespmem:$0x1E080] =	vst v63  }
0x34: {  	_ = 	snop  }
0x35: {  	[spmem:s11] =	stream.linear.scatter [tilespmem:s22], [sflag:$0x3], $0x3C00, $0x38;
	[tilespmem:$0x1E080] =	vst v63  }
0x36: {  	_ = 	snop  }
0x37: {  	[spmem:s12] =	stream.linear.scatter [tilespmem:s22], [sflag:$0x3], $0xC00, $0x38;
	[tilespmem:$0x1E080] =	vst v63  }
0x38: {  	s1 =	simm.s32 @!p0 $0x2800  }
0x39: {  	[spmem:s13] =	stream.linear.scatter @!p0 [tilespmem:s1], [sflag:$0x3], $0x800, $0x38;
	[tilespmem:$0x1E080] =	vst v63  }
0x3a: {  	_ =	swait.ge [sflag:s23], $0x3C00  }
0x3b: {  	[sflag:s23] =	ssyncset.done $0x0  }
0x3c: {  	[sflag:s23] =	ssyncadd.s32 $0xFFFFC400  }
0x3d: {  	_ =	swait.ge [sflag:s23], $0x3C00  }
0x3e: {  	[sflag:s23] =	ssyncset.done $0x0  }
0x3f: {  	[sflag:s23] =	ssyncadd.s32 $0xFFFFC400  }
0x40: {  	_ =	swait.ge [sflag:s23], $0x3C00  }
0x41: {  	[sflag:s23] =	ssyncset.done $0x0  }
0x42: {  	[sflag:s23] =	ssyncadd.s32 $0xFFFFC400  }
0x43: {  	_ =	swait.ge [sflag:s23], $0x3C00  }
0x44: {  	[sflag:s23] =	ssyncset.done $0x0  }
0x45: {  	[sflag:s23] =	ssyncadd.s32 $0xFFFFC400  }
0x46: {  	_ =	swait.ge [sflag:s23], $0x3C00  }
0x47: {  	[sflag:s23] =	ssyncset.done $0x0  }
0x48: {  	[sflag:s23] =	ssyncadd.s32 $0xFFFFC400  }
0x49: {  	_ =	swait.ge [sflag:s23], $0xC00  }
0x4a: {  	[sflag:s23] =	ssyncset.done $0x0  }
0x4b: {  	s1 =	simm.s32 @!p0 $0x3;
	[sflag:s23] =	ssyncadd.s32 $0xFFFFF400  }
0x4c: {  	_ =	swait.ge @!p0 [sflag:s1], $0x800  }
0x4d: {  	[sflag:s1] =	ssyncset.done @!p0 $0x0  }
0x4e: {  	s0 =	simm.s32 $0x0;
	[sflag:s1] =	ssyncadd.s32 @!p0 $0xFFFFF800  }
0x4f: {  	[tilespmem:s22], [sflag:$0x1] =	stream.indirect.gather [hbm4b:s4+s19], $0x80, s0, s19, $0xb8;
	[tilespmem:$0x1E080] =	vst v63  }
0x50: {  	[bflag:$0x0] =	sbarrier.arrive $0xFFFF  }
0x51: {  	_ =	swait.ge [sflag:s24], $0x3E80  }
0x52: {  	[sflag:s24] =	ssyncset.done $0x0  }
0x53: {  	s0 =	simm.s32 $0x1400;
	[sflag:s24] =	ssyncadd.s32 $0xFFFFC180  }
0x54: {  	[spmem:s2] =	stream.indirect.scatter.add.f32 [tilespmem:s22], [sflag:$0x4], $0x80, s0, s19, $0xb8;
	[tilespmem:$0x1E080] =	vst v63  }
0x55: {  	_ =	swait.ge [sflag:s17], $0x3E80  }
0x56: {  	[sflag:s17] =	ssyncset.done $0x0  }
0x57: {  	s0 =	simm.s32 $0x100;
	[sflag:s17] =	ssyncadd.s32 $0xFFFFC180  }
0x58: {  	[tilespmem:s22], [sflag:$0x1] =	stream.indirect.gather [hbm4b:s4+s19], $0x80, s0, s19, $0xb8;
	[tilespmem:$0x1E080] =	vst v63  }
0x59: {  	_ =	swait.ge [sflag:s26], $0x3E80  }
0x5a: {  	[sflag:s26] =	ssyncset.done $0x0  }
0x5b: {  	s0 =	simm.s32 $0x1480;
	[sflag:s26] =	ssyncadd.s32 $0xFFFFC180  }
0x5c: {  	[spmem:s2] =	stream.indirect.scatter.add.f32 [tilespmem:s21], [sflag:$0x4], $0x80, s0, s19, $0xb8;
	[tilespmem:$0x1E080] =	vst v63  }
0x5d: {  	_ =	swait.ge [sflag:s17], $0x3E80  }
0x5e: {  	[sflag:s17] =	ssyncset.done $0x0  }
0x5f: {  	s31 =	simm.s32 $0x400;
	s1 =	simm.s32 $0x180;
	[sflag:s17] =	ssyncadd.s32 $0xFFFFC180  }
.LBB2_4:
0x60: {  	[tilespmem:s21], [sflag:$0x2] =	stream.indirect.gather [hbm4b:s4+s19], $0x80, s1, s19, $0xb8;
	[tilespmem:$0x1E080] =	vst v63  }
0x61: {  	s1 =	smov.u32 s31  }
0x62: {  	p1 =	sne.s32 s31, $0x4800;
	s31 =	sadd.s32 $0x400, s31;
	_ =	swait.ge [sflag:s24], $0x3E80  }
0x63: {  	s1 =	sshra.s32 s1, $0x2;
	[sflag:s24] =	ssyncset.done $0x0  }
0x64: {  	s0 =	sadd.s32 $0x1400, s1;
	[sflag:s24] =	ssyncadd.s32 $0xFFFFC180  }
0x65: {  	[spmem:s2] =	stream.indirect.scatter.add.f32 [tilespmem:s22], [sflag:$0x4], $0x80, s0, s19, $0xb8;
	[tilespmem:$0x1E080] =	vst v63  }
0x66: {  	_ =	swait.ge [sflag:s17], $0x3E80  }
0x67: {  	[sflag:s17] =	ssyncset.done $0x0  }
0x68: {  	s0 =	sadd.s32 $0x100, s1;
	[sflag:s17] =	ssyncadd.s32 $0xFFFFC180  }
0x69: {  	[tilespmem:s22], [sflag:$0x1] =	stream.indirect.gather [hbm4b:s4+s19], $0x80, s0, s19, $0xb8;
	[tilespmem:$0x1E080] =	vst v63  }
0x6a: {  	_ =	swait.ge [sflag:s26], $0x3E80  }
0x6b: {  	[sflag:s26] =	ssyncset.done $0x0  }
.Ltmp1:
0x6c: {  	s0 =	sadd.s32 $0x1480, s1;
	[sflag:s26] =	ssyncadd.s32 $0xFFFFC180;
	(pc) =	sbr.rel @p1 .LBB2_4-.Ltmp1, $4  }
0x6d: {  	[spmem:s2] =	stream.indirect.scatter.add.f32 [tilespmem:s21], [sflag:$0x4], $0x80, s0, s19, $0xb8;
	[tilespmem:$0x1E080] =	vst v63  }
0x6e: {  	_ =	swait.ge [sflag:s17], $0x3E80  }
0x6f: {  	[sflag:s17] =	ssyncset.done $0x0  }
0x70: {  	s1 =	sadd.s32 $0x180, s1;
	[sflag:s17] =	ssyncadd.s32 $0xFFFFC180  }
0x71: {  	[tilespmem:s21], [sflag:$0x2] =	stream.indirect.gather [hbm4b:s4+s19], $0x80, s1, s19, $0xb8;
	[tilespmem:$0x1E080] =	vst v63  }
0x72: {  	_ =	swait.ge [sflag:s24], $0x3E80  }
0x73: {  	[sflag:s24] =	ssyncset.done $0x0  }
0x74: {  	[sflag:s24] =	ssyncadd.s32 $0xFFFFC180  }
0x75: {  	[spmem:s2] =	stream.indirect.scatter.add.f32 [tilespmem:s22], [sflag:$0x4], $0x80, s28, s19, $0xb8;
	[tilespmem:$0x1E080] =	vst v63  }
0x76: {  	_ =	swait.ge [sflag:s17], $0x3E80  }
0x77: {  	[sflag:s17] =	ssyncset.done $0x0  }
0x78: {  	[sflag:s17] =	ssyncadd.s32 $0xFFFFC180  }
0x79: {  	_ =	swait.ge [sflag:s26], $0x3E80  }
0x7a: {  	[sflag:s26] =	ssyncset.done $0x0  }
0x7b: {  	[sflag:s26] =	ssyncadd.s32 $0xFFFFC180  }
0x7c: {  	[spmem:s2] =	stream.indirect.scatter.add.f32 [tilespmem:s21], [sflag:$0x4], $0x80, s29, s19, $0xb8;
	[tilespmem:$0x1E080] =	vst v63  }
0x7d: {  	_ =	swait.ge [sflag:s17], $0x3E80  }
0x7e: {  	[sflag:s17] =	ssyncset.done $0x0  }
0x7f: {  	s0 =	simm.s32 $0x0;
	[sflag:s17] =	ssyncadd.s32 $0xFFFFC180  }
0x80: {  	[tilespmem:s0], [sflag:$0x4] =	stream.linear.gather [hbm4b:s14+s0], $0x1400, $0x38;
	[tilespmem:$0x1E080] =	vst v63  }
0x81: {  	_ =	swait.ge [sflag:s17], $0x1400  }
0x82: {  	[sflag:s17] =	ssyncset.done $0x0  }
0x83: {  	s1 =	sadd.s32 $0x280, s7;
	[sflag:s17] =	ssyncadd.s32 $0xFFFFEC00  }
0x84: {  	[tilespmem:s18], [sflag:$0x4] =	stream.linear.gather [hbm4b:s1+s0], $0x1400, $0x38;
	[tilespmem:$0x1E080] =	vst v63  }
0x85: {  	_ =	swait.ge [sflag:s17], $0x1400  }
0x86: {  	[sflag:s17] =	ssyncset.done $0x0  }
0x87: {  	[sflag:s17] =	ssyncadd.s32 $0xFFFFEC00  }
0x88: {  	[tilespmem:s22], [sflag:$0x1] =	stream.indirect.gather [hbm4b:s4+s19], $0x80, s0, s19, $0xb8;
	[tilespmem:$0x1E080] =	vst v63  }
0x89: {  	_ = 	snop  }
0x8a: {  	[tilespmem:s21], [sflag:$0x2] =	stream.indirect.gather [hbm4b:s4+s19], $0x80, s20, s19, $0xb8;
	[tilespmem:$0x1E080] =	vst v63  }
0x8b: {  	_ =	swait.ge [sflag:s24], $0x3E80  }
0x8c: {  	[sflag:s24] =	ssyncset.done $0x0  }
0x8d: {  	s1 =	simm.s32 $0x1400;
	[sflag:s24] =	ssyncadd.s32 $0xFFFFC180  }
0x8e: {  	[spmem:s2] =	stream.indirect.scatter.add.f32 [tilespmem:s22], [sflag:$0x4], $0x80, s1, s19, $0xb8;
	[tilespmem:$0x1E080] =	vst v63  }
0x8f: {  	_ =	swait.ge [sflag:s17], $0x3E80  }
0x90: {  	[sflag:s17] =	ssyncset.done $0x0  }
0x91: {  	s1 =	simm.s32 $0x100;
	[sflag:s17] =	ssyncadd.s32 $0xFFFFC180  }
0x92: {  	[tilespmem:s22], [sflag:$0x1] =	stream.indirect.gather [hbm4b:s4+s19], $0x80, s1, s19, $0xb8;
	[tilespmem:$0x1E080] =	vst v63  }
0x93: {  	_ =	swait.ge [sflag:s26], $0x3E80  }
0x94: {  	[sflag:s26] =	ssyncset.done $0x0  }
0x95: {  	s1 =	simm.s32 $0x1480;
	[sflag:s26] =	ssyncadd.s32 $0xFFFFC180  }
0x96: {  	[spmem:s2] =	stream.indirect.scatter.add.f32 [tilespmem:s21], [sflag:$0x4], $0x80, s1, s19, $0xb8;
	[tilespmem:$0x1E080] =	vst v63  }
0x97: {  	_ =	swait.ge [sflag:s17], $0x3E80  }
0x98: {  	[sflag:s17] =	ssyncset.done $0x0  }
0x99: {  	s31 =	simm.s32 $0x400;
	s1 =	simm.s32 $0x180;
	[sflag:s17] =	ssyncadd.s32 $0xFFFFC180  }
.LBB2_6:
0x9a: {  	[tilespmem:s21], [sflag:$0x2] =	stream.indirect.gather [hbm4b:s4+s19], $0x80, s1, s19, $0xb8;
	[tilespmem:$0x1E080] =	vst v63  }
0x9b: {  	s0 =	smov.u32 s31  }
0x9c: {  	p1 =	sne.s32 s31, $0x4800;
	s31 =	sadd.s32 $0x400, s31;
	_ =	swait.ge [sflag:s24], $0x3E80  }
0x9d: {  	s0 =	sshra.s32 s0, $0x2;
	[sflag:s24] =	ssyncset.done $0x0  }
0x9e: {  	s1 =	sadd.s32 $0x1400, s0;
	[sflag:s24] =	ssyncadd.s32 $0xFFFFC180  }
0x9f: {  	[spmem:s2] =	stream.indirect.scatter.add.f32 [tilespmem:s22], [sflag:$0x4], $0x80, s1, s19, $0xb8;
	[tilespmem:$0x1E080] =	vst v63  }
0xa0: {  	_ =	swait.ge [sflag:s17], $0x3E80  }
0xa1: {  	[sflag:s17] =	ssyncset.done $0x0  }
0xa2: {  	s1 =	sadd.s32 $0x100, s0;
	[sflag:s17] =	ssyncadd.s32 $0xFFFFC180  }
0xa3: {  	[tilespmem:s22], [sflag:$0x1] =	stream.indirect.gather [hbm4b:s4+s19], $0x80, s1, s19, $0xb8;
	[tilespmem:$0x1E080] =	vst v63  }
0xa4: {  	_ =	swait.ge [sflag:s26], $0x3E80  }
0xa5: {  	[sflag:s26] =	ssyncset.done $0x0  }
.Ltmp2:
0xa6: {  	s1 =	sadd.s32 $0x1480, s0;
	[sflag:s26] =	ssyncadd.s32 $0xFFFFC180;
	(pc) =	sbr.rel @p1 .LBB2_6-.Ltmp2, $4  }
0xa7: {  	[spmem:s2] =	stream.indirect.scatter.add.f32 [tilespmem:s21], [sflag:$0x4], $0x80, s1, s19, $0xb8;
	[tilespmem:$0x1E080] =	vst v63  }
0xa8: {  	_ =	swait.ge [sflag:s17], $0x3E80  }
0xa9: {  	[sflag:s17] =	ssyncset.done $0x0  }
0xaa: {  	s1 =	sadd.s32 $0x180, s0;
	[sflag:s17] =	ssyncadd.s32 $0xFFFFC180  }
0xab: {  	[tilespmem:s21], [sflag:$0x2] =	stream.indirect.gather [hbm4b:s4+s19], $0x80, s1, s19, $0xb8;
	[tilespmem:$0x1E080] =	vst v63  }
0xac: {  	_ =	swait.ge [sflag:s24], $0x3E80  }
0xad: {  	[sflag:s24] =	ssyncset.done $0x0  }
0xae: {  	[sflag:s24] =	ssyncadd.s32 $0xFFFFC180  }
0xaf: {  	[spmem:s2] =	stream.indirect.scatter.add.f32 [tilespmem:s22], [sflag:$0x4], $0x80, s28, s19, $0xb8;
	[tilespmem:$0x1E080] =	vst v63  }
0xb0: {  	_ =	swait.ge [sflag:s17], $0x3E80  }
0xb1: {  	[sflag:s17] =	ssyncset.done $0x0  }
0xb2: {  	[sflag:s17] =	ssyncadd.s32 $0xFFFFC180  }
0xb3: {  	_ =	swait.ge [sflag:s26], $0x3E80  }
0xb4: {  	[sflag:s26] =	ssyncset.done $0x0  }
0xb5: {  	[sflag:s26] =	ssyncadd.s32 $0xFFFFC180  }
0xb6: {  	[spmem:s2] =	stream.indirect.scatter.add.f32 [tilespmem:s21], [sflag:$0x4], $0x80, s29, s19, $0xb8;
	[tilespmem:$0x1E080] =	vst v63  }
0xb7: {  	_ =	swait.ge [sflag:s17], $0x3E80  }
0xb8: {  	s0 =	stileid.u32;
	[sflag:s17] =	ssyncset.done $0x0  }
0xb9: {  	s0 =	sshll.u32 s0, $0x6;
	[sflag:s17] =	ssyncadd.s32 $0xFFFFC180  }
0xba: {  	s31 =	sshrl.u32 s5, $0x3;
	s0 =	sor.u32 $0x1C04, s0;
	[bflag:$0x0] =	sbarrier.arrive $0xFFFF  }
0xbb: {  	[hbm:s25], [sflag:s0] =	dma.local [spmem:s31], $0x2700  }
0xbc: {  	_ =	swait.ge [sflag:s17], $0x2700  }
0xbd: {  	s1 =	sadd.s32 @!p0 $0x27000, s15;
	s30 =	sadd.s32 $0x1, s30;
	[sflag:s17] =	ssyncset.done $0x0  }
0xbe: {  	p1 =	sne.s32 s30, s16;
	s31 =	sshrl.u32 @!p0 s13, $0x3;
	[sflag:s17] =	ssyncadd.s32 $0xFFFFD900  }
0xbf: {  	[hbm:s1], [sflag:s0] =	dma.local @!p0 [spmem:s31], $0x100  }
.Ltmp3:
0xc0: {  	_ = 	snop;
	(pc) =	sbr.rel @p1 .LBB2_1-.Ltmp3, $4  }
0xc1: {  	s0 =	simm.s32 @!p0 $0x4  }
0xc2: {  	_ =	swait.ge @!p0 [sflag:s0], $0x100  }
0xc3: {  	[sflag:s0] =	ssyncset.done @!p0 $0x0  }
0xc4: {  	[sflag:s0] =	ssyncadd.s32 @!p0 $0xFFFFFF00  }
0xc5: {  	_ =	sfence.sel $0x180000  }
0xc6: {  	[bflag:$0x0] =	sbarrier.arrive $0xFFFF  }
0xc7: {  	_ =	strace $0x90000047  }
0xc8: {  	s0 =	stileid.u32;
	[bflag:$0x2] =	sbarrier.arrive $0xFFFF  }
0xc9: {  	p0 =	sne.s32 s0, $0x0;
	s0 =	rddreg [dreg:$0x3]  }
0xca: {  	s0 =	sadd.s32 @!p0 $0x100000, s0  }
0xcb: {  	[sflag:s0] =	ssyncadd.tile.s32 @!p0 $0x1;
	_ =	shalt  }
.Lfunc_end2:
_tile_overlayer_lowered:
.L_overlay_start_2:
0xcc: {  	(tag) =	ssettag $0x2  }
0xcd: {  	s0 =	rddreg [dreg:$0x0];
	s2 =	stileid.u32  }
0xce: {  	s1 =	rddreg [dreg:$0x1];
	p0 =	sne.s32 s2, $0x0  }
0xcf: {  	s3 =	rddreg [dreg:$0x2];
	[bflag:$0x3] =	sbarrier.arrive $0xFFFF;
	s2 =	simm.s32 @!p0 $0x1C04  }
0xd0: {  	[timem:s3], [sflag:s2] =	dma.local @!p0 [hbm:s0], s1  }
0xd1: {  	s0 =	simm.s32 @!p0 $0x4  }
0xd2: {  	_ =	swait.ge @!p0 [sflag:s0], s1  }
0xd3: {  	s1 =	ssub.s32 @!p0 $0x0, s1;
	[sflag:s0] =	ssyncset.done @!p0 $0x0  }
0xd4: {  	[sflag:s0] =	ssyncadd.s32 @!p0 s1  }
0xd5: {  	[bflag:$0x3] =	sbarrier.arrive $0xFFFF  }
0xd6: {  	_ =	shalt  }

// kernel: kernel.13.cloned.1.call-start
scs
__scs_entry_jumppad:
0x0: {  	(pc) =	sbr.rel $0x88, $3  }
0x1: {  	(tag) =	ssettag $0x0;
	lr =	simm.s32 $0x1  }
0x2: {  	[smem:$0x3F97] =	sst lr;
	_ =	strace $0xD0000000  }
0x3: {  	_ = 	snop  }
0x4: {  	_ = 	snop  }
0x5: {  	_ = 	snop  }
0x6: {  	_ = 	snop  }
0x7: {  	_ = 	snop  }
__scs_overlays_trampoline_lowered:
0x8: {  	[smem:$0x3FA6] =	sst s0  }
0x9: {  	[smem:$0x3FA7] =	sst s1  }
0xa: {  	[smem:$0x3FA8] =	sst s2  }
0xb: {  	[smem:$0x3FA9] =	sst s3  }
0xc: {  	[smem:$0x3FAA] =	sst s4  }
0xd: {  	[smem:$0x3FAB] =	sst s5  }
0xe: {  	[smem:$0x3FAC] =	sst s6  }
0xf: {  	[smem:$0x3FAD] =	sst s7  }
0x10: {  	[smem:$0x3FAE] =	sst s8  }
0x11: {  	[smem:$0x3FAF] =	sst s9;
	s0 =	simm.s32 @!p0 $0x0  }
0x12: {  	s1 =	sld [smem:$0x3F95];
	s0 =	simm.s32 @p0 $0x1  }
0x13: {  	[smem:$0x3FB0] =	sst s0;
	s0 =	simm.s32 @!p1 $0x0  }
0x14: {  	s2 =	sld [smem:$0x3F94];
	s0 =	simm.s32 @p1 $0x1  }
0x15: {  	[smem:$0x3FB1] =	sst s0;
	s0 =	simm.s32 @!p2 $0x0  }
0x16: {  	s3 =	sld [smem:$0x3FDB];
	s0 =	simm.s32 @p2 $0x1  }
0x17: {  	s4 =	simm.s32 $0x1BF5;
	[smem:$0x3FB3] =	sst s0  }
0x18: {  	s0 =	sld [smem:$0x3F96];
	_ =	swait.ge [sflag:s4], $0x0  }
0x19: {  	s7 =	sld [smem:$0x3F97]  }
0x1a: {  	s8 =	sadd.s32 $0xFFFFE003, lr  }
0x1b: {  	s9 =	sadd.s32 $0xFFFFFEF7, lr;
	s5 =	simm.s32 $0xFFFFFFFF;
	p2 =	slt.u32 s8, $0xFFFFF086  }
0x1c: {  	p1 =	slt.u32 s9, $0xF7A;
	s5 =	simm.s32 @!p2 $0x0  }
0x1d: {  	s5 =	simm.s32 @p1 $0x1;
	p0 =	seq.s32 s7, s2  }
0x1e: {  	s7 =	smul.u32 @!p0 $0xF7A, s2;
	p2 =	seq.s32 @!p0 s5, $0x0  }
0x1f: {  	s9 =	smul.u32 $0xF7A, s1;
	s8 =	simm.s32 @!p0 $0x1BF5;
	p2 =	por !p2, p0  }
0x20: {  	[sflag:s8] =	ssyncset.s32 @!p0 $0xFFFFF086;
	s6 =	sadd.s32 @!p0 s3, s7;
	s7 =	simm.s32 @!p0 $0x108  }
0x21: {  	s3 =	sadd.s32 s3, s9;
	s6 =	sadd.s32 @!p0 $0x88, s6;
	s7 =	simm.s32 @p2 $0x1082  }
0x22: {  	[simem:s7], [sflag:s8] =	dma.local @!p0 [hbm:s6], $0xF7A  }
0x23: {  	s9 =	sor.u32 $0xD0000000, s2;
	s6 =	simm.s32 $0x108;
	_ =	swait.ge @!p0 [sflag:s8], $0x0  }
0x24: {  	s3 =	sadd.s32 $0x88, s3;
	s6 =	simm.s32 @!p1 $0x1082;
	[sflag:s4] =	ssyncset.s32 $0xFFFFF086  }
0x25: {  	[simem:s6], [sflag:s4] =	dma.local [hbm:s3], $0xF7A  }
0x26: {  	[smem:$0x3F97] =	sst s1;
	(tag) =	ssettag s2;
	_ =	strace s9  }
0x27: {  	s1 =	sld [smem:$0x3FA7]  }
0x28: {  	s2 =	sld [smem:$0x3FA8]  }
0x29: {  	s4 =	sld [smem:$0x3FAA]  }
0x2a: {  	p0 =	seq.s32 s5, $0x0;
	s5 =	sld [smem:$0x3FAB]  }
0x2b: {  	s6 =	sld [smem:$0x3FAC]  }
0x2c: {  	s7 =	sld [smem:$0x3FAD]  }
0x2d: {  	s3 =	simm.s32 $0x108;
	s8 =	sld [smem:$0x3FAE]  }
0x2e: {  	s3 =	simm.s32 @!p0 $0x1082;
	s9 =	sld [smem:$0x3FAF]  }
0x2f: {  	lr =	sadd.s32 s0, s3;
	s0 =	sld [smem:$0x3FA6]  }
0x30: {  	s3 =	sld [smem:$0x3FA9]  }
0x31: {  	[smem:$0x3FB2] =	sst s10  }
0x32: {  	s10 =	sld [smem:$0x3FB0];
	_ =	sdelay $0x3  }
0x33: {  	p0 =	seq.s32 s10, $0x1;
	s10 =	sld [smem:$0x3FB2];
	_ =	sdelay $0x3  }
0x34: {  	[smem:$0x3FB2] =	sst s10  }
0x35: {  	s10 =	sld [smem:$0x3FB1];
	_ =	sdelay $0x3  }
0x36: {  	p1 =	seq.s32 s10, $0x1;
	s10 =	sld [smem:$0x3FB2];
	_ =	sdelay $0x3  }
0x37: {  	[smem:$0x3FB2] =	sst s10  }
0x38: {  	s10 =	sld [smem:$0x3FB3]  }
0x39: {  	_ = 	snop;
	(pc) =	sbr.ind lr, $3  }
0x3a: {  	_ = 	snop  }
0x3b: {  	_ = 	snop  }
0x3c: {  	p2 =	seq.s32 s10, $0x1;
	s10 =	sld [smem:$0x3FB2]  }
0x3d: {  	_ =	shalt  }
0x3e: {  	_ =	shalt  }
0x3f: {  	_ =	shalt  }
0x40: {  	_ =	shalt  }
0x41: {  	_ =	shalt  }
0x42: {  	_ =	shalt  }
0x43: {  	_ =	shalt  }
0x44: {  	_ =	shalt  }
0x45: {  	_ =	shalt  }
0x46: {  	_ =	shalt  }
0x47: {  	_ =	shalt  }
0x48: {  	_ =	shalt  }
0x49: {  	_ =	shalt  }
0x4a: {  	_ =	shalt  }
0x4b: {  	_ =	shalt  }
0x4c: {  	_ =	shalt  }
0x4d: {  	_ =	shalt  }
0x4e: {  	_ =	shalt  }
0x4f: {  	_ =	shalt  }
0x50: {  	_ =	shalt  }
0x51: {  	_ =	shalt  }
0x52: {  	_ =	shalt  }
0x53: {  	_ =	shalt  }
0x54: {  	_ =	shalt  }
0x55: {  	_ =	shalt  }
0x56: {  	_ =	shalt  }
0x57: {  	_ =	shalt  }
0x58: {  	_ =	shalt  }
0x59: {  	_ =	shalt  }
0x5a: {  	_ =	shalt  }
0x5b: {  	_ =	shalt  }
0x5c: {  	_ =	shalt  }
0x5d: {  	_ =	shalt  }
0x5e: {  	_ =	shalt  }
0x5f: {  	_ =	shalt  }
0x60: {  	_ =	shalt  }
0x61: {  	_ =	shalt  }
0x62: {  	_ =	shalt  }
0x63: {  	_ =	shalt  }
0x64: {  	_ =	shalt  }
0x65: {  	_ =	shalt  }
0x66: {  	_ =	shalt  }
0x67: {  	_ =	shalt  }
0x68: {  	_ =	shalt  }
0x69: {  	_ =	shalt  }
0x6a: {  	_ =	shalt  }
0x6b: {  	_ =	shalt  }
0x6c: {  	_ =	shalt  }
0x6d: {  	_ =	shalt  }
0x6e: {  	_ =	shalt  }
0x6f: {  	_ =	shalt  }
0x70: {  	_ =	shalt  }
0x71: {  	_ =	shalt  }
0x72: {  	_ =	shalt  }
0x73: {  	_ =	shalt  }
0x74: {  	_ =	shalt  }
0x75: {  	_ =	shalt  }
0x76: {  	_ =	shalt  }
0x77: {  	_ =	shalt  }
0x78: {  	_ =	shalt  }
0x79: {  	_ =	shalt  }
0x7a: {  	_ =	shalt  }
0x7b: {  	_ =	shalt  }
0x7c: {  	_ =	shalt  }
0x7d: {  	_ =	shalt  }
0x7e: {  	_ =	shalt  }
0x7f: {  	_ =	shalt  }
0x80: {  	_ =	shalt  }
0x81: {  	_ =	shalt  }
0x82: {  	_ =	shalt  }
0x83: {  	_ =	shalt  }
0x84: {  	_ =	shalt  }
0x85: {  	_ =	shalt  }
0x86: {  	_ =	shalt  }
0x87: {  	_ =	shalt  }
.Lfunc_end0:
.L_simem_size_0:
called_computation.1_lowered:
.L_overlay_start_0:
0x88: {  	s2 =	sld [smem:$0x3FD9]  }
0x89: {  	s3 =	sld [smem:$0x3FFE];
	_ =	sdelay $0x1  }
0x8a: {  	s1 =	srdreg.scid  }
0x8b: {  	s0 =	sand.u32 $0x1, s1  }
0x8c: {  	s14 =	sshll.u32 s0, $0xA;
	s2 =	sadd.s32 s3, s2  }
0x8d: {  	s2 =	sadd.s32 s2, s14  }
0x8e: {  	[smem:$0x3FBE] =	sst s2  }
0x8f: {  	_ = 	snop  }
0x90: {  	s2 =	sld [smem:$0x3FD0];
	_ =	sdelay $0x2  }
0x91: {  	s15 =	simm.s32 $0xA;
	s4 =	simm.s32 $0x10  }
0x92: {  	[smem:s4], [sflag:s15] =	dma.local [hbm:s2], $0x1  }
0x93: {  	_ =	swait.eq [sflag:s15], $0x1  }
0x94: {  	[sflag:s15] =	ssyncset.done $0x0  }
0x95: {  	[sflag:s15] =	ssyncadd.s32 $0xFFFFFFFF  }
0x96: {  	s16 =	sld [smem:$0x11];
	(tm) =	ssettm $0x1  }
0x97: {  	s17 =	sld [smem:$0x3FFB];
	_ =	sdelay $0x3  }
0x98: {  	_ =	strace s17  }
0x99: {  	s3 =	sld [smem:$0x3FFC];
	_ =	sdelay $0x3  }
0x9a: {  	_ =	strace s3  }
0x9b: {  	s3 =	sld [smem:$0x3FFD];
	_ =	sdelay $0x3  }
0x9c: {  	_ =	strace s3  }
0x9d: {  	_ =	strace $0x8FFFFFFF  }
0x9e: {  	s18 =	sld [smem:$0x3FDB];
	_ =	sdelay $0x1  }
0x9f: {  	s19 =	simm.s32 $_scs_section_size  }
0xa0: {  	s5 =	simm.s32 $_size__tile_overlayer_lowered;
	s6 =	simm.s32 $_tile_overlayer_lowered  }
0xa1: {  	s22 =	simm.s32 $0x1BFF;
	s21 =	sshll.u32 s6, $0x1;
	s3 =	sadd.s32 s19, s18  }
0xa2: {  	s7 =	simm.s32 $0x0;
	s20 =	sshll.u32 s5, $0x1;
	s5 =	sadd.s32 s21, s3  }
0xa3: {  	[timem:s7], [sflag:s22] =	dma.local [hbm:s5], s20  }
0xa4: {  	_ =	swait.ge [sflag:s22], s20  }
0xa5: {  	s4 =	ssub.s32 $0x0, s20;
	[sflag:s22] =	ssyncset.done $0x0  }
0xa6: {  	[sflag:s22] =	ssyncadd.s32 s4;
	_ =	sdelay $0x1  }
0xa7: {  	s23 =	simm.s32 $0x1B8B  }
0xa8: {  	_ =	swait.ge [sflag:s23], $0x1  }
0xa9: {  	[sflag:s23] =	ssyncset.done $0x0  }
0xaa: {  	s25 =	simm.s32 $0x1B8E;
	s24 =	sld [smem:$0x3FFE];
	[sflag:s23] =	ssyncadd.s32 $0xFFFFFFFF  }
0xab: {  	s26 =	simm.s32 $execute0_lowered;
	[smem:$0x3FD2] =	sst s25  }
0xac: {  	s5 =	sshll.u32 s26, $0x1;
	_ =	strace $0x80000049;
	[dreg:$0x1] =	wrdreg $0xFFFFFFFF  }
0xad: {  	s28 =	simm.s32 $_size_execute0_lowered;
	s3 =	sadd.s32 s3, s5;
	[dreg:$0x0] =	wrdreg $0x0  }
0xae: {  	s5 =	sshll.u32 s28, $0x1;
	[dreg:$0x2] =	wrdreg s3  }
0xaf: {  	[dreg:$0x3] =	wrdreg s5  }
0xb0: {  	[dreg:$0x4] =	wrdreg $0xC0  }
0xb1: {  	_ =	task [dreg:s7], $0x5FFFF  }
0xb2: {  	[dreg:$0x1] =	wrdreg $0xFFFFFFFF  }
0xb3: {  	[dreg:$0x0] =	wrdreg $0x60  }
0xb4: {  	[dreg:$0x2] =	wrdreg s24  }
0xb5: {  	[dreg:$0x3] =	wrdreg s16  }
0xb6: {  	[dreg:$0x4] =	wrdreg $0xA8000  }
0xb7: {  	[dreg:$0x5] =	wrdreg $0x9  }
0xb8: {  	_ =	task.clear_ibuf [dreg:s7], $0x6FFFF;
	_ =	strace $0x90000049  }
0xb9: {  	s29 =	simm.s32 $0x9;
	_ =	strace $0x8000004B  }
0xba: {  	_ =	swait.ge [sflag:s29], $0x1  }
0xbb: {  	[sflag:s29] =	ssyncadd.s32 $0xFFFFFFFF  }
0xbc: {  	_ =	strace $0x9000004B  }
0xbd: {  	_ =	sfence  }
0xbe: {  	s30 =	sld [smem:$0x0];
	_ =	sdelay $0x2  }
0xbf: {  	s31 =	sshll.u32 s1, $0xD;
	s1 =	sshrl.u32 s1, $0x2  }
0xc0: {  	s3 =	sand.u32 $0x4000, s31;
	s1 =	sadd.s32 s1, s30  }
0xc1: {  	s0 =	sor.u32 s3, s0;
	s1 =	sshll.u32 s1, $0x11  }
0xc2: {  	s0 =	sor.u32 s1, s0  }
0xc3: {  	s0 =	sadd.s32 $0x8F2B, s0  }
0xc4: {  	[sflag:s0] =	ssyncadd.remote.s32 $0x1  }
0xc5: {  	_ =	sfence.sel $0xFFFF  }
0xc6: {  	[dreg:$0x0] =	wrdreg $0xFFFFFFFF;
	(pc) =	sbr.abs _section_cstart, $3  }
0xc7: {  	[dreg:$0x1] =	wrdreg $0xFFFFFFFF  }
0xc8: {  	_ =	task.clear_ibuf [dreg:s7], $0x2FFFF;
	_ =	strace $0x9FFFFFFF  }
0xc9: {  	(tm) =	ssettm $0x7FFFFFFF  }
tec
execute0_lowered:
.L_overlay_start_1:
0x0: {  	(tag) =	ssettag $0x1  }
0x1: {  	s1 =	rddreg [dreg:$0x0]  }
0x2: {  	s0 =	srdreg.scid;
	s15 =	rddreg [dreg:$0x1]  }
0x3: {  	s26 =	stileid.u32;
	s2 =	rddreg [dreg:$0x2]  }
0x4: {  	s17 =	simm.s32 $0x4;
	s18 =	simm.s32 $0x1400;
	s19 =	simm.s32 $0x7D  }
0x5: {  	s20 =	simm.s32 $0x80;
	s21 =	simm.s32 $0x6800;
	s22 =	simm.s32 $0x2800  }
0x6: {  	s23 =	simm.s32 $0x3;
	s24 =	simm.s32 $0x1;
	s28 =	simm.s32 $0x2700  }
0x7: {  	s29 =	simm.s32 $0x2780;
	s30 =	simm.s32 $0x0;
	s5 =	smul.u32 $0x4E000, s26  }
0x8: {  	s11 =	sand.u32 $0x1, s0;
	s13 =	sadd.s32 $0x138000, s2;
	s25 =	smul.u32 $0x2700, s26  }
0x9: {  	p0 =	sne.s32 s26, $0xF;
	s3 =	sshll.u32 s11, $0x4;
	s6 =	ssub.s32 $0x2, s11  }
0xa: {  	s16 =	smul.u32 $0x27100, s11;
	s4 =	sor.u32 s26, s3;
	s3 =	simm.s32 $0x0  }
0xb: {  	s7 =	sshrl.u32 s6, $0x1;
	s5 =	sshrl.u32 s5, $0x2;
	s26 =	simm.s32 $0x2  }
0xc: {  	s4 =	smul.u32 $0x500, s4;
	[smem:$0x7FF] =	sst s3;
	s31 =	ssub.s32 s6, s7  }
0xd: {  	s5 =	sadd.s32 s5, s2;
	s15 =	sadd.s32 s15, s16;
	_ =	strace $0x8000004A  }
0xe: {  	s8 =	sadd.s32 $0x3C00, s5;
	s9 =	sadd.s32 $0x7800, s5;
	s10 =	sadd.s32 $0xB400, s5  }
0xf: {  	s11 =	sadd.s32 $0xF000, s5;
	s12 =	sadd.s32 $0x12C00, s5;
	s16 =	smax.u32 s31, $0x1  }
0x10: {  	s25 =	sadd.s32 s25, s15;
	s14 =	sadd.s32 s4, s1;
	s4 =	sadd.s32 $0x3CE00, s1  }
0x11: {  	v0 =	vimm.f32 $0.0e+00;
	s6 =	sadd.s32 $0x1C00, s14;
	s7 =	sadd.s32 $0xBC00, s14;
	s14 =	sadd.s32 $0x1E80, s14  }
.LBB2_1:
0x12: {  	s31 =	simm.s32 $0x0;
	s1 =	simm.s32 $0x200  }
.LBB2_2:
0x13: {  	p1 =	sne.s32 s1, $0xF800;
	[tilespmem:s31+$0x2870] =	vst v0  }
0x14: {  	[tilespmem:s31+$0x2800] =	vst v0  }
0x15: {  	[tilespmem:s31+$0x2810] =	vst v0  }
.Ltmp0:
0x16: {  	[tilespmem:s31+$0x2820] =	vst v0;
	(pc) =	sbr.rel @p1 .LBB2_2-.Ltmp0, $4  }
0x17: {  	[tilespmem:s31+$0x2830] =	vst v0  }
0x18: {  	[tilespmem:s31+$0x2840] =	vst v0  }
0x19: {  	[tilespmem:s31+$0x2850] =	vst v0  }
0x1a: {  	[tilespmem:s31+$0x2860] =	vst v0;
	s31 =	sshra.s32 s1, $0x2;
	s1 =	sadd.s32 $0x200, s1  }
0x1b: {  	[tilespmem:s31+$0x2870] =	vst v0  }
0x1c: {  	[tilespmem:s31+$0x2800] =	vst v0  }
0x1d: {  	[tilespmem:s31+$0x2810] =	vst v0  }
0x1e: {  	[tilespmem:s31+$0x2820] =	vst v0  }
0x1f: {  	[tilespmem:s31+$0x2830] =	vst v0  }
0x20: {  	[tilespmem:s31+$0x2840] =	vst v0  }
0x21: {  	[tilespmem:s31+$0x2850] =	vst v0  }
0x22: {  	[tilespmem:s31+$0x2860] =	vst v0  }
0x23: {  	[tilespmem:s3], [sflag:$0x4] =	stream.linear.gather [hbm4b:s6+s3], $0x1400, $0x38;
	[tilespmem:$0x1E080] =	vst v63  }
0x24: {  	_ =	swait.ge [sflag:s17], $0x1400  }
0x25: {  	[sflag:s17] =	ssyncset.done $0x0  }
0x26: {  	[sflag:s17] =	ssyncadd.s32 $0xFFFFEC00  }
0x27: {  	[tilespmem:s18], [sflag:$0x4] =	stream.linear.gather [hbm4b:s7+s3], $0x1400, $0x38;
	[tilespmem:$0x1E080] =	vst v63  }
0x28: {  	_ =	swait.ge [sflag:s17], $0x1400  }
0x29: {  	[sflag:s17] =	ssyncset.done $0x0  }
0x2a: {  	[sflag:s17] =	ssyncadd.s32 $0xFFFFEC00  }
0x2b: {  	[tilespmem:s21], [sflag:$0x2] =	stream.indirect.gather [hbm4b:s4+s19], $0x80, s20, s19, $0xb8;
	[tilespmem:$0x1E080] =	vst v63  }
0x2c: {  	_ = 	snop  }
0x2d: {  	[spmem:s5] =	stream.linear.scatter [tilespmem:s22], [sflag:$0x3], $0x3C00, $0x38;
	[tilespmem:$0x1E080] =	vst v63  }
0x2e: {  	_ = 	snop  }
0x2f: {  	[spmem:s8] =	stream.linear.scatter [tilespmem:s22], [sflag:$0x3], $0x3C00, $0x38;
	[tilespmem:$0x1E080] =	vst v63  }
0x30: {  	_ = 	snop  }
0x31: {  	[spmem:s9] =	stream.linear.scatter [tilespmem:s22], [sflag:$0x3], $0x3C00, $0x38;
	[tilespmem:$0x1E080] =	vst v63  }
0x32: {  	_ = 	snop  }
0x33: {  	[spmem:s10] =	stream.linear.scatter [tilespmem:s22], [sflag:$0x3], $0x3C00, $0x38;
	[tilespmem:$0x1E080] =	vst v63  }
0x34: {  	_ = 	snop  }
0x35: {  	[spmem:s11] =	stream.linear.scatter [tilespmem:s22], [sflag:$0x3], $0x3C00, $0x38;
	[tilespmem:$0x1E080] =	vst v63  }
0x36: {  	_ = 	snop  }
0x37: {  	[spmem:s12] =	stream.linear.scatter [tilespmem:s22], [sflag:$0x3], $0xC00, $0x38;
	[tilespmem:$0x1E080] =	vst v63  }
0x38: {  	s1 =	simm.s32 @!p0 $0x2800  }
0x39: {  	[spmem:s13] =	stream.linear.scatter @!p0 [tilespmem:s1], [sflag:$0x3], $0x800, $0x38;
	[tilespmem:$0x1E080] =	vst v63  }
0x3a: {  	_ =	swait.ge [sflag:s23], $0x3C00  }
0x3b: {  	[sflag:s23] =	ssyncset.done $0x0  }
0x3c: {  	[sflag:s23] =	ssyncadd.s32 $0xFFFFC400  }
0x3d: {  	_ =	swait.ge [sflag:s23], $0x3C00  }
0x3e: {  	[sflag:s23] =	ssyncset.done $0x0  }
0x3f: {  	[sflag:s23] =	ssyncadd.s32 $0xFFFFC400  }
0x40: {  	_ =	swait.ge [sflag:s23], $0x3C00  }
0x41: {  	[sflag:s23] =	ssyncset.done $0x0  }
0x42: {  	[sflag:s23] =	ssyncadd.s32 $0xFFFFC400  }
0x43: {  	_ =	swait.ge [sflag:s23], $0x3C00  }
0x44: {  	[sflag:s23] =	ssyncset.done $0x0  }
0x45: {  	[sflag:s23] =	ssyncadd.s32 $0xFFFFC400  }
0x46: {  	_ =	swait.ge [sflag:s23], $0x3C00  }
0x47: {  	[sflag:s23] =	ssyncset.done $0x0  }
0x48: {  	[sflag:s23] =	ssyncadd.s32 $0xFFFFC400  }
0x49: {  	_ =	swait.ge [sflag:s23], $0xC00  }
0x4a: {  	[sflag:s23] =	ssyncset.done $0x0  }
0x4b: {  	s1 =	simm.s32 @!p0 $0x3;
	[sflag:s23] =	ssyncadd.s32 $0xFFFFF400  }
0x4c: {  	_ =	swait.ge @!p0 [sflag:s1], $0x800  }
0x4d: {  	[sflag:s1] =	ssyncset.done @!p0 $0x0  }
0x4e: {  	s0 =	simm.s32 $0x0;
	[sflag:s1] =	ssyncadd.s32 @!p0 $0xFFFFF800  }
0x4f: {  	[tilespmem:s22], [sflag:$0x1] =	stream.indirect.gather [hbm4b:s4+s19], $0x80, s0, s19, $0xb8;
	[tilespmem:$0x1E080] =	vst v63  }
0x50: {  	[bflag:$0x0] =	sbarrier.arrive $0xFFFF  }
0x51: {  	_ =	swait.ge [sflag:s24], $0x3E80  }
0x52: {  	[sflag:s24] =	ssyncset.done $0x0  }
0x53: {  	s0 =	simm.s32 $0x1400;
	[sflag:s24] =	ssyncadd.s32 $0xFFFFC180  }
0x54: {  	[spmem:s2] =	stream.indirect.scatter.add.f32 [tilespmem:s22], [sflag:$0x4], $0x80, s0, s19, $0xb8;
	[tilespmem:$0x1E080] =	vst v63  }
0x55: {  	_ =	swait.ge [sflag:s17], $0x3E80  }
0x56: {  	[sflag:s17] =	ssyncset.done $0x0  }
0x57: {  	s0 =	simm.s32 $0x100;
	[sflag:s17] =	ssyncadd.s32 $0xFFFFC180  }
0x58: {  	[tilespmem:s22], [sflag:$0x1] =	stream.indirect.gather [hbm4b:s4+s19], $0x80, s0, s19, $0xb8;
	[tilespmem:$0x1E080] =	vst v63  }
0x59: {  	_ =	swait.ge [sflag:s26], $0x3E80  }
0x5a: {  	[sflag:s26] =	ssyncset.done $0x0  }
0x5b: {  	s0 =	simm.s32 $0x1480;
	[sflag:s26] =	ssyncadd.s32 $0xFFFFC180  }
0x5c: {  	[spmem:s2] =	stream.indirect.scatter.add.f32 [tilespmem:s21], [sflag:$0x4], $0x80, s0, s19, $0xb8;
	[tilespmem:$0x1E080] =	vst v63  }
0x5d: {  	_ =	swait.ge [sflag:s17], $0x3E80  }
0x5e: {  	[sflag:s17] =	ssyncset.done $0x0  }
0x5f: {  	s31 =	simm.s32 $0x400;
	s1 =	simm.s32 $0x180;
	[sflag:s17] =	ssyncadd.s32 $0xFFFFC180  }
.LBB2_4:
0x60: {  	[tilespmem:s21], [sflag:$0x2] =	stream.indirect.gather [hbm4b:s4+s19], $0x80, s1, s19, $0xb8;
	[tilespmem:$0x1E080] =	vst v63  }
0x61: {  	s1 =	smov.u32 s31  }
0x62: {  	p1 =	sne.s32 s31, $0x4800;
	s31 =	sadd.s32 $0x400, s31;
	_ =	swait.ge [sflag:s24], $0x3E80  }
0x63: {  	s1 =	sshra.s32 s1, $0x2;
	[sflag:s24] =	ssyncset.done $0x0  }
0x64: {  	s0 =	sadd.s32 $0x1400, s1;
	[sflag:s24] =	ssyncadd.s32 $0xFFFFC180  }
0x65: {  	[spmem:s2] =	stream.indirect.scatter.add.f32 [tilespmem:s22], [sflag:$0x4], $0x80, s0, s19, $0xb8;
	[tilespmem:$0x1E080] =	vst v63  }
0x66: {  	_ =	swait.ge [sflag:s17], $0x3E80  }
0x67: {  	[sflag:s17] =	ssyncset.done $0x0  }
0x68: {  	s0 =	sadd.s32 $0x100, s1;
	[sflag:s17] =	ssyncadd.s32 $0xFFFFC180  }
0x69: {  	[tilespmem:s22], [sflag:$0x1] =	stream.indirect.gather [hbm4b:s4+s19], $0x80, s0, s19, $0xb8;
	[tilespmem:$0x1E080] =	vst v63  }
0x6a: {  	_ =	swait.ge [sflag:s26], $0x3E80  }
0x6b: {  	[sflag:s26] =	ssyncset.done $0x0  }
.Ltmp1:
0x6c: {  	s0 =	sadd.s32 $0x1480, s1;
	[sflag:s26] =	ssyncadd.s32 $0xFFFFC180;
	(pc) =	sbr.rel @p1 .LBB2_4-.Ltmp1, $4  }
0x6d: {  	[spmem:s2] =	stream.indirect.scatter.add.f32 [tilespmem:s21], [sflag:$0x4], $0x80, s0, s19, $0xb8;
	[tilespmem:$0x1E080] =	vst v63  }
0x6e: {  	_ =	swait.ge [sflag:s17], $0x3E80  }
0x6f: {  	[sflag:s17] =	ssyncset.done $0x0  }
0x70: {  	s1 =	sadd.s32 $0x180, s1;
	[sflag:s17] =	ssyncadd.s32 $0xFFFFC180  }
0x71: {  	[tilespmem:s21], [sflag:$0x2] =	stream.indirect.gather [hbm4b:s4+s19], $0x80, s1, s19, $0xb8;
	[tilespmem:$0x1E080] =	vst v63  }
0x72: {  	_ =	swait.ge [sflag:s24], $0x3E80  }
0x73: {  	[sflag:s24] =	ssyncset.done $0x0  }
0x74: {  	[sflag:s24] =	ssyncadd.s32 $0xFFFFC180  }
0x75: {  	[spmem:s2] =	stream.indirect.scatter.add.f32 [tilespmem:s22], [sflag:$0x4], $0x80, s28, s19, $0xb8;
	[tilespmem:$0x1E080] =	vst v63  }
0x76: {  	_ =	swait.ge [sflag:s17], $0x3E80  }
0x77: {  	[sflag:s17] =	ssyncset.done $0x0  }
0x78: {  	[sflag:s17] =	ssyncadd.s32 $0xFFFFC180  }
0x79: {  	_ =	swait.ge [sflag:s26], $0x3E80  }
0x7a: {  	[sflag:s26] =	ssyncset.done $0x0  }
0x7b: {  	[sflag:s26] =	ssyncadd.s32 $0xFFFFC180  }
0x7c: {  	[spmem:s2] =	stream.indirect.scatter.add.f32 [tilespmem:s21], [sflag:$0x4], $0x80, s29, s19, $0xb8;
	[tilespmem:$0x1E080] =	vst v63  }
0x7d: {  	_ =	swait.ge [sflag:s17], $0x3E80  }
0x7e: {  	[sflag:s17] =	ssyncset.done $0x0  }
0x7f: {  	s0 =	simm.s32 $0x0;
	[sflag:s17] =	ssyncadd.s32 $0xFFFFC180  }
0x80: {  	[tilespmem:s0], [sflag:$0x4] =	stream.linear.gather [hbm4b:s14+s0], $0x1400, $0x38;
	[tilespmem:$0x1E080] =	vst v63  }
0x81: {  	_ =	swait.ge [sflag:s17], $0x1400  }
0x82: {  	[sflag:s17] =	ssyncset.done $0x0  }
0x83: {  	s1 =	sadd.s32 $0x280, s7;
	[sflag:s17] =	ssyncadd.s32 $0xFFFFEC00  }
0x84: {  	[tilespmem:s18], [sflag:$0x4] =	stream.linear.gather [hbm4b:s1+s0], $0x1400, $0x38;
	[tilespmem:$0x1E080] =	vst v63  }
0x85: {  	_ =	swait.ge [sflag:s17], $0x1400  }
0x86: {  	[sflag:s17] =	ssyncset.done $0x0  }
0x87: {  	[sflag:s17] =	ssyncadd.s32 $0xFFFFEC00  }
0x88: {  	[tilespmem:s22], [sflag:$0x1] =	stream.indirect.gather [hbm4b:s4+s19], $0x80, s0, s19, $0xb8;
	[tilespmem:$0x1E080] =	vst v63  }
0x89: {  	_ = 	snop  }
0x8a: {  	[tilespmem:s21], [sflag:$0x2] =	stream.indirect.gather [hbm4b:s4+s19], $0x80, s20, s19, $0xb8;
	[tilespmem:$0x1E080] =	vst v63  }
0x8b: {  	_ =	swait.ge [sflag:s24], $0x3E80  }
0x8c: {  	[sflag:s24] =	ssyncset.done $0x0  }
0x8d: {  	s1 =	simm.s32 $0x1400;
	[sflag:s24] =	ssyncadd.s32 $0xFFFFC180  }
0x8e: {  	[spmem:s2] =	stream.indirect.scatter.add.f32 [tilespmem:s22], [sflag:$0x4], $0x80, s1, s19, $0xb8;
	[tilespmem:$0x1E080] =	vst v63  }
0x8f: {  	_ =	swait.ge [sflag:s17], $0x3E80  }
0x90: {  	[sflag:s17] =	ssyncset.done $0x0  }
0x91: {  	s1 =	simm.s32 $0x100;
	[sflag:s17] =	ssyncadd.s32 $0xFFFFC180  }
0x92: {  	[tilespmem:s22], [sflag:$0x1] =	stream.indirect.gather [hbm4b:s4+s19], $0x80, s1, s19, $0xb8;
	[tilespmem:$0x1E080] =	vst v63  }
0x93: {  	_ =	swait.ge [sflag:s26], $0x3E80  }
0x94: {  	[sflag:s26] =	ssyncset.done $0x0  }
0x95: {  	s1 =	simm.s32 $0x1480;
	[sflag:s26] =	ssyncadd.s32 $0xFFFFC180  }
0x96: {  	[spmem:s2] =	stream.indirect.scatter.add.f32 [tilespmem:s21], [sflag:$0x4], $0x80, s1, s19, $0xb8;
	[tilespmem:$0x1E080] =	vst v63  }
0x97: {  	_ =	swait.ge [sflag:s17], $0x3E80  }
0x98: {  	[sflag:s17] =	ssyncset.done $0x0  }
0x99: {  	s31 =	simm.s32 $0x400;
	s1 =	simm.s32 $0x180;
	[sflag:s17] =	ssyncadd.s32 $0xFFFFC180  }
.LBB2_6:
0x9a: {  	[tilespmem:s21], [sflag:$0x2] =	stream.indirect.gather [hbm4b:s4+s19], $0x80, s1, s19, $0xb8;
	[tilespmem:$0x1E080] =	vst v63  }
0x9b: {  	s0 =	smov.u32 s31  }
0x9c: {  	p1 =	sne.s32 s31, $0x4800;
	s31 =	sadd.s32 $0x400, s31;
	_ =	swait.ge [sflag:s24], $0x3E80  }
0x9d: {  	s0 =	sshra.s32 s0, $0x2;
	[sflag:s24] =	ssyncset.done $0x0  }
0x9e: {  	s1 =	sadd.s32 $0x1400, s0;
	[sflag:s24] =	ssyncadd.s32 $0xFFFFC180  }
0x9f: {  	[spmem:s2] =	stream.indirect.scatter.add.f32 [tilespmem:s22], [sflag:$0x4], $0x80, s1, s19, $0xb8;
	[tilespmem:$0x1E080] =	vst v63  }
0xa0: {  	_ =	swait.ge [sflag:s17], $0x3E80  }
0xa1: {  	[sflag:s17] =	ssyncset.done $0x0  }
0xa2: {  	s1 =	sadd.s32 $0x100, s0;
	[sflag:s17] =	ssyncadd.s32 $0xFFFFC180  }
0xa3: {  	[tilespmem:s22], [sflag:$0x1] =	stream.indirect.gather [hbm4b:s4+s19], $0x80, s1, s19, $0xb8;
	[tilespmem:$0x1E080] =	vst v63  }
0xa4: {  	_ =	swait.ge [sflag:s26], $0x3E80  }
0xa5: {  	[sflag:s26] =	ssyncset.done $0x0  }
.Ltmp2:
0xa6: {  	s1 =	sadd.s32 $0x1480, s0;
	[sflag:s26] =	ssyncadd.s32 $0xFFFFC180;
	(pc) =	sbr.rel @p1 .LBB2_6-.Ltmp2, $4  }
0xa7: {  	[spmem:s2] =	stream.indirect.scatter.add.f32 [tilespmem:s21], [sflag:$0x4], $0x80, s1, s19, $0xb8;
	[tilespmem:$0x1E080] =	vst v63  }
0xa8: {  	_ =	swait.ge [sflag:s17], $0x3E80  }
0xa9: {  	[sflag:s17] =	ssyncset.done $0x0  }
0xaa: {  	s1 =	sadd.s32 $0x180, s0;
	[sflag:s17] =	ssyncadd.s32 $0xFFFFC180  }
0xab: {  	[tilespmem:s21], [sflag:$0x2] =	stream.indirect.gather [hbm4b:s4+s19], $0x80, s1, s19, $0xb8;
	[tilespmem:$0x1E080] =	vst v63  }
0xac: {  	_ =	swait.ge [sflag:s24], $0x3E80  }
0xad: {  	[sflag:s24] =	ssyncset.done $0x0  }
0xae: {  	[sflag:s24] =	ssyncadd.s32 $0xFFFFC180  }
0xaf: {  	[spmem:s2] =	stream.indirect.scatter.add.f32 [tilespmem:s22], [sflag:$0x4], $0x80, s28, s19, $0xb8;
	[tilespmem:$0x1E080] =	vst v63  }
0xb0: {  	_ =	swait.ge [sflag:s17], $0x3E80  }
0xb1: {  	[sflag:s17] =	ssyncset.done $0x0  }
0xb2: {  	[sflag:s17] =	ssyncadd.s32 $0xFFFFC180  }
0xb3: {  	_ =	swait.ge [sflag:s26], $0x3E80  }
0xb4: {  	[sflag:s26] =	ssyncset.done $0x0  }
0xb5: {  	[sflag:s26] =	ssyncadd.s32 $0xFFFFC180  }
0xb6: {  	[spmem:s2] =	stream.indirect.scatter.add.f32 [tilespmem:s21], [sflag:$0x4], $0x80, s29, s19, $0xb8;
	[tilespmem:$0x1E080] =	vst v63  }
0xb7: {  	_ =	swait.ge [sflag:s17], $0x3E80  }
0xb8: {  	s0 =	stileid.u32;
	[sflag:s17] =	ssyncset.done $0x0  }
0xb9: {  	s0 =	sshll.u32 s0, $0x6;
	[sflag:s17] =	ssyncadd.s32 $0xFFFFC180  }
0xba: {  	s31 =	sshrl.u32 s5, $0x3;
	s0 =	sor.u32 $0x1C04, s0;
	[bflag:$0x0] =	sbarrier.arrive $0xFFFF  }
0xbb: {  	[hbm:s25], [sflag:s0] =	dma.local [spmem:s31], $0x2700  }
0xbc: {  	_ =	swait.ge [sflag:s17], $0x2700  }
0xbd: {  	s1 =	sadd.s32 @!p0 $0x27000, s15;
	s30 =	sadd.s32 $0x1, s30;
	[sflag:s17] =	ssyncset.done $0x0  }
0xbe: {  	p1 =	sne.s32 s30, s16;
	s31 =	sshrl.u32 @!p0 s13, $0x3;
	[sflag:s17] =	ssyncadd.s32 $0xFFFFD900  }
0xbf: {  	[hbm:s1], [sflag:s0] =	dma.local @!p0 [spmem:s31], $0x100  }
.Ltmp3:
0xc0: {  	_ = 	snop;
	(pc) =	sbr.rel @p1 .LBB2_1-.Ltmp3, $4  }
0xc1: {  	s0 =	simm.s32 @!p0 $0x4  }
0xc2: {  	_ =	swait.ge @!p0 [sflag:s0], $0x100  }
0xc3: {  	[sflag:s0] =	ssyncset.done @!p0 $0x0  }
0xc4: {  	[sflag:s0] =	ssyncadd.s32 @!p0 $0xFFFFFF00  }
0xc5: {  	_ =	sfence.sel $0x180000  }
0xc6: {  	[bflag:$0x0] =	sbarrier.arrive $0xFFFF  }
0xc7: {  	_ =	strace $0x9000004A  }
0xc8: {  	s0 =	stileid.u32;
	[bflag:$0x2] =	sbarrier.arrive $0xFFFF  }
0xc9: {  	p0 =	sne.s32 s0, $0x0;
	s0 =	rddreg [dreg:$0x3]  }
0xca: {  	s0 =	sadd.s32 @!p0 $0x100000, s0  }
0xcb: {  	[sflag:s0] =	ssyncadd.tile.s32 @!p0 $0x1;
	_ =	shalt  }
.Lfunc_end2:
_tile_overlayer_lowered:
.L_overlay_start_2:
0xcc: {  	(tag) =	ssettag $0x2  }
0xcd: {  	s0 =	rddreg [dreg:$0x0];
	s2 =	stileid.u32  }
0xce: {  	s1 =	rddreg [dreg:$0x1];
	p0 =	sne.s32 s2, $0x0  }
0xcf: {  	s3 =	rddreg [dreg:$0x2];
	[bflag:$0x3] =	sbarrier.arrive $0xFFFF;
	s2 =	simm.s32 @!p0 $0x1C04  }
0xd0: {  	[timem:s3], [sflag:s2] =	dma.local @!p0 [hbm:s0], s1  }
0xd1: {  	s0 =	simm.s32 @!p0 $0x4  }
0xd2: {  	_ =	swait.ge @!p0 [sflag:s0], s1  }
0xd3: {  	s1 =	ssub.s32 @!p0 $0x0, s1;
	[sflag:s0] =	ssyncset.done @!p0 $0x0  }
0xd4: {  	[sflag:s0] =	ssyncadd.s32 @!p0 s1  }
0xd5: {  	[bflag:$0x3] =	sbarrier.arrive $0xFFFF  }
0xd6: {  	_ =	shalt  }

// kernel: kernel.16.cloned.1.call-start
scs
__scs_entry_jumppad:
0x0: {  	(pc) =	sbr.rel $0x88, $3  }
0x1: {  	(tag) =	ssettag $0x0;
	lr =	simm.s32 $0x1  }
0x2: {  	[smem:$0x3F97] =	sst lr;
	_ =	strace $0xD0000000  }
0x3: {  	_ = 	snop  }
0x4: {  	_ = 	snop  }
0x5: {  	_ = 	snop  }
0x6: {  	_ = 	snop  }
0x7: {  	_ = 	snop  }
__scs_overlays_trampoline_lowered:
0x8: {  	[smem:$0x3FA6] =	sst s0  }
0x9: {  	[smem:$0x3FA7] =	sst s1  }
0xa: {  	[smem:$0x3FA8] =	sst s2  }
0xb: {  	[smem:$0x3FA9] =	sst s3  }
0xc: {  	[smem:$0x3FAA] =	sst s4  }
0xd: {  	[smem:$0x3FAB] =	sst s5  }
0xe: {  	[smem:$0x3FAC] =	sst s6  }
0xf: {  	[smem:$0x3FAD] =	sst s7  }
0x10: {  	[smem:$0x3FAE] =	sst s8  }
0x11: {  	[smem:$0x3FAF] =	sst s9;
	s0 =	simm.s32 @!p0 $0x0  }
0x12: {  	s1 =	sld [smem:$0x3F95];
	s0 =	simm.s32 @p0 $0x1  }
0x13: {  	[smem:$0x3FB0] =	sst s0;
	s0 =	simm.s32 @!p1 $0x0  }
0x14: {  	s2 =	sld [smem:$0x3F94];
	s0 =	simm.s32 @p1 $0x1  }
0x15: {  	[smem:$0x3FB1] =	sst s0;
	s0 =	simm.s32 @!p2 $0x0  }
0x16: {  	s3 =	sld [smem:$0x3FDB];
	s0 =	simm.s32 @p2 $0x1  }
0x17: {  	s4 =	simm.s32 $0x1BF5;
	[smem:$0x3FB3] =	sst s0  }
0x18: {  	s0 =	sld [smem:$0x3F96];
	_ =	swait.ge [sflag:s4], $0x0  }
0x19: {  	s7 =	sld [smem:$0x3F97]  }
0x1a: {  	s8 =	sadd.s32 $0xFFFFE003, lr  }
0x1b: {  	s9 =	sadd.s32 $0xFFFFFEF7, lr;
	s5 =	simm.s32 $0xFFFFFFFF;
	p2 =	slt.u32 s8, $0xFFFFF086  }
0x1c: {  	p1 =	slt.u32 s9, $0xF7A;
	s5 =	simm.s32 @!p2 $0x0  }
0x1d: {  	s5 =	simm.s32 @p1 $0x1;
	p0 =	seq.s32 s7, s2  }
0x1e: {  	s7 =	smul.u32 @!p0 $0xF7A, s2;
	p2 =	seq.s32 @!p0 s5, $0x0  }
0x1f: {  	s9 =	smul.u32 $0xF7A, s1;
	s8 =	simm.s32 @!p0 $0x1BF5;
	p2 =	por !p2, p0  }
0x20: {  	[sflag:s8] =	ssyncset.s32 @!p0 $0xFFFFF086;
	s6 =	sadd.s32 @!p0 s3, s7;
	s7 =	simm.s32 @!p0 $0x108  }
0x21: {  	s3 =	sadd.s32 s3, s9;
	s6 =	sadd.s32 @!p0 $0x88, s6;
	s7 =	simm.s32 @p2 $0x1082  }
0x22: {  	[simem:s7], [sflag:s8] =	dma.local @!p0 [hbm:s6], $0xF7A  }
0x23: {  	s9 =	sor.u32 $0xD0000000, s2;
	s6 =	simm.s32 $0x108;
	_ =	swait.ge @!p0 [sflag:s8], $0x0  }
0x24: {  	s3 =	sadd.s32 $0x88, s3;
	s6 =	simm.s32 @!p1 $0x1082;
	[sflag:s4] =	ssyncset.s32 $0xFFFFF086  }
0x25: {  	[simem:s6], [sflag:s4] =	dma.local [hbm:s3], $0xF7A  }
0x26: {  	[smem:$0x3F97] =	sst s1;
	(tag) =	ssettag s2;
	_ =	strace s9  }
0x27: {  	s1 =	sld [smem:$0x3FA7]  }
0x28: {  	s2 =	sld [smem:$0x3FA8]  }
0x29: {  	s4 =	sld [smem:$0x3FAA]  }
0x2a: {  	p0 =	seq.s32 s5, $0x0;
	s5 =	sld [smem:$0x3FAB]  }
0x2b: {  	s6 =	sld [smem:$0x3FAC]  }
0x2c: {  	s7 =	sld [smem:$0x3FAD]  }
0x2d: {  	s3 =	simm.s32 $0x108;
	s8 =	sld [smem:$0x3FAE]  }
0x2e: {  	s3 =	simm.s32 @!p0 $0x1082;
	s9 =	sld [smem:$0x3FAF]  }
0x2f: {  	lr =	sadd.s32 s0, s3;
	s0 =	sld [smem:$0x3FA6]  }
0x30: {  	s3 =	sld [smem:$0x3FA9]  }
0x31: {  	[smem:$0x3FB2] =	sst s10  }
0x32: {  	s10 =	sld [smem:$0x3FB0];
	_ =	sdelay $0x3  }
0x33: {  	p0 =	seq.s32 s10, $0x1;
	s10 =	sld [smem:$0x3FB2];
	_ =	sdelay $0x3  }
0x34: {  	[smem:$0x3FB2] =	sst s10  }
0x35: {  	s10 =	sld [smem:$0x3FB1];
	_ =	sdelay $0x3  }
0x36: {  	p1 =	seq.s32 s10, $0x1;
	s10 =	sld [smem:$0x3FB2];
	_ =	sdelay $0x3  }
0x37: {  	[smem:$0x3FB2] =	sst s10  }
0x38: {  	s10 =	sld [smem:$0x3FB3]  }
0x39: {  	_ = 	snop;
	(pc) =	sbr.ind lr, $3  }
0x3a: {  	_ = 	snop  }
0x3b: {  	_ = 	snop  }
0x3c: {  	p2 =	seq.s32 s10, $0x1;
	s10 =	sld [smem:$0x3FB2]  }
0x3d: {  	_ =	shalt  }
0x3e: {  	_ =	shalt  }
0x3f: {  	_ =	shalt  }
0x40: {  	_ =	shalt  }
0x41: {  	_ =	shalt  }
0x42: {  	_ =	shalt  }
0x43: {  	_ =	shalt  }
0x44: {  	_ =	shalt  }
0x45: {  	_ =	shalt  }
0x46: {  	_ =	shalt  }
0x47: {  	_ =	shalt  }
0x48: {  	_ =	shalt  }
0x49: {  	_ =	shalt  }
0x4a: {  	_ =	shalt  }
0x4b: {  	_ =	shalt  }
0x4c: {  	_ =	shalt  }
0x4d: {  	_ =	shalt  }
0x4e: {  	_ =	shalt  }
0x4f: {  	_ =	shalt  }
0x50: {  	_ =	shalt  }
0x51: {  	_ =	shalt  }
0x52: {  	_ =	shalt  }
0x53: {  	_ =	shalt  }
0x54: {  	_ =	shalt  }
0x55: {  	_ =	shalt  }
0x56: {  	_ =	shalt  }
0x57: {  	_ =	shalt  }
0x58: {  	_ =	shalt  }
0x59: {  	_ =	shalt  }
0x5a: {  	_ =	shalt  }
0x5b: {  	_ =	shalt  }
0x5c: {  	_ =	shalt  }
0x5d: {  	_ =	shalt  }
0x5e: {  	_ =	shalt  }
0x5f: {  	_ =	shalt  }
0x60: {  	_ =	shalt  }
0x61: {  	_ =	shalt  }
0x62: {  	_ =	shalt  }
0x63: {  	_ =	shalt  }
0x64: {  	_ =	shalt  }
0x65: {  	_ =	shalt  }
0x66: {  	_ =	shalt  }
0x67: {  	_ =	shalt  }
0x68: {  	_ =	shalt  }
0x69: {  	_ =	shalt  }
0x6a: {  	_ =	shalt  }
0x6b: {  	_ =	shalt  }
0x6c: {  	_ =	shalt  }
0x6d: {  	_ =	shalt  }
0x6e: {  	_ =	shalt  }
0x6f: {  	_ =	shalt  }
0x70: {  	_ =	shalt  }
0x71: {  	_ =	shalt  }
0x72: {  	_ =	shalt  }
0x73: {  	_ =	shalt  }
0x74: {  	_ =	shalt  }
0x75: {  	_ =	shalt  }
0x76: {  	_ =	shalt  }
0x77: {  	_ =	shalt  }
0x78: {  	_ =	shalt  }
0x79: {  	_ =	shalt  }
0x7a: {  	_ =	shalt  }
0x7b: {  	_ =	shalt  }
0x7c: {  	_ =	shalt  }
0x7d: {  	_ =	shalt  }
0x7e: {  	_ =	shalt  }
0x7f: {  	_ =	shalt  }
0x80: {  	_ =	shalt  }
0x81: {  	_ =	shalt  }
0x82: {  	_ =	shalt  }
0x83: {  	_ =	shalt  }
0x84: {  	_ =	shalt  }
0x85: {  	_ =	shalt  }
0x86: {  	_ =	shalt  }
0x87: {  	_ =	shalt  }
.Lfunc_end0:
.L_simem_size_0:
called_computation.2_lowered:
.L_overlay_start_0:
0x88: {  	s2 =	sld [smem:$0x3FD9]  }
0x89: {  	s3 =	sld [smem:$0x3FFE];
	_ =	sdelay $0x1  }
0x8a: {  	s1 =	srdreg.scid  }
0x8b: {  	s0 =	sand.u32 $0x1, s1  }
0x8c: {  	s14 =	sshll.u32 s0, $0xA;
	s2 =	sadd.s32 s3, s2  }
0x8d: {  	s2 =	sadd.s32 s2, s14  }
0x8e: {  	[smem:$0x3FBE] =	sst s2  }
0x8f: {  	_ = 	snop  }
0x90: {  	s2 =	sld [smem:$0x3FD0];
	_ =	sdelay $0x2  }
0x91: {  	s15 =	simm.s32 $0xA;
	s4 =	simm.s32 $0x10  }
0x92: {  	[smem:s4], [sflag:s15] =	dma.local [hbm:s2], $0x1  }
0x93: {  	_ =	swait.eq [sflag:s15], $0x1  }
0x94: {  	[sflag:s15] =	ssyncset.done $0x0  }
0x95: {  	[sflag:s15] =	ssyncadd.s32 $0xFFFFFFFF  }
0x96: {  	s16 =	sld [smem:$0x10];
	(tm) =	ssettm $0x1  }
0x97: {  	s17 =	sld [smem:$0x3FFB];
	_ =	sdelay $0x3  }
0x98: {  	_ =	strace s17  }
0x99: {  	s3 =	sld [smem:$0x3FFC];
	_ =	sdelay $0x3  }
0x9a: {  	_ =	strace s3  }
0x9b: {  	s3 =	sld [smem:$0x3FFD];
	_ =	sdelay $0x3  }
0x9c: {  	_ =	strace s3  }
0x9d: {  	_ =	strace $0x8FFFFFFF  }
0x9e: {  	s18 =	sld [smem:$0x3FDB];
	_ =	sdelay $0x1  }
0x9f: {  	s19 =	simm.s32 $_scs_section_size  }
0xa0: {  	s5 =	simm.s32 $_size__tile_overlayer_lowered;
	s6 =	simm.s32 $_tile_overlayer_lowered  }
0xa1: {  	s22 =	simm.s32 $0x1BFF;
	s21 =	sshll.u32 s6, $0x1;
	s3 =	sadd.s32 s19, s18  }
0xa2: {  	s7 =	simm.s32 $0x0;
	s20 =	sshll.u32 s5, $0x1;
	s5 =	sadd.s32 s21, s3  }
0xa3: {  	[timem:s7], [sflag:s22] =	dma.local [hbm:s5], s20  }
0xa4: {  	_ =	swait.ge [sflag:s22], s20  }
0xa5: {  	s4 =	ssub.s32 $0x0, s20;
	[sflag:s22] =	ssyncset.done $0x0  }
0xa6: {  	[sflag:s22] =	ssyncadd.s32 s4;
	_ =	sdelay $0x1  }
0xa7: {  	s23 =	simm.s32 $0x1B8B  }
0xa8: {  	_ =	swait.ge [sflag:s23], $0x1  }
0xa9: {  	[sflag:s23] =	ssyncset.done $0x0  }
0xaa: {  	s25 =	simm.s32 $0x1B8E;
	s24 =	sld [smem:$0x3FFE];
	[sflag:s23] =	ssyncadd.s32 $0xFFFFFFFF  }
0xab: {  	s26 =	simm.s32 $execute0_lowered;
	[smem:$0x3FD2] =	sst s25  }
0xac: {  	s5 =	sshll.u32 s26, $0x1;
	_ =	strace $0x8000004C;
	[dreg:$0x1] =	wrdreg $0xFFFFFFFF  }
0xad: {  	s28 =	simm.s32 $_size_execute0_lowered;
	s3 =	sadd.s32 s3, s5;
	[dreg:$0x0] =	wrdreg $0x0  }
0xae: {  	s5 =	sshll.u32 s28, $0x1;
	[dreg:$0x2] =	wrdreg s3  }
0xaf: {  	[dreg:$0x3] =	wrdreg s5  }
0xb0: {  	[dreg:$0x4] =	wrdreg $0xC0  }
0xb1: {  	_ =	task [dreg:s7], $0x5FFFF  }
0xb2: {  	[dreg:$0x1] =	wrdreg $0xFFFFFFFF  }
0xb3: {  	[dreg:$0x0] =	wrdreg $0x60  }
0xb4: {  	[dreg:$0x2] =	wrdreg s24  }
0xb5: {  	[dreg:$0x3] =	wrdreg s16  }
0xb6: {  	[dreg:$0x4] =	wrdreg $0x9  }
0xb7: {  	_ =	task.clear_ibuf [dreg:s7], $0x5FFFF;
	_ =	strace $0x9000004C  }
0xb8: {  	s29 =	simm.s32 $0x9;
	_ =	strace $0x8000004E  }
0xb9: {  	_ =	swait.ge [sflag:s29], $0x1  }
0xba: {  	[sflag:s29] =	ssyncadd.s32 $0xFFFFFFFF  }
0xbb: {  	_ =	strace $0x9000004E  }
0xbc: {  	_ =	sfence  }
0xbd: {  	s30 =	sld [smem:$0x0];
	_ =	sdelay $0x2  }
0xbe: {  	s31 =	sshll.u32 s1, $0xD;
	s1 =	sshrl.u32 s1, $0x2  }
0xbf: {  	s3 =	sand.u32 $0x4000, s31;
	s1 =	sadd.s32 s1, s30  }
0xc0: {  	s0 =	sor.u32 s3, s0;
	s1 =	sshll.u32 s1, $0x11  }
0xc1: {  	s0 =	sor.u32 s1, s0  }
0xc2: {  	s0 =	sadd.s32 $0x8F2B, s0  }
0xc3: {  	[sflag:s0] =	ssyncadd.remote.s32 $0x1  }
0xc4: {  	_ =	sfence.sel $0xFFFF  }
0xc5: {  	[dreg:$0x0] =	wrdreg $0xFFFFFFFF;
	(pc) =	sbr.abs _section_cstart, $3  }
0xc6: {  	[dreg:$0x1] =	wrdreg $0xFFFFFFFF  }
0xc7: {  	_ =	task.clear_ibuf [dreg:s7], $0x2FFFF;
	_ =	strace $0x9FFFFFFF  }
0xc8: {  	(tm) =	ssettm $0x7FFFFFFF  }
0xc9: {  	_ =	shalt  }
tec
execute0_lowered:
.L_overlay_start_1:
0x0: {  	(tag) =	ssettag $0x1  }
0x1: {  	s1 =	srdreg.scid;
	s12 =	rddreg [dreg:$0x0]  }
0x2: {  	s0 =	stileid.u32;
	s3 =	rddreg [dreg:$0x1];
	s14 =	sand.u32 $0x1, s1  }
0x3: {  	s6 =	simm.s32 $0x400;
	s4 =	sshll.u32 s0, $0x5;
	s2 =	sshll.u32 s14, $0x9  }
0x4: {  	s31 =	sshll.u32 s0, $0x4;
	s13 =	sor.u32 s4, s2;
	s2 =	simm.s32 $0x0  }
0x5: {  	s4 =	sand.u32 $0x70, s31;
	s5 =	sand.u32 $0x300, s13;
	[smem:$0x7FF] =	sst s2  }
0x6: {  	s1 =	rddreg [dreg:$0x2];
	s7 =	sor.u32 s4, s5;
	_ =	strace $0x8000004D  }
0x7: {  	s5 =	simm.s32 $0x80;
	s4 =	sadd.s32 s3, s7;
	s3 =	simm.s32 $0x1  }
0x8: {  	[tilespmem:s2], [sflag:$0x1] =	stream.strided.gather [hbm4b:s4+s5], $0x100, s6, s5, $0x38;
	[tilespmem:$0x10300] =	vst v63  }
0x9: {  	_ =	swait.ge [sflag:s3], $0x100  }
0xa: {  	s7 =	sadd.s32 s7, s12;
	[sflag:s3] =	ssyncset.done $0x0  }
0xb: {  	s8 =	simm.s32 $0x100;
	s7 =	sadd.s32 $0x15E00, s7;
	[sflag:s3] =	ssyncadd.s32 $0xFFFFFF00  }
0xc: {  	[tilespmem:s8], [sflag:$0x1] =	stream.strided.gather [hbm4b:s7+s5], $0x100, s6, s5, $0x38;
	[tilespmem:$0x10300] =	vst v63  }
0xd: {  	_ =	swait.ge [sflag:s3], $0x100  }
0xe: {  	[sflag:s3] =	ssyncset.done $0x0  }
0xf: {  	s9 =	simm.s32 $0x200;
	s10 =	sadd.s32 $0x16200, s12;
	[sflag:s3] =	ssyncadd.s32 $0xFFFFFF00  }
0x10: {  	[tilespmem:s9], [sflag:$0x1] =	stream.indirect.gather [hbm4b:s10+s8], $0x80, s2, s8, $0xb8;
	[tilespmem:$0x10300] =	vst v63  }
0x11: {  	v0 =	vlaneseq.u32;
	_ =	swait.ge [sflag:s3], $0x8000  }
0x12: {  	v0 =	vmul.u32 $0x80, v0;
	[sflag:s3] =	ssyncset.done $0x0  }
0x13: {  	s11 =	simm.s32 $0x8200;
	[sflag:s3] =	ssyncadd.s32 $0xFFFF8000  }
0x14: {  	v1 =	vor.u32 $0x1, v0;
	[tilespmem:s11], [sflag:$0x1] =	stream.indirect.gather [hbm4b:s10+s8], $0x80, s8, s8, $0xb8;
	[tilespmem:$0x10300] =	vst v63  }
0x15: {  	_ =	swait.ge [sflag:s3], $0x8000  }
0x16: {  	[sflag:s3] =	ssyncset.done $0x0  }
0x17: {  	[sflag:s3] =	ssyncadd.s32 $0xFFFF8000  }
0x18: {  	v4 =	vld.idx.msk [tilespmem:v0+s9+$0x0], $0xffff  }
0x19: {  	v5 =	vld.idx.msk [tilespmem:v1+s11+$0x0], $0xffff;
	_ =	sdelay $0x2  }
0x1a: {  	v2 =	vor.u32 $0x800, v0  }
0x1b: {  	v3 =	vor.u32 $0x801, v0  }
0x1c: {  	v4 =	vadd.f32 v5, v4;
	_ =	sdelay $0x1  }
0x1d: {  	[tilespmem:$0x10200] =	vst v4  }
0x1e: {  	v6 =	vld.idx.msk [tilespmem:v2+s9+$0x0], $0xffff  }
0x1f: {  	v7 =	vld.idx.msk [tilespmem:v3+s11+$0x0], $0xffff;
	_ =	sdelay $0x2  }
0x20: {  	v4 =	vor.u32 $0x1000, v0  }
0x21: {  	v5 =	vor.u32 $0x1001, v0  }
0x22: {  	v6 =	vadd.f32 v7, v6;
	_ =	sdelay $0x1  }
0x23: {  	[tilespmem:$0x10210] =	vst v6  }
0x24: {  	v8 =	vld.idx.msk [tilespmem:v4+s9+$0x0], $0xffff  }
0x25: {  	v9 =	vld.idx.msk [tilespmem:v5+s11+$0x0], $0xffff;
	_ =	sdelay $0x2  }
0x26: {  	v6 =	vor.u32 $0x1800, v0  }
0x27: {  	v7 =	vor.u32 $0x1801, v0  }
0x28: {  	v8 =	vadd.f32 v9, v8;
	_ =	sdelay $0x1  }
0x29: {  	[tilespmem:$0x10220] =	vst v8  }
0x2a: {  	v10 =	vld.idx.msk [tilespmem:v6+s9+$0x0], $0xffff  }
0x2b: {  	v11 =	vld.idx.msk [tilespmem:v7+s11+$0x0], $0xffff;
	_ =	sdelay $0x2  }
0x2c: {  	v8 =	vor.u32 $0x2000, v0  }
0x2d: {  	v9 =	vor.u32 $0x2001, v0  }
0x2e: {  	v10 =	vadd.f32 v11, v10;
	_ =	sdelay $0x1  }
0x2f: {  	[tilespmem:$0x10230] =	vst v10  }
0x30: {  	v12 =	vld.idx.msk [tilespmem:v8+s9+$0x0], $0xffff  }
0x31: {  	v13 =	vld.idx.msk [tilespmem:v9+s11+$0x0], $0xffff;
	_ =	sdelay $0x2  }
0x32: {  	v10 =	vor.u32 $0x2800, v0  }
0x33: {  	v11 =	vor.u32 $0x2801, v0  }
0x34: {  	v12 =	vadd.f32 v13, v12;
	_ =	sdelay $0x1  }
0x35: {  	[tilespmem:$0x10240] =	vst v12  }
0x36: {  	v14 =	vld.idx.msk [tilespmem:v10+s9+$0x0], $0xffff  }
0x37: {  	v15 =	vld.idx.msk [tilespmem:v11+s11+$0x0], $0xffff;
	_ =	sdelay $0x2  }
0x38: {  	v12 =	vor.u32 $0x3000, v0  }
0x39: {  	v13 =	vor.u32 $0x3001, v0  }
0x3a: {  	v14 =	vadd.f32 v15, v14;
	_ =	sdelay $0x1  }
0x3b: {  	[tilespmem:$0x10250] =	vst v14  }
0x3c: {  	v16 =	vld.idx.msk [tilespmem:v12+s9+$0x0], $0xffff  }
0x3d: {  	v17 =	vld.idx.msk [tilespmem:v13+s11+$0x0], $0xffff;
	_ =	sdelay $0x2  }
0x3e: {  	v14 =	vor.u32 $0x3800, v0  }
0x3f: {  	v15 =	vor.u32 $0x3801, v0  }
0x40: {  	v16 =	vadd.f32 v17, v16;
	_ =	sdelay $0x1  }
0x41: {  	[tilespmem:$0x10260] =	vst v16  }
0x42: {  	v18 =	vld.idx.msk [tilespmem:v14+s9+$0x0], $0xffff  }
0x43: {  	v19 =	vld.idx.msk [tilespmem:v15+s11+$0x0], $0xffff;
	_ =	sdelay $0x2  }
0x44: {  	v16 =	vor.u32 $0x4000, v0  }
0x45: {  	v17 =	vor.u32 $0x4001, v0  }
0x46: {  	v18 =	vadd.f32 v19, v18;
	_ =	sdelay $0x1  }
0x47: {  	[tilespmem:$0x10270] =	vst v18  }
0x48: {  	v20 =	vld.idx.msk [tilespmem:v16+s9+$0x0], $0xffff  }
0x49: {  	v21 =	vld.idx.msk [tilespmem:v17+s11+$0x0], $0xffff;
	_ =	sdelay $0x2  }
0x4a: {  	v18 =	vor.u32 $0x4800, v0  }
0x4b: {  	v19 =	vor.u32 $0x4801, v0  }
0x4c: {  	v20 =	vadd.f32 v21, v20;
	_ =	sdelay $0x1  }
0x4d: {  	[tilespmem:$0x10280] =	vst v20  }
0x4e: {  	v22 =	vld.idx.msk [tilespmem:v18+s9+$0x0], $0xffff  }
0x4f: {  	v23 =	vld.idx.msk [tilespmem:v19+s11+$0x0], $0xffff;
	_ =	sdelay $0x2  }
0x50: {  	v20 =	vor.u32 $0x5000, v0  }
0x51: {  	v21 =	vor.u32 $0x5001, v0  }
0x52: {  	v22 =	vadd.f32 v23, v22;
	_ =	sdelay $0x1  }
0x53: {  	[tilespmem:$0x10290] =	vst v22  }
0x54: {  	v24 =	vld.idx.msk [tilespmem:v20+s9+$0x0], $0xffff  }
0x55: {  	v25 =	vld.idx.msk [tilespmem:v21+s11+$0x0], $0xffff;
	_ =	sdelay $0x2  }
0x56: {  	v22 =	vor.u32 $0x5800, v0  }
0x57: {  	v23 =	vor.u32 $0x5801, v0  }
0x58: {  	v24 =	vadd.f32 v25, v24;
	_ =	sdelay $0x1  }
0x59: {  	[tilespmem:$0x102A0] =	vst v24  }
0x5a: {  	v26 =	vld.idx.msk [tilespmem:v22+s9+$0x0], $0xffff  }
0x5b: {  	v27 =	vld.idx.msk [tilespmem:v23+s11+$0x0], $0xffff;
	_ =	sdelay $0x2  }
0x5c: {  	v24 =	vor.u32 $0x6000, v0  }
0x5d: {  	v25 =	vor.u32 $0x6001, v0  }
0x5e: {  	v26 =	vadd.f32 v27, v26;
	_ =	sdelay $0x1  }
0x5f: {  	[tilespmem:$0x102B0] =	vst v26  }
0x60: {  	v28 =	vld.idx.msk [tilespmem:v24+s9+$0x0], $0xffff  }
0x61: {  	v29 =	vld.idx.msk [tilespmem:v25+s11+$0x0], $0xffff;
	_ =	sdelay $0x2  }
0x62: {  	v26 =	vor.u32 $0x6800, v0  }
0x63: {  	v27 =	vor.u32 $0x6801, v0  }
0x64: {  	v28 =	vadd.f32 v29, v28;
	_ =	sdelay $0x1  }
0x65: {  	[tilespmem:$0x102C0] =	vst v28  }
0x66: {  	v30 =	vld.idx.msk [tilespmem:v26+s9+$0x0], $0xffff  }
0x67: {  	s14 =	ssub.s32 $0x2, s14;
	v31 =	vld.idx.msk [tilespmem:v27+s11+$0x0], $0xffff  }
0x68: {  	s15 =	sshrl.u32 s14, $0x1  }
0x69: {  	s14 =	ssub.s32 s14, s15  }
0x6a: {  	s14 =	smax.u32 s14, $0x1;
	v28 =	vor.u32 $0x7000, v0  }
0x6b: {  	p0 =	sne.s32 s14, $0x1;
	v29 =	vor.u32 $0x7001, v0  }
.Ltmp0:
0x6c: {  	v30 =	vadd.f32 v31, v30;
	(pc) =	sbr.rel @!p0 .LBB2_2-.Ltmp0, $4  }
0x6d: {  	_ = 	snop  }
0x6e: {  	[tilespmem:$0x102D0] =	vst v30  }
0x6f: {  	s12 =	sadd.s32 s13, s12;
	v32 =	vld.idx.msk [tilespmem:v28+s9+$0x0], $0xffff  }
0x70: {  	s13 =	simm.s32 $0x10200;
	s14 =	sadd.s32 $0xFFFFFFFF, s14;
	s12 =	sadd.s32 $0x1C00, s12;
	v31 =	vor.u32 $0x7801, v0;
	v30 =	vor.u32 $0x7800, v0;
	v33 =	vld.idx.msk [tilespmem:v29+s11+$0x0], $0xffff  }
.LBB2_1:
0x71: {  	_ =	sdelay $0x3  }
0x72: {  	p0 =	sne.s32 s14, $0x1;
	s14 =	sadd.s32 $0xFFFFFFFF, s14;
	v32 =	vadd.f32 v33, v32;
	_ =	sdelay $0x1  }
0x73: {  	[tilespmem:$0x102E0] =	vst v32  }
0x74: {  	v32 =	vld.idx.msk [tilespmem:v30+s9+$0x0], $0xffff  }
0x75: {  	v33 =	vld.idx.msk [tilespmem:v31+s11+$0x0], $0xffff;
	_ =	sdelay $0x5  }
0x76: {  	v32 =	vadd.f32 v33, v32;
	_ =	sdelay $0x1  }
0x77: {  	[tilespmem:$0x102F0] =	vst v32  }
0x78: {  	[hbm4b:s12+s2] =	stream.linear.scatter [tilespmem:s13], [sflag:$0x1], $0x100, $0x38;
	[tilespmem:$0x10300] =	vst v63  }
0x79: {  	_ =	swait.ge [sflag:s3], $0x100  }
0x7a: {  	[sflag:s3] =	ssyncset.done $0x0  }
0x7b: {  	[sflag:s3] =	ssyncadd.s32 $0xFFFFFF00  }
0x7c: {  	[tilespmem:s2], [sflag:$0x1] =	stream.strided.gather [hbm4b:s4+s5], $0x100, s6, s5, $0x38;
	[tilespmem:$0x10300] =	vst v63  }
0x7d: {  	_ =	swait.ge [sflag:s3], $0x100  }
0x7e: {  	[sflag:s3] =	ssyncset.done $0x0  }
0x7f: {  	[sflag:s3] =	ssyncadd.s32 $0xFFFFFF00  }
0x80: {  	[tilespmem:s8], [sflag:$0x1] =	stream.strided.gather [hbm4b:s7+s5], $0x100, s6, s5, $0x38;
	[tilespmem:$0x10300] =	vst v63  }
0x81: {  	_ =	swait.ge [sflag:s3], $0x100  }
0x82: {  	[sflag:s3] =	ssyncset.done $0x0  }
0x83: {  	[sflag:s3] =	ssyncadd.s32 $0xFFFFFF00  }
0x84: {  	[tilespmem:s9], [sflag:$0x1] =	stream.indirect.gather [hbm4b:s10+s8], $0x80, s2, s8, $0xb8;
	[tilespmem:$0x10300] =	vst v63  }
0x85: {  	_ =	swait.ge [sflag:s3], $0x8000  }
0x86: {  	[sflag:s3] =	ssyncset.done $0x0  }
0x87: {  	[sflag:s3] =	ssyncadd.s32 $0xFFFF8000  }
0x88: {  	[tilespmem:s11], [sflag:$0x1] =	stream.indirect.gather [hbm4b:s10+s8], $0x80, s8, s8, $0xb8;
	[tilespmem:$0x10300] =	vst v63  }
0x89: {  	_ =	swait.ge [sflag:s3], $0x8000  }
0x8a: {  	[sflag:s3] =	ssyncset.done $0x0  }
0x8b: {  	[sflag:s3] =	ssyncadd.s32 $0xFFFF8000  }
0x8c: {  	v32 =	vld.idx.msk [tilespmem:v0+s9+$0x0], $0xffff  }
0x8d: {  	v33 =	vld.idx.msk [tilespmem:v1+s11+$0x0], $0xffff;
	_ =	sdelay $0x5  }
0x8e: {  	v32 =	vadd.f32 v33, v32;
	_ =	sdelay $0x1  }
0x8f: {  	[tilespmem:$0x10200] =	vst v32  }
0x90: {  	v32 =	vld.idx.msk [tilespmem:v2+s9+$0x0], $0xffff  }
0x91: {  	v33 =	vld.idx.msk [tilespmem:v3+s11+$0x0], $0xffff;
	_ =	sdelay $0x5  }
0x92: {  	v32 =	vadd.f32 v33, v32;
	_ =	sdelay $0x1  }
0x93: {  	[tilespmem:$0x10210] =	vst v32  }
0x94: {  	v32 =	vld.idx.msk [tilespmem:v4+s9+$0x0], $0xffff  }
0x95: {  	v33 =	vld.idx.msk [tilespmem:v5+s11+$0x0], $0xffff;
	_ =	sdelay $0x5  }
0x96: {  	v32 =	vadd.f32 v33, v32;
	_ =	sdelay $0x1  }
0x97: {  	[tilespmem:$0x10220] =	vst v32  }
0x98: {  	v32 =	vld.idx.msk [tilespmem:v6+s9+$0x0], $0xffff  }
0x99: {  	v33 =	vld.idx.msk [tilespmem:v7+s11+$0x0], $0xffff;
	_ =	sdelay $0x5  }
0x9a: {  	v32 =	vadd.f32 v33, v32;
	_ =	sdelay $0x1  }
0x9b: {  	[tilespmem:$0x10230] =	vst v32  }
0x9c: {  	v32 =	vld.idx.msk [tilespmem:v8+s9+$0x0], $0xffff  }
0x9d: {  	v33 =	vld.idx.msk [tilespmem:v9+s11+$0x0], $0xffff;
	_ =	sdelay $0x5  }
0x9e: {  	v32 =	vadd.f32 v33, v32;
	_ =	sdelay $0x1  }
0x9f: {  	[tilespmem:$0x10240] =	vst v32  }
0xa0: {  	v32 =	vld.idx.msk [tilespmem:v10+s9+$0x0], $0xffff  }
0xa1: {  	v33 =	vld.idx.msk [tilespmem:v11+s11+$0x0], $0xffff;
	_ =	sdelay $0x5  }
0xa2: {  	v32 =	vadd.f32 v33, v32;
	_ =	sdelay $0x1  }
0xa3: {  	[tilespmem:$0x10250] =	vst v32  }
0xa4: {  	v32 =	vld.idx.msk [tilespmem:v12+s9+$0x0], $0xffff  }
0xa5: {  	v33 =	vld.idx.msk [tilespmem:v13+s11+$0x0], $0xffff;
	_ =	sdelay $0x5  }
0xa6: {  	v32 =	vadd.f32 v33, v32;
	_ =	sdelay $0x1  }
0xa7: {  	[tilespmem:$0x10260] =	vst v32  }
0xa8: {  	v32 =	vld.idx.msk [tilespmem:v14+s9+$0x0], $0xffff  }
0xa9: {  	v33 =	vld.idx.msk [tilespmem:v15+s11+$0x0], $0xffff;
	_ =	sdelay $0x5  }
0xaa: {  	v32 =	vadd.f32 v33, v32;
	_ =	sdelay $0x1  }
0xab: {  	[tilespmem:$0x10270] =	vst v32  }
0xac: {  	v32 =	vld.idx.msk [tilespmem:v16+s9+$0x0], $0xffff  }
0xad: {  	v33 =	vld.idx.msk [tilespmem:v17+s11+$0x0], $0xffff;
	_ =	sdelay $0x5  }
0xae: {  	v32 =	vadd.f32 v33, v32;
	_ =	sdelay $0x1  }
0xaf: {  	[tilespmem:$0x10280] =	vst v32  }
0xb0: {  	v32 =	vld.idx.msk [tilespmem:v18+s9+$0x0], $0xffff  }
0xb1: {  	v33 =	vld.idx.msk [tilespmem:v19+s11+$0x0], $0xffff;
	_ =	sdelay $0x5  }
0xb2: {  	v32 =	vadd.f32 v33, v32;
	_ =	sdelay $0x1  }
0xb3: {  	[tilespmem:$0x10290] =	vst v32  }
0xb4: {  	v32 =	vld.idx.msk [tilespmem:v20+s9+$0x0], $0xffff  }
0xb5: {  	v33 =	vld.idx.msk [tilespmem:v21+s11+$0x0], $0xffff;
	_ =	sdelay $0x5  }
0xb6: {  	v32 =	vadd.f32 v33, v32;
	_ =	sdelay $0x1  }
0xb7: {  	[tilespmem:$0x102A0] =	vst v32  }
0xb8: {  	v32 =	vld.idx.msk [tilespmem:v22+s9+$0x0], $0xffff  }
0xb9: {  	v33 =	vld.idx.msk [tilespmem:v23+s11+$0x0], $0xffff;
	_ =	sdelay $0x5  }
0xba: {  	v32 =	vadd.f32 v33, v32;
	_ =	sdelay $0x1  }
0xbb: {  	[tilespmem:$0x102B0] =	vst v32  }
0xbc: {  	v32 =	vld.idx.msk [tilespmem:v24+s9+$0x0], $0xffff  }
0xbd: {  	v33 =	vld.idx.msk [tilespmem:v25+s11+$0x0], $0xffff;
	_ =	sdelay $0x5  }
0xbe: {  	v32 =	vadd.f32 v33, v32;
	_ =	sdelay $0x1  }
0xbf: {  	[tilespmem:$0x102C0] =	vst v32  }
0xc0: {  	v32 =	vld.idx.msk [tilespmem:v26+s9+$0x0], $0xffff  }
0xc1: {  	v33 =	vld.idx.msk [tilespmem:v27+s11+$0x0], $0xffff;
	_ =	sdelay $0x5  }
.Ltmp1:
0xc2: {  	v32 =	vadd.f32 v33, v32;
	(pc) =	sbr.rel @p0 .LBB2_1-.Ltmp1, $4  }
0xc3: {  	_ = 	snop  }
0xc4: {  	[tilespmem:$0x102D0] =	vst v32  }
0xc5: {  	v32 =	vld.idx.msk [tilespmem:v28+s9+$0x0], $0xffff  }
0xc6: {  	v33 =	vld.idx.msk [tilespmem:v29+s11+$0x0], $0xffff  }
.LBB2_2:
0xc7: {  	_ =	sdelay $0x3  }
0xc8: {  	v0 =	vadd.f32 v33, v32;
	_ =	sdelay $0x1  }
0xc9: {  	[tilespmem:$0x102E0] =	vst v0  }
0xca: {  	v0 =	vld.idx.msk [tilespmem:v30+s9+$0x0], $0xffff  }
0xcb: {  	v1 =	vld.idx.msk [tilespmem:v31+s11+$0x0], $0xffff;
	_ =	sdelay $0x4  }
0xcc: {  	v0 =	vadd.f32 v1, v0;
	_ =	sdelay $0x1  }
0xcd: {  	[tilespmem:$0x102F0] =	vst v0  }
0xce: {  	[hbm4b:s12+s2] =	stream.linear.scatter [tilespmem:s13], [sflag:$0x1], $0x100, $0x38;
	[tilespmem:$0x10300] =	vst v63  }
0xcf: {  	_ =	swait.ge [sflag:s3], $0x100  }
0xd0: {  	[sflag:s3] =	ssyncset.done $0x0  }
0xd1: {  	[sflag:s3] =	ssyncadd.s32 $0xFFFFFF00  }
0xd2: {  	_ =	sfence.sel $0x180000  }
0xd3: {  	[bflag:$0x0] =	sbarrier.arrive $0xFFFF  }
0xd4: {  	p0 =	sne.s32 s0, $0x0;
	_ =	strace $0x9000004D  }
0xd5: {  	s0 =	sadd.s32 @!p0 $0x100000, s1;
	[bflag:$0x2] =	sbarrier.arrive $0xFFFF  }
0xd6: {  	[sflag:s0] =	ssyncadd.tile.s32 @!p0 $0x1;
	_ =	shalt  }
.Lfunc_end2:
_tile_overlayer_lowered:
.L_overlay_start_2:
0xd7: {  	(tag) =	ssettag $0x2  }
0xd8: {  	s0 =	rddreg [dreg:$0x0];
	s2 =	stileid.u32  }
0xd9: {  	s1 =	rddreg [dreg:$0x1];
	p0 =	sne.s32 s2, $0x0  }
0xda: {  	s3 =	rddreg [dreg:$0x2];
	[bflag:$0x3] =	sbarrier.arrive $0xFFFF;
	s2 =	simm.s32 @!p0 $0x1C01  }
0xdb: {  	[timem:s3], [sflag:s2] =	dma.local @!p0 [hbm:s0], s1  }
0xdc: {  	s0 =	simm.s32 @!p0 $0x1  }
0xdd: {  	_ =	swait.ge @!p0 [sflag:s0], s1  }
0xde: {  	s1 =	ssub.s32 @!p0 $0x0, s1;
	[sflag:s0] =	ssyncset.done @!p0 $0x0  }
0xdf: {  	[sflag:s0] =	ssyncadd.s32 @!p0 s1  }
0xe0: {  	[bflag:$0x3] =	sbarrier.arrive $0xFFFF  }
0xe1: {  	_ =	shalt  }

</sc_bundles>
